<compile_context>
chip_gen: v7x
topology: tpu7x:2x2x1
jax: 0.10.2.dev20260603
libtpu: 0.0.44.dev20260713+nightly
codegen_flags: <defaults>
</compile_context>

<pallas_src>
import functools

import jax
import jax.numpy as jnp
from jax import lax
from jax.experimental import pallas as pl
from jax.experimental.pallas import tpu as pltpu
from jax.experimental.pallas import tpu_sc as plsc

HEIGHT = 1000
WIDTH = 1000
NUM_ACTIONS = 4
BATCH = 16384

_ROW = 8
_NROW = HEIGHT * WIDTH * NUM_ACTIONS // _ROW

_NC = 2
_NS = 16
_NW = _NC * _NS
_BPW = BATCH // _NW


def _body(state_hbm, table_hbm, out_hbm, sv, sub, rows, outv, sem):
    wid = lax.axis_index("s") * _NC + lax.axis_index("c")
    base = wid * _BPW

    pltpu.sync_copy(state_hbm.at[pl.ds(base, _BPW), :], sv)

    iota = lax.iota(jnp.int32, 16)
    col0 = jnp.zeros((16,), jnp.int32)
    col1 = jnp.ones((16,), jnp.int32)

    copies = []
    for t in range(_BPW // 16):
        ridx = t * 16 + iota
        ys = plsc.load_gather(sv, [ridx, col0])
        xs = plsc.load_gather(sv, [ridx, col1])
        f = ys * WIDTH + xs
        idx = lax.shift_right_logical(f, 1)
        sub[pl.ds(t * 16, 16)] = lax.shift_left(jnp.bitwise_and(f, 1), 2)
        copies.append(
            pltpu.async_copy(
                table_hbm.at[idx], rows.at[pl.ds(t * 16, 16), :], sem
            )
        )
    for cp in copies:
        cp.wait()

    cols = [jnp.full((16,), a, jnp.int32) for a in range(NUM_ACTIONS)]
    for t in range(_BPW // 16):
        ridx = t * 16 + iota
        off = sub[pl.ds(t * 16, 16)]
        v = [
            plsc.load_gather(rows, [ridx, off + a])
            for a in range(NUM_ACTIONS)
        ]
        m = jnp.maximum(jnp.maximum(v[0], v[1]), jnp.maximum(v[2], v[3]))
        e = [jnp.exp(va - m) for va in v]
        s = (e[0] + e[1]) + (e[2] + e[3])
        r = 1.0 / s
        for a in range(NUM_ACTIONS):
            plsc.store_scatter(outv, [ridx, cols[a]], e[a] * r)

    pltpu.sync_copy(outv, out_hbm.at[pl.ds(base, _BPW), :])


@jax.jit
def _run(state, table):
    mesh = plsc.VectorSubcoreMesh(core_axis_name="c", subcore_axis_name="s")
    f = functools.partial(
        pl.kernel,
        mesh=mesh,
        out_type=jax.ShapeDtypeStruct((BATCH, NUM_ACTIONS), jnp.float32),
        compiler_params=pltpu.CompilerParams(
            needs_layout_passes=False, use_tc_tiling_on_sc=False
        ),
        scratch_types=[
            pltpu.VMEM((_BPW, 2), jnp.int32),
            pltpu.VMEM((_BPW,), jnp.int32),
            pltpu.VMEM((_BPW, _ROW), jnp.float32),
            pltpu.VMEM((_BPW, NUM_ACTIONS), jnp.float32),
            pltpu.SemaphoreType.DMA,
        ],
    )(_body)
    return f(state, table)


def kernel(state, logits):
    state = state.astype(jnp.int32)
    table = logits.reshape(_NROW, _ROW)
    return _run(state, table)

# --- scband reference (transcript-rebuilt; emitter-appended) ---
"""Pipeline reference for scband-softmax-policy-52115133169906 (READ-ONLY COPY).

The authoritative reference and input builder live on the scoring server;
editing this copy changes nothing except your own understanding.
"""

import jax, jax.numpy as jnp
import numpy as np

HEIGHT = 1000
WIDTH = 1000
NUM_ACTIONS = 4
BATCH = 16384


def setup_inputs(seed: int = 0) -> dict:
    key = jax.random.key(seed)
    k1, k2 = jax.random.split(key)
    state = jax.random.randint(k1, (BATCH, 2), 0, 1000, dtype=jnp.int64) if jax.config.jax_enable_x64 else jax.random.randint(k1, (BATCH, 2), 0, 1000, dtype=jnp.int32)
    logits = jax.random.normal(k2, (HEIGHT, WIDTH, NUM_ACTIONS), dtype=jnp.float32) * 0.1
    return {"state": state, "logits": logits}


def reference(state, logits):
    # state: int[B, 2] with (y, x) positions; logits: float32[H, W, A]
    state_t = state
    if state_t.ndim == 1:
        state_t = state_t[None, :]
    ys = state_t[:, 0].astype(jnp.int32)
    xs = state_t[:, 1].astype(jnp.int32)
    gathered = logits[ys, xs]  # gather -> [B, A]
    probs = jax.nn.softmax(gathered, axis=-1)
    return probs

if __name__ == "__main__":
    import jax
    _d = setup_inputs()
    print(jax.jit(kernel)(*tuple(_d.values())))

</pallas_src>

<mosaic_0001>
#map = affine_map<(d0, d1) -> (0, 0)>
module attributes {stable_mosaic.version = 14 : i64} {
  func.func @_body(%arg0: i32, %arg1: i32, %arg2: memref<16384x2xi32, #tpu.memory_space<hbm>>, %arg3: memref<500000x8xf32, #tpu.memory_space<hbm>>, %arg4: memref<16384x4xf32, #tpu.memory_space<hbm>>, %arg5: memref<512x2xi32, #tpu.memory_space<vmem>>, %arg6: memref<512xi32, #tpu.memory_space<vmem>>, %arg7: memref<512x8xf32, #tpu.memory_space<vmem>>, %arg8: memref<512x4xf32, #tpu.memory_space<vmem>>, %arg9: memref<!tpu.dma_semaphore, #tpu.memory_space<semaphore_mem>>) attributes {dimension_semantics = [#tpu.dimension_semantics<core_parallel>, #tpu.dimension_semantics<subcore_parallel>], iteration_bounds = array<i64: 2, 16>, scalar_prefetch = 0 : i64, scratch_operands = 5 : i64, tpu.core_type = #tpu.core_type<sc_vector_subcore>, window_params = [{transform_indices = #map}, {transform_indices = #map}, {transform_indices = #map}]} {
    %mul3A = arith.constant 2 : i32
    %mul3A_0 = arith.muli %arg1, %mul3A : i32
    %add3A = arith.addi %mul3A_0, %arg0 : i32
    %mul3A_1 = arith.constant 512 : i32
    %mul3A_2 = arith.muli %add3A, %mul3A_1 : i32
    "tpu.region"() ({
      %run_scoped3A = tpu.sem_alloc : memref<!tpu.dma_semaphore, #tpu.memory_space<semaphore_mem>>
      %dma_start3A_2370 = arith.constant 0 : i32
      %dma_start3A_2371 = tpu.memref_slice %arg2[%mul3A_2, %dma_start3A_2370] : memref<16384x2xi32, #tpu.memory_space<hbm>> -> memref<512x2xi32, #tpu.memory_space<hbm>>
      %dma_start3A_2372 = arith.constant 0 : i32
      %dma_start3A_2373 = tpu.memref_slice %arg2[%mul3A_2, %dma_start3A_2372] : memref<16384x2xi32, #tpu.memory_space<hbm>> -> memref<512x2xi32, #tpu.memory_space<hbm>>
      tpu.enqueue_dma source(%dma_start3A_2373 : memref<512x2xi32, #tpu.memory_space<hbm>>) target(%arg5 : memref<512x2xi32, #tpu.memory_space<vmem>>) target_semaphore(%run_scoped3A : memref<!tpu.dma_semaphore, #tpu.memory_space<semaphore_mem>>)
      %dma_wait3A_2374 = arith.constant 0 : i32
      %dma_wait3A_2375 = tpu.memref_slice %arg2[%mul3A_2, %dma_wait3A_2374] : memref<16384x2xi32, #tpu.memory_space<hbm>> -> memref<512x2xi32, #tpu.memory_space<hbm>>
      %dma_wait3A_2376 = arith.constant 0 : i32
      %dma_wait3A_2377 = tpu.memref_slice %arg2[%mul3A_2, %dma_wait3A_2376] : memref<16384x2xi32, #tpu.memory_space<hbm>> -> memref<512x2xi32, #tpu.memory_space<hbm>>
      tpu.wait_dma2 semaphore(%run_scoped3A : memref<!tpu.dma_semaphore, #tpu.memory_space<semaphore_mem>>) src(%dma_wait3A_2377 : memref<512x2xi32, #tpu.memory_space<hbm>>) dst(%arg5 : memref<512x2xi32, #tpu.memory_space<vmem>>)
      tpu.yield
    }) : () -> ()
    %iota3A = tpu.iota {dimensions = array<i32: 0>} : vector<16xi32>
    %broadcast_in_dim3A = arith.constant 0 : i32
    %broadcast_in_dim3A_3 = vector.broadcast %broadcast_in_dim3A : i32 to vector<16xi32>
    %broadcast_in_dim3A_4 = arith.constant 1 : i32
    %broadcast_in_dim3A_5 = vector.broadcast %broadcast_in_dim3A_4 : i32 to vector<16xi32>
    %add3A_6 = arith.constant 0 : i32
    %add3A_7 = vector.broadcast %add3A_6 : i32 to vector<16xi32>
    %add3A_8 = arith.addi %add3A_7, %iota3A : vector<16xi32>
    %gather3A = tpu.vector_load_idx %arg5[%add3A_8, %broadcast_in_dim3A_3] : memref<512x2xi32, #tpu.memory_space<vmem>>[vector<16xi32>, vector<16xi32>], vector<16xi32>,
    %gather3A_9 = tpu.vector_load_idx %arg5[%add3A_8, %broadcast_in_dim3A_5] : memref<512x2xi32, #tpu.memory_space<vmem>>[vector<16xi32>, vector<16xi32>], vector<16xi32>,
    %mul3A_10 = arith.constant 1000 : i32
    %mul3A_11 = vector.broadcast %mul3A_10 : i32 to vector<16xi32>
    %mul3A_12 = arith.muli %gather3A, %mul3A_11 : vector<16xi32>
    %add3A_13 = arith.addi %mul3A_12, %gather3A_9 : vector<16xi32>
    %shift_right_logical3A = arith.constant 1 : i32
    %shift_right_logical3A_14 = vector.broadcast %shift_right_logical3A : i32 to vector<16xi32>
    %shift_right_logical3A_15 = arith.shrui %add3A_13, %shift_right_logical3A_14 : vector<16xi32>
    %and3A = arith.constant 1 : i32
    %and3A_16 = vector.broadcast %and3A : i32 to vector<16xi32>
    %and3A_17 = arith.andi %add3A_13, %and3A_16 : vector<16xi32>
    %shift_left3A = arith.constant 2 : i32
    %shift_left3A_18 = vector.broadcast %shift_left3A : i32 to vector<16xi32>
    %shift_left3A_19 = arith.shli %and3A_17, %shift_left3A_18 : vector<16xi32>
    %swap3A = arith.constant 0 : index
    %swap3A_20 = tpu.vector_load %arg6[%swap3A] {strides = array<i32>} : memref<512xi32, #tpu.memory_space<vmem>>, vector<16xi32>,
    tpu.vector_store %arg6[%swap3A], %shift_left3A_19 {strides = array<i32>} : memref<512xi32, #tpu.memory_space<vmem>>, vector<16xi32>,
    %dma_start3A = arith.constant 0 : i32
    %dma_start3A_21 = arith.constant 0 : i32
    %dma_start3A_22 = tpu.memref_slice %arg7[%dma_start3A, %dma_start3A_21] : memref<512x8xf32, #tpu.memory_space<vmem>> -> memref<16x8xf32, #tpu.memory_space<vmem>>
    %dma_start3A_23 = arith.constant 0 : i32
    %dma_start3A_24 = arith.constant 0 : i32
    %dma_start3A_25 = tpu.memref_slice %arg3[%dma_start3A_23, %dma_start3A_24] : memref<500000x8xf32, #tpu.memory_space<hbm>> -> memref<500000x8xf32, #tpu.memory_space<hbm>>
    tpu.enqueue_indirect_dma source(%dma_start3A_25 : memref<500000x8xf32, #tpu.memory_space<hbm>>) target(%dma_start3A_22 : memref<16x8xf32, #tpu.memory_space<vmem>>) offsets(%shift_right_logical3A_15 : vector<16xi32>) semaphore(%arg9 : memref<!tpu.dma_semaphore, #tpu.memory_space<semaphore_mem>>)
    %add3A_26 = arith.constant 16 : i32
    %add3A_27 = vector.broadcast %add3A_26 : i32 to vector<16xi32>
    %add3A_28 = arith.addi %add3A_27, %iota3A : vector<16xi32>
    %gather3A_29 = tpu.vector_load_idx %arg5[%add3A_28, %broadcast_in_dim3A_3] : memref<512x2xi32, #tpu.memory_space<vmem>>[vector<16xi32>, vector<16xi32>], vector<16xi32>,
    %gather3A_30 = tpu.vector_load_idx %arg5[%add3A_28, %broadcast_in_dim3A_5] : memref<512x2xi32, #tpu.memory_space<vmem>>[vector<16xi32>, vector<16xi32>], vector<16xi32>,
    %mul3A_31 = arith.constant 1000 : i32
    %mul3A_32 = vector.broadcast %mul3A_31 : i32 to vector<16xi32>
    %mul3A_33 = arith.muli %gather3A_29, %mul3A_32 : vector<16xi32>
    %add3A_34 = arith.addi %mul3A_33, %gather3A_30 : vector<16xi32>
    %shift_right_logical3A_35 = arith.constant 1 : i32
    %shift_right_logical3A_36 = vector.broadcast %shift_right_logical3A_35 : i32 to vector<16xi32>
    %shift_right_logical3A_37 = arith.shrui %add3A_34, %shift_right_logical3A_36 : vector<16xi32>
    %and3A_38 = arith.constant 1 : i32
    %and3A_39 = vector.broadcast %and3A_38 : i32 to vector<16xi32>
    %and3A_40 = arith.andi %add3A_34, %and3A_39 : vector<16xi32>
    %shift_left3A_41 = arith.constant 2 : i32
    %shift_left3A_42 = vector.broadcast %shift_left3A_41 : i32 to vector<16xi32>
    %shift_left3A_43 = arith.shli %and3A_40, %shift_left3A_42 : vector<16xi32>
    %swap3A_44 = arith.constant 16 : index
    %swap3A_45 = tpu.vector_load %arg6[%swap3A_44] {strides = array<i32>} : memref<512xi32, #tpu.memory_space<vmem>>, vector<16xi32>,
    tpu.vector_store %arg6[%swap3A_44], %shift_left3A_43 {strides = array<i32>} : memref<512xi32, #tpu.memory_space<vmem>>, vector<16xi32>,
    %dma_start3A_46 = arith.constant 16 : i32
    %dma_start3A_47 = arith.constant 0 : i32
    %dma_start3A_48 = tpu.memref_slice %arg7[%dma_start3A_46, %dma_start3A_47] : memref<512x8xf32, #tpu.memory_space<vmem>> -> memref<16x8xf32, #tpu.memory_space<vmem>>
    %dma_start3A_49 = arith.constant 0 : i32
    %dma_start3A_50 = arith.constant 0 : i32
    %dma_start3A_51 = tpu.memref_slice %arg3[%dma_start3A_49, %dma_start3A_50] : memref<500000x8xf32, #tpu.memory_space<hbm>> -> memref<500000x8xf32, #tpu.memory_space<hbm>>
    tpu.enqueue_indirect_dma source(%dma_start3A_51 : memref<500000x8xf32, #tpu.memory_space<hbm>>) target(%dma_start3A_48 : memref<16x8xf32, #tpu.memory_space<vmem>>) offsets(%shift_right_logical3A_37 : vector<16xi32>) semaphore(%arg9 : memref<!tpu.dma_semaphore, #tpu.memory_space<semaphore_mem>>)
    %add3A_52 = arith.constant 32 : i32
    %add3A_53 = vector.broadcast %add3A_52 : i32 to vector<16xi32>
    %add3A_54 = arith.addi %add3A_53, %iota3A : vector<16xi32>
    %gather3A_55 = tpu.vector_load_idx %arg5[%add3A_54, %broadcast_in_dim3A_3] : memref<512x2xi32, #tpu.memory_space<vmem>>[vector<16xi32>, vector<16xi32>], vector<16xi32>,
    %gather3A_56 = tpu.vector_load_idx %arg5[%add3A_54, %broadcast_in_dim3A_5] : memref<512x2xi32, #tpu.memory_space<vmem>>[vector<16xi32>, vector<16xi32>], vector<16xi32>,
    %mul3A_57 = arith.constant 1000 : i32
    %mul3A_58 = vector.broadcast %mul3A_57 : i32 to vector<16xi32>
    %mul3A_59 = arith.muli %gather3A_55, %mul3A_58 : vector<16xi32>
    %add3A_60 = arith.addi %mul3A_59, %gather3A_56 : vector<16xi32>
    %shift_right_logical3A_61 = arith.constant 1 : i32
    %shift_right_logical3A_62 = vector.broadcast %shift_right_logical3A_61 : i32 to vector<16xi32>
    %shift_right_logical3A_63 = arith.shrui %add3A_60, %shift_right_logical3A_62 : vector<16xi32>
    %and3A_64 = arith.constant 1 : i32
    %and3A_65 = vector.broadcast %and3A_64 : i32 to vector<16xi32>
    %and3A_66 = arith.andi %add3A_60, %and3A_65 : vector<16xi32>
    %shift_left3A_67 = arith.constant 2 : i32
    %shift_left3A_68 = vector.broadcast %shift_left3A_67 : i32 to vector<16xi32>
    %shift_left3A_69 = arith.shli %and3A_66, %shift_left3A_68 : vector<16xi32>
    %swap3A_70 = arith.constant 32 : index
    %swap3A_71 = tpu.vector_load %arg6[%swap3A_70] {strides = array<i32>} : memref<512xi32, #tpu.memory_space<vmem>>, vector<16xi32>,
    tpu.vector_store %arg6[%swap3A_70], %shift_left3A_69 {strides = array<i32>} : memref<512xi32, #tpu.memory_space<vmem>>, vector<16xi32>,
    %dma_start3A_72 = arith.constant 32 : i32
    %dma_start3A_73 = arith.constant 0 : i32
    %dma_start3A_74 = tpu.memref_slice %arg7[%dma_start3A_72, %dma_start3A_73] : memref<512x8xf32, #tpu.memory_space<vmem>> -> memref<16x8xf32, #tpu.memory_space<vmem>>
    %dma_start3A_75 = arith.constant 0 : i32
    %dma_start3A_76 = arith.constant 0 : i32
    %dma_start3A_77 = tpu.memref_slice %arg3[%dma_start3A_75, %dma_start3A_76] : memref<500000x8xf32, #tpu.memory_space<hbm>> -> memref<500000x8xf32, #tpu.memory_space<hbm>>
    tpu.enqueue_indirect_dma source(%dma_start3A_77 : memref<500000x8xf32, #tpu.memory_space<hbm>>) target(%dma_start3A_74 : memref<16x8xf32, #tpu.memory_space<vmem>>) offsets(%shift_right_logical3A_63 : vector<16xi32>) semaphore(%arg9 : memref<!tpu.dma_semaphore, #tpu.memory_space<semaphore_mem>>)
    %add3A_78 = arith.constant 48 : i32
    %add3A_79 = vector.broadcast %add3A_78 : i32 to vector<16xi32>
    %add3A_80 = arith.addi %add3A_79, %iota3A : vector<16xi32>
    %gather3A_81 = tpu.vector_load_idx %arg5[%add3A_80, %broadcast_in_dim3A_3] : memref<512x2xi32, #tpu.memory_space<vmem>>[vector<16xi32>, vector<16xi32>], vector<16xi32>,
    %gather3A_82 = tpu.vector_load_idx %arg5[%add3A_80, %broadcast_in_dim3A_5] : memref<512x2xi32, #tpu.memory_space<vmem>>[vector<16xi32>, vector<16xi32>], vector<16xi32>,
    %mul3A_83 = arith.constant 1000 : i32
    %mul3A_84 = vector.broadcast %mul3A_83 : i32 to vector<16xi32>
    %mul3A_85 = arith.muli %gather3A_81, %mul3A_84 : vector<16xi32>
    %add3A_86 = arith.addi %mul3A_85, %gather3A_82 : vector<16xi32>
    %shift_right_logical3A_87 = arith.constant 1 : i32
    %shift_right_logical3A_88 = vector.broadcast %shift_right_logical3A_87 : i32 to vector<16xi32>
    %shift_right_logical3A_89 = arith.shrui %add3A_86, %shift_right_logical3A_88 : vector<16xi32>
    %and3A_90 = arith.constant 1 : i32
    %and3A_91 = vector.broadcast %and3A_90 : i32 to vector<16xi32>
    %and3A_92 = arith.andi %add3A_86, %and3A_91 : vector<16xi32>
    %shift_left3A_93 = arith.constant 2 : i32
    %shift_left3A_94 = vector.broadcast %shift_left3A_93 : i32 to vector<16xi32>
    %shift_left3A_95 = arith.shli %and3A_92, %shift_left3A_94 : vector<16xi32>
    %swap3A_96 = arith.constant 48 : index
    %swap3A_97 = tpu.vector_load %arg6[%swap3A_96] {strides = array<i32>} : memref<512xi32, #tpu.memory_space<vmem>>, vector<16xi32>,
    tpu.vector_store %arg6[%swap3A_96], %shift_left3A_95 {strides = array<i32>} : memref<512xi32, #tpu.memory_space<vmem>>, vector<16xi32>,
    %dma_start3A_98 = arith.constant 48 : i32
    %dma_start3A_99 = arith.constant 0 : i32
    %dma_start3A_100 = tpu.memref_slice %arg7[%dma_start3A_98, %dma_start3A_99] : memref<512x8xf32, #tpu.memory_space<vmem>> -> memref<16x8xf32, #tpu.memory_space<vmem>>
    %dma_start3A_101 = arith.constant 0 : i32
    %dma_start3A_102 = arith.constant 0 : i32
    %dma_start3A_103 = tpu.memref_slice %arg3[%dma_start3A_101, %dma_start3A_102] : memref<500000x8xf32, #tpu.memory_space<hbm>> -> memref<500000x8xf32, #tpu.memory_space<hbm>>
    tpu.enqueue_indirect_dma source(%dma_start3A_103 : memref<500000x8xf32, #tpu.memory_space<hbm>>) target(%dma_start3A_100 : memref<16x8xf32, #tpu.memory_space<vmem>>) offsets(%shift_right_logical3A_89 : vector<16xi32>) semaphore(%arg9 : memref<!tpu.dma_semaphore, #tpu.memory_space<semaphore_mem>>)
    %add3A_104 = arith.constant 64 : i32
    %add3A_105 = vector.broadcast %add3A_104 : i32 to vector<16xi32>
    %add3A_106 = arith.addi %add3A_105, %iota3A : vector<16xi32>
    %gather3A_107 = tpu.vector_load_idx %arg5[%add3A_106, %broadcast_in_dim3A_3] : memref<512x2xi32, #tpu.memory_space<vmem>>[vector<16xi32>, vector<16xi32>], vector<16xi32>,
    %gather3A_108 = tpu.vector_load_idx %arg5[%add3A_106, %broadcast_in_dim3A_5] : memref<512x2xi32, #tpu.memory_space<vmem>>[vector<16xi32>, vector<16xi32>], vector<16xi32>,
    %mul3A_109 = arith.constant 1000 : i32
    %mul3A_110 = vector.broadcast %mul3A_109 : i32 to vector<16xi32>
    %mul3A_111 = arith.muli %gather3A_107, %mul3A_110 : vector<16xi32>
    %add3A_112 = arith.addi %mul3A_111, %gather3A_108 : vector<16xi32>
    %shift_right_logical3A_113 = arith.constant 1 : i32
    %shift_right_logical3A_114 = vector.broadcast %shift_right_logical3A_113 : i32 to vector<16xi32>
    %shift_right_logical3A_115 = arith.shrui %add3A_112, %shift_right_logical3A_114 : vector<16xi32>
    %and3A_116 = arith.constant 1 : i32
    %and3A_117 = vector.broadcast %and3A_116 : i32 to vector<16xi32>
    %and3A_118 = arith.andi %add3A_112, %and3A_117 : vector<16xi32>
    %shift_left3A_119 = arith.constant 2 : i32
    %shift_left3A_120 = vector.broadcast %shift_left3A_119 : i32 to vector<16xi32>
    %shift_left3A_121 = arith.shli %and3A_118, %shift_left3A_120 : vector<16xi32>
    %swap3A_122 = arith.constant 64 : index
    %swap3A_123 = tpu.vector_load %arg6[%swap3A_122] {strides = array<i32>} : memref<512xi32, #tpu.memory_space<vmem>>, vector<16xi32>,
    tpu.vector_store %arg6[%swap3A_122], %shift_left3A_121 {strides = array<i32>} : memref<512xi32, #tpu.memory_space<vmem>>, vector<16xi32>,
    %dma_start3A_124 = arith.constant 64 : i32
    %dma_start3A_125 = arith.constant 0 : i32
    %dma_start3A_126 = tpu.memref_slice %arg7[%dma_start3A_124, %dma_start3A_125] : memref<512x8xf32, #tpu.memory_space<vmem>> -> memref<16x8xf32, #tpu.memory_space<vmem>>
    %dma_start3A_127 = arith.constant 0 : i32
    %dma_start3A_128 = arith.constant 0 : i32
    %dma_start3A_129 = tpu.memref_slice %arg3[%dma_start3A_127, %dma_start3A_128] : memref<500000x8xf32, #tpu.memory_space<hbm>> -> memref<500000x8xf32, #tpu.memory_space<hbm>>
    tpu.enqueue_indirect_dma source(%dma_start3A_129 : memref<500000x8xf32, #tpu.memory_space<hbm>>) target(%dma_start3A_126 : memref<16x8xf32, #tpu.memory_space<vmem>>) offsets(%shift_right_logical3A_115 : vector<16xi32>) semaphore(%arg9 : memref<!tpu.dma_semaphore, #tpu.memory_space<semaphore_mem>>)
    %add3A_130 = arith.constant 80 : i32
    %add3A_131 = vector.broadcast %add3A_130 : i32 to vector<16xi32>
    %add3A_132 = arith.addi %add3A_131, %iota3A : vector<16xi32>
    %gather3A_133 = tpu.vector_load_idx %arg5[%add3A_132, %broadcast_in_dim3A_3] : memref<512x2xi32, #tpu.memory_space<vmem>>[vector<16xi32>, vector<16xi32>], vector<16xi32>,
    %gather3A_134 = tpu.vector_load_idx %arg5[%add3A_132, %broadcast_in_dim3A_5] : memref<512x2xi32, #tpu.memory_space<vmem>>[vector<16xi32>, vector<16xi32>], vector<16xi32>,
    %mul3A_135 = arith.constant 1000 : i32
    %mul3A_136 = vector.broadcast %mul3A_135 : i32 to vector<16xi32>
    %mul3A_137 = arith.muli %gather3A_133, %mul3A_136 : vector<16xi32>
    %add3A_138 = arith.addi %mul3A_137, %gather3A_134 : vector<16xi32>
    %shift_right_logical3A_139 = arith.constant 1 : i32
    %shift_right_logical3A_140 = vector.broadcast %shift_right_logical3A_139 : i32 to vector<16xi32>
    %shift_right_logical3A_141 = arith.shrui %add3A_138, %shift_right_logical3A_140 : vector<16xi32>
    %and3A_142 = arith.constant 1 : i32
    %and3A_143 = vector.broadcast %and3A_142 : i32 to vector<16xi32>
    %and3A_144 = arith.andi %add3A_138, %and3A_143 : vector<16xi32>
    %shift_left3A_145 = arith.constant 2 : i32
    %shift_left3A_146 = vector.broadcast %shift_left3A_145 : i32 to vector<16xi32>
    %shift_left3A_147 = arith.shli %and3A_144, %shift_left3A_146 : vector<16xi32>
    %swap3A_148 = arith.constant 80 : index
    %swap3A_149 = tpu.vector_load %arg6[%swap3A_148] {strides = array<i32>} : memref<512xi32, #tpu.memory_space<vmem>>, vector<16xi32>,
    tpu.vector_store %arg6[%swap3A_148], %shift_left3A_147 {strides = array<i32>} : memref<512xi32, #tpu.memory_space<vmem>>, vector<16xi32>,
    %dma_start3A_150 = arith.constant 80 : i32
    %dma_start3A_151 = arith.constant 0 : i32
    %dma_start3A_152 = tpu.memref_slice %arg7[%dma_start3A_150, %dma_start3A_151] : memref<512x8xf32, #tpu.memory_space<vmem>> -> memref<16x8xf32, #tpu.memory_space<vmem>>
    %dma_start3A_153 = arith.constant 0 : i32
    %dma_start3A_154 = arith.constant 0 : i32
    %dma_start3A_155 = tpu.memref_slice %arg3[%dma_start3A_153, %dma_start3A_154] : memref<500000x8xf32, #tpu.memory_space<hbm>> -> memref<500000x8xf32, #tpu.memory_space<hbm>>
    tpu.enqueue_indirect_dma source(%dma_start3A_155 : memref<500000x8xf32, #tpu.memory_space<hbm>>) target(%dma_start3A_152 : memref<16x8xf32, #tpu.memory_space<vmem>>) offsets(%shift_right_logical3A_141 : vector<16xi32>) semaphore(%arg9 : memref<!tpu.dma_semaphore, #tpu.memory_space<semaphore_mem>>)
    %add3A_156 = arith.constant 96 : i32
    %add3A_157 = vector.broadcast %add3A_156 : i32 to vector<16xi32>
    %add3A_158 = arith.addi %add3A_157, %iota3A : vector<16xi32>
    %gather3A_159 = tpu.vector_load_idx %arg5[%add3A_158, %broadcast_in_dim3A_3] : memref<512x2xi32, #tpu.memory_space<vmem>>[vector<16xi32>, vector<16xi32>], vector<16xi32>,
    %gather3A_160 = tpu.vector_load_idx %arg5[%add3A_158, %broadcast_in_dim3A_5] : memref<512x2xi32, #tpu.memory_space<vmem>>[vector<16xi32>, vector<16xi32>], vector<16xi32>,
    %mul3A_161 = arith.constant 1000 : i32
    %mul3A_162 = vector.broadcast %mul3A_161 : i32 to vector<16xi32>
    %mul3A_163 = arith.muli %gather3A_159, %mul3A_162 : vector<16xi32>
    %add3A_164 = arith.addi %mul3A_163, %gather3A_160 : vector<16xi32>
    %shift_right_logical3A_165 = arith.constant 1 : i32
    %shift_right_logical3A_166 = vector.broadcast %shift_right_logical3A_165 : i32 to vector<16xi32>
    %shift_right_logical3A_167 = arith.shrui %add3A_164, %shift_right_logical3A_166 : vector<16xi32>
    %and3A_168 = arith.constant 1 : i32
    %and3A_169 = vector.broadcast %and3A_168 : i32 to vector<16xi32>
    %and3A_170 = arith.andi %add3A_164, %and3A_169 : vector<16xi32>
    %shift_left3A_171 = arith.constant 2 : i32
    %shift_left3A_172 = vector.broadcast %shift_left3A_171 : i32 to vector<16xi32>
    %shift_left3A_173 = arith.shli %and3A_170, %shift_left3A_172 : vector<16xi32>
    %swap3A_174 = arith.constant 96 : index
    %swap3A_175 = tpu.vector_load %arg6[%swap3A_174] {strides = array<i32>} : memref<512xi32, #tpu.memory_space<vmem>>, vector<16xi32>,
    tpu.vector_store %arg6[%swap3A_174], %shift_left3A_173 {strides = array<i32>} : memref<512xi32, #tpu.memory_space<vmem>>, vector<16xi32>,
    %dma_start3A_176 = arith.constant 96 : i32
    %dma_start3A_177 = arith.constant 0 : i32
    %dma_start3A_178 = tpu.memref_slice %arg7[%dma_start3A_176, %dma_start3A_177] : memref<512x8xf32, #tpu.memory_space<vmem>> -> memref<16x8xf32, #tpu.memory_space<vmem>>
    %dma_start3A_179 = arith.constant 0 : i32
    %dma_start3A_180 = arith.constant 0 : i32
    %dma_start3A_181 = tpu.memref_slice %arg3[%dma_start3A_179, %dma_start3A_180] : memref<500000x8xf32, #tpu.memory_space<hbm>> -> memref<500000x8xf32, #tpu.memory_space<hbm>>
    tpu.enqueue_indirect_dma source(%dma_start3A_181 : memref<500000x8xf32, #tpu.memory_space<hbm>>) target(%dma_start3A_178 : memref<16x8xf32, #tpu.memory_space<vmem>>) offsets(%shift_right_logical3A_167 : vector<16xi32>) semaphore(%arg9 : memref<!tpu.dma_semaphore, #tpu.memory_space<semaphore_mem>>)
    %add3A_182 = arith.constant 112 : i32
    %add3A_183 = vector.broadcast %add3A_182 : i32 to vector<16xi32>
    %add3A_184 = arith.addi %add3A_183, %iota3A : vector<16xi32>
    %gather3A_185 = tpu.vector_load_idx %arg5[%add3A_184, %broadcast_in_dim3A_3] : memref<512x2xi32, #tpu.memory_space<vmem>>[vector<16xi32>, vector<16xi32>], vector<16xi32>,
    %gather3A_186 = tpu.vector_load_idx %arg5[%add3A_184, %broadcast_in_dim3A_5] : memref<512x2xi32, #tpu.memory_space<vmem>>[vector<16xi32>, vector<16xi32>], vector<16xi32>,
    %mul3A_187 = arith.constant 1000 : i32
    %mul3A_188 = vector.broadcast %mul3A_187 : i32 to vector<16xi32>
    %mul3A_189 = arith.muli %gather3A_185, %mul3A_188 : vector<16xi32>
    %add3A_190 = arith.addi %mul3A_189, %gather3A_186 : vector<16xi32>
    %shift_right_logical3A_191 = arith.constant 1 : i32
    %shift_right_logical3A_192 = vector.broadcast %shift_right_logical3A_191 : i32 to vector<16xi32>
    %shift_right_logical3A_193 = arith.shrui %add3A_190, %shift_right_logical3A_192 : vector<16xi32>
    %and3A_194 = arith.constant 1 : i32
    %and3A_195 = vector.broadcast %and3A_194 : i32 to vector<16xi32>
    %and3A_196 = arith.andi %add3A_190, %and3A_195 : vector<16xi32>
    %shift_left3A_197 = arith.constant 2 : i32
    %shift_left3A_198 = vector.broadcast %shift_left3A_197 : i32 to vector<16xi32>
    %shift_left3A_199 = arith.shli %and3A_196, %shift_left3A_198 : vector<16xi32>
    %swap3A_200 = arith.constant 112 : index
    %swap3A_201 = tpu.vector_load %arg6[%swap3A_200] {strides = array<i32>} : memref<512xi32, #tpu.memory_space<vmem>>, vector<16xi32>,
    tpu.vector_store %arg6[%swap3A_200], %shift_left3A_199 {strides = array<i32>} : memref<512xi32, #tpu.memory_space<vmem>>, vector<16xi32>,
    %dma_start3A_202 = arith.constant 112 : i32
    %dma_start3A_203 = arith.constant 0 : i32
    %dma_start3A_204 = tpu.memref_slice %arg7[%dma_start3A_202, %dma_start3A_203] : memref<512x8xf32, #tpu.memory_space<vmem>> -> memref<16x8xf32, #tpu.memory_space<vmem>>
    %dma_start3A_205 = arith.constant 0 : i32
    %dma_start3A_206 = arith.constant 0 : i32
    %dma_start3A_207 = tpu.memref_slice %arg3[%dma_start3A_205, %dma_start3A_206] : memref<500000x8xf32, #tpu.memory_space<hbm>> -> memref<500000x8xf32, #tpu.memory_space<hbm>>
    tpu.enqueue_indirect_dma source(%dma_start3A_207 : memref<500000x8xf32, #tpu.memory_space<hbm>>) target(%dma_start3A_204 : memref<16x8xf32, #tpu.memory_space<vmem>>) offsets(%shift_right_logical3A_193 : vector<16xi32>) semaphore(%arg9 : memref<!tpu.dma_semaphore, #tpu.memory_space<semaphore_mem>>)
    %add3A_208 = arith.constant 128 : i32
    %add3A_209 = vector.broadcast %add3A_208 : i32 to vector<16xi32>
    %add3A_210 = arith.addi %add3A_209, %iota3A : vector<16xi32>
    %gather3A_211 = tpu.vector_load_idx %arg5[%add3A_210, %broadcast_in_dim3A_3] : memref<512x2xi32, #tpu.memory_space<vmem>>[vector<16xi32>, vector<16xi32>], vector<16xi32>,
    %gather3A_212 = tpu.vector_load_idx %arg5[%add3A_210, %broadcast_in_dim3A_5] : memref<512x2xi32, #tpu.memory_space<vmem>>[vector<16xi32>, vector<16xi32>], vector<16xi32>,
    %mul3A_213 = arith.constant 1000 : i32
    %mul3A_214 = vector.broadcast %mul3A_213 : i32 to vector<16xi32>
    %mul3A_215 = arith.muli %gather3A_211, %mul3A_214 : vector<16xi32>
    %add3A_216 = arith.addi %mul3A_215, %gather3A_212 : vector<16xi32>
    %shift_right_logical3A_217 = arith.constant 1 : i32
    %shift_right_logical3A_218 = vector.broadcast %shift_right_logical3A_217 : i32 to vector<16xi32>
    %shift_right_logical3A_219 = arith.shrui %add3A_216, %shift_right_logical3A_218 : vector<16xi32>
    %and3A_220 = arith.constant 1 : i32
    %and3A_221 = vector.broadcast %and3A_220 : i32 to vector<16xi32>
    %and3A_222 = arith.andi %add3A_216, %and3A_221 : vector<16xi32>
    %shift_left3A_223 = arith.constant 2 : i32
    %shift_left3A_224 = vector.broadcast %shift_left3A_223 : i32 to vector<16xi32>
    %shift_left3A_225 = arith.shli %and3A_222, %shift_left3A_224 : vector<16xi32>
    %swap3A_226 = arith.constant 128 : index
    %swap3A_227 = tpu.vector_load %arg6[%swap3A_226] {strides = array<i32>} : memref<512xi32, #tpu.memory_space<vmem>>, vector<16xi32>,
    tpu.vector_store %arg6[%swap3A_226], %shift_left3A_225 {strides = array<i32>} : memref<512xi32, #tpu.memory_space<vmem>>, vector<16xi32>,
    %dma_start3A_228 = arith.constant 128 : i32
    %dma_start3A_229 = arith.constant 0 : i32
    %dma_start3A_230 = tpu.memref_slice %arg7[%dma_start3A_228, %dma_start3A_229] : memref<512x8xf32, #tpu.memory_space<vmem>> -> memref<16x8xf32, #tpu.memory_space<vmem>>
    %dma_start3A_231 = arith.constant 0 : i32
    %dma_start3A_232 = arith.constant 0 : i32
    %dma_start3A_233 = tpu.memref_slice %arg3[%dma_start3A_231, %dma_start3A_232] : memref<500000x8xf32, #tpu.memory_space<hbm>> -> memref<500000x8xf32, #tpu.memory_space<hbm>>
    tpu.enqueue_indirect_dma source(%dma_start3A_233 : memref<500000x8xf32, #tpu.memory_space<hbm>>) target(%dma_start3A_230 : memref<16x8xf32, #tpu.memory_space<vmem>>) offsets(%shift_right_logical3A_219 : vector<16xi32>) semaphore(%arg9 : memref<!tpu.dma_semaphore, #tpu.memory_space<semaphore_mem>>)
    %add3A_234 = arith.constant 144 : i32
    %add3A_235 = vector.broadcast %add3A_234 : i32 to vector<16xi32>
    %add3A_236 = arith.addi %add3A_235, %iota3A : vector<16xi32>
    %gather3A_237 = tpu.vector_load_idx %arg5[%add3A_236, %broadcast_in_dim3A_3] : memref<512x2xi32, #tpu.memory_space<vmem>>[vector<16xi32>, vector<16xi32>], vector<16xi32>,
    %gather3A_238 = tpu.vector_load_idx %arg5[%add3A_236, %broadcast_in_dim3A_5] : memref<512x2xi32, #tpu.memory_space<vmem>>[vector<16xi32>, vector<16xi32>], vector<16xi32>,
    %mul3A_239 = arith.constant 1000 : i32
    %mul3A_240 = vector.broadcast %mul3A_239 : i32 to vector<16xi32>
    %mul3A_241 = arith.muli %gather3A_237, %mul3A_240 : vector<16xi32>
    %add3A_242 = arith.addi %mul3A_241, %gather3A_238 : vector<16xi32>
    %shift_right_logical3A_243 = arith.constant 1 : i32
    %shift_right_logical3A_244 = vector.broadcast %shift_right_logical3A_243 : i32 to vector<16xi32>
    %shift_right_logical3A_245 = arith.shrui %add3A_242, %shift_right_logical3A_244 : vector<16xi32>
    %and3A_246 = arith.constant 1 : i32
    %and3A_247 = vector.broadcast %and3A_246 : i32 to vector<16xi32>
    %and3A_248 = arith.andi %add3A_242, %and3A_247 : vector<16xi32>
    %shift_left3A_249 = arith.constant 2 : i32
    %shift_left3A_250 = vector.broadcast %shift_left3A_249 : i32 to vector<16xi32>
    %shift_left3A_251 = arith.shli %and3A_248, %shift_left3A_250 : vector<16xi32>
    %swap3A_252 = arith.constant 144 : index
    %swap3A_253 = tpu.vector_load %arg6[%swap3A_252] {strides = array<i32>} : memref<512xi32, #tpu.memory_space<vmem>>, vector<16xi32>,
    tpu.vector_store %arg6[%swap3A_252], %shift_left3A_251 {strides = array<i32>} : memref<512xi32, #tpu.memory_space<vmem>>, vector<16xi32>,
    %dma_start3A_254 = arith.constant 144 : i32
    %dma_start3A_255 = arith.constant 0 : i32
    %dma_start3A_256 = tpu.memref_slice %arg7[%dma_start3A_254, %dma_start3A_255] : memref<512x8xf32, #tpu.memory_space<vmem>> -> memref<16x8xf32, #tpu.memory_space<vmem>>
    %dma_start3A_257 = arith.constant 0 : i32
    %dma_start3A_258 = arith.constant 0 : i32
    %dma_start3A_259 = tpu.memref_slice %arg3[%dma_start3A_257, %dma_start3A_258] : memref<500000x8xf32, #tpu.memory_space<hbm>> -> memref<500000x8xf32, #tpu.memory_space<hbm>>
    tpu.enqueue_indirect_dma source(%dma_start3A_259 : memref<500000x8xf32, #tpu.memory_space<hbm>>) target(%dma_start3A_256 : memref<16x8xf32, #tpu.memory_space<vmem>>) offsets(%shift_right_logical3A_245 : vector<16xi32>) semaphore(%arg9 : memref<!tpu.dma_semaphore, #tpu.memory_space<semaphore_mem>>)
    %add3A_260 = arith.constant 160 : i32
    %add3A_261 = vector.broadcast %add3A_260 : i32 to vector<16xi32>
    %add3A_262 = arith.addi %add3A_261, %iota3A : vector<16xi32>
    %gather3A_263 = tpu.vector_load_idx %arg5[%add3A_262, %broadcast_in_dim3A_3] : memref<512x2xi32, #tpu.memory_space<vmem>>[vector<16xi32>, vector<16xi32>], vector<16xi32>,
    %gather3A_264 = tpu.vector_load_idx %arg5[%add3A_262, %broadcast_in_dim3A_5] : memref<512x2xi32, #tpu.memory_space<vmem>>[vector<16xi32>, vector<16xi32>], vector<16xi32>,
    %mul3A_265 = arith.constant 1000 : i32
    %mul3A_266 = vector.broadcast %mul3A_265 : i32 to vector<16xi32>
    %mul3A_267 = arith.muli %gather3A_263, %mul3A_266 : vector<16xi32>
    %add3A_268 = arith.addi %mul3A_267, %gather3A_264 : vector<16xi32>
    %shift_right_logical3A_269 = arith.constant 1 : i32
    %shift_right_logical3A_270 = vector.broadcast %shift_right_logical3A_269 : i32 to vector<16xi32>
    %shift_right_logical3A_271 = arith.shrui %add3A_268, %shift_right_logical3A_270 : vector<16xi32>
    %and3A_272 = arith.constant 1 : i32
    %and3A_273 = vector.broadcast %and3A_272 : i32 to vector<16xi32>
    %and3A_274 = arith.andi %add3A_268, %and3A_273 : vector<16xi32>
    %shift_left3A_275 = arith.constant 2 : i32
    %shift_left3A_276 = vector.broadcast %shift_left3A_275 : i32 to vector<16xi32>
    %shift_left3A_277 = arith.shli %and3A_274, %shift_left3A_276 : vector<16xi32>
    %swap3A_278 = arith.constant 160 : index
    %swap3A_279 = tpu.vector_load %arg6[%swap3A_278] {strides = array<i32>} : memref<512xi32, #tpu.memory_space<vmem>>, vector<16xi32>,
    tpu.vector_store %arg6[%swap3A_278], %shift_left3A_277 {strides = array<i32>} : memref<512xi32, #tpu.memory_space<vmem>>, vector<16xi32>,
    %dma_start3A_280 = arith.constant 160 : i32
    %dma_start3A_281 = arith.constant 0 : i32
    %dma_start3A_282 = tpu.memref_slice %arg7[%dma_start3A_280, %dma_start3A_281] : memref<512x8xf32, #tpu.memory_space<vmem>> -> memref<16x8xf32, #tpu.memory_space<vmem>>
    %dma_start3A_283 = arith.constant 0 : i32
    %dma_start3A_284 = arith.constant 0 : i32
    %dma_start3A_285 = tpu.memref_slice %arg3[%dma_start3A_283, %dma_start3A_284] : memref<500000x8xf32, #tpu.memory_space<hbm>> -> memref<500000x8xf32, #tpu.memory_space<hbm>>
    tpu.enqueue_indirect_dma source(%dma_start3A_285 : memref<500000x8xf32, #tpu.memory_space<hbm>>) target(%dma_start3A_282 : memref<16x8xf32, #tpu.memory_space<vmem>>) offsets(%shift_right_logical3A_271 : vector<16xi32>) semaphore(%arg9 : memref<!tpu.dma_semaphore, #tpu.memory_space<semaphore_mem>>)
    %add3A_286 = arith.constant 176 : i32
    %add3A_287 = vector.broadcast %add3A_286 : i32 to vector<16xi32>
    %add3A_288 = arith.addi %add3A_287, %iota3A : vector<16xi32>
    %gather3A_289 = tpu.vector_load_idx %arg5[%add3A_288, %broadcast_in_dim3A_3] : memref<512x2xi32, #tpu.memory_space<vmem>>[vector<16xi32>, vector<16xi32>], vector<16xi32>,
    %gather3A_290 = tpu.vector_load_idx %arg5[%add3A_288, %broadcast_in_dim3A_5] : memref<512x2xi32, #tpu.memory_space<vmem>>[vector<16xi32>, vector<16xi32>], vector<16xi32>,
    %mul3A_291 = arith.constant 1000 : i32
    %mul3A_292 = vector.broadcast %mul3A_291 : i32 to vector<16xi32>
    %mul3A_293 = arith.muli %gather3A_289, %mul3A_292 : vector<16xi32>
    %add3A_294 = arith.addi %mul3A_293, %gather3A_290 : vector<16xi32>
    %shift_right_logical3A_295 = arith.constant 1 : i32
    %shift_right_logical3A_296 = vector.broadcast %shift_right_logical3A_295 : i32 to vector<16xi32>
    %shift_right_logical3A_297 = arith.shrui %add3A_294, %shift_right_logical3A_296 : vector<16xi32>
    %and3A_298 = arith.constant 1 : i32
    %and3A_299 = vector.broadcast %and3A_298 : i32 to vector<16xi32>
    %and3A_300 = arith.andi %add3A_294, %and3A_299 : vector<16xi32>
    %shift_left3A_301 = arith.constant 2 : i32
    %shift_left3A_302 = vector.broadcast %shift_left3A_301 : i32 to vector<16xi32>
    %shift_left3A_303 = arith.shli %and3A_300, %shift_left3A_302 : vector<16xi32>
    %swap3A_304 = arith.constant 176 : index
    %swap3A_305 = tpu.vector_load %arg6[%swap3A_304] {strides = array<i32>} : memref<512xi32, #tpu.memory_space<vmem>>, vector<16xi32>,
    tpu.vector_store %arg6[%swap3A_304], %shift_left3A_303 {strides = array<i32>} : memref<512xi32, #tpu.memory_space<vmem>>, vector<16xi32>,
    %dma_start3A_306 = arith.constant 176 : i32
    %dma_start3A_307 = arith.constant 0 : i32
    %dma_start3A_308 = tpu.memref_slice %arg7[%dma_start3A_306, %dma_start3A_307] : memref<512x8xf32, #tpu.memory_space<vmem>> -> memref<16x8xf32, #tpu.memory_space<vmem>>
    %dma_start3A_309 = arith.constant 0 : i32
    %dma_start3A_310 = arith.constant 0 : i32
    %dma_start3A_311 = tpu.memref_slice %arg3[%dma_start3A_309, %dma_start3A_310] : memref<500000x8xf32, #tpu.memory_space<hbm>> -> memref<500000x8xf32, #tpu.memory_space<hbm>>
    tpu.enqueue_indirect_dma source(%dma_start3A_311 : memref<500000x8xf32, #tpu.memory_space<hbm>>) target(%dma_start3A_308 : memref<16x8xf32, #tpu.memory_space<vmem>>) offsets(%shift_right_logical3A_297 : vector<16xi32>) semaphore(%arg9 : memref<!tpu.dma_semaphore, #tpu.memory_space<semaphore_mem>>)
    %add3A_312 = arith.constant 192 : i32
    %add3A_313 = vector.broadcast %add3A_312 : i32 to vector<16xi32>
    %add3A_314 = arith.addi %add3A_313, %iota3A : vector<16xi32>
    %gather3A_315 = tpu.vector_load_idx %arg5[%add3A_314, %broadcast_in_dim3A_3] : memref<512x2xi32, #tpu.memory_space<vmem>>[vector<16xi32>, vector<16xi32>], vector<16xi32>,
    %gather3A_316 = tpu.vector_load_idx %arg5[%add3A_314, %broadcast_in_dim3A_5] : memref<512x2xi32, #tpu.memory_space<vmem>>[vector<16xi32>, vector<16xi32>], vector<16xi32>,
    %mul3A_317 = arith.constant 1000 : i32
    %mul3A_318 = vector.broadcast %mul3A_317 : i32 to vector<16xi32>
    %mul3A_319 = arith.muli %gather3A_315, %mul3A_318 : vector<16xi32>
    %add3A_320 = arith.addi %mul3A_319, %gather3A_316 : vector<16xi32>
    %shift_right_logical3A_321 = arith.constant 1 : i32
    %shift_right_logical3A_322 = vector.broadcast %shift_right_logical3A_321 : i32 to vector<16xi32>
    %shift_right_logical3A_323 = arith.shrui %add3A_320, %shift_right_logical3A_322 : vector<16xi32>
    %and3A_324 = arith.constant 1 : i32
    %and3A_325 = vector.broadcast %and3A_324 : i32 to vector<16xi32>
    %and3A_326 = arith.andi %add3A_320, %and3A_325 : vector<16xi32>
    %shift_left3A_327 = arith.constant 2 : i32
    %shift_left3A_328 = vector.broadcast %shift_left3A_327 : i32 to vector<16xi32>
    %shift_left3A_329 = arith.shli %and3A_326, %shift_left3A_328 : vector<16xi32>
    %swap3A_330 = arith.constant 192 : index
    %swap3A_331 = tpu.vector_load %arg6[%swap3A_330] {strides = array<i32>} : memref<512xi32, #tpu.memory_space<vmem>>, vector<16xi32>,
    tpu.vector_store %arg6[%swap3A_330], %shift_left3A_329 {strides = array<i32>} : memref<512xi32, #tpu.memory_space<vmem>>, vector<16xi32>,
    %dma_start3A_332 = arith.constant 192 : i32
    %dma_start3A_333 = arith.constant 0 : i32
    %dma_start3A_334 = tpu.memref_slice %arg7[%dma_start3A_332, %dma_start3A_333] : memref<512x8xf32, #tpu.memory_space<vmem>> -> memref<16x8xf32, #tpu.memory_space<vmem>>
    %dma_start3A_335 = arith.constant 0 : i32
    %dma_start3A_336 = arith.constant 0 : i32
    %dma_start3A_337 = tpu.memref_slice %arg3[%dma_start3A_335, %dma_start3A_336] : memref<500000x8xf32, #tpu.memory_space<hbm>> -> memref<500000x8xf32, #tpu.memory_space<hbm>>
    tpu.enqueue_indirect_dma source(%dma_start3A_337 : memref<500000x8xf32, #tpu.memory_space<hbm>>) target(%dma_start3A_334 : memref<16x8xf32, #tpu.memory_space<vmem>>) offsets(%shift_right_logical3A_323 : vector<16xi32>) semaphore(%arg9 : memref<!tpu.dma_semaphore, #tpu.memory_space<semaphore_mem>>)
    %add3A_338 = arith.constant 208 : i32
    %add3A_339 = vector.broadcast %add3A_338 : i32 to vector<16xi32>
    %add3A_340 = arith.addi %add3A_339, %iota3A : vector<16xi32>
    %gather3A_341 = tpu.vector_load_idx %arg5[%add3A_340, %broadcast_in_dim3A_3] : memref<512x2xi32, #tpu.memory_space<vmem>>[vector<16xi32>, vector<16xi32>], vector<16xi32>,
    %gather3A_342 = tpu.vector_load_idx %arg5[%add3A_340, %broadcast_in_dim3A_5] : memref<512x2xi32, #tpu.memory_space<vmem>>[vector<16xi32>, vector<16xi32>], vector<16xi32>,
    %mul3A_343 = arith.constant 1000 : i32
    %mul3A_344 = vector.broadcast %mul3A_343 : i32 to vector<16xi32>
    %mul3A_345 = arith.muli %gather3A_341, %mul3A_344 : vector<16xi32>
    %add3A_346 = arith.addi %mul3A_345, %gather3A_342 : vector<16xi32>
    %shift_right_logical3A_347 = arith.constant 1 : i32
    %shift_right_logical3A_348 = vector.broadcast %shift_right_logical3A_347 : i32 to vector<16xi32>
    %shift_right_logical3A_349 = arith.shrui %add3A_346, %shift_right_logical3A_348 : vector<16xi32>
    %and3A_350 = arith.constant 1 : i32
    %and3A_351 = vector.broadcast %and3A_350 : i32 to vector<16xi32>
    %and3A_352 = arith.andi %add3A_346, %and3A_351 : vector<16xi32>
    %shift_left3A_353 = arith.constant 2 : i32
    %shift_left3A_354 = vector.broadcast %shift_left3A_353 : i32 to vector<16xi32>
    %shift_left3A_355 = arith.shli %and3A_352, %shift_left3A_354 : vector<16xi32>
    %swap3A_356 = arith.constant 208 : index
    %swap3A_357 = tpu.vector_load %arg6[%swap3A_356] {strides = array<i32>} : memref<512xi32, #tpu.memory_space<vmem>>, vector<16xi32>,
    tpu.vector_store %arg6[%swap3A_356], %shift_left3A_355 {strides = array<i32>} : memref<512xi32, #tpu.memory_space<vmem>>, vector<16xi32>,
    %dma_start3A_358 = arith.constant 208 : i32
    %dma_start3A_359 = arith.constant 0 : i32
    %dma_start3A_360 = tpu.memref_slice %arg7[%dma_start3A_358, %dma_start3A_359] : memref<512x8xf32, #tpu.memory_space<vmem>> -> memref<16x8xf32, #tpu.memory_space<vmem>>
    %dma_start3A_361 = arith.constant 0 : i32
    %dma_start3A_362 = arith.constant 0 : i32
    %dma_start3A_363 = tpu.memref_slice %arg3[%dma_start3A_361, %dma_start3A_362] : memref<500000x8xf32, #tpu.memory_space<hbm>> -> memref<500000x8xf32, #tpu.memory_space<hbm>>
    tpu.enqueue_indirect_dma source(%dma_start3A_363 : memref<500000x8xf32, #tpu.memory_space<hbm>>) target(%dma_start3A_360 : memref<16x8xf32, #tpu.memory_space<vmem>>) offsets(%shift_right_logical3A_349 : vector<16xi32>) semaphore(%arg9 : memref<!tpu.dma_semaphore, #tpu.memory_space<semaphore_mem>>)
    %add3A_364 = arith.constant 224 : i32
    %add3A_365 = vector.broadcast %add3A_364 : i32 to vector<16xi32>
    %add3A_366 = arith.addi %add3A_365, %iota3A : vector<16xi32>
    %gather3A_367 = tpu.vector_load_idx %arg5[%add3A_366, %broadcast_in_dim3A_3] : memref<512x2xi32, #tpu.memory_space<vmem>>[vector<16xi32>, vector<16xi32>], vector<16xi32>,
    %gather3A_368 = tpu.vector_load_idx %arg5[%add3A_366, %broadcast_in_dim3A_5] : memref<512x2xi32, #tpu.memory_space<vmem>>[vector<16xi32>, vector<16xi32>], vector<16xi32>,
    %mul3A_369 = arith.constant 1000 : i32
    %mul3A_370 = vector.broadcast %mul3A_369 : i32 to vector<16xi32>
    %mul3A_371 = arith.muli %gather3A_367, %mul3A_370 : vector<16xi32>
    %add3A_372 = arith.addi %mul3A_371, %gather3A_368 : vector<16xi32>
    %shift_right_logical3A_373 = arith.constant 1 : i32
    %shift_right_logical3A_374 = vector.broadcast %shift_right_logical3A_373 : i32 to vector<16xi32>
    %shift_right_logical3A_375 = arith.shrui %add3A_372, %shift_right_logical3A_374 : vector<16xi32>
    %and3A_376 = arith.constant 1 : i32
    %and3A_377 = vector.broadcast %and3A_376 : i32 to vector<16xi32>
    %and3A_378 = arith.andi %add3A_372, %and3A_377 : vector<16xi32>
    %shift_left3A_379 = arith.constant 2 : i32
    %shift_left3A_380 = vector.broadcast %shift_left3A_379 : i32 to vector<16xi32>
    %shift_left3A_381 = arith.shli %and3A_378, %shift_left3A_380 : vector<16xi32>
    %swap3A_382 = arith.constant 224 : index
    %swap3A_383 = tpu.vector_load %arg6[%swap3A_382] {strides = array<i32>} : memref<512xi32, #tpu.memory_space<vmem>>, vector<16xi32>,
    tpu.vector_store %arg6[%swap3A_382], %shift_left3A_381 {strides = array<i32>} : memref<512xi32, #tpu.memory_space<vmem>>, vector<16xi32>,
    %dma_start3A_384 = arith.constant 224 : i32
    %dma_start3A_385 = arith.constant 0 : i32
    %dma_start3A_386 = tpu.memref_slice %arg7[%dma_start3A_384, %dma_start3A_385] : memref<512x8xf32, #tpu.memory_space<vmem>> -> memref<16x8xf32, #tpu.memory_space<vmem>>
    %dma_start3A_387 = arith.constant 0 : i32
    %dma_start3A_388 = arith.constant 0 : i32
    %dma_start3A_389 = tpu.memref_slice %arg3[%dma_start3A_387, %dma_start3A_388] : memref<500000x8xf32, #tpu.memory_space<hbm>> -> memref<500000x8xf32, #tpu.memory_space<hbm>>
    tpu.enqueue_indirect_dma source(%dma_start3A_389 : memref<500000x8xf32, #tpu.memory_space<hbm>>) target(%dma_start3A_386 : memref<16x8xf32, #tpu.memory_space<vmem>>) offsets(%shift_right_logical3A_375 : vector<16xi32>) semaphore(%arg9 : memref<!tpu.dma_semaphore, #tpu.memory_space<semaphore_mem>>)
    %add3A_390 = arith.constant 240 : i32
    %add3A_391 = vector.broadcast %add3A_390 : i32 to vector<16xi32>
    %add3A_392 = arith.addi %add3A_391, %iota3A : vector<16xi32>
    %gather3A_393 = tpu.vector_load_idx %arg5[%add3A_392, %broadcast_in_dim3A_3] : memref<512x2xi32, #tpu.memory_space<vmem>>[vector<16xi32>, vector<16xi32>], vector<16xi32>,
    %gather3A_394 = tpu.vector_load_idx %arg5[%add3A_392, %broadcast_in_dim3A_5] : memref<512x2xi32, #tpu.memory_space<vmem>>[vector<16xi32>, vector<16xi32>], vector<16xi32>,
    %mul3A_395 = arith.constant 1000 : i32
    %mul3A_396 = vector.broadcast %mul3A_395 : i32 to vector<16xi32>
    %mul3A_397 = arith.muli %gather3A_393, %mul3A_396 : vector<16xi32>
    %add3A_398 = arith.addi %mul3A_397, %gather3A_394 : vector<16xi32>
    %shift_right_logical3A_399 = arith.constant 1 : i32
    %shift_right_logical3A_400 = vector.broadcast %shift_right_logical3A_399 : i32 to vector<16xi32>
    %shift_right_logical3A_401 = arith.shrui %add3A_398, %shift_right_logical3A_400 : vector<16xi32>
    %and3A_402 = arith.constant 1 : i32
    %and3A_403 = vector.broadcast %and3A_402 : i32 to vector<16xi32>
    %and3A_404 = arith.andi %add3A_398, %and3A_403 : vector<16xi32>
    %shift_left3A_405 = arith.constant 2 : i32
    %shift_left3A_406 = vector.broadcast %shift_left3A_405 : i32 to vector<16xi32>
    %shift_left3A_407 = arith.shli %and3A_404, %shift_left3A_406 : vector<16xi32>
    %swap3A_408 = arith.constant 240 : index
    %swap3A_409 = tpu.vector_load %arg6[%swap3A_408] {strides = array<i32>} : memref<512xi32, #tpu.memory_space<vmem>>, vector<16xi32>,
    tpu.vector_store %arg6[%swap3A_408], %shift_left3A_407 {strides = array<i32>} : memref<512xi32, #tpu.memory_space<vmem>>, vector<16xi32>,
    %dma_start3A_410 = arith.constant 240 : i32
    %dma_start3A_411 = arith.constant 0 : i32
    %dma_start3A_412 = tpu.memref_slice %arg7[%dma_start3A_410, %dma_start3A_411] : memref<512x8xf32, #tpu.memory_space<vmem>> -> memref<16x8xf32, #tpu.memory_space<vmem>>
    %dma_start3A_413 = arith.constant 0 : i32
    %dma_start3A_414 = arith.constant 0 : i32
    %dma_start3A_415 = tpu.memref_slice %arg3[%dma_start3A_413, %dma_start3A_414] : memref<500000x8xf32, #tpu.memory_space<hbm>> -> memref<500000x8xf32, #tpu.memory_space<hbm>>
    tpu.enqueue_indirect_dma source(%dma_start3A_415 : memref<500000x8xf32, #tpu.memory_space<hbm>>) target(%dma_start3A_412 : memref<16x8xf32, #tpu.memory_space<vmem>>) offsets(%shift_right_logical3A_401 : vector<16xi32>) semaphore(%arg9 : memref<!tpu.dma_semaphore, #tpu.memory_space<semaphore_mem>>)
    %add3A_416 = arith.constant 256 : i32
    %add3A_417 = vector.broadcast %add3A_416 : i32 to vector<16xi32>
    %add3A_418 = arith.addi %add3A_417, %iota3A : vector<16xi32>
    %gather3A_419 = tpu.vector_load_idx %arg5[%add3A_418, %broadcast_in_dim3A_3] : memref<512x2xi32, #tpu.memory_space<vmem>>[vector<16xi32>, vector<16xi32>], vector<16xi32>,
    %gather3A_420 = tpu.vector_load_idx %arg5[%add3A_418, %broadcast_in_dim3A_5] : memref<512x2xi32, #tpu.memory_space<vmem>>[vector<16xi32>, vector<16xi32>], vector<16xi32>,
    %mul3A_421 = arith.constant 1000 : i32
    %mul3A_422 = vector.broadcast %mul3A_421 : i32 to vector<16xi32>
    %mul3A_423 = arith.muli %gather3A_419, %mul3A_422 : vector<16xi32>
    %add3A_424 = arith.addi %mul3A_423, %gather3A_420 : vector<16xi32>
    %shift_right_logical3A_425 = arith.constant 1 : i32
    %shift_right_logical3A_426 = vector.broadcast %shift_right_logical3A_425 : i32 to vector<16xi32>
    %shift_right_logical3A_427 = arith.shrui %add3A_424, %shift_right_logical3A_426 : vector<16xi32>
    %and3A_428 = arith.constant 1 : i32
    %and3A_429 = vector.broadcast %and3A_428 : i32 to vector<16xi32>
    %and3A_430 = arith.andi %add3A_424, %and3A_429 : vector<16xi32>
    %shift_left3A_431 = arith.constant 2 : i32
    %shift_left3A_432 = vector.broadcast %shift_left3A_431 : i32 to vector<16xi32>
    %shift_left3A_433 = arith.shli %and3A_430, %shift_left3A_432 : vector<16xi32>
    %swap3A_434 = arith.constant 256 : index
    %swap3A_435 = tpu.vector_load %arg6[%swap3A_434] {strides = array<i32>} : memref<512xi32, #tpu.memory_space<vmem>>, vector<16xi32>,
    tpu.vector_store %arg6[%swap3A_434], %shift_left3A_433 {strides = array<i32>} : memref<512xi32, #tpu.memory_space<vmem>>, vector<16xi32>,
    %dma_start3A_436 = arith.constant 256 : i32
    %dma_start3A_437 = arith.constant 0 : i32
    %dma_start3A_438 = tpu.memref_slice %arg7[%dma_start3A_436, %dma_start3A_437] : memref<512x8xf32, #tpu.memory_space<vmem>> -> memref<16x8xf32, #tpu.memory_space<vmem>>
    %dma_start3A_439 = arith.constant 0 : i32
    %dma_start3A_440 = arith.constant 0 : i32
    %dma_start3A_441 = tpu.memref_slice %arg3[%dma_start3A_439, %dma_start3A_440] : memref<500000x8xf32, #tpu.memory_space<hbm>> -> memref<500000x8xf32, #tpu.memory_space<hbm>>
    tpu.enqueue_indirect_dma source(%dma_start3A_441 : memref<500000x8xf32, #tpu.memory_space<hbm>>) target(%dma_start3A_438 : memref<16x8xf32, #tpu.memory_space<vmem>>) offsets(%shift_right_logical3A_427 : vector<16xi32>) semaphore(%arg9 : memref<!tpu.dma_semaphore, #tpu.memory_space<semaphore_mem>>)
    %add3A_442 = arith.constant 272 : i32
    %add3A_443 = vector.broadcast %add3A_442 : i32 to vector<16xi32>
    %add3A_444 = arith.addi %add3A_443, %iota3A : vector<16xi32>
    %gather3A_445 = tpu.vector_load_idx %arg5[%add3A_444, %broadcast_in_dim3A_3] : memref<512x2xi32, #tpu.memory_space<vmem>>[vector<16xi32>, vector<16xi32>], vector<16xi32>,
    %gather3A_446 = tpu.vector_load_idx %arg5[%add3A_444, %broadcast_in_dim3A_5] : memref<512x2xi32, #tpu.memory_space<vmem>>[vector<16xi32>, vector<16xi32>], vector<16xi32>,
    %mul3A_447 = arith.constant 1000 : i32
    %mul3A_448 = vector.broadcast %mul3A_447 : i32 to vector<16xi32>
    %mul3A_449 = arith.muli %gather3A_445, %mul3A_448 : vector<16xi32>
    %add3A_450 = arith.addi %mul3A_449, %gather3A_446 : vector<16xi32>
    %shift_right_logical3A_451 = arith.constant 1 : i32
    %shift_right_logical3A_452 = vector.broadcast %shift_right_logical3A_451 : i32 to vector<16xi32>
    %shift_right_logical3A_453 = arith.shrui %add3A_450, %shift_right_logical3A_452 : vector<16xi32>
    %and3A_454 = arith.constant 1 : i32
    %and3A_455 = vector.broadcast %and3A_454 : i32 to vector<16xi32>
    %and3A_456 = arith.andi %add3A_450, %and3A_455 : vector<16xi32>
    %shift_left3A_457 = arith.constant 2 : i32
    %shift_left3A_458 = vector.broadcast %shift_left3A_457 : i32 to vector<16xi32>
    %shift_left3A_459 = arith.shli %and3A_456, %shift_left3A_458 : vector<16xi32>
    %swap3A_460 = arith.constant 272 : index
    %swap3A_461 = tpu.vector_load %arg6[%swap3A_460] {strides = array<i32>} : memref<512xi32, #tpu.memory_space<vmem>>, vector<16xi32>,
    tpu.vector_store %arg6[%swap3A_460], %shift_left3A_459 {strides = array<i32>} : memref<512xi32, #tpu.memory_space<vmem>>, vector<16xi32>,
    %dma_start3A_462 = arith.constant 272 : i32
    %dma_start3A_463 = arith.constant 0 : i32
    %dma_start3A_464 = tpu.memref_slice %arg7[%dma_start3A_462, %dma_start3A_463] : memref<512x8xf32, #tpu.memory_space<vmem>> -> memref<16x8xf32, #tpu.memory_space<vmem>>
    %dma_start3A_465 = arith.constant 0 : i32
    %dma_start3A_466 = arith.constant 0 : i32
    %dma_start3A_467 = tpu.memref_slice %arg3[%dma_start3A_465, %dma_start3A_466] : memref<500000x8xf32, #tpu.memory_space<hbm>> -> memref<500000x8xf32, #tpu.memory_space<hbm>>
    tpu.enqueue_indirect_dma source(%dma_start3A_467 : memref<500000x8xf32, #tpu.memory_space<hbm>>) target(%dma_start3A_464 : memref<16x8xf32, #tpu.memory_space<vmem>>) offsets(%shift_right_logical3A_453 : vector<16xi32>) semaphore(%arg9 : memref<!tpu.dma_semaphore, #tpu.memory_space<semaphore_mem>>)
    %add3A_468 = arith.constant 288 : i32
    %add3A_469 = vector.broadcast %add3A_468 : i32 to vector<16xi32>
    %add3A_470 = arith.addi %add3A_469, %iota3A : vector<16xi32>
    %gather3A_471 = tpu.vector_load_idx %arg5[%add3A_470, %broadcast_in_dim3A_3] : memref<512x2xi32, #tpu.memory_space<vmem>>[vector<16xi32>, vector<16xi32>], vector<16xi32>,
    %gather3A_472 = tpu.vector_load_idx %arg5[%add3A_470, %broadcast_in_dim3A_5] : memref<512x2xi32, #tpu.memory_space<vmem>>[vector<16xi32>, vector<16xi32>], vector<16xi32>,
    %mul3A_473 = arith.constant 1000 : i32
    %mul3A_474 = vector.broadcast %mul3A_473 : i32 to vector<16xi32>
    %mul3A_475 = arith.muli %gather3A_471, %mul3A_474 : vector<16xi32>
    %add3A_476 = arith.addi %mul3A_475, %gather3A_472 : vector<16xi32>
    %shift_right_logical3A_477 = arith.constant 1 : i32
    %shift_right_logical3A_478 = vector.broadcast %shift_right_logical3A_477 : i32 to vector<16xi32>
    %shift_right_logical3A_479 = arith.shrui %add3A_476, %shift_right_logical3A_478 : vector<16xi32>
    %and3A_480 = arith.constant 1 : i32
    %and3A_481 = vector.broadcast %and3A_480 : i32 to vector<16xi32>
    %and3A_482 = arith.andi %add3A_476, %and3A_481 : vector<16xi32>
    %shift_left3A_483 = arith.constant 2 : i32
    %shift_left3A_484 = vector.broadcast %shift_left3A_483 : i32 to vector<16xi32>
    %shift_left3A_485 = arith.shli %and3A_482, %shift_left3A_484 : vector<16xi32>
    %swap3A_486 = arith.constant 288 : index
    %swap3A_487 = tpu.vector_load %arg6[%swap3A_486] {strides = array<i32>} : memref<512xi32, #tpu.memory_space<vmem>>, vector<16xi32>,
    tpu.vector_store %arg6[%swap3A_486], %shift_left3A_485 {strides = array<i32>} : memref<512xi32, #tpu.memory_space<vmem>>, vector<16xi32>,
    %dma_start3A_488 = arith.constant 288 : i32
    %dma_start3A_489 = arith.constant 0 : i32
    %dma_start3A_490 = tpu.memref_slice %arg7[%dma_start3A_488, %dma_start3A_489] : memref<512x8xf32, #tpu.memory_space<vmem>> -> memref<16x8xf32, #tpu.memory_space<vmem>>
    %dma_start3A_491 = arith.constant 0 : i32
    %dma_start3A_492 = arith.constant 0 : i32
    %dma_start3A_493 = tpu.memref_slice %arg3[%dma_start3A_491, %dma_start3A_492] : memref<500000x8xf32, #tpu.memory_space<hbm>> -> memref<500000x8xf32, #tpu.memory_space<hbm>>
    tpu.enqueue_indirect_dma source(%dma_start3A_493 : memref<500000x8xf32, #tpu.memory_space<hbm>>) target(%dma_start3A_490 : memref<16x8xf32, #tpu.memory_space<vmem>>) offsets(%shift_right_logical3A_479 : vector<16xi32>) semaphore(%arg9 : memref<!tpu.dma_semaphore, #tpu.memory_space<semaphore_mem>>)
    %add3A_494 = arith.constant 304 : i32
    %add3A_495 = vector.broadcast %add3A_494 : i32 to vector<16xi32>
    %add3A_496 = arith.addi %add3A_495, %iota3A : vector<16xi32>
    %gather3A_497 = tpu.vector_load_idx %arg5[%add3A_496, %broadcast_in_dim3A_3] : memref<512x2xi32, #tpu.memory_space<vmem>>[vector<16xi32>, vector<16xi32>], vector<16xi32>,
    %gather3A_498 = tpu.vector_load_idx %arg5[%add3A_496, %broadcast_in_dim3A_5] : memref<512x2xi32, #tpu.memory_space<vmem>>[vector<16xi32>, vector<16xi32>], vector<16xi32>,
    %mul3A_499 = arith.constant 1000 : i32
    %mul3A_500 = vector.broadcast %mul3A_499 : i32 to vector<16xi32>
    %mul3A_501 = arith.muli %gather3A_497, %mul3A_500 : vector<16xi32>
    %add3A_502 = arith.addi %mul3A_501, %gather3A_498 : vector<16xi32>
    %shift_right_logical3A_503 = arith.constant 1 : i32
    %shift_right_logical3A_504 = vector.broadcast %shift_right_logical3A_503 : i32 to vector<16xi32>
    %shift_right_logical3A_505 = arith.shrui %add3A_502, %shift_right_logical3A_504 : vector<16xi32>
    %and3A_506 = arith.constant 1 : i32
    %and3A_507 = vector.broadcast %and3A_506 : i32 to vector<16xi32>
    %and3A_508 = arith.andi %add3A_502, %and3A_507 : vector<16xi32>
    %shift_left3A_509 = arith.constant 2 : i32
    %shift_left3A_510 = vector.broadcast %shift_left3A_509 : i32 to vector<16xi32>
    %shift_left3A_511 = arith.shli %and3A_508, %shift_left3A_510 : vector<16xi32>
    %swap3A_512 = arith.constant 304 : index
    %swap3A_513 = tpu.vector_load %arg6[%swap3A_512] {strides = array<i32>} : memref<512xi32, #tpu.memory_space<vmem>>, vector<16xi32>,
    tpu.vector_store %arg6[%swap3A_512], %shift_left3A_511 {strides = array<i32>} : memref<512xi32, #tpu.memory_space<vmem>>, vector<16xi32>,
    %dma_start3A_514 = arith.constant 304 : i32
    %dma_start3A_515 = arith.constant 0 : i32
    %dma_start3A_516 = tpu.memref_slice %arg7[%dma_start3A_514, %dma_start3A_515] : memref<512x8xf32, #tpu.memory_space<vmem>> -> memref<16x8xf32, #tpu.memory_space<vmem>>
    %dma_start3A_517 = arith.constant 0 : i32
    %dma_start3A_518 = arith.constant 0 : i32
    %dma_start3A_519 = tpu.memref_slice %arg3[%dma_start3A_517, %dma_start3A_518] : memref<500000x8xf32, #tpu.memory_space<hbm>> -> memref<500000x8xf32, #tpu.memory_space<hbm>>
    tpu.enqueue_indirect_dma source(%dma_start3A_519 : memref<500000x8xf32, #tpu.memory_space<hbm>>) target(%dma_start3A_516 : memref<16x8xf32, #tpu.memory_space<vmem>>) offsets(%shift_right_logical3A_505 : vector<16xi32>) semaphore(%arg9 : memref<!tpu.dma_semaphore, #tpu.memory_space<semaphore_mem>>)
    %add3A_520 = arith.constant 320 : i32
    %add3A_521 = vector.broadcast %add3A_520 : i32 to vector<16xi32>
    %add3A_522 = arith.addi %add3A_521, %iota3A : vector<16xi32>
    %gather3A_523 = tpu.vector_load_idx %arg5[%add3A_522, %broadcast_in_dim3A_3] : memref<512x2xi32, #tpu.memory_space<vmem>>[vector<16xi32>, vector<16xi32>], vector<16xi32>,
    %gather3A_524 = tpu.vector_load_idx %arg5[%add3A_522, %broadcast_in_dim3A_5] : memref<512x2xi32, #tpu.memory_space<vmem>>[vector<16xi32>, vector<16xi32>], vector<16xi32>,
    %mul3A_525 = arith.constant 1000 : i32
    %mul3A_526 = vector.broadcast %mul3A_525 : i32 to vector<16xi32>
    %mul3A_527 = arith.muli %gather3A_523, %mul3A_526 : vector<16xi32>
    %add3A_528 = arith.addi %mul3A_527, %gather3A_524 : vector<16xi32>
    %shift_right_logical3A_529 = arith.constant 1 : i32
    %shift_right_logical3A_530 = vector.broadcast %shift_right_logical3A_529 : i32 to vector<16xi32>
    %shift_right_logical3A_531 = arith.shrui %add3A_528, %shift_right_logical3A_530 : vector<16xi32>
    %and3A_532 = arith.constant 1 : i32
    %and3A_533 = vector.broadcast %and3A_532 : i32 to vector<16xi32>
    %and3A_534 = arith.andi %add3A_528, %and3A_533 : vector<16xi32>
    %shift_left3A_535 = arith.constant 2 : i32
    %shift_left3A_536 = vector.broadcast %shift_left3A_535 : i32 to vector<16xi32>
    %shift_left3A_537 = arith.shli %and3A_534, %shift_left3A_536 : vector<16xi32>
    %swap3A_538 = arith.constant 320 : index
    %swap3A_539 = tpu.vector_load %arg6[%swap3A_538] {strides = array<i32>} : memref<512xi32, #tpu.memory_space<vmem>>, vector<16xi32>,
    tpu.vector_store %arg6[%swap3A_538], %shift_left3A_537 {strides = array<i32>} : memref<512xi32, #tpu.memory_space<vmem>>, vector<16xi32>,
    %dma_start3A_540 = arith.constant 320 : i32
    %dma_start3A_541 = arith.constant 0 : i32
    %dma_start3A_542 = tpu.memref_slice %arg7[%dma_start3A_540, %dma_start3A_541] : memref<512x8xf32, #tpu.memory_space<vmem>> -> memref<16x8xf32, #tpu.memory_space<vmem>>
    %dma_start3A_543 = arith.constant 0 : i32
    %dma_start3A_544 = arith.constant 0 : i32
    %dma_start3A_545 = tpu.memref_slice %arg3[%dma_start3A_543, %dma_start3A_544] : memref<500000x8xf32, #tpu.memory_space<hbm>> -> memref<500000x8xf32, #tpu.memory_space<hbm>>
    tpu.enqueue_indirect_dma source(%dma_start3A_545 : memref<500000x8xf32, #tpu.memory_space<hbm>>) target(%dma_start3A_542 : memref<16x8xf32, #tpu.memory_space<vmem>>) offsets(%shift_right_logical3A_531 : vector<16xi32>) semaphore(%arg9 : memref<!tpu.dma_semaphore, #tpu.memory_space<semaphore_mem>>)
    %add3A_546 = arith.constant 336 : i32
    %add3A_547 = vector.broadcast %add3A_546 : i32 to vector<16xi32>
    %add3A_548 = arith.addi %add3A_547, %iota3A : vector<16xi32>
    %gather3A_549 = tpu.vector_load_idx %arg5[%add3A_548, %broadcast_in_dim3A_3] : memref<512x2xi32, #tpu.memory_space<vmem>>[vector<16xi32>, vector<16xi32>], vector<16xi32>,
    %gather3A_550 = tpu.vector_load_idx %arg5[%add3A_548, %broadcast_in_dim3A_5] : memref<512x2xi32, #tpu.memory_space<vmem>>[vector<16xi32>, vector<16xi32>], vector<16xi32>,
    %mul3A_551 = arith.constant 1000 : i32
    %mul3A_552 = vector.broadcast %mul3A_551 : i32 to vector<16xi32>
    %mul3A_553 = arith.muli %gather3A_549, %mul3A_552 : vector<16xi32>
    %add3A_554 = arith.addi %mul3A_553, %gather3A_550 : vector<16xi32>
    %shift_right_logical3A_555 = arith.constant 1 : i32
    %shift_right_logical3A_556 = vector.broadcast %shift_right_logical3A_555 : i32 to vector<16xi32>
    %shift_right_logical3A_557 = arith.shrui %add3A_554, %shift_right_logical3A_556 : vector<16xi32>
    %and3A_558 = arith.constant 1 : i32
    %and3A_559 = vector.broadcast %and3A_558 : i32 to vector<16xi32>
    %and3A_560 = arith.andi %add3A_554, %and3A_559 : vector<16xi32>
    %shift_left3A_561 = arith.constant 2 : i32
    %shift_left3A_562 = vector.broadcast %shift_left3A_561 : i32 to vector<16xi32>
    %shift_left3A_563 = arith.shli %and3A_560, %shift_left3A_562 : vector<16xi32>
    %swap3A_564 = arith.constant 336 : index
    %swap3A_565 = tpu.vector_load %arg6[%swap3A_564] {strides = array<i32>} : memref<512xi32, #tpu.memory_space<vmem>>, vector<16xi32>,
    tpu.vector_store %arg6[%swap3A_564], %shift_left3A_563 {strides = array<i32>} : memref<512xi32, #tpu.memory_space<vmem>>, vector<16xi32>,
    %dma_start3A_566 = arith.constant 336 : i32
    %dma_start3A_567 = arith.constant 0 : i32
    %dma_start3A_568 = tpu.memref_slice %arg7[%dma_start3A_566, %dma_start3A_567] : memref<512x8xf32, #tpu.memory_space<vmem>> -> memref<16x8xf32, #tpu.memory_space<vmem>>
    %dma_start3A_569 = arith.constant 0 : i32
    %dma_start3A_570 = arith.constant 0 : i32
    %dma_start3A_571 = tpu.memref_slice %arg3[%dma_start3A_569, %dma_start3A_570] : memref<500000x8xf32, #tpu.memory_space<hbm>> -> memref<500000x8xf32, #tpu.memory_space<hbm>>
    tpu.enqueue_indirect_dma source(%dma_start3A_571 : memref<500000x8xf32, #tpu.memory_space<hbm>>) target(%dma_start3A_568 : memref<16x8xf32, #tpu.memory_space<vmem>>) offsets(%shift_right_logical3A_557 : vector<16xi32>) semaphore(%arg9 : memref<!tpu.dma_semaphore, #tpu.memory_space<semaphore_mem>>)
    %add3A_572 = arith.constant 352 : i32
    %add3A_573 = vector.broadcast %add3A_572 : i32 to vector<16xi32>
    %add3A_574 = arith.addi %add3A_573, %iota3A : vector<16xi32>
    %gather3A_575 = tpu.vector_load_idx %arg5[%add3A_574, %broadcast_in_dim3A_3] : memref<512x2xi32, #tpu.memory_space<vmem>>[vector<16xi32>, vector<16xi32>], vector<16xi32>,
    %gather3A_576 = tpu.vector_load_idx %arg5[%add3A_574, %broadcast_in_dim3A_5] : memref<512x2xi32, #tpu.memory_space<vmem>>[vector<16xi32>, vector<16xi32>], vector<16xi32>,
    %mul3A_577 = arith.constant 1000 : i32
    %mul3A_578 = vector.broadcast %mul3A_577 : i32 to vector<16xi32>
    %mul3A_579 = arith.muli %gather3A_575, %mul3A_578 : vector<16xi32>
    %add3A_580 = arith.addi %mul3A_579, %gather3A_576 : vector<16xi32>
    %shift_right_logical3A_581 = arith.constant 1 : i32
    %shift_right_logical3A_582 = vector.broadcast %shift_right_logical3A_581 : i32 to vector<16xi32>
    %shift_right_logical3A_583 = arith.shrui %add3A_580, %shift_right_logical3A_582 : vector<16xi32>
    %and3A_584 = arith.constant 1 : i32
    %and3A_585 = vector.broadcast %and3A_584 : i32 to vector<16xi32>
    %and3A_586 = arith.andi %add3A_580, %and3A_585 : vector<16xi32>
    %shift_left3A_587 = arith.constant 2 : i32
    %shift_left3A_588 = vector.broadcast %shift_left3A_587 : i32 to vector<16xi32>
    %shift_left3A_589 = arith.shli %and3A_586, %shift_left3A_588 : vector<16xi32>
    %swap3A_590 = arith.constant 352 : index
    %swap3A_591 = tpu.vector_load %arg6[%swap3A_590] {strides = array<i32>} : memref<512xi32, #tpu.memory_space<vmem>>, vector<16xi32>,
    tpu.vector_store %arg6[%swap3A_590], %shift_left3A_589 {strides = array<i32>} : memref<512xi32, #tpu.memory_space<vmem>>, vector<16xi32>,
    %dma_start3A_592 = arith.constant 352 : i32
    %dma_start3A_593 = arith.constant 0 : i32
    %dma_start3A_594 = tpu.memref_slice %arg7[%dma_start3A_592, %dma_start3A_593] : memref<512x8xf32, #tpu.memory_space<vmem>> -> memref<16x8xf32, #tpu.memory_space<vmem>>
    %dma_start3A_595 = arith.constant 0 : i32
    %dma_start3A_596 = arith.constant 0 : i32
    %dma_start3A_597 = tpu.memref_slice %arg3[%dma_start3A_595, %dma_start3A_596] : memref<500000x8xf32, #tpu.memory_space<hbm>> -> memref<500000x8xf32, #tpu.memory_space<hbm>>
    tpu.enqueue_indirect_dma source(%dma_start3A_597 : memref<500000x8xf32, #tpu.memory_space<hbm>>) target(%dma_start3A_594 : memref<16x8xf32, #tpu.memory_space<vmem>>) offsets(%shift_right_logical3A_583 : vector<16xi32>) semaphore(%arg9 : memref<!tpu.dma_semaphore, #tpu.memory_space<semaphore_mem>>)
    %add3A_598 = arith.constant 368 : i32
    %add3A_599 = vector.broadcast %add3A_598 : i32 to vector<16xi32>
    %add3A_600 = arith.addi %add3A_599, %iota3A : vector<16xi32>
    %gather3A_601 = tpu.vector_load_idx %arg5[%add3A_600, %broadcast_in_dim3A_3] : memref<512x2xi32, #tpu.memory_space<vmem>>[vector<16xi32>, vector<16xi32>], vector<16xi32>,
    %gather3A_602 = tpu.vector_load_idx %arg5[%add3A_600, %broadcast_in_dim3A_5] : memref<512x2xi32, #tpu.memory_space<vmem>>[vector<16xi32>, vector<16xi32>], vector<16xi32>,
    %mul3A_603 = arith.constant 1000 : i32
    %mul3A_604 = vector.broadcast %mul3A_603 : i32 to vector<16xi32>
    %mul3A_605 = arith.muli %gather3A_601, %mul3A_604 : vector<16xi32>
    %add3A_606 = arith.addi %mul3A_605, %gather3A_602 : vector<16xi32>
    %shift_right_logical3A_607 = arith.constant 1 : i32
    %shift_right_logical3A_608 = vector.broadcast %shift_right_logical3A_607 : i32 to vector<16xi32>
    %shift_right_logical3A_609 = arith.shrui %add3A_606, %shift_right_logical3A_608 : vector<16xi32>
    %and3A_610 = arith.constant 1 : i32
    %and3A_611 = vector.broadcast %and3A_610 : i32 to vector<16xi32>
    %and3A_612 = arith.andi %add3A_606, %and3A_611 : vector<16xi32>
    %shift_left3A_613 = arith.constant 2 : i32
    %shift_left3A_614 = vector.broadcast %shift_left3A_613 : i32 to vector<16xi32>
    %shift_left3A_615 = arith.shli %and3A_612, %shift_left3A_614 : vector<16xi32>
    %swap3A_616 = arith.constant 368 : index
    %swap3A_617 = tpu.vector_load %arg6[%swap3A_616] {strides = array<i32>} : memref<512xi32, #tpu.memory_space<vmem>>, vector<16xi32>,
    tpu.vector_store %arg6[%swap3A_616], %shift_left3A_615 {strides = array<i32>} : memref<512xi32, #tpu.memory_space<vmem>>, vector<16xi32>,
    %dma_start3A_618 = arith.constant 368 : i32
    %dma_start3A_619 = arith.constant 0 : i32
    %dma_start3A_620 = tpu.memref_slice %arg7[%dma_start3A_618, %dma_start3A_619] : memref<512x8xf32, #tpu.memory_space<vmem>> -> memref<16x8xf32, #tpu.memory_space<vmem>>
    %dma_start3A_621 = arith.constant 0 : i32
    %dma_start3A_622 = arith.constant 0 : i32
    %dma_start3A_623 = tpu.memref_slice %arg3[%dma_start3A_621, %dma_start3A_622] : memref<500000x8xf32, #tpu.memory_space<hbm>> -> memref<500000x8xf32, #tpu.memory_space<hbm>>
    tpu.enqueue_indirect_dma source(%dma_start3A_623 : memref<500000x8xf32, #tpu.memory_space<hbm>>) target(%dma_start3A_620 : memref<16x8xf32, #tpu.memory_space<vmem>>) offsets(%shift_right_logical3A_609 : vector<16xi32>) semaphore(%arg9 : memref<!tpu.dma_semaphore, #tpu.memory_space<semaphore_mem>>)
    %add3A_624 = arith.constant 384 : i32
    %add3A_625 = vector.broadcast %add3A_624 : i32 to vector<16xi32>
    %add3A_626 = arith.addi %add3A_625, %iota3A : vector<16xi32>
    %gather3A_627 = tpu.vector_load_idx %arg5[%add3A_626, %broadcast_in_dim3A_3] : memref<512x2xi32, #tpu.memory_space<vmem>>[vector<16xi32>, vector<16xi32>], vector<16xi32>,
    %gather3A_628 = tpu.vector_load_idx %arg5[%add3A_626, %broadcast_in_dim3A_5] : memref<512x2xi32, #tpu.memory_space<vmem>>[vector<16xi32>, vector<16xi32>], vector<16xi32>,
    %mul3A_629 = arith.constant 1000 : i32
    %mul3A_630 = vector.broadcast %mul3A_629 : i32 to vector<16xi32>
    %mul3A_631 = arith.muli %gather3A_627, %mul3A_630 : vector<16xi32>
    %add3A_632 = arith.addi %mul3A_631, %gather3A_628 : vector<16xi32>
    %shift_right_logical3A_633 = arith.constant 1 : i32
    %shift_right_logical3A_634 = vector.broadcast %shift_right_logical3A_633 : i32 to vector<16xi32>
    %shift_right_logical3A_635 = arith.shrui %add3A_632, %shift_right_logical3A_634 : vector<16xi32>
    %and3A_636 = arith.constant 1 : i32
    %and3A_637 = vector.broadcast %and3A_636 : i32 to vector<16xi32>
    %and3A_638 = arith.andi %add3A_632, %and3A_637 : vector<16xi32>
    %shift_left3A_639 = arith.constant 2 : i32
    %shift_left3A_640 = vector.broadcast %shift_left3A_639 : i32 to vector<16xi32>
    %shift_left3A_641 = arith.shli %and3A_638, %shift_left3A_640 : vector<16xi32>
    %swap3A_642 = arith.constant 384 : index
    %swap3A_643 = tpu.vector_load %arg6[%swap3A_642] {strides = array<i32>} : memref<512xi32, #tpu.memory_space<vmem>>, vector<16xi32>,
    tpu.vector_store %arg6[%swap3A_642], %shift_left3A_641 {strides = array<i32>} : memref<512xi32, #tpu.memory_space<vmem>>, vector<16xi32>,
    %dma_start3A_644 = arith.constant 384 : i32
    %dma_start3A_645 = arith.constant 0 : i32
    %dma_start3A_646 = tpu.memref_slice %arg7[%dma_start3A_644, %dma_start3A_645] : memref<512x8xf32, #tpu.memory_space<vmem>> -> memref<16x8xf32, #tpu.memory_space<vmem>>
    %dma_start3A_647 = arith.constant 0 : i32
    %dma_start3A_648 = arith.constant 0 : i32
    %dma_start3A_649 = tpu.memref_slice %arg3[%dma_start3A_647, %dma_start3A_648] : memref<500000x8xf32, #tpu.memory_space<hbm>> -> memref<500000x8xf32, #tpu.memory_space<hbm>>
    tpu.enqueue_indirect_dma source(%dma_start3A_649 : memref<500000x8xf32, #tpu.memory_space<hbm>>) target(%dma_start3A_646 : memref<16x8xf32, #tpu.memory_space<vmem>>) offsets(%shift_right_logical3A_635 : vector<16xi32>) semaphore(%arg9 : memref<!tpu.dma_semaphore, #tpu.memory_space<semaphore_mem>>)
    %add3A_650 = arith.constant 400 : i32
    %add3A_651 = vector.broadcast %add3A_650 : i32 to vector<16xi32>
    %add3A_652 = arith.addi %add3A_651, %iota3A : vector<16xi32>
    %gather3A_653 = tpu.vector_load_idx %arg5[%add3A_652, %broadcast_in_dim3A_3] : memref<512x2xi32, #tpu.memory_space<vmem>>[vector<16xi32>, vector<16xi32>], vector<16xi32>,
    %gather3A_654 = tpu.vector_load_idx %arg5[%add3A_652, %broadcast_in_dim3A_5] : memref<512x2xi32, #tpu.memory_space<vmem>>[vector<16xi32>, vector<16xi32>], vector<16xi32>,
    %mul3A_655 = arith.constant 1000 : i32
    %mul3A_656 = vector.broadcast %mul3A_655 : i32 to vector<16xi32>
    %mul3A_657 = arith.muli %gather3A_653, %mul3A_656 : vector<16xi32>
    %add3A_658 = arith.addi %mul3A_657, %gather3A_654 : vector<16xi32>
    %shift_right_logical3A_659 = arith.constant 1 : i32
    %shift_right_logical3A_660 = vector.broadcast %shift_right_logical3A_659 : i32 to vector<16xi32>
    %shift_right_logical3A_661 = arith.shrui %add3A_658, %shift_right_logical3A_660 : vector<16xi32>
    %and3A_662 = arith.constant 1 : i32
    %and3A_663 = vector.broadcast %and3A_662 : i32 to vector<16xi32>
    %and3A_664 = arith.andi %add3A_658, %and3A_663 : vector<16xi32>
    %shift_left3A_665 = arith.constant 2 : i32
    %shift_left3A_666 = vector.broadcast %shift_left3A_665 : i32 to vector<16xi32>
    %shift_left3A_667 = arith.shli %and3A_664, %shift_left3A_666 : vector<16xi32>
    %swap3A_668 = arith.constant 400 : index
    %swap3A_669 = tpu.vector_load %arg6[%swap3A_668] {strides = array<i32>} : memref<512xi32, #tpu.memory_space<vmem>>, vector<16xi32>,
    tpu.vector_store %arg6[%swap3A_668], %shift_left3A_667 {strides = array<i32>} : memref<512xi32, #tpu.memory_space<vmem>>, vector<16xi32>,
    %dma_start3A_670 = arith.constant 400 : i32
    %dma_start3A_671 = arith.constant 0 : i32
    %dma_start3A_672 = tpu.memref_slice %arg7[%dma_start3A_670, %dma_start3A_671] : memref<512x8xf32, #tpu.memory_space<vmem>> -> memref<16x8xf32, #tpu.memory_space<vmem>>
    %dma_start3A_673 = arith.constant 0 : i32
    %dma_start3A_674 = arith.constant 0 : i32
    %dma_start3A_675 = tpu.memref_slice %arg3[%dma_start3A_673, %dma_start3A_674] : memref<500000x8xf32, #tpu.memory_space<hbm>> -> memref<500000x8xf32, #tpu.memory_space<hbm>>
    tpu.enqueue_indirect_dma source(%dma_start3A_675 : memref<500000x8xf32, #tpu.memory_space<hbm>>) target(%dma_start3A_672 : memref<16x8xf32, #tpu.memory_space<vmem>>) offsets(%shift_right_logical3A_661 : vector<16xi32>) semaphore(%arg9 : memref<!tpu.dma_semaphore, #tpu.memory_space<semaphore_mem>>)
    %add3A_676 = arith.constant 416 : i32
    %add3A_677 = vector.broadcast %add3A_676 : i32 to vector<16xi32>
    %add3A_678 = arith.addi %add3A_677, %iota3A : vector<16xi32>
    %gather3A_679 = tpu.vector_load_idx %arg5[%add3A_678, %broadcast_in_dim3A_3] : memref<512x2xi32, #tpu.memory_space<vmem>>[vector<16xi32>, vector<16xi32>], vector<16xi32>,
    %gather3A_680 = tpu.vector_load_idx %arg5[%add3A_678, %broadcast_in_dim3A_5] : memref<512x2xi32, #tpu.memory_space<vmem>>[vector<16xi32>, vector<16xi32>], vector<16xi32>,
    %mul3A_681 = arith.constant 1000 : i32
    %mul3A_682 = vector.broadcast %mul3A_681 : i32 to vector<16xi32>
    %mul3A_683 = arith.muli %gather3A_679, %mul3A_682 : vector<16xi32>
    %add3A_684 = arith.addi %mul3A_683, %gather3A_680 : vector<16xi32>
    %shift_right_logical3A_685 = arith.constant 1 : i32
    %shift_right_logical3A_686 = vector.broadcast %shift_right_logical3A_685 : i32 to vector<16xi32>
    %shift_right_logical3A_687 = arith.shrui %add3A_684, %shift_right_logical3A_686 : vector<16xi32>
    %and3A_688 = arith.constant 1 : i32
    %and3A_689 = vector.broadcast %and3A_688 : i32 to vector<16xi32>
    %and3A_690 = arith.andi %add3A_684, %and3A_689 : vector<16xi32>
    %shift_left3A_691 = arith.constant 2 : i32
    %shift_left3A_692 = vector.broadcast %shift_left3A_691 : i32 to vector<16xi32>
    %shift_left3A_693 = arith.shli %and3A_690, %shift_left3A_692 : vector<16xi32>
    %swap3A_694 = arith.constant 416 : index
    %swap3A_695 = tpu.vector_load %arg6[%swap3A_694] {strides = array<i32>} : memref<512xi32, #tpu.memory_space<vmem>>, vector<16xi32>,
    tpu.vector_store %arg6[%swap3A_694], %shift_left3A_693 {strides = array<i32>} : memref<512xi32, #tpu.memory_space<vmem>>, vector<16xi32>,
    %dma_start3A_696 = arith.constant 416 : i32
    %dma_start3A_697 = arith.constant 0 : i32
    %dma_start3A_698 = tpu.memref_slice %arg7[%dma_start3A_696, %dma_start3A_697] : memref<512x8xf32, #tpu.memory_space<vmem>> -> memref<16x8xf32, #tpu.memory_space<vmem>>
    %dma_start3A_699 = arith.constant 0 : i32
    %dma_start3A_700 = arith.constant 0 : i32
    %dma_start3A_701 = tpu.memref_slice %arg3[%dma_start3A_699, %dma_start3A_700] : memref<500000x8xf32, #tpu.memory_space<hbm>> -> memref<500000x8xf32, #tpu.memory_space<hbm>>
    tpu.enqueue_indirect_dma source(%dma_start3A_701 : memref<500000x8xf32, #tpu.memory_space<hbm>>) target(%dma_start3A_698 : memref<16x8xf32, #tpu.memory_space<vmem>>) offsets(%shift_right_logical3A_687 : vector<16xi32>) semaphore(%arg9 : memref<!tpu.dma_semaphore, #tpu.memory_space<semaphore_mem>>)
    %add3A_702 = arith.constant 432 : i32
    %add3A_703 = vector.broadcast %add3A_702 : i32 to vector<16xi32>
    %add3A_704 = arith.addi %add3A_703, %iota3A : vector<16xi32>
    %gather3A_705 = tpu.vector_load_idx %arg5[%add3A_704, %broadcast_in_dim3A_3] : memref<512x2xi32, #tpu.memory_space<vmem>>[vector<16xi32>, vector<16xi32>], vector<16xi32>,
    %gather3A_706 = tpu.vector_load_idx %arg5[%add3A_704, %broadcast_in_dim3A_5] : memref<512x2xi32, #tpu.memory_space<vmem>>[vector<16xi32>, vector<16xi32>], vector<16xi32>,
    %mul3A_707 = arith.constant 1000 : i32
    %mul3A_708 = vector.broadcast %mul3A_707 : i32 to vector<16xi32>
    %mul3A_709 = arith.muli %gather3A_705, %mul3A_708 : vector<16xi32>
    %add3A_710 = arith.addi %mul3A_709, %gather3A_706 : vector<16xi32>
    %shift_right_logical3A_711 = arith.constant 1 : i32
    %shift_right_logical3A_712 = vector.broadcast %shift_right_logical3A_711 : i32 to vector<16xi32>
    %shift_right_logical3A_713 = arith.shrui %add3A_710, %shift_right_logical3A_712 : vector<16xi32>
    %and3A_714 = arith.constant 1 : i32
    %and3A_715 = vector.broadcast %and3A_714 : i32 to vector<16xi32>
    %and3A_716 = arith.andi %add3A_710, %and3A_715 : vector<16xi32>
    %shift_left3A_717 = arith.constant 2 : i32
    %shift_left3A_718 = vector.broadcast %shift_left3A_717 : i32 to vector<16xi32>
    %shift_left3A_719 = arith.shli %and3A_716, %shift_left3A_718 : vector<16xi32>
    %swap3A_720 = arith.constant 432 : index
    %swap3A_721 = tpu.vector_load %arg6[%swap3A_720] {strides = array<i32>} : memref<512xi32, #tpu.memory_space<vmem>>, vector<16xi32>,
    tpu.vector_store %arg6[%swap3A_720], %shift_left3A_719 {strides = array<i32>} : memref<512xi32, #tpu.memory_space<vmem>>, vector<16xi32>,
    %dma_start3A_722 = arith.constant 432 : i32
    %dma_start3A_723 = arith.constant 0 : i32
    %dma_start3A_724 = tpu.memref_slice %arg7[%dma_start3A_722, %dma_start3A_723] : memref<512x8xf32, #tpu.memory_space<vmem>> -> memref<16x8xf32, #tpu.memory_space<vmem>>
    %dma_start3A_725 = arith.constant 0 : i32
    %dma_start3A_726 = arith.constant 0 : i32
    %dma_start3A_727 = tpu.memref_slice %arg3[%dma_start3A_725, %dma_start3A_726] : memref<500000x8xf32, #tpu.memory_space<hbm>> -> memref<500000x8xf32, #tpu.memory_space<hbm>>
    tpu.enqueue_indirect_dma source(%dma_start3A_727 : memref<500000x8xf32, #tpu.memory_space<hbm>>) target(%dma_start3A_724 : memref<16x8xf32, #tpu.memory_space<vmem>>) offsets(%shift_right_logical3A_713 : vector<16xi32>) semaphore(%arg9 : memref<!tpu.dma_semaphore, #tpu.memory_space<semaphore_mem>>)
    %add3A_728 = arith.constant 448 : i32
    %add3A_729 = vector.broadcast %add3A_728 : i32 to vector<16xi32>
    %add3A_730 = arith.addi %add3A_729, %iota3A : vector<16xi32>
    %gather3A_731 = tpu.vector_load_idx %arg5[%add3A_730, %broadcast_in_dim3A_3] : memref<512x2xi32, #tpu.memory_space<vmem>>[vector<16xi32>, vector<16xi32>], vector<16xi32>,
    %gather3A_732 = tpu.vector_load_idx %arg5[%add3A_730, %broadcast_in_dim3A_5] : memref<512x2xi32, #tpu.memory_space<vmem>>[vector<16xi32>, vector<16xi32>], vector<16xi32>,
    %mul3A_733 = arith.constant 1000 : i32
    %mul3A_734 = vector.broadcast %mul3A_733 : i32 to vector<16xi32>
    %mul3A_735 = arith.muli %gather3A_731, %mul3A_734 : vector<16xi32>
    %add3A_736 = arith.addi %mul3A_735, %gather3A_732 : vector<16xi32>
    %shift_right_logical3A_737 = arith.constant 1 : i32
    %shift_right_logical3A_738 = vector.broadcast %shift_right_logical3A_737 : i32 to vector<16xi32>
    %shift_right_logical3A_739 = arith.shrui %add3A_736, %shift_right_logical3A_738 : vector<16xi32>
    %and3A_740 = arith.constant 1 : i32
    %and3A_741 = vector.broadcast %and3A_740 : i32 to vector<16xi32>
    %and3A_742 = arith.andi %add3A_736, %and3A_741 : vector<16xi32>
    %shift_left3A_743 = arith.constant 2 : i32
    %shift_left3A_744 = vector.broadcast %shift_left3A_743 : i32 to vector<16xi32>
    %shift_left3A_745 = arith.shli %and3A_742, %shift_left3A_744 : vector<16xi32>
    %swap3A_746 = arith.constant 448 : index
    %swap3A_747 = tpu.vector_load %arg6[%swap3A_746] {strides = array<i32>} : memref<512xi32, #tpu.memory_space<vmem>>, vector<16xi32>,
    tpu.vector_store %arg6[%swap3A_746], %shift_left3A_745 {strides = array<i32>} : memref<512xi32, #tpu.memory_space<vmem>>, vector<16xi32>,
    %dma_start3A_748 = arith.constant 448 : i32
    %dma_start3A_749 = arith.constant 0 : i32
    %dma_start3A_750 = tpu.memref_slice %arg7[%dma_start3A_748, %dma_start3A_749] : memref<512x8xf32, #tpu.memory_space<vmem>> -> memref<16x8xf32, #tpu.memory_space<vmem>>
    %dma_start3A_751 = arith.constant 0 : i32
    %dma_start3A_752 = arith.constant 0 : i32
    %dma_start3A_753 = tpu.memref_slice %arg3[%dma_start3A_751, %dma_start3A_752] : memref<500000x8xf32, #tpu.memory_space<hbm>> -> memref<500000x8xf32, #tpu.memory_space<hbm>>
    tpu.enqueue_indirect_dma source(%dma_start3A_753 : memref<500000x8xf32, #tpu.memory_space<hbm>>) target(%dma_start3A_750 : memref<16x8xf32, #tpu.memory_space<vmem>>) offsets(%shift_right_logical3A_739 : vector<16xi32>) semaphore(%arg9 : memref<!tpu.dma_semaphore, #tpu.memory_space<semaphore_mem>>)
    %add3A_754 = arith.constant 464 : i32
    %add3A_755 = vector.broadcast %add3A_754 : i32 to vector<16xi32>
    %add3A_756 = arith.addi %add3A_755, %iota3A : vector<16xi32>
    %gather3A_757 = tpu.vector_load_idx %arg5[%add3A_756, %broadcast_in_dim3A_3] : memref<512x2xi32, #tpu.memory_space<vmem>>[vector<16xi32>, vector<16xi32>], vector<16xi32>,
    %gather3A_758 = tpu.vector_load_idx %arg5[%add3A_756, %broadcast_in_dim3A_5] : memref<512x2xi32, #tpu.memory_space<vmem>>[vector<16xi32>, vector<16xi32>], vector<16xi32>,
    %mul3A_759 = arith.constant 1000 : i32
    %mul3A_760 = vector.broadcast %mul3A_759 : i32 to vector<16xi32>
    %mul3A_761 = arith.muli %gather3A_757, %mul3A_760 : vector<16xi32>
    %add3A_762 = arith.addi %mul3A_761, %gather3A_758 : vector<16xi32>
    %shift_right_logical3A_763 = arith.constant 1 : i32
    %shift_right_logical3A_764 = vector.broadcast %shift_right_logical3A_763 : i32 to vector<16xi32>
    %shift_right_logical3A_765 = arith.shrui %add3A_762, %shift_right_logical3A_764 : vector<16xi32>
    %and3A_766 = arith.constant 1 : i32
    %and3A_767 = vector.broadcast %and3A_766 : i32 to vector<16xi32>
    %and3A_768 = arith.andi %add3A_762, %and3A_767 : vector<16xi32>
    %shift_left3A_769 = arith.constant 2 : i32
    %shift_left3A_770 = vector.broadcast %shift_left3A_769 : i32 to vector<16xi32>
    %shift_left3A_771 = arith.shli %and3A_768, %shift_left3A_770 : vector<16xi32>
    %swap3A_772 = arith.constant 464 : index
    %swap3A_773 = tpu.vector_load %arg6[%swap3A_772] {strides = array<i32>} : memref<512xi32, #tpu.memory_space<vmem>>, vector<16xi32>,
    tpu.vector_store %arg6[%swap3A_772], %shift_left3A_771 {strides = array<i32>} : memref<512xi32, #tpu.memory_space<vmem>>, vector<16xi32>,
    %dma_start3A_774 = arith.constant 464 : i32
    %dma_start3A_775 = arith.constant 0 : i32
    %dma_start3A_776 = tpu.memref_slice %arg7[%dma_start3A_774, %dma_start3A_775] : memref<512x8xf32, #tpu.memory_space<vmem>> -> memref<16x8xf32, #tpu.memory_space<vmem>>
    %dma_start3A_777 = arith.constant 0 : i32
    %dma_start3A_778 = arith.constant 0 : i32
    %dma_start3A_779 = tpu.memref_slice %arg3[%dma_start3A_777, %dma_start3A_778] : memref<500000x8xf32, #tpu.memory_space<hbm>> -> memref<500000x8xf32, #tpu.memory_space<hbm>>
    tpu.enqueue_indirect_dma source(%dma_start3A_779 : memref<500000x8xf32, #tpu.memory_space<hbm>>) target(%dma_start3A_776 : memref<16x8xf32, #tpu.memory_space<vmem>>) offsets(%shift_right_logical3A_765 : vector<16xi32>) semaphore(%arg9 : memref<!tpu.dma_semaphore, #tpu.memory_space<semaphore_mem>>)
    %add3A_780 = arith.constant 480 : i32
    %add3A_781 = vector.broadcast %add3A_780 : i32 to vector<16xi32>
    %add3A_782 = arith.addi %add3A_781, %iota3A : vector<16xi32>
    %gather3A_783 = tpu.vector_load_idx %arg5[%add3A_782, %broadcast_in_dim3A_3] : memref<512x2xi32, #tpu.memory_space<vmem>>[vector<16xi32>, vector<16xi32>], vector<16xi32>,
    %gather3A_784 = tpu.vector_load_idx %arg5[%add3A_782, %broadcast_in_dim3A_5] : memref<512x2xi32, #tpu.memory_space<vmem>>[vector<16xi32>, vector<16xi32>], vector<16xi32>,
    %mul3A_785 = arith.constant 1000 : i32
    %mul3A_786 = vector.broadcast %mul3A_785 : i32 to vector<16xi32>
    %mul3A_787 = arith.muli %gather3A_783, %mul3A_786 : vector<16xi32>
    %add3A_788 = arith.addi %mul3A_787, %gather3A_784 : vector<16xi32>
    %shift_right_logical3A_789 = arith.constant 1 : i32
    %shift_right_logical3A_790 = vector.broadcast %shift_right_logical3A_789 : i32 to vector<16xi32>
    %shift_right_logical3A_791 = arith.shrui %add3A_788, %shift_right_logical3A_790 : vector<16xi32>
    %and3A_792 = arith.constant 1 : i32
    %and3A_793 = vector.broadcast %and3A_792 : i32 to vector<16xi32>
    %and3A_794 = arith.andi %add3A_788, %and3A_793 : vector<16xi32>
    %shift_left3A_795 = arith.constant 2 : i32
    %shift_left3A_796 = vector.broadcast %shift_left3A_795 : i32 to vector<16xi32>
    %shift_left3A_797 = arith.shli %and3A_794, %shift_left3A_796 : vector<16xi32>
    %swap3A_798 = arith.constant 480 : index
    %swap3A_799 = tpu.vector_load %arg6[%swap3A_798] {strides = array<i32>} : memref<512xi32, #tpu.memory_space<vmem>>, vector<16xi32>,
    tpu.vector_store %arg6[%swap3A_798], %shift_left3A_797 {strides = array<i32>} : memref<512xi32, #tpu.memory_space<vmem>>, vector<16xi32>,
    %dma_start3A_800 = arith.constant 480 : i32
    %dma_start3A_801 = arith.constant 0 : i32
    %dma_start3A_802 = tpu.memref_slice %arg7[%dma_start3A_800, %dma_start3A_801] : memref<512x8xf32, #tpu.memory_space<vmem>> -> memref<16x8xf32, #tpu.memory_space<vmem>>
    %dma_start3A_803 = arith.constant 0 : i32
    %dma_start3A_804 = arith.constant 0 : i32
    %dma_start3A_805 = tpu.memref_slice %arg3[%dma_start3A_803, %dma_start3A_804] : memref<500000x8xf32, #tpu.memory_space<hbm>> -> memref<500000x8xf32, #tpu.memory_space<hbm>>
    tpu.enqueue_indirect_dma source(%dma_start3A_805 : memref<500000x8xf32, #tpu.memory_space<hbm>>) target(%dma_start3A_802 : memref<16x8xf32, #tpu.memory_space<vmem>>) offsets(%shift_right_logical3A_791 : vector<16xi32>) semaphore(%arg9 : memref<!tpu.dma_semaphore, #tpu.memory_space<semaphore_mem>>)
    %add3A_806 = arith.constant 496 : i32
    %add3A_807 = vector.broadcast %add3A_806 : i32 to vector<16xi32>
    %add3A_808 = arith.addi %add3A_807, %iota3A : vector<16xi32>
    %gather3A_809 = tpu.vector_load_idx %arg5[%add3A_808, %broadcast_in_dim3A_3] : memref<512x2xi32, #tpu.memory_space<vmem>>[vector<16xi32>, vector<16xi32>], vector<16xi32>,
    %gather3A_810 = tpu.vector_load_idx %arg5[%add3A_808, %broadcast_in_dim3A_5] : memref<512x2xi32, #tpu.memory_space<vmem>>[vector<16xi32>, vector<16xi32>], vector<16xi32>,
    %mul3A_811 = arith.constant 1000 : i32
    %mul3A_812 = vector.broadcast %mul3A_811 : i32 to vector<16xi32>
    %mul3A_813 = arith.muli %gather3A_809, %mul3A_812 : vector<16xi32>
    %add3A_814 = arith.addi %mul3A_813, %gather3A_810 : vector<16xi32>
    %shift_right_logical3A_815 = arith.constant 1 : i32
    %shift_right_logical3A_816 = vector.broadcast %shift_right_logical3A_815 : i32 to vector<16xi32>
    %shift_right_logical3A_817 = arith.shrui %add3A_814, %shift_right_logical3A_816 : vector<16xi32>
    %and3A_818 = arith.constant 1 : i32
    %and3A_819 = vector.broadcast %and3A_818 : i32 to vector<16xi32>
    %and3A_820 = arith.andi %add3A_814, %and3A_819 : vector<16xi32>
    %shift_left3A_821 = arith.constant 2 : i32
    %shift_left3A_822 = vector.broadcast %shift_left3A_821 : i32 to vector<16xi32>
    %shift_left3A_823 = arith.shli %and3A_820, %shift_left3A_822 : vector<16xi32>
    %swap3A_824 = arith.constant 496 : index
    %swap3A_825 = tpu.vector_load %arg6[%swap3A_824] {strides = array<i32>} : memref<512xi32, #tpu.memory_space<vmem>>, vector<16xi32>,
    tpu.vector_store %arg6[%swap3A_824], %shift_left3A_823 {strides = array<i32>} : memref<512xi32, #tpu.memory_space<vmem>>, vector<16xi32>,
    %dma_start3A_826 = arith.constant 496 : i32
    %dma_start3A_827 = arith.constant 0 : i32
    %dma_start3A_828 = tpu.memref_slice %arg7[%dma_start3A_826, %dma_start3A_827] : memref<512x8xf32, #tpu.memory_space<vmem>> -> memref<16x8xf32, #tpu.memory_space<vmem>>
    %dma_start3A_829 = arith.constant 0 : i32
    %dma_start3A_830 = arith.constant 0 : i32
    %dma_start3A_831 = tpu.memref_slice %arg3[%dma_start3A_829, %dma_start3A_830] : memref<500000x8xf32, #tpu.memory_space<hbm>> -> memref<500000x8xf32, #tpu.memory_space<hbm>>
    tpu.enqueue_indirect_dma source(%dma_start3A_831 : memref<500000x8xf32, #tpu.memory_space<hbm>>) target(%dma_start3A_828 : memref<16x8xf32, #tpu.memory_space<vmem>>) offsets(%shift_right_logical3A_817 : vector<16xi32>) semaphore(%arg9 : memref<!tpu.dma_semaphore, #tpu.memory_space<semaphore_mem>>)
    %dma_wait3A = arith.constant 0 : i32
    %dma_wait3A_832 = arith.constant 0 : i32
    %dma_wait3A_833 = tpu.memref_slice %arg7[%dma_wait3A, %dma_wait3A_832] : memref<512x8xf32, #tpu.memory_space<vmem>> -> memref<16x8xf32, #tpu.memory_space<vmem>>
    %dma_wait3A_834 = arith.constant 0 : i32
    %dma_wait3A_835 = arith.constant 0 : i32
    %dma_wait3A_836 = tpu.memref_slice %arg3[%dma_wait3A_834, %dma_wait3A_835] : memref<500000x8xf32, #tpu.memory_space<hbm>> -> memref<500000x8xf32, #tpu.memory_space<hbm>>
    tpu.wait_indirect_dma semaphore(%arg9 : memref<!tpu.dma_semaphore, #tpu.memory_space<semaphore_mem>>) src(%dma_wait3A_836 : memref<500000x8xf32, #tpu.memory_space<hbm>>) dst(%dma_wait3A_833 : memref<16x8xf32, #tpu.memory_space<vmem>>)
    %dma_wait3A_837 = arith.constant 16 : i32
    %dma_wait3A_838 = arith.constant 0 : i32
    %dma_wait3A_839 = tpu.memref_slice %arg7[%dma_wait3A_837, %dma_wait3A_838] : memref<512x8xf32, #tpu.memory_space<vmem>> -> memref<16x8xf32, #tpu.memory_space<vmem>>
    %dma_wait3A_840 = arith.constant 0 : i32
    %dma_wait3A_841 = arith.constant 0 : i32
    %dma_wait3A_842 = tpu.memref_slice %arg3[%dma_wait3A_840, %dma_wait3A_841] : memref<500000x8xf32, #tpu.memory_space<hbm>> -> memref<500000x8xf32, #tpu.memory_space<hbm>>
    tpu.wait_indirect_dma semaphore(%arg9 : memref<!tpu.dma_semaphore, #tpu.memory_space<semaphore_mem>>) src(%dma_wait3A_842 : memref<500000x8xf32, #tpu.memory_space<hbm>>) dst(%dma_wait3A_839 : memref<16x8xf32, #tpu.memory_space<vmem>>)
    %dma_wait3A_843 = arith.constant 32 : i32
    %dma_wait3A_844 = arith.constant 0 : i32
    %dma_wait3A_845 = tpu.memref_slice %arg7[%dma_wait3A_843, %dma_wait3A_844] : memref<512x8xf32, #tpu.memory_space<vmem>> -> memref<16x8xf32, #tpu.memory_space<vmem>>
    %dma_wait3A_846 = arith.constant 0 : i32
    %dma_wait3A_847 = arith.constant 0 : i32
    %dma_wait3A_848 = tpu.memref_slice %arg3[%dma_wait3A_846, %dma_wait3A_847] : memref<500000x8xf32, #tpu.memory_space<hbm>> -> memref<500000x8xf32, #tpu.memory_space<hbm>>
    tpu.wait_indirect_dma semaphore(%arg9 : memref<!tpu.dma_semaphore, #tpu.memory_space<semaphore_mem>>) src(%dma_wait3A_848 : memref<500000x8xf32, #tpu.memory_space<hbm>>) dst(%dma_wait3A_845 : memref<16x8xf32, #tpu.memory_space<vmem>>)
    %dma_wait3A_849 = arith.constant 48 : i32
    %dma_wait3A_850 = arith.constant 0 : i32
    %dma_wait3A_851 = tpu.memref_slice %arg7[%dma_wait3A_849, %dma_wait3A_850] : memref<512x8xf32, #tpu.memory_space<vmem>> -> memref<16x8xf32, #tpu.memory_space<vmem>>
    %dma_wait3A_852 = arith.constant 0 : i32
    %dma_wait3A_853 = arith.constant 0 : i32
    %dma_wait3A_854 = tpu.memref_slice %arg3[%dma_wait3A_852, %dma_wait3A_853] : memref<500000x8xf32, #tpu.memory_space<hbm>> -> memref<500000x8xf32, #tpu.memory_space<hbm>>
    tpu.wait_indirect_dma semaphore(%arg9 : memref<!tpu.dma_semaphore, #tpu.memory_space<semaphore_mem>>) src(%dma_wait3A_854 : memref<500000x8xf32, #tpu.memory_space<hbm>>) dst(%dma_wait3A_851 : memref<16x8xf32, #tpu.memory_space<vmem>>)
    %dma_wait3A_855 = arith.constant 64 : i32
    %dma_wait3A_856 = arith.constant 0 : i32
    %dma_wait3A_857 = tpu.memref_slice %arg7[%dma_wait3A_855, %dma_wait3A_856] : memref<512x8xf32, #tpu.memory_space<vmem>> -> memref<16x8xf32, #tpu.memory_space<vmem>>
    %dma_wait3A_858 = arith.constant 0 : i32
    %dma_wait3A_859 = arith.constant 0 : i32
    %dma_wait3A_860 = tpu.memref_slice %arg3[%dma_wait3A_858, %dma_wait3A_859] : memref<500000x8xf32, #tpu.memory_space<hbm>> -> memref<500000x8xf32, #tpu.memory_space<hbm>>
    tpu.wait_indirect_dma semaphore(%arg9 : memref<!tpu.dma_semaphore, #tpu.memory_space<semaphore_mem>>) src(%dma_wait3A_860 : memref<500000x8xf32, #tpu.memory_space<hbm>>) dst(%dma_wait3A_857 : memref<16x8xf32, #tpu.memory_space<vmem>>)
    %dma_wait3A_861 = arith.constant 80 : i32
    %dma_wait3A_862 = arith.constant 0 : i32
    %dma_wait3A_863 = tpu.memref_slice %arg7[%dma_wait3A_861, %dma_wait3A_862] : memref<512x8xf32, #tpu.memory_space<vmem>> -> memref<16x8xf32, #tpu.memory_space<vmem>>
    %dma_wait3A_864 = arith.constant 0 : i32
    %dma_wait3A_865 = arith.constant 0 : i32
    %dma_wait3A_866 = tpu.memref_slice %arg3[%dma_wait3A_864, %dma_wait3A_865] : memref<500000x8xf32, #tpu.memory_space<hbm>> -> memref<500000x8xf32, #tpu.memory_space<hbm>>
    tpu.wait_indirect_dma semaphore(%arg9 : memref<!tpu.dma_semaphore, #tpu.memory_space<semaphore_mem>>) src(%dma_wait3A_866 : memref<500000x8xf32, #tpu.memory_space<hbm>>) dst(%dma_wait3A_863 : memref<16x8xf32, #tpu.memory_space<vmem>>)
    %dma_wait3A_867 = arith.constant 96 : i32
    %dma_wait3A_868 = arith.constant 0 : i32
    %dma_wait3A_869 = tpu.memref_slice %arg7[%dma_wait3A_867, %dma_wait3A_868] : memref<512x8xf32, #tpu.memory_space<vmem>> -> memref<16x8xf32, #tpu.memory_space<vmem>>
    %dma_wait3A_870 = arith.constant 0 : i32
    %dma_wait3A_871 = arith.constant 0 : i32
    %dma_wait3A_872 = tpu.memref_slice %arg3[%dma_wait3A_870, %dma_wait3A_871] : memref<500000x8xf32, #tpu.memory_space<hbm>> -> memref<500000x8xf32, #tpu.memory_space<hbm>>
    tpu.wait_indirect_dma semaphore(%arg9 : memref<!tpu.dma_semaphore, #tpu.memory_space<semaphore_mem>>) src(%dma_wait3A_872 : memref<500000x8xf32, #tpu.memory_space<hbm>>) dst(%dma_wait3A_869 : memref<16x8xf32, #tpu.memory_space<vmem>>)
    %dma_wait3A_873 = arith.constant 112 : i32
    %dma_wait3A_874 = arith.constant 0 : i32
    %dma_wait3A_875 = tpu.memref_slice %arg7[%dma_wait3A_873, %dma_wait3A_874] : memref<512x8xf32, #tpu.memory_space<vmem>> -> memref<16x8xf32, #tpu.memory_space<vmem>>
    %dma_wait3A_876 = arith.constant 0 : i32
    %dma_wait3A_877 = arith.constant 0 : i32
    %dma_wait3A_878 = tpu.memref_slice %arg3[%dma_wait3A_876, %dma_wait3A_877] : memref<500000x8xf32, #tpu.memory_space<hbm>> -> memref<500000x8xf32, #tpu.memory_space<hbm>>
    tpu.wait_indirect_dma semaphore(%arg9 : memref<!tpu.dma_semaphore, #tpu.memory_space<semaphore_mem>>) src(%dma_wait3A_878 : memref<500000x8xf32, #tpu.memory_space<hbm>>) dst(%dma_wait3A_875 : memref<16x8xf32, #tpu.memory_space<vmem>>)
    %dma_wait3A_879 = arith.constant 128 : i32
    %dma_wait3A_880 = arith.constant 0 : i32
    %dma_wait3A_881 = tpu.memref_slice %arg7[%dma_wait3A_879, %dma_wait3A_880] : memref<512x8xf32, #tpu.memory_space<vmem>> -> memref<16x8xf32, #tpu.memory_space<vmem>>
    %dma_wait3A_882 = arith.constant 0 : i32
    %dma_wait3A_883 = arith.constant 0 : i32
    %dma_wait3A_884 = tpu.memref_slice %arg3[%dma_wait3A_882, %dma_wait3A_883] : memref<500000x8xf32, #tpu.memory_space<hbm>> -> memref<500000x8xf32, #tpu.memory_space<hbm>>
    tpu.wait_indirect_dma semaphore(%arg9 : memref<!tpu.dma_semaphore, #tpu.memory_space<semaphore_mem>>) src(%dma_wait3A_884 : memref<500000x8xf32, #tpu.memory_space<hbm>>) dst(%dma_wait3A_881 : memref<16x8xf32, #tpu.memory_space<vmem>>)
    %dma_wait3A_885 = arith.constant 144 : i32
    %dma_wait3A_886 = arith.constant 0 : i32
    %dma_wait3A_887 = tpu.memref_slice %arg7[%dma_wait3A_885, %dma_wait3A_886] : memref<512x8xf32, #tpu.memory_space<vmem>> -> memref<16x8xf32, #tpu.memory_space<vmem>>
    %dma_wait3A_888 = arith.constant 0 : i32
    %dma_wait3A_889 = arith.constant 0 : i32
    %dma_wait3A_890 = tpu.memref_slice %arg3[%dma_wait3A_888, %dma_wait3A_889] : memref<500000x8xf32, #tpu.memory_space<hbm>> -> memref<500000x8xf32, #tpu.memory_space<hbm>>
    tpu.wait_indirect_dma semaphore(%arg9 : memref<!tpu.dma_semaphore, #tpu.memory_space<semaphore_mem>>) src(%dma_wait3A_890 : memref<500000x8xf32, #tpu.memory_space<hbm>>) dst(%dma_wait3A_887 : memref<16x8xf32, #tpu.memory_space<vmem>>)
    %dma_wait3A_891 = arith.constant 160 : i32
    %dma_wait3A_892 = arith.constant 0 : i32
    %dma_wait3A_893 = tpu.memref_slice %arg7[%dma_wait3A_891, %dma_wait3A_892] : memref<512x8xf32, #tpu.memory_space<vmem>> -> memref<16x8xf32, #tpu.memory_space<vmem>>
    %dma_wait3A_894 = arith.constant 0 : i32
    %dma_wait3A_895 = arith.constant 0 : i32
    %dma_wait3A_896 = tpu.memref_slice %arg3[%dma_wait3A_894, %dma_wait3A_895] : memref<500000x8xf32, #tpu.memory_space<hbm>> -> memref<500000x8xf32, #tpu.memory_space<hbm>>
    tpu.wait_indirect_dma semaphore(%arg9 : memref<!tpu.dma_semaphore, #tpu.memory_space<semaphore_mem>>) src(%dma_wait3A_896 : memref<500000x8xf32, #tpu.memory_space<hbm>>) dst(%dma_wait3A_893 : memref<16x8xf32, #tpu.memory_space<vmem>>)
    %dma_wait3A_897 = arith.constant 176 : i32
    %dma_wait3A_898 = arith.constant 0 : i32
    %dma_wait3A_899 = tpu.memref_slice %arg7[%dma_wait3A_897, %dma_wait3A_898] : memref<512x8xf32, #tpu.memory_space<vmem>> -> memref<16x8xf32, #tpu.memory_space<vmem>>
    %dma_wait3A_900 = arith.constant 0 : i32
    %dma_wait3A_901 = arith.constant 0 : i32
    %dma_wait3A_902 = tpu.memref_slice %arg3[%dma_wait3A_900, %dma_wait3A_901] : memref<500000x8xf32, #tpu.memory_space<hbm>> -> memref<500000x8xf32, #tpu.memory_space<hbm>>
    tpu.wait_indirect_dma semaphore(%arg9 : memref<!tpu.dma_semaphore, #tpu.memory_space<semaphore_mem>>) src(%dma_wait3A_902 : memref<500000x8xf32, #tpu.memory_space<hbm>>) dst(%dma_wait3A_899 : memref<16x8xf32, #tpu.memory_space<vmem>>)
    %dma_wait3A_903 = arith.constant 192 : i32
    %dma_wait3A_904 = arith.constant 0 : i32
    %dma_wait3A_905 = tpu.memref_slice %arg7[%dma_wait3A_903, %dma_wait3A_904] : memref<512x8xf32, #tpu.memory_space<vmem>> -> memref<16x8xf32, #tpu.memory_space<vmem>>
    %dma_wait3A_906 = arith.constant 0 : i32
    %dma_wait3A_907 = arith.constant 0 : i32
    %dma_wait3A_908 = tpu.memref_slice %arg3[%dma_wait3A_906, %dma_wait3A_907] : memref<500000x8xf32, #tpu.memory_space<hbm>> -> memref<500000x8xf32, #tpu.memory_space<hbm>>
    tpu.wait_indirect_dma semaphore(%arg9 : memref<!tpu.dma_semaphore, #tpu.memory_space<semaphore_mem>>) src(%dma_wait3A_908 : memref<500000x8xf32, #tpu.memory_space<hbm>>) dst(%dma_wait3A_905 : memref<16x8xf32, #tpu.memory_space<vmem>>)
    %dma_wait3A_909 = arith.constant 208 : i32
    %dma_wait3A_910 = arith.constant 0 : i32
    %dma_wait3A_911 = tpu.memref_slice %arg7[%dma_wait3A_909, %dma_wait3A_910] : memref<512x8xf32, #tpu.memory_space<vmem>> -> memref<16x8xf32, #tpu.memory_space<vmem>>
    %dma_wait3A_912 = arith.constant 0 : i32
    %dma_wait3A_913 = arith.constant 0 : i32
    %dma_wait3A_914 = tpu.memref_slice %arg3[%dma_wait3A_912, %dma_wait3A_913] : memref<500000x8xf32, #tpu.memory_space<hbm>> -> memref<500000x8xf32, #tpu.memory_space<hbm>>
    tpu.wait_indirect_dma semaphore(%arg9 : memref<!tpu.dma_semaphore, #tpu.memory_space<semaphore_mem>>) src(%dma_wait3A_914 : memref<500000x8xf32, #tpu.memory_space<hbm>>) dst(%dma_wait3A_911 : memref<16x8xf32, #tpu.memory_space<vmem>>)
    %dma_wait3A_915 = arith.constant 224 : i32
    %dma_wait3A_916 = arith.constant 0 : i32
    %dma_wait3A_917 = tpu.memref_slice %arg7[%dma_wait3A_915, %dma_wait3A_916] : memref<512x8xf32, #tpu.memory_space<vmem>> -> memref<16x8xf32, #tpu.memory_space<vmem>>
    %dma_wait3A_918 = arith.constant 0 : i32
    %dma_wait3A_919 = arith.constant 0 : i32
    %dma_wait3A_920 = tpu.memref_slice %arg3[%dma_wait3A_918, %dma_wait3A_919] : memref<500000x8xf32, #tpu.memory_space<hbm>> -> memref<500000x8xf32, #tpu.memory_space<hbm>>
    tpu.wait_indirect_dma semaphore(%arg9 : memref<!tpu.dma_semaphore, #tpu.memory_space<semaphore_mem>>) src(%dma_wait3A_920 : memref<500000x8xf32, #tpu.memory_space<hbm>>) dst(%dma_wait3A_917 : memref<16x8xf32, #tpu.memory_space<vmem>>)
    %dma_wait3A_921 = arith.constant 240 : i32
    %dma_wait3A_922 = arith.constant 0 : i32
    %dma_wait3A_923 = tpu.memref_slice %arg7[%dma_wait3A_921, %dma_wait3A_922] : memref<512x8xf32, #tpu.memory_space<vmem>> -> memref<16x8xf32, #tpu.memory_space<vmem>>
    %dma_wait3A_924 = arith.constant 0 : i32
    %dma_wait3A_925 = arith.constant 0 : i32
    %dma_wait3A_926 = tpu.memref_slice %arg3[%dma_wait3A_924, %dma_wait3A_925] : memref<500000x8xf32, #tpu.memory_space<hbm>> -> memref<500000x8xf32, #tpu.memory_space<hbm>>
    tpu.wait_indirect_dma semaphore(%arg9 : memref<!tpu.dma_semaphore, #tpu.memory_space<semaphore_mem>>) src(%dma_wait3A_926 : memref<500000x8xf32, #tpu.memory_space<hbm>>) dst(%dma_wait3A_923 : memref<16x8xf32, #tpu.memory_space<vmem>>)
    %dma_wait3A_927 = arith.constant 256 : i32
    %dma_wait3A_928 = arith.constant 0 : i32
    %dma_wait3A_929 = tpu.memref_slice %arg7[%dma_wait3A_927, %dma_wait3A_928] : memref<512x8xf32, #tpu.memory_space<vmem>> -> memref<16x8xf32, #tpu.memory_space<vmem>>
    %dma_wait3A_930 = arith.constant 0 : i32
    %dma_wait3A_931 = arith.constant 0 : i32
    %dma_wait3A_932 = tpu.memref_slice %arg3[%dma_wait3A_930, %dma_wait3A_931] : memref<500000x8xf32, #tpu.memory_space<hbm>> -> memref<500000x8xf32, #tpu.memory_space<hbm>>
    tpu.wait_indirect_dma semaphore(%arg9 : memref<!tpu.dma_semaphore, #tpu.memory_space<semaphore_mem>>) src(%dma_wait3A_932 : memref<500000x8xf32, #tpu.memory_space<hbm>>) dst(%dma_wait3A_929 : memref<16x8xf32, #tpu.memory_space<vmem>>)
    %dma_wait3A_933 = arith.constant 272 : i32
    %dma_wait3A_934 = arith.constant 0 : i32
    %dma_wait3A_935 = tpu.memref_slice %arg7[%dma_wait3A_933, %dma_wait3A_934] : memref<512x8xf32, #tpu.memory_space<vmem>> -> memref<16x8xf32, #tpu.memory_space<vmem>>
    %dma_wait3A_936 = arith.constant 0 : i32
    %dma_wait3A_937 = arith.constant 0 : i32
    %dma_wait3A_938 = tpu.memref_slice %arg3[%dma_wait3A_936, %dma_wait3A_937] : memref<500000x8xf32, #tpu.memory_space<hbm>> -> memref<500000x8xf32, #tpu.memory_space<hbm>>
    tpu.wait_indirect_dma semaphore(%arg9 : memref<!tpu.dma_semaphore, #tpu.memory_space<semaphore_mem>>) src(%dma_wait3A_938 : memref<500000x8xf32, #tpu.memory_space<hbm>>) dst(%dma_wait3A_935 : memref<16x8xf32, #tpu.memory_space<vmem>>)
    %dma_wait3A_939 = arith.constant 288 : i32
    %dma_wait3A_940 = arith.constant 0 : i32
    %dma_wait3A_941 = tpu.memref_slice %arg7[%dma_wait3A_939, %dma_wait3A_940] : memref<512x8xf32, #tpu.memory_space<vmem>> -> memref<16x8xf32, #tpu.memory_space<vmem>>
    %dma_wait3A_942 = arith.constant 0 : i32
    %dma_wait3A_943 = arith.constant 0 : i32
    %dma_wait3A_944 = tpu.memref_slice %arg3[%dma_wait3A_942, %dma_wait3A_943] : memref<500000x8xf32, #tpu.memory_space<hbm>> -> memref<500000x8xf32, #tpu.memory_space<hbm>>
    tpu.wait_indirect_dma semaphore(%arg9 : memref<!tpu.dma_semaphore, #tpu.memory_space<semaphore_mem>>) src(%dma_wait3A_944 : memref<500000x8xf32, #tpu.memory_space<hbm>>) dst(%dma_wait3A_941 : memref<16x8xf32, #tpu.memory_space<vmem>>)
    %dma_wait3A_945 = arith.constant 304 : i32
    %dma_wait3A_946 = arith.constant 0 : i32
    %dma_wait3A_947 = tpu.memref_slice %arg7[%dma_wait3A_945, %dma_wait3A_946] : memref<512x8xf32, #tpu.memory_space<vmem>> -> memref<16x8xf32, #tpu.memory_space<vmem>>
    %dma_wait3A_948 = arith.constant 0 : i32
    %dma_wait3A_949 = arith.constant 0 : i32
    %dma_wait3A_950 = tpu.memref_slice %arg3[%dma_wait3A_948, %dma_wait3A_949] : memref<500000x8xf32, #tpu.memory_space<hbm>> -> memref<500000x8xf32, #tpu.memory_space<hbm>>
    tpu.wait_indirect_dma semaphore(%arg9 : memref<!tpu.dma_semaphore, #tpu.memory_space<semaphore_mem>>) src(%dma_wait3A_950 : memref<500000x8xf32, #tpu.memory_space<hbm>>) dst(%dma_wait3A_947 : memref<16x8xf32, #tpu.memory_space<vmem>>)
    %dma_wait3A_951 = arith.constant 320 : i32
    %dma_wait3A_952 = arith.constant 0 : i32
    %dma_wait3A_953 = tpu.memref_slice %arg7[%dma_wait3A_951, %dma_wait3A_952] : memref<512x8xf32, #tpu.memory_space<vmem>> -> memref<16x8xf32, #tpu.memory_space<vmem>>
    %dma_wait3A_954 = arith.constant 0 : i32
    %dma_wait3A_955 = arith.constant 0 : i32
    %dma_wait3A_956 = tpu.memref_slice %arg3[%dma_wait3A_954, %dma_wait3A_955] : memref<500000x8xf32, #tpu.memory_space<hbm>> -> memref<500000x8xf32, #tpu.memory_space<hbm>>
    tpu.wait_indirect_dma semaphore(%arg9 : memref<!tpu.dma_semaphore, #tpu.memory_space<semaphore_mem>>) src(%dma_wait3A_956 : memref<500000x8xf32, #tpu.memory_space<hbm>>) dst(%dma_wait3A_953 : memref<16x8xf32, #tpu.memory_space<vmem>>)
    %dma_wait3A_957 = arith.constant 336 : i32
    %dma_wait3A_958 = arith.constant 0 : i32
    %dma_wait3A_959 = tpu.memref_slice %arg7[%dma_wait3A_957, %dma_wait3A_958] : memref<512x8xf32, #tpu.memory_space<vmem>> -> memref<16x8xf32, #tpu.memory_space<vmem>>
    %dma_wait3A_960 = arith.constant 0 : i32
    %dma_wait3A_961 = arith.constant 0 : i32
    %dma_wait3A_962 = tpu.memref_slice %arg3[%dma_wait3A_960, %dma_wait3A_961] : memref<500000x8xf32, #tpu.memory_space<hbm>> -> memref<500000x8xf32, #tpu.memory_space<hbm>>
    tpu.wait_indirect_dma semaphore(%arg9 : memref<!tpu.dma_semaphore, #tpu.memory_space<semaphore_mem>>) src(%dma_wait3A_962 : memref<500000x8xf32, #tpu.memory_space<hbm>>) dst(%dma_wait3A_959 : memref<16x8xf32, #tpu.memory_space<vmem>>)
    %dma_wait3A_963 = arith.constant 352 : i32
    %dma_wait3A_964 = arith.constant 0 : i32
    %dma_wait3A_965 = tpu.memref_slice %arg7[%dma_wait3A_963, %dma_wait3A_964] : memref<512x8xf32, #tpu.memory_space<vmem>> -> memref<16x8xf32, #tpu.memory_space<vmem>>
    %dma_wait3A_966 = arith.constant 0 : i32
    %dma_wait3A_967 = arith.constant 0 : i32
    %dma_wait3A_968 = tpu.memref_slice %arg3[%dma_wait3A_966, %dma_wait3A_967] : memref<500000x8xf32, #tpu.memory_space<hbm>> -> memref<500000x8xf32, #tpu.memory_space<hbm>>
    tpu.wait_indirect_dma semaphore(%arg9 : memref<!tpu.dma_semaphore, #tpu.memory_space<semaphore_mem>>) src(%dma_wait3A_968 : memref<500000x8xf32, #tpu.memory_space<hbm>>) dst(%dma_wait3A_965 : memref<16x8xf32, #tpu.memory_space<vmem>>)
    %dma_wait3A_969 = arith.constant 368 : i32
    %dma_wait3A_970 = arith.constant 0 : i32
    %dma_wait3A_971 = tpu.memref_slice %arg7[%dma_wait3A_969, %dma_wait3A_970] : memref<512x8xf32, #tpu.memory_space<vmem>> -> memref<16x8xf32, #tpu.memory_space<vmem>>
    %dma_wait3A_972 = arith.constant 0 : i32
    %dma_wait3A_973 = arith.constant 0 : i32
    %dma_wait3A_974 = tpu.memref_slice %arg3[%dma_wait3A_972, %dma_wait3A_973] : memref<500000x8xf32, #tpu.memory_space<hbm>> -> memref<500000x8xf32, #tpu.memory_space<hbm>>
    tpu.wait_indirect_dma semaphore(%arg9 : memref<!tpu.dma_semaphore, #tpu.memory_space<semaphore_mem>>) src(%dma_wait3A_974 : memref<500000x8xf32, #tpu.memory_space<hbm>>) dst(%dma_wait3A_971 : memref<16x8xf32, #tpu.memory_space<vmem>>)
    %dma_wait3A_975 = arith.constant 384 : i32
    %dma_wait3A_976 = arith.constant 0 : i32
    %dma_wait3A_977 = tpu.memref_slice %arg7[%dma_wait3A_975, %dma_wait3A_976] : memref<512x8xf32, #tpu.memory_space<vmem>> -> memref<16x8xf32, #tpu.memory_space<vmem>>
    %dma_wait3A_978 = arith.constant 0 : i32
    %dma_wait3A_979 = arith.constant 0 : i32
    %dma_wait3A_980 = tpu.memref_slice %arg3[%dma_wait3A_978, %dma_wait3A_979] : memref<500000x8xf32, #tpu.memory_space<hbm>> -> memref<500000x8xf32, #tpu.memory_space<hbm>>
    tpu.wait_indirect_dma semaphore(%arg9 : memref<!tpu.dma_semaphore, #tpu.memory_space<semaphore_mem>>) src(%dma_wait3A_980 : memref<500000x8xf32, #tpu.memory_space<hbm>>) dst(%dma_wait3A_977 : memref<16x8xf32, #tpu.memory_space<vmem>>)
    %dma_wait3A_981 = arith.constant 400 : i32
    %dma_wait3A_982 = arith.constant 0 : i32
    %dma_wait3A_983 = tpu.memref_slice %arg7[%dma_wait3A_981, %dma_wait3A_982] : memref<512x8xf32, #tpu.memory_space<vmem>> -> memref<16x8xf32, #tpu.memory_space<vmem>>
    %dma_wait3A_984 = arith.constant 0 : i32
    %dma_wait3A_985 = arith.constant 0 : i32
    %dma_wait3A_986 = tpu.memref_slice %arg3[%dma_wait3A_984, %dma_wait3A_985] : memref<500000x8xf32, #tpu.memory_space<hbm>> -> memref<500000x8xf32, #tpu.memory_space<hbm>>
    tpu.wait_indirect_dma semaphore(%arg9 : memref<!tpu.dma_semaphore, #tpu.memory_space<semaphore_mem>>) src(%dma_wait3A_986 : memref<500000x8xf32, #tpu.memory_space<hbm>>) dst(%dma_wait3A_983 : memref<16x8xf32, #tpu.memory_space<vmem>>)
    %dma_wait3A_987 = arith.constant 416 : i32
    %dma_wait3A_988 = arith.constant 0 : i32
    %dma_wait3A_989 = tpu.memref_slice %arg7[%dma_wait3A_987, %dma_wait3A_988] : memref<512x8xf32, #tpu.memory_space<vmem>> -> memref<16x8xf32, #tpu.memory_space<vmem>>
    %dma_wait3A_990 = arith.constant 0 : i32
    %dma_wait3A_991 = arith.constant 0 : i32
    %dma_wait3A_992 = tpu.memref_slice %arg3[%dma_wait3A_990, %dma_wait3A_991] : memref<500000x8xf32, #tpu.memory_space<hbm>> -> memref<500000x8xf32, #tpu.memory_space<hbm>>
    tpu.wait_indirect_dma semaphore(%arg9 : memref<!tpu.dma_semaphore, #tpu.memory_space<semaphore_mem>>) src(%dma_wait3A_992 : memref<500000x8xf32, #tpu.memory_space<hbm>>) dst(%dma_wait3A_989 : memref<16x8xf32, #tpu.memory_space<vmem>>)
    %dma_wait3A_993 = arith.constant 432 : i32
    %dma_wait3A_994 = arith.constant 0 : i32
    %dma_wait3A_995 = tpu.memref_slice %arg7[%dma_wait3A_993, %dma_wait3A_994] : memref<512x8xf32, #tpu.memory_space<vmem>> -> memref<16x8xf32, #tpu.memory_space<vmem>>
    %dma_wait3A_996 = arith.constant 0 : i32
    %dma_wait3A_997 = arith.constant 0 : i32
    %dma_wait3A_998 = tpu.memref_slice %arg3[%dma_wait3A_996, %dma_wait3A_997] : memref<500000x8xf32, #tpu.memory_space<hbm>> -> memref<500000x8xf32, #tpu.memory_space<hbm>>
    tpu.wait_indirect_dma semaphore(%arg9 : memref<!tpu.dma_semaphore, #tpu.memory_space<semaphore_mem>>) src(%dma_wait3A_998 : memref<500000x8xf32, #tpu.memory_space<hbm>>) dst(%dma_wait3A_995 : memref<16x8xf32, #tpu.memory_space<vmem>>)
    %dma_wait3A_999 = arith.constant 448 : i32
    %dma_wait3A_1000 = arith.constant 0 : i32
    %dma_wait3A_1001 = tpu.memref_slice %arg7[%dma_wait3A_999, %dma_wait3A_1000] : memref<512x8xf32, #tpu.memory_space<vmem>> -> memref<16x8xf32, #tpu.memory_space<vmem>>
    %dma_wait3A_1002 = arith.constant 0 : i32
    %dma_wait3A_1003 = arith.constant 0 : i32
    %dma_wait3A_1004 = tpu.memref_slice %arg3[%dma_wait3A_1002, %dma_wait3A_1003] : memref<500000x8xf32, #tpu.memory_space<hbm>> -> memref<500000x8xf32, #tpu.memory_space<hbm>>
    tpu.wait_indirect_dma semaphore(%arg9 : memref<!tpu.dma_semaphore, #tpu.memory_space<semaphore_mem>>) src(%dma_wait3A_1004 : memref<500000x8xf32, #tpu.memory_space<hbm>>) dst(%dma_wait3A_1001 : memref<16x8xf32, #tpu.memory_space<vmem>>)
    %dma_wait3A_1005 = arith.constant 464 : i32
    %dma_wait3A_1006 = arith.constant 0 : i32
    %dma_wait3A_1007 = tpu.memref_slice %arg7[%dma_wait3A_1005, %dma_wait3A_1006] : memref<512x8xf32, #tpu.memory_space<vmem>> -> memref<16x8xf32, #tpu.memory_space<vmem>>
    %dma_wait3A_1008 = arith.constant 0 : i32
    %dma_wait3A_1009 = arith.constant 0 : i32
    %dma_wait3A_1010 = tpu.memref_slice %arg3[%dma_wait3A_1008, %dma_wait3A_1009] : memref<500000x8xf32, #tpu.memory_space<hbm>> -> memref<500000x8xf32, #tpu.memory_space<hbm>>
    tpu.wait_indirect_dma semaphore(%arg9 : memref<!tpu.dma_semaphore, #tpu.memory_space<semaphore_mem>>) src(%dma_wait3A_1010 : memref<500000x8xf32, #tpu.memory_space<hbm>>) dst(%dma_wait3A_1007 : memref<16x8xf32, #tpu.memory_space<vmem>>)
    %dma_wait3A_1011 = arith.constant 480 : i32
    %dma_wait3A_1012 = arith.constant 0 : i32
    %dma_wait3A_1013 = tpu.memref_slice %arg7[%dma_wait3A_1011, %dma_wait3A_1012] : memref<512x8xf32, #tpu.memory_space<vmem>> -> memref<16x8xf32, #tpu.memory_space<vmem>>
    %dma_wait3A_1014 = arith.constant 0 : i32
    %dma_wait3A_1015 = arith.constant 0 : i32
    %dma_wait3A_1016 = tpu.memref_slice %arg3[%dma_wait3A_1014, %dma_wait3A_1015] : memref<500000x8xf32, #tpu.memory_space<hbm>> -> memref<500000x8xf32, #tpu.memory_space<hbm>>
    tpu.wait_indirect_dma semaphore(%arg9 : memref<!tpu.dma_semaphore, #tpu.memory_space<semaphore_mem>>) src(%dma_wait3A_1016 : memref<500000x8xf32, #tpu.memory_space<hbm>>) dst(%dma_wait3A_1013 : memref<16x8xf32, #tpu.memory_space<vmem>>)
    %dma_wait3A_1017 = arith.constant 496 : i32
    %dma_wait3A_1018 = arith.constant 0 : i32
    %dma_wait3A_1019 = tpu.memref_slice %arg7[%dma_wait3A_1017, %dma_wait3A_1018] : memref<512x8xf32, #tpu.memory_space<vmem>> -> memref<16x8xf32, #tpu.memory_space<vmem>>
    %dma_wait3A_1020 = arith.constant 0 : i32
    %dma_wait3A_1021 = arith.constant 0 : i32
    %dma_wait3A_1022 = tpu.memref_slice %arg3[%dma_wait3A_1020, %dma_wait3A_1021] : memref<500000x8xf32, #tpu.memory_space<hbm>> -> memref<500000x8xf32, #tpu.memory_space<hbm>>
    tpu.wait_indirect_dma semaphore(%arg9 : memref<!tpu.dma_semaphore, #tpu.memory_space<semaphore_mem>>) src(%dma_wait3A_1022 : memref<500000x8xf32, #tpu.memory_space<hbm>>) dst(%dma_wait3A_1019 : memref<16x8xf32, #tpu.memory_space<vmem>>)
    %broadcast_in_dim3A_1023 = arith.constant 0 : i32
    %broadcast_in_dim3A_1024 = vector.broadcast %broadcast_in_dim3A_1023 : i32 to vector<16xi32>
    %broadcast_in_dim3A_1025 = arith.constant 1 : i32
    %broadcast_in_dim3A_1026 = vector.broadcast %broadcast_in_dim3A_1025 : i32 to vector<16xi32>
    %broadcast_in_dim3A_1027 = arith.constant 2 : i32
    %broadcast_in_dim3A_1028 = vector.broadcast %broadcast_in_dim3A_1027 : i32 to vector<16xi32>
    %broadcast_in_dim3A_1029 = arith.constant 3 : i32
    %broadcast_in_dim3A_1030 = vector.broadcast %broadcast_in_dim3A_1029 : i32 to vector<16xi32>
    %add3A_1031 = arith.constant 0 : i32
    %add3A_1032 = vector.broadcast %add3A_1031 : i32 to vector<16xi32>
    %add3A_1033 = arith.addi %add3A_1032, %iota3A : vector<16xi32>
    %get3A = arith.constant 0 : index
    %get3A_1034 = tpu.vector_load %arg6[%get3A] {strides = array<i32>} : memref<512xi32, #tpu.memory_space<vmem>>, vector<16xi32>,
    %add3A_1035 = arith.constant 0 : i32
    %add3A_1036 = vector.broadcast %add3A_1035 : i32 to vector<16xi32>
    %add3A_1037 = arith.addi %get3A_1034, %add3A_1036 : vector<16xi32>
    %gather3A_1038 = tpu.vector_load_idx %arg7[%add3A_1033, %add3A_1037] : memref<512x8xf32, #tpu.memory_space<vmem>>[vector<16xi32>, vector<16xi32>], vector<16xf32>,
    %add3A_1039 = arith.constant 1 : i32
    %add3A_1040 = vector.broadcast %add3A_1039 : i32 to vector<16xi32>
    %add3A_1041 = arith.addi %get3A_1034, %add3A_1040 : vector<16xi32>
    %gather3A_1042 = tpu.vector_load_idx %arg7[%add3A_1033, %add3A_1041] : memref<512x8xf32, #tpu.memory_space<vmem>>[vector<16xi32>, vector<16xi32>], vector<16xf32>,
    %add3A_1043 = arith.constant 2 : i32
    %add3A_1044 = vector.broadcast %add3A_1043 : i32 to vector<16xi32>
    %add3A_1045 = arith.addi %get3A_1034, %add3A_1044 : vector<16xi32>
    %gather3A_1046 = tpu.vector_load_idx %arg7[%add3A_1033, %add3A_1045] : memref<512x8xf32, #tpu.memory_space<vmem>>[vector<16xi32>, vector<16xi32>], vector<16xf32>,
    %add3A_1047 = arith.constant 3 : i32
    %add3A_1048 = vector.broadcast %add3A_1047 : i32 to vector<16xi32>
    %add3A_1049 = arith.addi %get3A_1034, %add3A_1048 : vector<16xi32>
    %gather3A_1050 = tpu.vector_load_idx %arg7[%add3A_1033, %add3A_1049] : memref<512x8xf32, #tpu.memory_space<vmem>>[vector<16xi32>, vector<16xi32>], vector<16xf32>,
    %max3A = arith.maximumf %gather3A_1038, %gather3A_1042 : vector<16xf32>
    %max3A_1051 = arith.maximumf %gather3A_1046, %gather3A_1050 : vector<16xf32>
    %max3A_1052 = arith.maximumf %max3A, %max3A_1051 : vector<16xf32>
    %sub3A = arith.subf %gather3A_1038, %max3A_1052 : vector<16xf32>
    %exp3A = math.exp %sub3A : vector<16xf32>
    %sub3A_1053 = arith.subf %gather3A_1042, %max3A_1052 : vector<16xf32>
    %exp3A_1054 = math.exp %sub3A_1053 : vector<16xf32>
    %sub3A_1055 = arith.subf %gather3A_1046, %max3A_1052 : vector<16xf32>
    %exp3A_1056 = math.exp %sub3A_1055 : vector<16xf32>
    %sub3A_1057 = arith.subf %gather3A_1050, %max3A_1052 : vector<16xf32>
    %exp3A_1058 = math.exp %sub3A_1057 : vector<16xf32>
    %add3A_1059 = arith.addf %exp3A, %exp3A_1054 : vector<16xf32>
    %add3A_1060 = arith.addf %exp3A_1056, %exp3A_1058 : vector<16xf32>
    %add3A_1061 = arith.addf %add3A_1059, %add3A_1060 : vector<16xf32>
    %div3A = arith.constant 1.000000e+00 : f32
    %div3A_1062 = vector.broadcast %div3A : f32 to vector<16xf32>
    %div3A_1063 = arith.divf %div3A_1062, %add3A_1061 : vector<16xf32>
    %mul3A_1064 = arith.mulf %exp3A, %div3A_1063 : vector<16xf32>
    tpu.vector_store_idx %arg8[%add3A_1033, %broadcast_in_dim3A_1024], %mul3A_1064 : memref<512x4xf32, #tpu.memory_space<vmem>>[vector<16xi32>, vector<16xi32>], vector<16xf32>,
    %mul3A_1065 = arith.mulf %exp3A_1054, %div3A_1063 : vector<16xf32>
    tpu.vector_store_idx %arg8[%add3A_1033, %broadcast_in_dim3A_1026], %mul3A_1065 : memref<512x4xf32, #tpu.memory_space<vmem>>[vector<16xi32>, vector<16xi32>], vector<16xf32>,
    %mul3A_1066 = arith.mulf %exp3A_1056, %div3A_1063 : vector<16xf32>
    tpu.vector_store_idx %arg8[%add3A_1033, %broadcast_in_dim3A_1028], %mul3A_1066 : memref<512x4xf32, #tpu.memory_space<vmem>>[vector<16xi32>, vector<16xi32>], vector<16xf32>,
    %mul3A_1067 = arith.mulf %exp3A_1058, %div3A_1063 : vector<16xf32>
    tpu.vector_store_idx %arg8[%add3A_1033, %broadcast_in_dim3A_1030], %mul3A_1067 : memref<512x4xf32, #tpu.memory_space<vmem>>[vector<16xi32>, vector<16xi32>], vector<16xf32>,
    %add3A_1068 = arith.constant 16 : i32
    %add3A_1069 = vector.broadcast %add3A_1068 : i32 to vector<16xi32>
    %add3A_1070 = arith.addi %add3A_1069, %iota3A : vector<16xi32>
    %get3A_1071 = arith.constant 16 : index
    %get3A_1072 = tpu.vector_load %arg6[%get3A_1071] {strides = array<i32>} : memref<512xi32, #tpu.memory_space<vmem>>, vector<16xi32>,
    %add3A_1073 = arith.constant 0 : i32
    %add3A_1074 = vector.broadcast %add3A_1073 : i32 to vector<16xi32>
    %add3A_1075 = arith.addi %get3A_1072, %add3A_1074 : vector<16xi32>
    %gather3A_1076 = tpu.vector_load_idx %arg7[%add3A_1070, %add3A_1075] : memref<512x8xf32, #tpu.memory_space<vmem>>[vector<16xi32>, vector<16xi32>], vector<16xf32>,
    %add3A_1077 = arith.constant 1 : i32
    %add3A_1078 = vector.broadcast %add3A_1077 : i32 to vector<16xi32>
    %add3A_1079 = arith.addi %get3A_1072, %add3A_1078 : vector<16xi32>
    %gather3A_1080 = tpu.vector_load_idx %arg7[%add3A_1070, %add3A_1079] : memref<512x8xf32, #tpu.memory_space<vmem>>[vector<16xi32>, vector<16xi32>], vector<16xf32>,
    %add3A_1081 = arith.constant 2 : i32
    %add3A_1082 = vector.broadcast %add3A_1081 : i32 to vector<16xi32>
    %add3A_1083 = arith.addi %get3A_1072, %add3A_1082 : vector<16xi32>
    %gather3A_1084 = tpu.vector_load_idx %arg7[%add3A_1070, %add3A_1083] : memref<512x8xf32, #tpu.memory_space<vmem>>[vector<16xi32>, vector<16xi32>], vector<16xf32>,
    %add3A_1085 = arith.constant 3 : i32
    %add3A_1086 = vector.broadcast %add3A_1085 : i32 to vector<16xi32>
    %add3A_1087 = arith.addi %get3A_1072, %add3A_1086 : vector<16xi32>
    %gather3A_1088 = tpu.vector_load_idx %arg7[%add3A_1070, %add3A_1087] : memref<512x8xf32, #tpu.memory_space<vmem>>[vector<16xi32>, vector<16xi32>], vector<16xf32>,
    %max3A_1089 = arith.maximumf %gather3A_1076, %gather3A_1080 : vector<16xf32>
    %max3A_1090 = arith.maximumf %gather3A_1084, %gather3A_1088 : vector<16xf32>
    %max3A_1091 = arith.maximumf %max3A_1089, %max3A_1090 : vector<16xf32>
    %sub3A_1092 = arith.subf %gather3A_1076, %max3A_1091 : vector<16xf32>
    %exp3A_1093 = math.exp %sub3A_1092 : vector<16xf32>
    %sub3A_1094 = arith.subf %gather3A_1080, %max3A_1091 : vector<16xf32>
    %exp3A_1095 = math.exp %sub3A_1094 : vector<16xf32>
    %sub3A_1096 = arith.subf %gather3A_1084, %max3A_1091 : vector<16xf32>
    %exp3A_1097 = math.exp %sub3A_1096 : vector<16xf32>
    %sub3A_1098 = arith.subf %gather3A_1088, %max3A_1091 : vector<16xf32>
    %exp3A_1099 = math.exp %sub3A_1098 : vector<16xf32>
    %add3A_1100 = arith.addf %exp3A_1093, %exp3A_1095 : vector<16xf32>
    %add3A_1101 = arith.addf %exp3A_1097, %exp3A_1099 : vector<16xf32>
    %add3A_1102 = arith.addf %add3A_1100, %add3A_1101 : vector<16xf32>
    %div3A_1103 = arith.constant 1.000000e+00 : f32
    %div3A_1104 = vector.broadcast %div3A_1103 : f32 to vector<16xf32>
    %div3A_1105 = arith.divf %div3A_1104, %add3A_1102 : vector<16xf32>
    %mul3A_1106 = arith.mulf %exp3A_1093, %div3A_1105 : vector<16xf32>
    tpu.vector_store_idx %arg8[%add3A_1070, %broadcast_in_dim3A_1024], %mul3A_1106 : memref<512x4xf32, #tpu.memory_space<vmem>>[vector<16xi32>, vector<16xi32>], vector<16xf32>,
    %mul3A_1107 = arith.mulf %exp3A_1095, %div3A_1105 : vector<16xf32>
    tpu.vector_store_idx %arg8[%add3A_1070, %broadcast_in_dim3A_1026], %mul3A_1107 : memref<512x4xf32, #tpu.memory_space<vmem>>[vector<16xi32>, vector<16xi32>], vector<16xf32>,
    %mul3A_1108 = arith.mulf %exp3A_1097, %div3A_1105 : vector<16xf32>
    tpu.vector_store_idx %arg8[%add3A_1070, %broadcast_in_dim3A_1028], %mul3A_1108 : memref<512x4xf32, #tpu.memory_space<vmem>>[vector<16xi32>, vector<16xi32>], vector<16xf32>,
    %mul3A_1109 = arith.mulf %exp3A_1099, %div3A_1105 : vector<16xf32>
    tpu.vector_store_idx %arg8[%add3A_1070, %broadcast_in_dim3A_1030], %mul3A_1109 : memref<512x4xf32, #tpu.memory_space<vmem>>[vector<16xi32>, vector<16xi32>], vector<16xf32>,
    %add3A_1110 = arith.constant 32 : i32
    %add3A_1111 = vector.broadcast %add3A_1110 : i32 to vector<16xi32>
    %add3A_1112 = arith.addi %add3A_1111, %iota3A : vector<16xi32>
    %get3A_1113 = arith.constant 32 : index
    %get3A_1114 = tpu.vector_load %arg6[%get3A_1113] {strides = array<i32>} : memref<512xi32, #tpu.memory_space<vmem>>, vector<16xi32>,
    %add3A_1115 = arith.constant 0 : i32
    %add3A_1116 = vector.broadcast %add3A_1115 : i32 to vector<16xi32>
    %add3A_1117 = arith.addi %get3A_1114, %add3A_1116 : vector<16xi32>
    %gather3A_1118 = tpu.vector_load_idx %arg7[%add3A_1112, %add3A_1117] : memref<512x8xf32, #tpu.memory_space<vmem>>[vector<16xi32>, vector<16xi32>], vector<16xf32>,
    %add3A_1119 = arith.constant 1 : i32
    %add3A_1120 = vector.broadcast %add3A_1119 : i32 to vector<16xi32>
    %add3A_1121 = arith.addi %get3A_1114, %add3A_1120 : vector<16xi32>
    %gather3A_1122 = tpu.vector_load_idx %arg7[%add3A_1112, %add3A_1121] : memref<512x8xf32, #tpu.memory_space<vmem>>[vector<16xi32>, vector<16xi32>], vector<16xf32>,
    %add3A_1123 = arith.constant 2 : i32
    %add3A_1124 = vector.broadcast %add3A_1123 : i32 to vector<16xi32>
    %add3A_1125 = arith.addi %get3A_1114, %add3A_1124 : vector<16xi32>
    %gather3A_1126 = tpu.vector_load_idx %arg7[%add3A_1112, %add3A_1125] : memref<512x8xf32, #tpu.memory_space<vmem>>[vector<16xi32>, vector<16xi32>], vector<16xf32>,
    %add3A_1127 = arith.constant 3 : i32
    %add3A_1128 = vector.broadcast %add3A_1127 : i32 to vector<16xi32>
    %add3A_1129 = arith.addi %get3A_1114, %add3A_1128 : vector<16xi32>
    %gather3A_1130 = tpu.vector_load_idx %arg7[%add3A_1112, %add3A_1129] : memref<512x8xf32, #tpu.memory_space<vmem>>[vector<16xi32>, vector<16xi32>], vector<16xf32>,
    %max3A_1131 = arith.maximumf %gather3A_1118, %gather3A_1122 : vector<16xf32>
    %max3A_1132 = arith.maximumf %gather3A_1126, %gather3A_1130 : vector<16xf32>
    %max3A_1133 = arith.maximumf %max3A_1131, %max3A_1132 : vector<16xf32>
    %sub3A_1134 = arith.subf %gather3A_1118, %max3A_1133 : vector<16xf32>
    %exp3A_1135 = math.exp %sub3A_1134 : vector<16xf32>
    %sub3A_1136 = arith.subf %gather3A_1122, %max3A_1133 : vector<16xf32>
    %exp3A_1137 = math.exp %sub3A_1136 : vector<16xf32>
    %sub3A_1138 = arith.subf %gather3A_1126, %max3A_1133 : vector<16xf32>
    %exp3A_1139 = math.exp %sub3A_1138 : vector<16xf32>
    %sub3A_1140 = arith.subf %gather3A_1130, %max3A_1133 : vector<16xf32>
    %exp3A_1141 = math.exp %sub3A_1140 : vector<16xf32>
    %add3A_1142 = arith.addf %exp3A_1135, %exp3A_1137 : vector<16xf32>
    %add3A_1143 = arith.addf %exp3A_1139, %exp3A_1141 : vector<16xf32>
    %add3A_1144 = arith.addf %add3A_1142, %add3A_1143 : vector<16xf32>
    %div3A_1145 = arith.constant 1.000000e+00 : f32
    %div3A_1146 = vector.broadcast %div3A_1145 : f32 to vector<16xf32>
    %div3A_1147 = arith.divf %div3A_1146, %add3A_1144 : vector<16xf32>
    %mul3A_1148 = arith.mulf %exp3A_1135, %div3A_1147 : vector<16xf32>
    tpu.vector_store_idx %arg8[%add3A_1112, %broadcast_in_dim3A_1024], %mul3A_1148 : memref<512x4xf32, #tpu.memory_space<vmem>>[vector<16xi32>, vector<16xi32>], vector<16xf32>,
    %mul3A_1149 = arith.mulf %exp3A_1137, %div3A_1147 : vector<16xf32>
    tpu.vector_store_idx %arg8[%add3A_1112, %broadcast_in_dim3A_1026], %mul3A_1149 : memref<512x4xf32, #tpu.memory_space<vmem>>[vector<16xi32>, vector<16xi32>], vector<16xf32>,
    %mul3A_1150 = arith.mulf %exp3A_1139, %div3A_1147 : vector<16xf32>
    tpu.vector_store_idx %arg8[%add3A_1112, %broadcast_in_dim3A_1028], %mul3A_1150 : memref<512x4xf32, #tpu.memory_space<vmem>>[vector<16xi32>, vector<16xi32>], vector<16xf32>,
    %mul3A_1151 = arith.mulf %exp3A_1141, %div3A_1147 : vector<16xf32>
    tpu.vector_store_idx %arg8[%add3A_1112, %broadcast_in_dim3A_1030], %mul3A_1151 : memref<512x4xf32, #tpu.memory_space<vmem>>[vector<16xi32>, vector<16xi32>], vector<16xf32>,
    %add3A_1152 = arith.constant 48 : i32
    %add3A_1153 = vector.broadcast %add3A_1152 : i32 to vector<16xi32>
    %add3A_1154 = arith.addi %add3A_1153, %iota3A : vector<16xi32>
    %get3A_1155 = arith.constant 48 : index
    %get3A_1156 = tpu.vector_load %arg6[%get3A_1155] {strides = array<i32>} : memref<512xi32, #tpu.memory_space<vmem>>, vector<16xi32>,
    %add3A_1157 = arith.constant 0 : i32
    %add3A_1158 = vector.broadcast %add3A_1157 : i32 to vector<16xi32>
    %add3A_1159 = arith.addi %get3A_1156, %add3A_1158 : vector<16xi32>
    %gather3A_1160 = tpu.vector_load_idx %arg7[%add3A_1154, %add3A_1159] : memref<512x8xf32, #tpu.memory_space<vmem>>[vector<16xi32>, vector<16xi32>], vector<16xf32>,
    %add3A_1161 = arith.constant 1 : i32
    %add3A_1162 = vector.broadcast %add3A_1161 : i32 to vector<16xi32>
    %add3A_1163 = arith.addi %get3A_1156, %add3A_1162 : vector<16xi32>
    %gather3A_1164 = tpu.vector_load_idx %arg7[%add3A_1154, %add3A_1163] : memref<512x8xf32, #tpu.memory_space<vmem>>[vector<16xi32>, vector<16xi32>], vector<16xf32>,
    %add3A_1165 = arith.constant 2 : i32
    %add3A_1166 = vector.broadcast %add3A_1165 : i32 to vector<16xi32>
    %add3A_1167 = arith.addi %get3A_1156, %add3A_1166 : vector<16xi32>
    %gather3A_1168 = tpu.vector_load_idx %arg7[%add3A_1154, %add3A_1167] : memref<512x8xf32, #tpu.memory_space<vmem>>[vector<16xi32>, vector<16xi32>], vector<16xf32>,
    %add3A_1169 = arith.constant 3 : i32
    %add3A_1170 = vector.broadcast %add3A_1169 : i32 to vector<16xi32>
    %add3A_1171 = arith.addi %get3A_1156, %add3A_1170 : vector<16xi32>
    %gather3A_1172 = tpu.vector_load_idx %arg7[%add3A_1154, %add3A_1171] : memref<512x8xf32, #tpu.memory_space<vmem>>[vector<16xi32>, vector<16xi32>], vector<16xf32>,
    %max3A_1173 = arith.maximumf %gather3A_1160, %gather3A_1164 : vector<16xf32>
    %max3A_1174 = arith.maximumf %gather3A_1168, %gather3A_1172 : vector<16xf32>
    %max3A_1175 = arith.maximumf %max3A_1173, %max3A_1174 : vector<16xf32>
    %sub3A_1176 = arith.subf %gather3A_1160, %max3A_1175 : vector<16xf32>
    %exp3A_1177 = math.exp %sub3A_1176 : vector<16xf32>
    %sub3A_1178 = arith.subf %gather3A_1164, %max3A_1175 : vector<16xf32>
    %exp3A_1179 = math.exp %sub3A_1178 : vector<16xf32>
    %sub3A_1180 = arith.subf %gather3A_1168, %max3A_1175 : vector<16xf32>
    %exp3A_1181 = math.exp %sub3A_1180 : vector<16xf32>
    %sub3A_1182 = arith.subf %gather3A_1172, %max3A_1175 : vector<16xf32>
    %exp3A_1183 = math.exp %sub3A_1182 : vector<16xf32>
    %add3A_1184 = arith.addf %exp3A_1177, %exp3A_1179 : vector<16xf32>
    %add3A_1185 = arith.addf %exp3A_1181, %exp3A_1183 : vector<16xf32>
    %add3A_1186 = arith.addf %add3A_1184, %add3A_1185 : vector<16xf32>
    %div3A_1187 = arith.constant 1.000000e+00 : f32
    %div3A_1188 = vector.broadcast %div3A_1187 : f32 to vector<16xf32>
    %div3A_1189 = arith.divf %div3A_1188, %add3A_1186 : vector<16xf32>
    %mul3A_1190 = arith.mulf %exp3A_1177, %div3A_1189 : vector<16xf32>
    tpu.vector_store_idx %arg8[%add3A_1154, %broadcast_in_dim3A_1024], %mul3A_1190 : memref<512x4xf32, #tpu.memory_space<vmem>>[vector<16xi32>, vector<16xi32>], vector<16xf32>,
    %mul3A_1191 = arith.mulf %exp3A_1179, %div3A_1189 : vector<16xf32>
    tpu.vector_store_idx %arg8[%add3A_1154, %broadcast_in_dim3A_1026], %mul3A_1191 : memref<512x4xf32, #tpu.memory_space<vmem>>[vector<16xi32>, vector<16xi32>], vector<16xf32>,
    %mul3A_1192 = arith.mulf %exp3A_1181, %div3A_1189 : vector<16xf32>
    tpu.vector_store_idx %arg8[%add3A_1154, %broadcast_in_dim3A_1028], %mul3A_1192 : memref<512x4xf32, #tpu.memory_space<vmem>>[vector<16xi32>, vector<16xi32>], vector<16xf32>,
    %mul3A_1193 = arith.mulf %exp3A_1183, %div3A_1189 : vector<16xf32>
    tpu.vector_store_idx %arg8[%add3A_1154, %broadcast_in_dim3A_1030], %mul3A_1193 : memref<512x4xf32, #tpu.memory_space<vmem>>[vector<16xi32>, vector<16xi32>], vector<16xf32>,
    %add3A_1194 = arith.constant 64 : i32
    %add3A_1195 = vector.broadcast %add3A_1194 : i32 to vector<16xi32>
    %add3A_1196 = arith.addi %add3A_1195, %iota3A : vector<16xi32>
    %get3A_1197 = arith.constant 64 : index
    %get3A_1198 = tpu.vector_load %arg6[%get3A_1197] {strides = array<i32>} : memref<512xi32, #tpu.memory_space<vmem>>, vector<16xi32>,
    %add3A_1199 = arith.constant 0 : i32
    %add3A_1200 = vector.broadcast %add3A_1199 : i32 to vector<16xi32>
    %add3A_1201 = arith.addi %get3A_1198, %add3A_1200 : vector<16xi32>
    %gather3A_1202 = tpu.vector_load_idx %arg7[%add3A_1196, %add3A_1201] : memref<512x8xf32, #tpu.memory_space<vmem>>[vector<16xi32>, vector<16xi32>], vector<16xf32>,
    %add3A_1203 = arith.constant 1 : i32
    %add3A_1204 = vector.broadcast %add3A_1203 : i32 to vector<16xi32>
    %add3A_1205 = arith.addi %get3A_1198, %add3A_1204 : vector<16xi32>
    %gather3A_1206 = tpu.vector_load_idx %arg7[%add3A_1196, %add3A_1205] : memref<512x8xf32, #tpu.memory_space<vmem>>[vector<16xi32>, vector<16xi32>], vector<16xf32>,
    %add3A_1207 = arith.constant 2 : i32
    %add3A_1208 = vector.broadcast %add3A_1207 : i32 to vector<16xi32>
    %add3A_1209 = arith.addi %get3A_1198, %add3A_1208 : vector<16xi32>
    %gather3A_1210 = tpu.vector_load_idx %arg7[%add3A_1196, %add3A_1209] : memref<512x8xf32, #tpu.memory_space<vmem>>[vector<16xi32>, vector<16xi32>], vector<16xf32>,
    %add3A_1211 = arith.constant 3 : i32
    %add3A_1212 = vector.broadcast %add3A_1211 : i32 to vector<16xi32>
    %add3A_1213 = arith.addi %get3A_1198, %add3A_1212 : vector<16xi32>
    %gather3A_1214 = tpu.vector_load_idx %arg7[%add3A_1196, %add3A_1213] : memref<512x8xf32, #tpu.memory_space<vmem>>[vector<16xi32>, vector<16xi32>], vector<16xf32>,
    %max3A_1215 = arith.maximumf %gather3A_1202, %gather3A_1206 : vector<16xf32>
    %max3A_1216 = arith.maximumf %gather3A_1210, %gather3A_1214 : vector<16xf32>
    %max3A_1217 = arith.maximumf %max3A_1215, %max3A_1216 : vector<16xf32>
    %sub3A_1218 = arith.subf %gather3A_1202, %max3A_1217 : vector<16xf32>
    %exp3A_1219 = math.exp %sub3A_1218 : vector<16xf32>
    %sub3A_1220 = arith.subf %gather3A_1206, %max3A_1217 : vector<16xf32>
    %exp3A_1221 = math.exp %sub3A_1220 : vector<16xf32>
    %sub3A_1222 = arith.subf %gather3A_1210, %max3A_1217 : vector<16xf32>
    %exp3A_1223 = math.exp %sub3A_1222 : vector<16xf32>
    %sub3A_1224 = arith.subf %gather3A_1214, %max3A_1217 : vector<16xf32>
    %exp3A_1225 = math.exp %sub3A_1224 : vector<16xf32>
    %add3A_1226 = arith.addf %exp3A_1219, %exp3A_1221 : vector<16xf32>
    %add3A_1227 = arith.addf %exp3A_1223, %exp3A_1225 : vector<16xf32>
    %add3A_1228 = arith.addf %add3A_1226, %add3A_1227 : vector<16xf32>
    %div3A_1229 = arith.constant 1.000000e+00 : f32
    %div3A_1230 = vector.broadcast %div3A_1229 : f32 to vector<16xf32>
    %div3A_1231 = arith.divf %div3A_1230, %add3A_1228 : vector<16xf32>
    %mul3A_1232 = arith.mulf %exp3A_1219, %div3A_1231 : vector<16xf32>
    tpu.vector_store_idx %arg8[%add3A_1196, %broadcast_in_dim3A_1024], %mul3A_1232 : memref<512x4xf32, #tpu.memory_space<vmem>>[vector<16xi32>, vector<16xi32>], vector<16xf32>,
    %mul3A_1233 = arith.mulf %exp3A_1221, %div3A_1231 : vector<16xf32>
    tpu.vector_store_idx %arg8[%add3A_1196, %broadcast_in_dim3A_1026], %mul3A_1233 : memref<512x4xf32, #tpu.memory_space<vmem>>[vector<16xi32>, vector<16xi32>], vector<16xf32>,
    %mul3A_1234 = arith.mulf %exp3A_1223, %div3A_1231 : vector<16xf32>
    tpu.vector_store_idx %arg8[%add3A_1196, %broadcast_in_dim3A_1028], %mul3A_1234 : memref<512x4xf32, #tpu.memory_space<vmem>>[vector<16xi32>, vector<16xi32>], vector<16xf32>,
    %mul3A_1235 = arith.mulf %exp3A_1225, %div3A_1231 : vector<16xf32>
    tpu.vector_store_idx %arg8[%add3A_1196, %broadcast_in_dim3A_1030], %mul3A_1235 : memref<512x4xf32, #tpu.memory_space<vmem>>[vector<16xi32>, vector<16xi32>], vector<16xf32>,
    %add3A_1236 = arith.constant 80 : i32
    %add3A_1237 = vector.broadcast %add3A_1236 : i32 to vector<16xi32>
    %add3A_1238 = arith.addi %add3A_1237, %iota3A : vector<16xi32>
    %get3A_1239 = arith.constant 80 : index
    %get3A_1240 = tpu.vector_load %arg6[%get3A_1239] {strides = array<i32>} : memref<512xi32, #tpu.memory_space<vmem>>, vector<16xi32>,
    %add3A_1241 = arith.constant 0 : i32
    %add3A_1242 = vector.broadcast %add3A_1241 : i32 to vector<16xi32>
    %add3A_1243 = arith.addi %get3A_1240, %add3A_1242 : vector<16xi32>
    %gather3A_1244 = tpu.vector_load_idx %arg7[%add3A_1238, %add3A_1243] : memref<512x8xf32, #tpu.memory_space<vmem>>[vector<16xi32>, vector<16xi32>], vector<16xf32>,
    %add3A_1245 = arith.constant 1 : i32
    %add3A_1246 = vector.broadcast %add3A_1245 : i32 to vector<16xi32>
    %add3A_1247 = arith.addi %get3A_1240, %add3A_1246 : vector<16xi32>
    %gather3A_1248 = tpu.vector_load_idx %arg7[%add3A_1238, %add3A_1247] : memref<512x8xf32, #tpu.memory_space<vmem>>[vector<16xi32>, vector<16xi32>], vector<16xf32>,
    %add3A_1249 = arith.constant 2 : i32
    %add3A_1250 = vector.broadcast %add3A_1249 : i32 to vector<16xi32>
    %add3A_1251 = arith.addi %get3A_1240, %add3A_1250 : vector<16xi32>
    %gather3A_1252 = tpu.vector_load_idx %arg7[%add3A_1238, %add3A_1251] : memref<512x8xf32, #tpu.memory_space<vmem>>[vector<16xi32>, vector<16xi32>], vector<16xf32>,
    %add3A_1253 = arith.constant 3 : i32
    %add3A_1254 = vector.broadcast %add3A_1253 : i32 to vector<16xi32>
    %add3A_1255 = arith.addi %get3A_1240, %add3A_1254 : vector<16xi32>
    %gather3A_1256 = tpu.vector_load_idx %arg7[%add3A_1238, %add3A_1255] : memref<512x8xf32, #tpu.memory_space<vmem>>[vector<16xi32>, vector<16xi32>], vector<16xf32>,
    %max3A_1257 = arith.maximumf %gather3A_1244, %gather3A_1248 : vector<16xf32>
    %max3A_1258 = arith.maximumf %gather3A_1252, %gather3A_1256 : vector<16xf32>
    %max3A_1259 = arith.maximumf %max3A_1257, %max3A_1258 : vector<16xf32>
    %sub3A_1260 = arith.subf %gather3A_1244, %max3A_1259 : vector<16xf32>
    %exp3A_1261 = math.exp %sub3A_1260 : vector<16xf32>
    %sub3A_1262 = arith.subf %gather3A_1248, %max3A_1259 : vector<16xf32>
    %exp3A_1263 = math.exp %sub3A_1262 : vector<16xf32>
    %sub3A_1264 = arith.subf %gather3A_1252, %max3A_1259 : vector<16xf32>
    %exp3A_1265 = math.exp %sub3A_1264 : vector<16xf32>
    %sub3A_1266 = arith.subf %gather3A_1256, %max3A_1259 : vector<16xf32>
    %exp3A_1267 = math.exp %sub3A_1266 : vector<16xf32>
    %add3A_1268 = arith.addf %exp3A_1261, %exp3A_1263 : vector<16xf32>
    %add3A_1269 = arith.addf %exp3A_1265, %exp3A_1267 : vector<16xf32>
    %add3A_1270 = arith.addf %add3A_1268, %add3A_1269 : vector<16xf32>
    %div3A_1271 = arith.constant 1.000000e+00 : f32
    %div3A_1272 = vector.broadcast %div3A_1271 : f32 to vector<16xf32>
    %div3A_1273 = arith.divf %div3A_1272, %add3A_1270 : vector<16xf32>
    %mul3A_1274 = arith.mulf %exp3A_1261, %div3A_1273 : vector<16xf32>
    tpu.vector_store_idx %arg8[%add3A_1238, %broadcast_in_dim3A_1024], %mul3A_1274 : memref<512x4xf32, #tpu.memory_space<vmem>>[vector<16xi32>, vector<16xi32>], vector<16xf32>,
    %mul3A_1275 = arith.mulf %exp3A_1263, %div3A_1273 : vector<16xf32>
    tpu.vector_store_idx %arg8[%add3A_1238, %broadcast_in_dim3A_1026], %mul3A_1275 : memref<512x4xf32, #tpu.memory_space<vmem>>[vector<16xi32>, vector<16xi32>], vector<16xf32>,
    %mul3A_1276 = arith.mulf %exp3A_1265, %div3A_1273 : vector<16xf32>
    tpu.vector_store_idx %arg8[%add3A_1238, %broadcast_in_dim3A_1028], %mul3A_1276 : memref<512x4xf32, #tpu.memory_space<vmem>>[vector<16xi32>, vector<16xi32>], vector<16xf32>,
    %mul3A_1277 = arith.mulf %exp3A_1267, %div3A_1273 : vector<16xf32>
    tpu.vector_store_idx %arg8[%add3A_1238, %broadcast_in_dim3A_1030], %mul3A_1277 : memref<512x4xf32, #tpu.memory_space<vmem>>[vector<16xi32>, vector<16xi32>], vector<16xf32>,
    %add3A_1278 = arith.constant 96 : i32
    %add3A_1279 = vector.broadcast %add3A_1278 : i32 to vector<16xi32>
    %add3A_1280 = arith.addi %add3A_1279, %iota3A : vector<16xi32>
    %get3A_1281 = arith.constant 96 : index
    %get3A_1282 = tpu.vector_load %arg6[%get3A_1281] {strides = array<i32>} : memref<512xi32, #tpu.memory_space<vmem>>, vector<16xi32>,
    %add3A_1283 = arith.constant 0 : i32
    %add3A_1284 = vector.broadcast %add3A_1283 : i32 to vector<16xi32>
    %add3A_1285 = arith.addi %get3A_1282, %add3A_1284 : vector<16xi32>
    %gather3A_1286 = tpu.vector_load_idx %arg7[%add3A_1280, %add3A_1285] : memref<512x8xf32, #tpu.memory_space<vmem>>[vector<16xi32>, vector<16xi32>], vector<16xf32>,
    %add3A_1287 = arith.constant 1 : i32
    %add3A_1288 = vector.broadcast %add3A_1287 : i32 to vector<16xi32>
    %add3A_1289 = arith.addi %get3A_1282, %add3A_1288 : vector<16xi32>
    %gather3A_1290 = tpu.vector_load_idx %arg7[%add3A_1280, %add3A_1289] : memref<512x8xf32, #tpu.memory_space<vmem>>[vector<16xi32>, vector<16xi32>], vector<16xf32>,
    %add3A_1291 = arith.constant 2 : i32
    %add3A_1292 = vector.broadcast %add3A_1291 : i32 to vector<16xi32>
    %add3A_1293 = arith.addi %get3A_1282, %add3A_1292 : vector<16xi32>
    %gather3A_1294 = tpu.vector_load_idx %arg7[%add3A_1280, %add3A_1293] : memref<512x8xf32, #tpu.memory_space<vmem>>[vector<16xi32>, vector<16xi32>], vector<16xf32>,
    %add3A_1295 = arith.constant 3 : i32
    %add3A_1296 = vector.broadcast %add3A_1295 : i32 to vector<16xi32>
    %add3A_1297 = arith.addi %get3A_1282, %add3A_1296 : vector<16xi32>
    %gather3A_1298 = tpu.vector_load_idx %arg7[%add3A_1280, %add3A_1297] : memref<512x8xf32, #tpu.memory_space<vmem>>[vector<16xi32>, vector<16xi32>], vector<16xf32>,
    %max3A_1299 = arith.maximumf %gather3A_1286, %gather3A_1290 : vector<16xf32>
    %max3A_1300 = arith.maximumf %gather3A_1294, %gather3A_1298 : vector<16xf32>
    %max3A_1301 = arith.maximumf %max3A_1299, %max3A_1300 : vector<16xf32>
    %sub3A_1302 = arith.subf %gather3A_1286, %max3A_1301 : vector<16xf32>
    %exp3A_1303 = math.exp %sub3A_1302 : vector<16xf32>
    %sub3A_1304 = arith.subf %gather3A_1290, %max3A_1301 : vector<16xf32>
    %exp3A_1305 = math.exp %sub3A_1304 : vector<16xf32>
    %sub3A_1306 = arith.subf %gather3A_1294, %max3A_1301 : vector<16xf32>
    %exp3A_1307 = math.exp %sub3A_1306 : vector<16xf32>
    %sub3A_1308 = arith.subf %gather3A_1298, %max3A_1301 : vector<16xf32>
    %exp3A_1309 = math.exp %sub3A_1308 : vector<16xf32>
    %add3A_1310 = arith.addf %exp3A_1303, %exp3A_1305 : vector<16xf32>
    %add3A_1311 = arith.addf %exp3A_1307, %exp3A_1309 : vector<16xf32>
    %add3A_1312 = arith.addf %add3A_1310, %add3A_1311 : vector<16xf32>
    %div3A_1313 = arith.constant 1.000000e+00 : f32
    %div3A_1314 = vector.broadcast %div3A_1313 : f32 to vector<16xf32>
    %div3A_1315 = arith.divf %div3A_1314, %add3A_1312 : vector<16xf32>
    %mul3A_1316 = arith.mulf %exp3A_1303, %div3A_1315 : vector<16xf32>
    tpu.vector_store_idx %arg8[%add3A_1280, %broadcast_in_dim3A_1024], %mul3A_1316 : memref<512x4xf32, #tpu.memory_space<vmem>>[vector<16xi32>, vector<16xi32>], vector<16xf32>,
    %mul3A_1317 = arith.mulf %exp3A_1305, %div3A_1315 : vector<16xf32>
    tpu.vector_store_idx %arg8[%add3A_1280, %broadcast_in_dim3A_1026], %mul3A_1317 : memref<512x4xf32, #tpu.memory_space<vmem>>[vector<16xi32>, vector<16xi32>], vector<16xf32>,
    %mul3A_1318 = arith.mulf %exp3A_1307, %div3A_1315 : vector<16xf32>
    tpu.vector_store_idx %arg8[%add3A_1280, %broadcast_in_dim3A_1028], %mul3A_1318 : memref<512x4xf32, #tpu.memory_space<vmem>>[vector<16xi32>, vector<16xi32>], vector<16xf32>,
    %mul3A_1319 = arith.mulf %exp3A_1309, %div3A_1315 : vector<16xf32>
    tpu.vector_store_idx %arg8[%add3A_1280, %broadcast_in_dim3A_1030], %mul3A_1319 : memref<512x4xf32, #tpu.memory_space<vmem>>[vector<16xi32>, vector<16xi32>], vector<16xf32>,
    %add3A_1320 = arith.constant 112 : i32
    %add3A_1321 = vector.broadcast %add3A_1320 : i32 to vector<16xi32>
    %add3A_1322 = arith.addi %add3A_1321, %iota3A : vector<16xi32>
    %get3A_1323 = arith.constant 112 : index
    %get3A_1324 = tpu.vector_load %arg6[%get3A_1323] {strides = array<i32>} : memref<512xi32, #tpu.memory_space<vmem>>, vector<16xi32>,
    %add3A_1325 = arith.constant 0 : i32
    %add3A_1326 = vector.broadcast %add3A_1325 : i32 to vector<16xi32>
    %add3A_1327 = arith.addi %get3A_1324, %add3A_1326 : vector<16xi32>
    %gather3A_1328 = tpu.vector_load_idx %arg7[%add3A_1322, %add3A_1327] : memref<512x8xf32, #tpu.memory_space<vmem>>[vector<16xi32>, vector<16xi32>], vector<16xf32>,
    %add3A_1329 = arith.constant 1 : i32
    %add3A_1330 = vector.broadcast %add3A_1329 : i32 to vector<16xi32>
    %add3A_1331 = arith.addi %get3A_1324, %add3A_1330 : vector<16xi32>
    %gather3A_1332 = tpu.vector_load_idx %arg7[%add3A_1322, %add3A_1331] : memref<512x8xf32, #tpu.memory_space<vmem>>[vector<16xi32>, vector<16xi32>], vector<16xf32>,
    %add3A_1333 = arith.constant 2 : i32
    %add3A_1334 = vector.broadcast %add3A_1333 : i32 to vector<16xi32>
    %add3A_1335 = arith.addi %get3A_1324, %add3A_1334 : vector<16xi32>
    %gather3A_1336 = tpu.vector_load_idx %arg7[%add3A_1322, %add3A_1335] : memref<512x8xf32, #tpu.memory_space<vmem>>[vector<16xi32>, vector<16xi32>], vector<16xf32>,
    %add3A_1337 = arith.constant 3 : i32
    %add3A_1338 = vector.broadcast %add3A_1337 : i32 to vector<16xi32>
    %add3A_1339 = arith.addi %get3A_1324, %add3A_1338 : vector<16xi32>
    %gather3A_1340 = tpu.vector_load_idx %arg7[%add3A_1322, %add3A_1339] : memref<512x8xf32, #tpu.memory_space<vmem>>[vector<16xi32>, vector<16xi32>], vector<16xf32>,
    %max3A_1341 = arith.maximumf %gather3A_1328, %gather3A_1332 : vector<16xf32>
    %max3A_1342 = arith.maximumf %gather3A_1336, %gather3A_1340 : vector<16xf32>
    %max3A_1343 = arith.maximumf %max3A_1341, %max3A_1342 : vector<16xf32>
    %sub3A_1344 = arith.subf %gather3A_1328, %max3A_1343 : vector<16xf32>
    %exp3A_1345 = math.exp %sub3A_1344 : vector<16xf32>
    %sub3A_1346 = arith.subf %gather3A_1332, %max3A_1343 : vector<16xf32>
    %exp3A_1347 = math.exp %sub3A_1346 : vector<16xf32>
    %sub3A_1348 = arith.subf %gather3A_1336, %max3A_1343 : vector<16xf32>
    %exp3A_1349 = math.exp %sub3A_1348 : vector<16xf32>
    %sub3A_1350 = arith.subf %gather3A_1340, %max3A_1343 : vector<16xf32>
    %exp3A_1351 = math.exp %sub3A_1350 : vector<16xf32>
    %add3A_1352 = arith.addf %exp3A_1345, %exp3A_1347 : vector<16xf32>
    %add3A_1353 = arith.addf %exp3A_1349, %exp3A_1351 : vector<16xf32>
    %add3A_1354 = arith.addf %add3A_1352, %add3A_1353 : vector<16xf32>
    %div3A_1355 = arith.constant 1.000000e+00 : f32
    %div3A_1356 = vector.broadcast %div3A_1355 : f32 to vector<16xf32>
    %div3A_1357 = arith.divf %div3A_1356, %add3A_1354 : vector<16xf32>
    %mul3A_1358 = arith.mulf %exp3A_1345, %div3A_1357 : vector<16xf32>
    tpu.vector_store_idx %arg8[%add3A_1322, %broadcast_in_dim3A_1024], %mul3A_1358 : memref<512x4xf32, #tpu.memory_space<vmem>>[vector<16xi32>, vector<16xi32>], vector<16xf32>,
    %mul3A_1359 = arith.mulf %exp3A_1347, %div3A_1357 : vector<16xf32>
    tpu.vector_store_idx %arg8[%add3A_1322, %broadcast_in_dim3A_1026], %mul3A_1359 : memref<512x4xf32, #tpu.memory_space<vmem>>[vector<16xi32>, vector<16xi32>], vector<16xf32>,
    %mul3A_1360 = arith.mulf %exp3A_1349, %div3A_1357 : vector<16xf32>
    tpu.vector_store_idx %arg8[%add3A_1322, %broadcast_in_dim3A_1028], %mul3A_1360 : memref<512x4xf32, #tpu.memory_space<vmem>>[vector<16xi32>, vector<16xi32>], vector<16xf32>,
    %mul3A_1361 = arith.mulf %exp3A_1351, %div3A_1357 : vector<16xf32>
    tpu.vector_store_idx %arg8[%add3A_1322, %broadcast_in_dim3A_1030], %mul3A_1361 : memref<512x4xf32, #tpu.memory_space<vmem>>[vector<16xi32>, vector<16xi32>], vector<16xf32>,
    %add3A_1362 = arith.constant 128 : i32
    %add3A_1363 = vector.broadcast %add3A_1362 : i32 to vector<16xi32>
    %add3A_1364 = arith.addi %add3A_1363, %iota3A : vector<16xi32>
    %get3A_1365 = arith.constant 128 : index
    %get3A_1366 = tpu.vector_load %arg6[%get3A_1365] {strides = array<i32>} : memref<512xi32, #tpu.memory_space<vmem>>, vector<16xi32>,
    %add3A_1367 = arith.constant 0 : i32
    %add3A_1368 = vector.broadcast %add3A_1367 : i32 to vector<16xi32>
    %add3A_1369 = arith.addi %get3A_1366, %add3A_1368 : vector<16xi32>
    %gather3A_1370 = tpu.vector_load_idx %arg7[%add3A_1364, %add3A_1369] : memref<512x8xf32, #tpu.memory_space<vmem>>[vector<16xi32>, vector<16xi32>], vector<16xf32>,
    %add3A_1371 = arith.constant 1 : i32
    %add3A_1372 = vector.broadcast %add3A_1371 : i32 to vector<16xi32>
    %add3A_1373 = arith.addi %get3A_1366, %add3A_1372 : vector<16xi32>
    %gather3A_1374 = tpu.vector_load_idx %arg7[%add3A_1364, %add3A_1373] : memref<512x8xf32, #tpu.memory_space<vmem>>[vector<16xi32>, vector<16xi32>], vector<16xf32>,
    %add3A_1375 = arith.constant 2 : i32
    %add3A_1376 = vector.broadcast %add3A_1375 : i32 to vector<16xi32>
    %add3A_1377 = arith.addi %get3A_1366, %add3A_1376 : vector<16xi32>
    %gather3A_1378 = tpu.vector_load_idx %arg7[%add3A_1364, %add3A_1377] : memref<512x8xf32, #tpu.memory_space<vmem>>[vector<16xi32>, vector<16xi32>], vector<16xf32>,
    %add3A_1379 = arith.constant 3 : i32
    %add3A_1380 = vector.broadcast %add3A_1379 : i32 to vector<16xi32>
    %add3A_1381 = arith.addi %get3A_1366, %add3A_1380 : vector<16xi32>
    %gather3A_1382 = tpu.vector_load_idx %arg7[%add3A_1364, %add3A_1381] : memref<512x8xf32, #tpu.memory_space<vmem>>[vector<16xi32>, vector<16xi32>], vector<16xf32>,
    %max3A_1383 = arith.maximumf %gather3A_1370, %gather3A_1374 : vector<16xf32>
    %max3A_1384 = arith.maximumf %gather3A_1378, %gather3A_1382 : vector<16xf32>
    %max3A_1385 = arith.maximumf %max3A_1383, %max3A_1384 : vector<16xf32>
    %sub3A_1386 = arith.subf %gather3A_1370, %max3A_1385 : vector<16xf32>
    %exp3A_1387 = math.exp %sub3A_1386 : vector<16xf32>
    %sub3A_1388 = arith.subf %gather3A_1374, %max3A_1385 : vector<16xf32>
    %exp3A_1389 = math.exp %sub3A_1388 : vector<16xf32>
    %sub3A_1390 = arith.subf %gather3A_1378, %max3A_1385 : vector<16xf32>
    %exp3A_1391 = math.exp %sub3A_1390 : vector<16xf32>
    %sub3A_1392 = arith.subf %gather3A_1382, %max3A_1385 : vector<16xf32>
    %exp3A_1393 = math.exp %sub3A_1392 : vector<16xf32>
    %add3A_1394 = arith.addf %exp3A_1387, %exp3A_1389 : vector<16xf32>
    %add3A_1395 = arith.addf %exp3A_1391, %exp3A_1393 : vector<16xf32>
    %add3A_1396 = arith.addf %add3A_1394, %add3A_1395 : vector<16xf32>
    %div3A_1397 = arith.constant 1.000000e+00 : f32
    %div3A_1398 = vector.broadcast %div3A_1397 : f32 to vector<16xf32>
    %div3A_1399 = arith.divf %div3A_1398, %add3A_1396 : vector<16xf32>
    %mul3A_1400 = arith.mulf %exp3A_1387, %div3A_1399 : vector<16xf32>
    tpu.vector_store_idx %arg8[%add3A_1364, %broadcast_in_dim3A_1024], %mul3A_1400 : memref<512x4xf32, #tpu.memory_space<vmem>>[vector<16xi32>, vector<16xi32>], vector<16xf32>,
    %mul3A_1401 = arith.mulf %exp3A_1389, %div3A_1399 : vector<16xf32>
    tpu.vector_store_idx %arg8[%add3A_1364, %broadcast_in_dim3A_1026], %mul3A_1401 : memref<512x4xf32, #tpu.memory_space<vmem>>[vector<16xi32>, vector<16xi32>], vector<16xf32>,
    %mul3A_1402 = arith.mulf %exp3A_1391, %div3A_1399 : vector<16xf32>
    tpu.vector_store_idx %arg8[%add3A_1364, %broadcast_in_dim3A_1028], %mul3A_1402 : memref<512x4xf32, #tpu.memory_space<vmem>>[vector<16xi32>, vector<16xi32>], vector<16xf32>,
    %mul3A_1403 = arith.mulf %exp3A_1393, %div3A_1399 : vector<16xf32>
    tpu.vector_store_idx %arg8[%add3A_1364, %broadcast_in_dim3A_1030], %mul3A_1403 : memref<512x4xf32, #tpu.memory_space<vmem>>[vector<16xi32>, vector<16xi32>], vector<16xf32>,
    %add3A_1404 = arith.constant 144 : i32
    %add3A_1405 = vector.broadcast %add3A_1404 : i32 to vector<16xi32>
    %add3A_1406 = arith.addi %add3A_1405, %iota3A : vector<16xi32>
    %get3A_1407 = arith.constant 144 : index
    %get3A_1408 = tpu.vector_load %arg6[%get3A_1407] {strides = array<i32>} : memref<512xi32, #tpu.memory_space<vmem>>, vector<16xi32>,
    %add3A_1409 = arith.constant 0 : i32
    %add3A_1410 = vector.broadcast %add3A_1409 : i32 to vector<16xi32>
    %add3A_1411 = arith.addi %get3A_1408, %add3A_1410 : vector<16xi32>
    %gather3A_1412 = tpu.vector_load_idx %arg7[%add3A_1406, %add3A_1411] : memref<512x8xf32, #tpu.memory_space<vmem>>[vector<16xi32>, vector<16xi32>], vector<16xf32>,
    %add3A_1413 = arith.constant 1 : i32
    %add3A_1414 = vector.broadcast %add3A_1413 : i32 to vector<16xi32>
    %add3A_1415 = arith.addi %get3A_1408, %add3A_1414 : vector<16xi32>
    %gather3A_1416 = tpu.vector_load_idx %arg7[%add3A_1406, %add3A_1415] : memref<512x8xf32, #tpu.memory_space<vmem>>[vector<16xi32>, vector<16xi32>], vector<16xf32>,
    %add3A_1417 = arith.constant 2 : i32
    %add3A_1418 = vector.broadcast %add3A_1417 : i32 to vector<16xi32>
    %add3A_1419 = arith.addi %get3A_1408, %add3A_1418 : vector<16xi32>
    %gather3A_1420 = tpu.vector_load_idx %arg7[%add3A_1406, %add3A_1419] : memref<512x8xf32, #tpu.memory_space<vmem>>[vector<16xi32>, vector<16xi32>], vector<16xf32>,
    %add3A_1421 = arith.constant 3 : i32
    %add3A_1422 = vector.broadcast %add3A_1421 : i32 to vector<16xi32>
    %add3A_1423 = arith.addi %get3A_1408, %add3A_1422 : vector<16xi32>
    %gather3A_1424 = tpu.vector_load_idx %arg7[%add3A_1406, %add3A_1423] : memref<512x8xf32, #tpu.memory_space<vmem>>[vector<16xi32>, vector<16xi32>], vector<16xf32>,
    %max3A_1425 = arith.maximumf %gather3A_1412, %gather3A_1416 : vector<16xf32>
    %max3A_1426 = arith.maximumf %gather3A_1420, %gather3A_1424 : vector<16xf32>
    %max3A_1427 = arith.maximumf %max3A_1425, %max3A_1426 : vector<16xf32>
    %sub3A_1428 = arith.subf %gather3A_1412, %max3A_1427 : vector<16xf32>
    %exp3A_1429 = math.exp %sub3A_1428 : vector<16xf32>
    %sub3A_1430 = arith.subf %gather3A_1416, %max3A_1427 : vector<16xf32>
    %exp3A_1431 = math.exp %sub3A_1430 : vector<16xf32>
    %sub3A_1432 = arith.subf %gather3A_1420, %max3A_1427 : vector<16xf32>
    %exp3A_1433 = math.exp %sub3A_1432 : vector<16xf32>
    %sub3A_1434 = arith.subf %gather3A_1424, %max3A_1427 : vector<16xf32>
    %exp3A_1435 = math.exp %sub3A_1434 : vector<16xf32>
    %add3A_1436 = arith.addf %exp3A_1429, %exp3A_1431 : vector<16xf32>
    %add3A_1437 = arith.addf %exp3A_1433, %exp3A_1435 : vector<16xf32>
    %add3A_1438 = arith.addf %add3A_1436, %add3A_1437 : vector<16xf32>
    %div3A_1439 = arith.constant 1.000000e+00 : f32
    %div3A_1440 = vector.broadcast %div3A_1439 : f32 to vector<16xf32>
    %div3A_1441 = arith.divf %div3A_1440, %add3A_1438 : vector<16xf32>
    %mul3A_1442 = arith.mulf %exp3A_1429, %div3A_1441 : vector<16xf32>
    tpu.vector_store_idx %arg8[%add3A_1406, %broadcast_in_dim3A_1024], %mul3A_1442 : memref<512x4xf32, #tpu.memory_space<vmem>>[vector<16xi32>, vector<16xi32>], vector<16xf32>,
    %mul3A_1443 = arith.mulf %exp3A_1431, %div3A_1441 : vector<16xf32>
    tpu.vector_store_idx %arg8[%add3A_1406, %broadcast_in_dim3A_1026], %mul3A_1443 : memref<512x4xf32, #tpu.memory_space<vmem>>[vector<16xi32>, vector<16xi32>], vector<16xf32>,
    %mul3A_1444 = arith.mulf %exp3A_1433, %div3A_1441 : vector<16xf32>
    tpu.vector_store_idx %arg8[%add3A_1406, %broadcast_in_dim3A_1028], %mul3A_1444 : memref<512x4xf32, #tpu.memory_space<vmem>>[vector<16xi32>, vector<16xi32>], vector<16xf32>,
    %mul3A_1445 = arith.mulf %exp3A_1435, %div3A_1441 : vector<16xf32>
    tpu.vector_store_idx %arg8[%add3A_1406, %broadcast_in_dim3A_1030], %mul3A_1445 : memref<512x4xf32, #tpu.memory_space<vmem>>[vector<16xi32>, vector<16xi32>], vector<16xf32>,
    %add3A_1446 = arith.constant 160 : i32
    %add3A_1447 = vector.broadcast %add3A_1446 : i32 to vector<16xi32>
    %add3A_1448 = arith.addi %add3A_1447, %iota3A : vector<16xi32>
    %get3A_1449 = arith.constant 160 : index
    %get3A_1450 = tpu.vector_load %arg6[%get3A_1449] {strides = array<i32>} : memref<512xi32, #tpu.memory_space<vmem>>, vector<16xi32>,
    %add3A_1451 = arith.constant 0 : i32
    %add3A_1452 = vector.broadcast %add3A_1451 : i32 to vector<16xi32>
    %add3A_1453 = arith.addi %get3A_1450, %add3A_1452 : vector<16xi32>
    %gather3A_1454 = tpu.vector_load_idx %arg7[%add3A_1448, %add3A_1453] : memref<512x8xf32, #tpu.memory_space<vmem>>[vector<16xi32>, vector<16xi32>], vector<16xf32>,
    %add3A_1455 = arith.constant 1 : i32
    %add3A_1456 = vector.broadcast %add3A_1455 : i32 to vector<16xi32>
    %add3A_1457 = arith.addi %get3A_1450, %add3A_1456 : vector<16xi32>
    %gather3A_1458 = tpu.vector_load_idx %arg7[%add3A_1448, %add3A_1457] : memref<512x8xf32, #tpu.memory_space<vmem>>[vector<16xi32>, vector<16xi32>], vector<16xf32>,
    %add3A_1459 = arith.constant 2 : i32
    %add3A_1460 = vector.broadcast %add3A_1459 : i32 to vector<16xi32>
    %add3A_1461 = arith.addi %get3A_1450, %add3A_1460 : vector<16xi32>
    %gather3A_1462 = tpu.vector_load_idx %arg7[%add3A_1448, %add3A_1461] : memref<512x8xf32, #tpu.memory_space<vmem>>[vector<16xi32>, vector<16xi32>], vector<16xf32>,
    %add3A_1463 = arith.constant 3 : i32
    %add3A_1464 = vector.broadcast %add3A_1463 : i32 to vector<16xi32>
    %add3A_1465 = arith.addi %get3A_1450, %add3A_1464 : vector<16xi32>
    %gather3A_1466 = tpu.vector_load_idx %arg7[%add3A_1448, %add3A_1465] : memref<512x8xf32, #tpu.memory_space<vmem>>[vector<16xi32>, vector<16xi32>], vector<16xf32>,
    %max3A_1467 = arith.maximumf %gather3A_1454, %gather3A_1458 : vector<16xf32>
    %max3A_1468 = arith.maximumf %gather3A_1462, %gather3A_1466 : vector<16xf32>
    %max3A_1469 = arith.maximumf %max3A_1467, %max3A_1468 : vector<16xf32>
    %sub3A_1470 = arith.subf %gather3A_1454, %max3A_1469 : vector<16xf32>
    %exp3A_1471 = math.exp %sub3A_1470 : vector<16xf32>
    %sub3A_1472 = arith.subf %gather3A_1458, %max3A_1469 : vector<16xf32>
    %exp3A_1473 = math.exp %sub3A_1472 : vector<16xf32>
    %sub3A_1474 = arith.subf %gather3A_1462, %max3A_1469 : vector<16xf32>
    %exp3A_1475 = math.exp %sub3A_1474 : vector<16xf32>
    %sub3A_1476 = arith.subf %gather3A_1466, %max3A_1469 : vector<16xf32>
    %exp3A_1477 = math.exp %sub3A_1476 : vector<16xf32>
    %add3A_1478 = arith.addf %exp3A_1471, %exp3A_1473 : vector<16xf32>
    %add3A_1479 = arith.addf %exp3A_1475, %exp3A_1477 : vector<16xf32>
    %add3A_1480 = arith.addf %add3A_1478, %add3A_1479 : vector<16xf32>
    %div3A_1481 = arith.constant 1.000000e+00 : f32
    %div3A_1482 = vector.broadcast %div3A_1481 : f32 to vector<16xf32>
    %div3A_1483 = arith.divf %div3A_1482, %add3A_1480 : vector<16xf32>
    %mul3A_1484 = arith.mulf %exp3A_1471, %div3A_1483 : vector<16xf32>
    tpu.vector_store_idx %arg8[%add3A_1448, %broadcast_in_dim3A_1024], %mul3A_1484 : memref<512x4xf32, #tpu.memory_space<vmem>>[vector<16xi32>, vector<16xi32>], vector<16xf32>,
    %mul3A_1485 = arith.mulf %exp3A_1473, %div3A_1483 : vector<16xf32>
    tpu.vector_store_idx %arg8[%add3A_1448, %broadcast_in_dim3A_1026], %mul3A_1485 : memref<512x4xf32, #tpu.memory_space<vmem>>[vector<16xi32>, vector<16xi32>], vector<16xf32>,
    %mul3A_1486 = arith.mulf %exp3A_1475, %div3A_1483 : vector<16xf32>
    tpu.vector_store_idx %arg8[%add3A_1448, %broadcast_in_dim3A_1028], %mul3A_1486 : memref<512x4xf32, #tpu.memory_space<vmem>>[vector<16xi32>, vector<16xi32>], vector<16xf32>,
    %mul3A_1487 = arith.mulf %exp3A_1477, %div3A_1483 : vector<16xf32>
    tpu.vector_store_idx %arg8[%add3A_1448, %broadcast_in_dim3A_1030], %mul3A_1487 : memref<512x4xf32, #tpu.memory_space<vmem>>[vector<16xi32>, vector<16xi32>], vector<16xf32>,
    %add3A_1488 = arith.constant 176 : i32
    %add3A_1489 = vector.broadcast %add3A_1488 : i32 to vector<16xi32>
    %add3A_1490 = arith.addi %add3A_1489, %iota3A : vector<16xi32>
    %get3A_1491 = arith.constant 176 : index
    %get3A_1492 = tpu.vector_load %arg6[%get3A_1491] {strides = array<i32>} : memref<512xi32, #tpu.memory_space<vmem>>, vector<16xi32>,
    %add3A_1493 = arith.constant 0 : i32
    %add3A_1494 = vector.broadcast %add3A_1493 : i32 to vector<16xi32>
    %add3A_1495 = arith.addi %get3A_1492, %add3A_1494 : vector<16xi32>
    %gather3A_1496 = tpu.vector_load_idx %arg7[%add3A_1490, %add3A_1495] : memref<512x8xf32, #tpu.memory_space<vmem>>[vector<16xi32>, vector<16xi32>], vector<16xf32>,
    %add3A_1497 = arith.constant 1 : i32
    %add3A_1498 = vector.broadcast %add3A_1497 : i32 to vector<16xi32>
    %add3A_1499 = arith.addi %get3A_1492, %add3A_1498 : vector<16xi32>
    %gather3A_1500 = tpu.vector_load_idx %arg7[%add3A_1490, %add3A_1499] : memref<512x8xf32, #tpu.memory_space<vmem>>[vector<16xi32>, vector<16xi32>], vector<16xf32>,
    %add3A_1501 = arith.constant 2 : i32
    %add3A_1502 = vector.broadcast %add3A_1501 : i32 to vector<16xi32>
    %add3A_1503 = arith.addi %get3A_1492, %add3A_1502 : vector<16xi32>
    %gather3A_1504 = tpu.vector_load_idx %arg7[%add3A_1490, %add3A_1503] : memref<512x8xf32, #tpu.memory_space<vmem>>[vector<16xi32>, vector<16xi32>], vector<16xf32>,
    %add3A_1505 = arith.constant 3 : i32
    %add3A_1506 = vector.broadcast %add3A_1505 : i32 to vector<16xi32>
    %add3A_1507 = arith.addi %get3A_1492, %add3A_1506 : vector<16xi32>
    %gather3A_1508 = tpu.vector_load_idx %arg7[%add3A_1490, %add3A_1507] : memref<512x8xf32, #tpu.memory_space<vmem>>[vector<16xi32>, vector<16xi32>], vector<16xf32>,
    %max3A_1509 = arith.maximumf %gather3A_1496, %gather3A_1500 : vector<16xf32>
    %max3A_1510 = arith.maximumf %gather3A_1504, %gather3A_1508 : vector<16xf32>
    %max3A_1511 = arith.maximumf %max3A_1509, %max3A_1510 : vector<16xf32>
    %sub3A_1512 = arith.subf %gather3A_1496, %max3A_1511 : vector<16xf32>
    %exp3A_1513 = math.exp %sub3A_1512 : vector<16xf32>
    %sub3A_1514 = arith.subf %gather3A_1500, %max3A_1511 : vector<16xf32>
    %exp3A_1515 = math.exp %sub3A_1514 : vector<16xf32>
    %sub3A_1516 = arith.subf %gather3A_1504, %max3A_1511 : vector<16xf32>
    %exp3A_1517 = math.exp %sub3A_1516 : vector<16xf32>
    %sub3A_1518 = arith.subf %gather3A_1508, %max3A_1511 : vector<16xf32>
    %exp3A_1519 = math.exp %sub3A_1518 : vector<16xf32>
    %add3A_1520 = arith.addf %exp3A_1513, %exp3A_1515 : vector<16xf32>
    %add3A_1521 = arith.addf %exp3A_1517, %exp3A_1519 : vector<16xf32>
    %add3A_1522 = arith.addf %add3A_1520, %add3A_1521 : vector<16xf32>
    %div3A_1523 = arith.constant 1.000000e+00 : f32
    %div3A_1524 = vector.broadcast %div3A_1523 : f32 to vector<16xf32>
    %div3A_1525 = arith.divf %div3A_1524, %add3A_1522 : vector<16xf32>
    %mul3A_1526 = arith.mulf %exp3A_1513, %div3A_1525 : vector<16xf32>
    tpu.vector_store_idx %arg8[%add3A_1490, %broadcast_in_dim3A_1024], %mul3A_1526 : memref<512x4xf32, #tpu.memory_space<vmem>>[vector<16xi32>, vector<16xi32>], vector<16xf32>,
    %mul3A_1527 = arith.mulf %exp3A_1515, %div3A_1525 : vector<16xf32>
    tpu.vector_store_idx %arg8[%add3A_1490, %broadcast_in_dim3A_1026], %mul3A_1527 : memref<512x4xf32, #tpu.memory_space<vmem>>[vector<16xi32>, vector<16xi32>], vector<16xf32>,
    %mul3A_1528 = arith.mulf %exp3A_1517, %div3A_1525 : vector<16xf32>
    tpu.vector_store_idx %arg8[%add3A_1490, %broadcast_in_dim3A_1028], %mul3A_1528 : memref<512x4xf32, #tpu.memory_space<vmem>>[vector<16xi32>, vector<16xi32>], vector<16xf32>,
    %mul3A_1529 = arith.mulf %exp3A_1519, %div3A_1525 : vector<16xf32>
    tpu.vector_store_idx %arg8[%add3A_1490, %broadcast_in_dim3A_1030], %mul3A_1529 : memref<512x4xf32, #tpu.memory_space<vmem>>[vector<16xi32>, vector<16xi32>], vector<16xf32>,
    %add3A_1530 = arith.constant 192 : i32
    %add3A_1531 = vector.broadcast %add3A_1530 : i32 to vector<16xi32>
    %add3A_1532 = arith.addi %add3A_1531, %iota3A : vector<16xi32>
    %get3A_1533 = arith.constant 192 : index
    %get3A_1534 = tpu.vector_load %arg6[%get3A_1533] {strides = array<i32>} : memref<512xi32, #tpu.memory_space<vmem>>, vector<16xi32>,
    %add3A_1535 = arith.constant 0 : i32
    %add3A_1536 = vector.broadcast %add3A_1535 : i32 to vector<16xi32>
    %add3A_1537 = arith.addi %get3A_1534, %add3A_1536 : vector<16xi32>
    %gather3A_1538 = tpu.vector_load_idx %arg7[%add3A_1532, %add3A_1537] : memref<512x8xf32, #tpu.memory_space<vmem>>[vector<16xi32>, vector<16xi32>], vector<16xf32>,
    %add3A_1539 = arith.constant 1 : i32
    %add3A_1540 = vector.broadcast %add3A_1539 : i32 to vector<16xi32>
    %add3A_1541 = arith.addi %get3A_1534, %add3A_1540 : vector<16xi32>
    %gather3A_1542 = tpu.vector_load_idx %arg7[%add3A_1532, %add3A_1541] : memref<512x8xf32, #tpu.memory_space<vmem>>[vector<16xi32>, vector<16xi32>], vector<16xf32>,
    %add3A_1543 = arith.constant 2 : i32
    %add3A_1544 = vector.broadcast %add3A_1543 : i32 to vector<16xi32>
    %add3A_1545 = arith.addi %get3A_1534, %add3A_1544 : vector<16xi32>
    %gather3A_1546 = tpu.vector_load_idx %arg7[%add3A_1532, %add3A_1545] : memref<512x8xf32, #tpu.memory_space<vmem>>[vector<16xi32>, vector<16xi32>], vector<16xf32>,
    %add3A_1547 = arith.constant 3 : i32
    %add3A_1548 = vector.broadcast %add3A_1547 : i32 to vector<16xi32>
    %add3A_1549 = arith.addi %get3A_1534, %add3A_1548 : vector<16xi32>
    %gather3A_1550 = tpu.vector_load_idx %arg7[%add3A_1532, %add3A_1549] : memref<512x8xf32, #tpu.memory_space<vmem>>[vector<16xi32>, vector<16xi32>], vector<16xf32>,
    %max3A_1551 = arith.maximumf %gather3A_1538, %gather3A_1542 : vector<16xf32>
    %max3A_1552 = arith.maximumf %gather3A_1546, %gather3A_1550 : vector<16xf32>
    %max3A_1553 = arith.maximumf %max3A_1551, %max3A_1552 : vector<16xf32>
    %sub3A_1554 = arith.subf %gather3A_1538, %max3A_1553 : vector<16xf32>
    %exp3A_1555 = math.exp %sub3A_1554 : vector<16xf32>
    %sub3A_1556 = arith.subf %gather3A_1542, %max3A_1553 : vector<16xf32>
    %exp3A_1557 = math.exp %sub3A_1556 : vector<16xf32>
    %sub3A_1558 = arith.subf %gather3A_1546, %max3A_1553 : vector<16xf32>
    %exp3A_1559 = math.exp %sub3A_1558 : vector<16xf32>
    %sub3A_1560 = arith.subf %gather3A_1550, %max3A_1553 : vector<16xf32>
    %exp3A_1561 = math.exp %sub3A_1560 : vector<16xf32>
    %add3A_1562 = arith.addf %exp3A_1555, %exp3A_1557 : vector<16xf32>
    %add3A_1563 = arith.addf %exp3A_1559, %exp3A_1561 : vector<16xf32>
    %add3A_1564 = arith.addf %add3A_1562, %add3A_1563 : vector<16xf32>
    %div3A_1565 = arith.constant 1.000000e+00 : f32
    %div3A_1566 = vector.broadcast %div3A_1565 : f32 to vector<16xf32>
    %div3A_1567 = arith.divf %div3A_1566, %add3A_1564 : vector<16xf32>
    %mul3A_1568 = arith.mulf %exp3A_1555, %div3A_1567 : vector<16xf32>
    tpu.vector_store_idx %arg8[%add3A_1532, %broadcast_in_dim3A_1024], %mul3A_1568 : memref<512x4xf32, #tpu.memory_space<vmem>>[vector<16xi32>, vector<16xi32>], vector<16xf32>,
    %mul3A_1569 = arith.mulf %exp3A_1557, %div3A_1567 : vector<16xf32>
    tpu.vector_store_idx %arg8[%add3A_1532, %broadcast_in_dim3A_1026], %mul3A_1569 : memref<512x4xf32, #tpu.memory_space<vmem>>[vector<16xi32>, vector<16xi32>], vector<16xf32>,
    %mul3A_1570 = arith.mulf %exp3A_1559, %div3A_1567 : vector<16xf32>
    tpu.vector_store_idx %arg8[%add3A_1532, %broadcast_in_dim3A_1028], %mul3A_1570 : memref<512x4xf32, #tpu.memory_space<vmem>>[vector<16xi32>, vector<16xi32>], vector<16xf32>,
    %mul3A_1571 = arith.mulf %exp3A_1561, %div3A_1567 : vector<16xf32>
    tpu.vector_store_idx %arg8[%add3A_1532, %broadcast_in_dim3A_1030], %mul3A_1571 : memref<512x4xf32, #tpu.memory_space<vmem>>[vector<16xi32>, vector<16xi32>], vector<16xf32>,
    %add3A_1572 = arith.constant 208 : i32
    %add3A_1573 = vector.broadcast %add3A_1572 : i32 to vector<16xi32>
    %add3A_1574 = arith.addi %add3A_1573, %iota3A : vector<16xi32>
    %get3A_1575 = arith.constant 208 : index
    %get3A_1576 = tpu.vector_load %arg6[%get3A_1575] {strides = array<i32>} : memref<512xi32, #tpu.memory_space<vmem>>, vector<16xi32>,
    %add3A_1577 = arith.constant 0 : i32
    %add3A_1578 = vector.broadcast %add3A_1577 : i32 to vector<16xi32>
    %add3A_1579 = arith.addi %get3A_1576, %add3A_1578 : vector<16xi32>
    %gather3A_1580 = tpu.vector_load_idx %arg7[%add3A_1574, %add3A_1579] : memref<512x8xf32, #tpu.memory_space<vmem>>[vector<16xi32>, vector<16xi32>], vector<16xf32>,
    %add3A_1581 = arith.constant 1 : i32
    %add3A_1582 = vector.broadcast %add3A_1581 : i32 to vector<16xi32>
    %add3A_1583 = arith.addi %get3A_1576, %add3A_1582 : vector<16xi32>
    %gather3A_1584 = tpu.vector_load_idx %arg7[%add3A_1574, %add3A_1583] : memref<512x8xf32, #tpu.memory_space<vmem>>[vector<16xi32>, vector<16xi32>], vector<16xf32>,
    %add3A_1585 = arith.constant 2 : i32
    %add3A_1586 = vector.broadcast %add3A_1585 : i32 to vector<16xi32>
    %add3A_1587 = arith.addi %get3A_1576, %add3A_1586 : vector<16xi32>
    %gather3A_1588 = tpu.vector_load_idx %arg7[%add3A_1574, %add3A_1587] : memref<512x8xf32, #tpu.memory_space<vmem>>[vector<16xi32>, vector<16xi32>], vector<16xf32>,
    %add3A_1589 = arith.constant 3 : i32
    %add3A_1590 = vector.broadcast %add3A_1589 : i32 to vector<16xi32>
    %add3A_1591 = arith.addi %get3A_1576, %add3A_1590 : vector<16xi32>
    %gather3A_1592 = tpu.vector_load_idx %arg7[%add3A_1574, %add3A_1591] : memref<512x8xf32, #tpu.memory_space<vmem>>[vector<16xi32>, vector<16xi32>], vector<16xf32>,
    %max3A_1593 = arith.maximumf %gather3A_1580, %gather3A_1584 : vector<16xf32>
    %max3A_1594 = arith.maximumf %gather3A_1588, %gather3A_1592 : vector<16xf32>
    %max3A_1595 = arith.maximumf %max3A_1593, %max3A_1594 : vector<16xf32>
    %sub3A_1596 = arith.subf %gather3A_1580, %max3A_1595 : vector<16xf32>
    %exp3A_1597 = math.exp %sub3A_1596 : vector<16xf32>
    %sub3A_1598 = arith.subf %gather3A_1584, %max3A_1595 : vector<16xf32>
    %exp3A_1599 = math.exp %sub3A_1598 : vector<16xf32>
    %sub3A_1600 = arith.subf %gather3A_1588, %max3A_1595 : vector<16xf32>
    %exp3A_1601 = math.exp %sub3A_1600 : vector<16xf32>
    %sub3A_1602 = arith.subf %gather3A_1592, %max3A_1595 : vector<16xf32>
    %exp3A_1603 = math.exp %sub3A_1602 : vector<16xf32>
    %add3A_1604 = arith.addf %exp3A_1597, %exp3A_1599 : vector<16xf32>
    %add3A_1605 = arith.addf %exp3A_1601, %exp3A_1603 : vector<16xf32>
    %add3A_1606 = arith.addf %add3A_1604, %add3A_1605 : vector<16xf32>
    %div3A_1607 = arith.constant 1.000000e+00 : f32
    %div3A_1608 = vector.broadcast %div3A_1607 : f32 to vector<16xf32>
    %div3A_1609 = arith.divf %div3A_1608, %add3A_1606 : vector<16xf32>
    %mul3A_1610 = arith.mulf %exp3A_1597, %div3A_1609 : vector<16xf32>
    tpu.vector_store_idx %arg8[%add3A_1574, %broadcast_in_dim3A_1024], %mul3A_1610 : memref<512x4xf32, #tpu.memory_space<vmem>>[vector<16xi32>, vector<16xi32>], vector<16xf32>,
    %mul3A_1611 = arith.mulf %exp3A_1599, %div3A_1609 : vector<16xf32>
    tpu.vector_store_idx %arg8[%add3A_1574, %broadcast_in_dim3A_1026], %mul3A_1611 : memref<512x4xf32, #tpu.memory_space<vmem>>[vector<16xi32>, vector<16xi32>], vector<16xf32>,
    %mul3A_1612 = arith.mulf %exp3A_1601, %div3A_1609 : vector<16xf32>
    tpu.vector_store_idx %arg8[%add3A_1574, %broadcast_in_dim3A_1028], %mul3A_1612 : memref<512x4xf32, #tpu.memory_space<vmem>>[vector<16xi32>, vector<16xi32>], vector<16xf32>,
    %mul3A_1613 = arith.mulf %exp3A_1603, %div3A_1609 : vector<16xf32>
    tpu.vector_store_idx %arg8[%add3A_1574, %broadcast_in_dim3A_1030], %mul3A_1613 : memref<512x4xf32, #tpu.memory_space<vmem>>[vector<16xi32>, vector<16xi32>], vector<16xf32>,
    %add3A_1614 = arith.constant 224 : i32
    %add3A_1615 = vector.broadcast %add3A_1614 : i32 to vector<16xi32>
    %add3A_1616 = arith.addi %add3A_1615, %iota3A : vector<16xi32>
    %get3A_1617 = arith.constant 224 : index
    %get3A_1618 = tpu.vector_load %arg6[%get3A_1617] {strides = array<i32>} : memref<512xi32, #tpu.memory_space<vmem>>, vector<16xi32>,
    %add3A_1619 = arith.constant 0 : i32
    %add3A_1620 = vector.broadcast %add3A_1619 : i32 to vector<16xi32>
    %add3A_1621 = arith.addi %get3A_1618, %add3A_1620 : vector<16xi32>
    %gather3A_1622 = tpu.vector_load_idx %arg7[%add3A_1616, %add3A_1621] : memref<512x8xf32, #tpu.memory_space<vmem>>[vector<16xi32>, vector<16xi32>], vector<16xf32>,
    %add3A_1623 = arith.constant 1 : i32
    %add3A_1624 = vector.broadcast %add3A_1623 : i32 to vector<16xi32>
    %add3A_1625 = arith.addi %get3A_1618, %add3A_1624 : vector<16xi32>
    %gather3A_1626 = tpu.vector_load_idx %arg7[%add3A_1616, %add3A_1625] : memref<512x8xf32, #tpu.memory_space<vmem>>[vector<16xi32>, vector<16xi32>], vector<16xf32>,
    %add3A_1627 = arith.constant 2 : i32
    %add3A_1628 = vector.broadcast %add3A_1627 : i32 to vector<16xi32>
    %add3A_1629 = arith.addi %get3A_1618, %add3A_1628 : vector<16xi32>
    %gather3A_1630 = tpu.vector_load_idx %arg7[%add3A_1616, %add3A_1629] : memref<512x8xf32, #tpu.memory_space<vmem>>[vector<16xi32>, vector<16xi32>], vector<16xf32>,
    %add3A_1631 = arith.constant 3 : i32
    %add3A_1632 = vector.broadcast %add3A_1631 : i32 to vector<16xi32>
    %add3A_1633 = arith.addi %get3A_1618, %add3A_1632 : vector<16xi32>
    %gather3A_1634 = tpu.vector_load_idx %arg7[%add3A_1616, %add3A_1633] : memref<512x8xf32, #tpu.memory_space<vmem>>[vector<16xi32>, vector<16xi32>], vector<16xf32>,
    %max3A_1635 = arith.maximumf %gather3A_1622, %gather3A_1626 : vector<16xf32>
    %max3A_1636 = arith.maximumf %gather3A_1630, %gather3A_1634 : vector<16xf32>
    %max3A_1637 = arith.maximumf %max3A_1635, %max3A_1636 : vector<16xf32>
    %sub3A_1638 = arith.subf %gather3A_1622, %max3A_1637 : vector<16xf32>
    %exp3A_1639 = math.exp %sub3A_1638 : vector<16xf32>
    %sub3A_1640 = arith.subf %gather3A_1626, %max3A_1637 : vector<16xf32>
    %exp3A_1641 = math.exp %sub3A_1640 : vector<16xf32>
    %sub3A_1642 = arith.subf %gather3A_1630, %max3A_1637 : vector<16xf32>
    %exp3A_1643 = math.exp %sub3A_1642 : vector<16xf32>
    %sub3A_1644 = arith.subf %gather3A_1634, %max3A_1637 : vector<16xf32>
    %exp3A_1645 = math.exp %sub3A_1644 : vector<16xf32>
    %add3A_1646 = arith.addf %exp3A_1639, %exp3A_1641 : vector<16xf32>
    %add3A_1647 = arith.addf %exp3A_1643, %exp3A_1645 : vector<16xf32>
    %add3A_1648 = arith.addf %add3A_1646, %add3A_1647 : vector<16xf32>
    %div3A_1649 = arith.constant 1.000000e+00 : f32
    %div3A_1650 = vector.broadcast %div3A_1649 : f32 to vector<16xf32>
    %div3A_1651 = arith.divf %div3A_1650, %add3A_1648 : vector<16xf32>
    %mul3A_1652 = arith.mulf %exp3A_1639, %div3A_1651 : vector<16xf32>
    tpu.vector_store_idx %arg8[%add3A_1616, %broadcast_in_dim3A_1024], %mul3A_1652 : memref<512x4xf32, #tpu.memory_space<vmem>>[vector<16xi32>, vector<16xi32>], vector<16xf32>,
    %mul3A_1653 = arith.mulf %exp3A_1641, %div3A_1651 : vector<16xf32>
    tpu.vector_store_idx %arg8[%add3A_1616, %broadcast_in_dim3A_1026], %mul3A_1653 : memref<512x4xf32, #tpu.memory_space<vmem>>[vector<16xi32>, vector<16xi32>], vector<16xf32>,
    %mul3A_1654 = arith.mulf %exp3A_1643, %div3A_1651 : vector<16xf32>
    tpu.vector_store_idx %arg8[%add3A_1616, %broadcast_in_dim3A_1028], %mul3A_1654 : memref<512x4xf32, #tpu.memory_space<vmem>>[vector<16xi32>, vector<16xi32>], vector<16xf32>,
    %mul3A_1655 = arith.mulf %exp3A_1645, %div3A_1651 : vector<16xf32>
    tpu.vector_store_idx %arg8[%add3A_1616, %broadcast_in_dim3A_1030], %mul3A_1655 : memref<512x4xf32, #tpu.memory_space<vmem>>[vector<16xi32>, vector<16xi32>], vector<16xf32>,
    %add3A_1656 = arith.constant 240 : i32
    %add3A_1657 = vector.broadcast %add3A_1656 : i32 to vector<16xi32>
    %add3A_1658 = arith.addi %add3A_1657, %iota3A : vector<16xi32>
    %get3A_1659 = arith.constant 240 : index
    %get3A_1660 = tpu.vector_load %arg6[%get3A_1659] {strides = array<i32>} : memref<512xi32, #tpu.memory_space<vmem>>, vector<16xi32>,
    %add3A_1661 = arith.constant 0 : i32
    %add3A_1662 = vector.broadcast %add3A_1661 : i32 to vector<16xi32>
    %add3A_1663 = arith.addi %get3A_1660, %add3A_1662 : vector<16xi32>
    %gather3A_1664 = tpu.vector_load_idx %arg7[%add3A_1658, %add3A_1663] : memref<512x8xf32, #tpu.memory_space<vmem>>[vector<16xi32>, vector<16xi32>], vector<16xf32>,
    %add3A_1665 = arith.constant 1 : i32
    %add3A_1666 = vector.broadcast %add3A_1665 : i32 to vector<16xi32>
    %add3A_1667 = arith.addi %get3A_1660, %add3A_1666 : vector<16xi32>
    %gather3A_1668 = tpu.vector_load_idx %arg7[%add3A_1658, %add3A_1667] : memref<512x8xf32, #tpu.memory_space<vmem>>[vector<16xi32>, vector<16xi32>], vector<16xf32>,
    %add3A_1669 = arith.constant 2 : i32
    %add3A_1670 = vector.broadcast %add3A_1669 : i32 to vector<16xi32>
    %add3A_1671 = arith.addi %get3A_1660, %add3A_1670 : vector<16xi32>
    %gather3A_1672 = tpu.vector_load_idx %arg7[%add3A_1658, %add3A_1671] : memref<512x8xf32, #tpu.memory_space<vmem>>[vector<16xi32>, vector<16xi32>], vector<16xf32>,
    %add3A_1673 = arith.constant 3 : i32
    %add3A_1674 = vector.broadcast %add3A_1673 : i32 to vector<16xi32>
    %add3A_1675 = arith.addi %get3A_1660, %add3A_1674 : vector<16xi32>
    %gather3A_1676 = tpu.vector_load_idx %arg7[%add3A_1658, %add3A_1675] : memref<512x8xf32, #tpu.memory_space<vmem>>[vector<16xi32>, vector<16xi32>], vector<16xf32>,
    %max3A_1677 = arith.maximumf %gather3A_1664, %gather3A_1668 : vector<16xf32>
    %max3A_1678 = arith.maximumf %gather3A_1672, %gather3A_1676 : vector<16xf32>
    %max3A_1679 = arith.maximumf %max3A_1677, %max3A_1678 : vector<16xf32>
    %sub3A_1680 = arith.subf %gather3A_1664, %max3A_1679 : vector<16xf32>
    %exp3A_1681 = math.exp %sub3A_1680 : vector<16xf32>
    %sub3A_1682 = arith.subf %gather3A_1668, %max3A_1679 : vector<16xf32>
    %exp3A_1683 = math.exp %sub3A_1682 : vector<16xf32>
    %sub3A_1684 = arith.subf %gather3A_1672, %max3A_1679 : vector<16xf32>
    %exp3A_1685 = math.exp %sub3A_1684 : vector<16xf32>
    %sub3A_1686 = arith.subf %gather3A_1676, %max3A_1679 : vector<16xf32>
    %exp3A_1687 = math.exp %sub3A_1686 : vector<16xf32>
    %add3A_1688 = arith.addf %exp3A_1681, %exp3A_1683 : vector<16xf32>
    %add3A_1689 = arith.addf %exp3A_1685, %exp3A_1687 : vector<16xf32>
    %add3A_1690 = arith.addf %add3A_1688, %add3A_1689 : vector<16xf32>
    %div3A_1691 = arith.constant 1.000000e+00 : f32
    %div3A_1692 = vector.broadcast %div3A_1691 : f32 to vector<16xf32>
    %div3A_1693 = arith.divf %div3A_1692, %add3A_1690 : vector<16xf32>
    %mul3A_1694 = arith.mulf %exp3A_1681, %div3A_1693 : vector<16xf32>
    tpu.vector_store_idx %arg8[%add3A_1658, %broadcast_in_dim3A_1024], %mul3A_1694 : memref<512x4xf32, #tpu.memory_space<vmem>>[vector<16xi32>, vector<16xi32>], vector<16xf32>,
    %mul3A_1695 = arith.mulf %exp3A_1683, %div3A_1693 : vector<16xf32>
    tpu.vector_store_idx %arg8[%add3A_1658, %broadcast_in_dim3A_1026], %mul3A_1695 : memref<512x4xf32, #tpu.memory_space<vmem>>[vector<16xi32>, vector<16xi32>], vector<16xf32>,
    %mul3A_1696 = arith.mulf %exp3A_1685, %div3A_1693 : vector<16xf32>
    tpu.vector_store_idx %arg8[%add3A_1658, %broadcast_in_dim3A_1028], %mul3A_1696 : memref<512x4xf32, #tpu.memory_space<vmem>>[vector<16xi32>, vector<16xi32>], vector<16xf32>,
    %mul3A_1697 = arith.mulf %exp3A_1687, %div3A_1693 : vector<16xf32>
    tpu.vector_store_idx %arg8[%add3A_1658, %broadcast_in_dim3A_1030], %mul3A_1697 : memref<512x4xf32, #tpu.memory_space<vmem>>[vector<16xi32>, vector<16xi32>], vector<16xf32>,
    %add3A_1698 = arith.constant 256 : i32
    %add3A_1699 = vector.broadcast %add3A_1698 : i32 to vector<16xi32>
    %add3A_1700 = arith.addi %add3A_1699, %iota3A : vector<16xi32>
    %get3A_1701 = arith.constant 256 : index
    %get3A_1702 = tpu.vector_load %arg6[%get3A_1701] {strides = array<i32>} : memref<512xi32, #tpu.memory_space<vmem>>, vector<16xi32>,
    %add3A_1703 = arith.constant 0 : i32
    %add3A_1704 = vector.broadcast %add3A_1703 : i32 to vector<16xi32>
    %add3A_1705 = arith.addi %get3A_1702, %add3A_1704 : vector<16xi32>
    %gather3A_1706 = tpu.vector_load_idx %arg7[%add3A_1700, %add3A_1705] : memref<512x8xf32, #tpu.memory_space<vmem>>[vector<16xi32>, vector<16xi32>], vector<16xf32>,
    %add3A_1707 = arith.constant 1 : i32
    %add3A_1708 = vector.broadcast %add3A_1707 : i32 to vector<16xi32>
    %add3A_1709 = arith.addi %get3A_1702, %add3A_1708 : vector<16xi32>
    %gather3A_1710 = tpu.vector_load_idx %arg7[%add3A_1700, %add3A_1709] : memref<512x8xf32, #tpu.memory_space<vmem>>[vector<16xi32>, vector<16xi32>], vector<16xf32>,
    %add3A_1711 = arith.constant 2 : i32
    %add3A_1712 = vector.broadcast %add3A_1711 : i32 to vector<16xi32>
    %add3A_1713 = arith.addi %get3A_1702, %add3A_1712 : vector<16xi32>
    %gather3A_1714 = tpu.vector_load_idx %arg7[%add3A_1700, %add3A_1713] : memref<512x8xf32, #tpu.memory_space<vmem>>[vector<16xi32>, vector<16xi32>], vector<16xf32>,
    %add3A_1715 = arith.constant 3 : i32
    %add3A_1716 = vector.broadcast %add3A_1715 : i32 to vector<16xi32>
    %add3A_1717 = arith.addi %get3A_1702, %add3A_1716 : vector<16xi32>
    %gather3A_1718 = tpu.vector_load_idx %arg7[%add3A_1700, %add3A_1717] : memref<512x8xf32, #tpu.memory_space<vmem>>[vector<16xi32>, vector<16xi32>], vector<16xf32>,
    %max3A_1719 = arith.maximumf %gather3A_1706, %gather3A_1710 : vector<16xf32>
    %max3A_1720 = arith.maximumf %gather3A_1714, %gather3A_1718 : vector<16xf32>
    %max3A_1721 = arith.maximumf %max3A_1719, %max3A_1720 : vector<16xf32>
    %sub3A_1722 = arith.subf %gather3A_1706, %max3A_1721 : vector<16xf32>
    %exp3A_1723 = math.exp %sub3A_1722 : vector<16xf32>
    %sub3A_1724 = arith.subf %gather3A_1710, %max3A_1721 : vector<16xf32>
    %exp3A_1725 = math.exp %sub3A_1724 : vector<16xf32>
    %sub3A_1726 = arith.subf %gather3A_1714, %max3A_1721 : vector<16xf32>
    %exp3A_1727 = math.exp %sub3A_1726 : vector<16xf32>
    %sub3A_1728 = arith.subf %gather3A_1718, %max3A_1721 : vector<16xf32>
    %exp3A_1729 = math.exp %sub3A_1728 : vector<16xf32>
    %add3A_1730 = arith.addf %exp3A_1723, %exp3A_1725 : vector<16xf32>
    %add3A_1731 = arith.addf %exp3A_1727, %exp3A_1729 : vector<16xf32>
    %add3A_1732 = arith.addf %add3A_1730, %add3A_1731 : vector<16xf32>
    %div3A_1733 = arith.constant 1.000000e+00 : f32
    %div3A_1734 = vector.broadcast %div3A_1733 : f32 to vector<16xf32>
    %div3A_1735 = arith.divf %div3A_1734, %add3A_1732 : vector<16xf32>
    %mul3A_1736 = arith.mulf %exp3A_1723, %div3A_1735 : vector<16xf32>
    tpu.vector_store_idx %arg8[%add3A_1700, %broadcast_in_dim3A_1024], %mul3A_1736 : memref<512x4xf32, #tpu.memory_space<vmem>>[vector<16xi32>, vector<16xi32>], vector<16xf32>,
    %mul3A_1737 = arith.mulf %exp3A_1725, %div3A_1735 : vector<16xf32>
    tpu.vector_store_idx %arg8[%add3A_1700, %broadcast_in_dim3A_1026], %mul3A_1737 : memref<512x4xf32, #tpu.memory_space<vmem>>[vector<16xi32>, vector<16xi32>], vector<16xf32>,
    %mul3A_1738 = arith.mulf %exp3A_1727, %div3A_1735 : vector<16xf32>
    tpu.vector_store_idx %arg8[%add3A_1700, %broadcast_in_dim3A_1028], %mul3A_1738 : memref<512x4xf32, #tpu.memory_space<vmem>>[vector<16xi32>, vector<16xi32>], vector<16xf32>,
    %mul3A_1739 = arith.mulf %exp3A_1729, %div3A_1735 : vector<16xf32>
    tpu.vector_store_idx %arg8[%add3A_1700, %broadcast_in_dim3A_1030], %mul3A_1739 : memref<512x4xf32, #tpu.memory_space<vmem>>[vector<16xi32>, vector<16xi32>], vector<16xf32>,
    %add3A_1740 = arith.constant 272 : i32
    %add3A_1741 = vector.broadcast %add3A_1740 : i32 to vector<16xi32>
    %add3A_1742 = arith.addi %add3A_1741, %iota3A : vector<16xi32>
    %get3A_1743 = arith.constant 272 : index
    %get3A_1744 = tpu.vector_load %arg6[%get3A_1743] {strides = array<i32>} : memref<512xi32, #tpu.memory_space<vmem>>, vector<16xi32>,
    %add3A_1745 = arith.constant 0 : i32
    %add3A_1746 = vector.broadcast %add3A_1745 : i32 to vector<16xi32>
    %add3A_1747 = arith.addi %get3A_1744, %add3A_1746 : vector<16xi32>
    %gather3A_1748 = tpu.vector_load_idx %arg7[%add3A_1742, %add3A_1747] : memref<512x8xf32, #tpu.memory_space<vmem>>[vector<16xi32>, vector<16xi32>], vector<16xf32>,
    %add3A_1749 = arith.constant 1 : i32
    %add3A_1750 = vector.broadcast %add3A_1749 : i32 to vector<16xi32>
    %add3A_1751 = arith.addi %get3A_1744, %add3A_1750 : vector<16xi32>
    %gather3A_1752 = tpu.vector_load_idx %arg7[%add3A_1742, %add3A_1751] : memref<512x8xf32, #tpu.memory_space<vmem>>[vector<16xi32>, vector<16xi32>], vector<16xf32>,
    %add3A_1753 = arith.constant 2 : i32
    %add3A_1754 = vector.broadcast %add3A_1753 : i32 to vector<16xi32>
    %add3A_1755 = arith.addi %get3A_1744, %add3A_1754 : vector<16xi32>
    %gather3A_1756 = tpu.vector_load_idx %arg7[%add3A_1742, %add3A_1755] : memref<512x8xf32, #tpu.memory_space<vmem>>[vector<16xi32>, vector<16xi32>], vector<16xf32>,
    %add3A_1757 = arith.constant 3 : i32
    %add3A_1758 = vector.broadcast %add3A_1757 : i32 to vector<16xi32>
    %add3A_1759 = arith.addi %get3A_1744, %add3A_1758 : vector<16xi32>
    %gather3A_1760 = tpu.vector_load_idx %arg7[%add3A_1742, %add3A_1759] : memref<512x8xf32, #tpu.memory_space<vmem>>[vector<16xi32>, vector<16xi32>], vector<16xf32>,
    %max3A_1761 = arith.maximumf %gather3A_1748, %gather3A_1752 : vector<16xf32>
    %max3A_1762 = arith.maximumf %gather3A_1756, %gather3A_1760 : vector<16xf32>
    %max3A_1763 = arith.maximumf %max3A_1761, %max3A_1762 : vector<16xf32>
    %sub3A_1764 = arith.subf %gather3A_1748, %max3A_1763 : vector<16xf32>
    %exp3A_1765 = math.exp %sub3A_1764 : vector<16xf32>
    %sub3A_1766 = arith.subf %gather3A_1752, %max3A_1763 : vector<16xf32>
    %exp3A_1767 = math.exp %sub3A_1766 : vector<16xf32>
    %sub3A_1768 = arith.subf %gather3A_1756, %max3A_1763 : vector<16xf32>
    %exp3A_1769 = math.exp %sub3A_1768 : vector<16xf32>
    %sub3A_1770 = arith.subf %gather3A_1760, %max3A_1763 : vector<16xf32>
    %exp3A_1771 = math.exp %sub3A_1770 : vector<16xf32>
    %add3A_1772 = arith.addf %exp3A_1765, %exp3A_1767 : vector<16xf32>
    %add3A_1773 = arith.addf %exp3A_1769, %exp3A_1771 : vector<16xf32>
    %add3A_1774 = arith.addf %add3A_1772, %add3A_1773 : vector<16xf32>
    %div3A_1775 = arith.constant 1.000000e+00 : f32
    %div3A_1776 = vector.broadcast %div3A_1775 : f32 to vector<16xf32>
    %div3A_1777 = arith.divf %div3A_1776, %add3A_1774 : vector<16xf32>
    %mul3A_1778 = arith.mulf %exp3A_1765, %div3A_1777 : vector<16xf32>
    tpu.vector_store_idx %arg8[%add3A_1742, %broadcast_in_dim3A_1024], %mul3A_1778 : memref<512x4xf32, #tpu.memory_space<vmem>>[vector<16xi32>, vector<16xi32>], vector<16xf32>,
    %mul3A_1779 = arith.mulf %exp3A_1767, %div3A_1777 : vector<16xf32>
    tpu.vector_store_idx %arg8[%add3A_1742, %broadcast_in_dim3A_1026], %mul3A_1779 : memref<512x4xf32, #tpu.memory_space<vmem>>[vector<16xi32>, vector<16xi32>], vector<16xf32>,
    %mul3A_1780 = arith.mulf %exp3A_1769, %div3A_1777 : vector<16xf32>
    tpu.vector_store_idx %arg8[%add3A_1742, %broadcast_in_dim3A_1028], %mul3A_1780 : memref<512x4xf32, #tpu.memory_space<vmem>>[vector<16xi32>, vector<16xi32>], vector<16xf32>,
    %mul3A_1781 = arith.mulf %exp3A_1771, %div3A_1777 : vector<16xf32>
    tpu.vector_store_idx %arg8[%add3A_1742, %broadcast_in_dim3A_1030], %mul3A_1781 : memref<512x4xf32, #tpu.memory_space<vmem>>[vector<16xi32>, vector<16xi32>], vector<16xf32>,
    %add3A_1782 = arith.constant 288 : i32
    %add3A_1783 = vector.broadcast %add3A_1782 : i32 to vector<16xi32>
    %add3A_1784 = arith.addi %add3A_1783, %iota3A : vector<16xi32>
    %get3A_1785 = arith.constant 288 : index
    %get3A_1786 = tpu.vector_load %arg6[%get3A_1785] {strides = array<i32>} : memref<512xi32, #tpu.memory_space<vmem>>, vector<16xi32>,
    %add3A_1787 = arith.constant 0 : i32
    %add3A_1788 = vector.broadcast %add3A_1787 : i32 to vector<16xi32>
    %add3A_1789 = arith.addi %get3A_1786, %add3A_1788 : vector<16xi32>
    %gather3A_1790 = tpu.vector_load_idx %arg7[%add3A_1784, %add3A_1789] : memref<512x8xf32, #tpu.memory_space<vmem>>[vector<16xi32>, vector<16xi32>], vector<16xf32>,
    %add3A_1791 = arith.constant 1 : i32
    %add3A_1792 = vector.broadcast %add3A_1791 : i32 to vector<16xi32>
    %add3A_1793 = arith.addi %get3A_1786, %add3A_1792 : vector<16xi32>
    %gather3A_1794 = tpu.vector_load_idx %arg7[%add3A_1784, %add3A_1793] : memref<512x8xf32, #tpu.memory_space<vmem>>[vector<16xi32>, vector<16xi32>], vector<16xf32>,
    %add3A_1795 = arith.constant 2 : i32
    %add3A_1796 = vector.broadcast %add3A_1795 : i32 to vector<16xi32>
    %add3A_1797 = arith.addi %get3A_1786, %add3A_1796 : vector<16xi32>
    %gather3A_1798 = tpu.vector_load_idx %arg7[%add3A_1784, %add3A_1797] : memref<512x8xf32, #tpu.memory_space<vmem>>[vector<16xi32>, vector<16xi32>], vector<16xf32>,
    %add3A_1799 = arith.constant 3 : i32
    %add3A_1800 = vector.broadcast %add3A_1799 : i32 to vector<16xi32>
    %add3A_1801 = arith.addi %get3A_1786, %add3A_1800 : vector<16xi32>
    %gather3A_1802 = tpu.vector_load_idx %arg7[%add3A_1784, %add3A_1801] : memref<512x8xf32, #tpu.memory_space<vmem>>[vector<16xi32>, vector<16xi32>], vector<16xf32>,
    %max3A_1803 = arith.maximumf %gather3A_1790, %gather3A_1794 : vector<16xf32>
    %max3A_1804 = arith.maximumf %gather3A_1798, %gather3A_1802 : vector<16xf32>
    %max3A_1805 = arith.maximumf %max3A_1803, %max3A_1804 : vector<16xf32>
    %sub3A_1806 = arith.subf %gather3A_1790, %max3A_1805 : vector<16xf32>
    %exp3A_1807 = math.exp %sub3A_1806 : vector<16xf32>
    %sub3A_1808 = arith.subf %gather3A_1794, %max3A_1805 : vector<16xf32>
    %exp3A_1809 = math.exp %sub3A_1808 : vector<16xf32>
    %sub3A_1810 = arith.subf %gather3A_1798, %max3A_1805 : vector<16xf32>
    %exp3A_1811 = math.exp %sub3A_1810 : vector<16xf32>
    %sub3A_1812 = arith.subf %gather3A_1802, %max3A_1805 : vector<16xf32>
    %exp3A_1813 = math.exp %sub3A_1812 : vector<16xf32>
    %add3A_1814 = arith.addf %exp3A_1807, %exp3A_1809 : vector<16xf32>
    %add3A_1815 = arith.addf %exp3A_1811, %exp3A_1813 : vector<16xf32>
    %add3A_1816 = arith.addf %add3A_1814, %add3A_1815 : vector<16xf32>
    %div3A_1817 = arith.constant 1.000000e+00 : f32
    %div3A_1818 = vector.broadcast %div3A_1817 : f32 to vector<16xf32>
    %div3A_1819 = arith.divf %div3A_1818, %add3A_1816 : vector<16xf32>
    %mul3A_1820 = arith.mulf %exp3A_1807, %div3A_1819 : vector<16xf32>
    tpu.vector_store_idx %arg8[%add3A_1784, %broadcast_in_dim3A_1024], %mul3A_1820 : memref<512x4xf32, #tpu.memory_space<vmem>>[vector<16xi32>, vector<16xi32>], vector<16xf32>,
    %mul3A_1821 = arith.mulf %exp3A_1809, %div3A_1819 : vector<16xf32>
    tpu.vector_store_idx %arg8[%add3A_1784, %broadcast_in_dim3A_1026], %mul3A_1821 : memref<512x4xf32, #tpu.memory_space<vmem>>[vector<16xi32>, vector<16xi32>], vector<16xf32>,
    %mul3A_1822 = arith.mulf %exp3A_1811, %div3A_1819 : vector<16xf32>
    tpu.vector_store_idx %arg8[%add3A_1784, %broadcast_in_dim3A_1028], %mul3A_1822 : memref<512x4xf32, #tpu.memory_space<vmem>>[vector<16xi32>, vector<16xi32>], vector<16xf32>,
    %mul3A_1823 = arith.mulf %exp3A_1813, %div3A_1819 : vector<16xf32>
    tpu.vector_store_idx %arg8[%add3A_1784, %broadcast_in_dim3A_1030], %mul3A_1823 : memref<512x4xf32, #tpu.memory_space<vmem>>[vector<16xi32>, vector<16xi32>], vector<16xf32>,
    %add3A_1824 = arith.constant 304 : i32
    %add3A_1825 = vector.broadcast %add3A_1824 : i32 to vector<16xi32>
    %add3A_1826 = arith.addi %add3A_1825, %iota3A : vector<16xi32>
    %get3A_1827 = arith.constant 304 : index
    %get3A_1828 = tpu.vector_load %arg6[%get3A_1827] {strides = array<i32>} : memref<512xi32, #tpu.memory_space<vmem>>, vector<16xi32>,
    %add3A_1829 = arith.constant 0 : i32
    %add3A_1830 = vector.broadcast %add3A_1829 : i32 to vector<16xi32>
    %add3A_1831 = arith.addi %get3A_1828, %add3A_1830 : vector<16xi32>
    %gather3A_1832 = tpu.vector_load_idx %arg7[%add3A_1826, %add3A_1831] : memref<512x8xf32, #tpu.memory_space<vmem>>[vector<16xi32>, vector<16xi32>], vector<16xf32>,
    %add3A_1833 = arith.constant 1 : i32
    %add3A_1834 = vector.broadcast %add3A_1833 : i32 to vector<16xi32>
    %add3A_1835 = arith.addi %get3A_1828, %add3A_1834 : vector<16xi32>
    %gather3A_1836 = tpu.vector_load_idx %arg7[%add3A_1826, %add3A_1835] : memref<512x8xf32, #tpu.memory_space<vmem>>[vector<16xi32>, vector<16xi32>], vector<16xf32>,
    %add3A_1837 = arith.constant 2 : i32
    %add3A_1838 = vector.broadcast %add3A_1837 : i32 to vector<16xi32>
    %add3A_1839 = arith.addi %get3A_1828, %add3A_1838 : vector<16xi32>
    %gather3A_1840 = tpu.vector_load_idx %arg7[%add3A_1826, %add3A_1839] : memref<512x8xf32, #tpu.memory_space<vmem>>[vector<16xi32>, vector<16xi32>], vector<16xf32>,
    %add3A_1841 = arith.constant 3 : i32
    %add3A_1842 = vector.broadcast %add3A_1841 : i32 to vector<16xi32>
    %add3A_1843 = arith.addi %get3A_1828, %add3A_1842 : vector<16xi32>
    %gather3A_1844 = tpu.vector_load_idx %arg7[%add3A_1826, %add3A_1843] : memref<512x8xf32, #tpu.memory_space<vmem>>[vector<16xi32>, vector<16xi32>], vector<16xf32>,
    %max3A_1845 = arith.maximumf %gather3A_1832, %gather3A_1836 : vector<16xf32>
    %max3A_1846 = arith.maximumf %gather3A_1840, %gather3A_1844 : vector<16xf32>
    %max3A_1847 = arith.maximumf %max3A_1845, %max3A_1846 : vector<16xf32>
    %sub3A_1848 = arith.subf %gather3A_1832, %max3A_1847 : vector<16xf32>
    %exp3A_1849 = math.exp %sub3A_1848 : vector<16xf32>
    %sub3A_1850 = arith.subf %gather3A_1836, %max3A_1847 : vector<16xf32>
    %exp3A_1851 = math.exp %sub3A_1850 : vector<16xf32>
    %sub3A_1852 = arith.subf %gather3A_1840, %max3A_1847 : vector<16xf32>
    %exp3A_1853 = math.exp %sub3A_1852 : vector<16xf32>
    %sub3A_1854 = arith.subf %gather3A_1844, %max3A_1847 : vector<16xf32>
    %exp3A_1855 = math.exp %sub3A_1854 : vector<16xf32>
    %add3A_1856 = arith.addf %exp3A_1849, %exp3A_1851 : vector<16xf32>
    %add3A_1857 = arith.addf %exp3A_1853, %exp3A_1855 : vector<16xf32>
    %add3A_1858 = arith.addf %add3A_1856, %add3A_1857 : vector<16xf32>
    %div3A_1859 = arith.constant 1.000000e+00 : f32
    %div3A_1860 = vector.broadcast %div3A_1859 : f32 to vector<16xf32>
    %div3A_1861 = arith.divf %div3A_1860, %add3A_1858 : vector<16xf32>
    %mul3A_1862 = arith.mulf %exp3A_1849, %div3A_1861 : vector<16xf32>
    tpu.vector_store_idx %arg8[%add3A_1826, %broadcast_in_dim3A_1024], %mul3A_1862 : memref<512x4xf32, #tpu.memory_space<vmem>>[vector<16xi32>, vector<16xi32>], vector<16xf32>,
    %mul3A_1863 = arith.mulf %exp3A_1851, %div3A_1861 : vector<16xf32>
    tpu.vector_store_idx %arg8[%add3A_1826, %broadcast_in_dim3A_1026], %mul3A_1863 : memref<512x4xf32, #tpu.memory_space<vmem>>[vector<16xi32>, vector<16xi32>], vector<16xf32>,
    %mul3A_1864 = arith.mulf %exp3A_1853, %div3A_1861 : vector<16xf32>
    tpu.vector_store_idx %arg8[%add3A_1826, %broadcast_in_dim3A_1028], %mul3A_1864 : memref<512x4xf32, #tpu.memory_space<vmem>>[vector<16xi32>, vector<16xi32>], vector<16xf32>,
    %mul3A_1865 = arith.mulf %exp3A_1855, %div3A_1861 : vector<16xf32>
    tpu.vector_store_idx %arg8[%add3A_1826, %broadcast_in_dim3A_1030], %mul3A_1865 : memref<512x4xf32, #tpu.memory_space<vmem>>[vector<16xi32>, vector<16xi32>], vector<16xf32>,
    %add3A_1866 = arith.constant 320 : i32
    %add3A_1867 = vector.broadcast %add3A_1866 : i32 to vector<16xi32>
    %add3A_1868 = arith.addi %add3A_1867, %iota3A : vector<16xi32>
    %get3A_1869 = arith.constant 320 : index
    %get3A_1870 = tpu.vector_load %arg6[%get3A_1869] {strides = array<i32>} : memref<512xi32, #tpu.memory_space<vmem>>, vector<16xi32>,
    %add3A_1871 = arith.constant 0 : i32
    %add3A_1872 = vector.broadcast %add3A_1871 : i32 to vector<16xi32>
    %add3A_1873 = arith.addi %get3A_1870, %add3A_1872 : vector<16xi32>
    %gather3A_1874 = tpu.vector_load_idx %arg7[%add3A_1868, %add3A_1873] : memref<512x8xf32, #tpu.memory_space<vmem>>[vector<16xi32>, vector<16xi32>], vector<16xf32>,
    %add3A_1875 = arith.constant 1 : i32
    %add3A_1876 = vector.broadcast %add3A_1875 : i32 to vector<16xi32>
    %add3A_1877 = arith.addi %get3A_1870, %add3A_1876 : vector<16xi32>
    %gather3A_1878 = tpu.vector_load_idx %arg7[%add3A_1868, %add3A_1877] : memref<512x8xf32, #tpu.memory_space<vmem>>[vector<16xi32>, vector<16xi32>], vector<16xf32>,
    %add3A_1879 = arith.constant 2 : i32
    %add3A_1880 = vector.broadcast %add3A_1879 : i32 to vector<16xi32>
    %add3A_1881 = arith.addi %get3A_1870, %add3A_1880 : vector<16xi32>
    %gather3A_1882 = tpu.vector_load_idx %arg7[%add3A_1868, %add3A_1881] : memref<512x8xf32, #tpu.memory_space<vmem>>[vector<16xi32>, vector<16xi32>], vector<16xf32>,
    %add3A_1883 = arith.constant 3 : i32
    %add3A_1884 = vector.broadcast %add3A_1883 : i32 to vector<16xi32>
    %add3A_1885 = arith.addi %get3A_1870, %add3A_1884 : vector<16xi32>
    %gather3A_1886 = tpu.vector_load_idx %arg7[%add3A_1868, %add3A_1885] : memref<512x8xf32, #tpu.memory_space<vmem>>[vector<16xi32>, vector<16xi32>], vector<16xf32>,
    %max3A_1887 = arith.maximumf %gather3A_1874, %gather3A_1878 : vector<16xf32>
    %max3A_1888 = arith.maximumf %gather3A_1882, %gather3A_1886 : vector<16xf32>
    %max3A_1889 = arith.maximumf %max3A_1887, %max3A_1888 : vector<16xf32>
    %sub3A_1890 = arith.subf %gather3A_1874, %max3A_1889 : vector<16xf32>
    %exp3A_1891 = math.exp %sub3A_1890 : vector<16xf32>
    %sub3A_1892 = arith.subf %gather3A_1878, %max3A_1889 : vector<16xf32>
    %exp3A_1893 = math.exp %sub3A_1892 : vector<16xf32>
    %sub3A_1894 = arith.subf %gather3A_1882, %max3A_1889 : vector<16xf32>
    %exp3A_1895 = math.exp %sub3A_1894 : vector<16xf32>
    %sub3A_1896 = arith.subf %gather3A_1886, %max3A_1889 : vector<16xf32>
    %exp3A_1897 = math.exp %sub3A_1896 : vector<16xf32>
    %add3A_1898 = arith.addf %exp3A_1891, %exp3A_1893 : vector<16xf32>
    %add3A_1899 = arith.addf %exp3A_1895, %exp3A_1897 : vector<16xf32>
    %add3A_1900 = arith.addf %add3A_1898, %add3A_1899 : vector<16xf32>
    %div3A_1901 = arith.constant 1.000000e+00 : f32
    %div3A_1902 = vector.broadcast %div3A_1901 : f32 to vector<16xf32>
    %div3A_1903 = arith.divf %div3A_1902, %add3A_1900 : vector<16xf32>
    %mul3A_1904 = arith.mulf %exp3A_1891, %div3A_1903 : vector<16xf32>
    tpu.vector_store_idx %arg8[%add3A_1868, %broadcast_in_dim3A_1024], %mul3A_1904 : memref<512x4xf32, #tpu.memory_space<vmem>>[vector<16xi32>, vector<16xi32>], vector<16xf32>,
    %mul3A_1905 = arith.mulf %exp3A_1893, %div3A_1903 : vector<16xf32>
    tpu.vector_store_idx %arg8[%add3A_1868, %broadcast_in_dim3A_1026], %mul3A_1905 : memref<512x4xf32, #tpu.memory_space<vmem>>[vector<16xi32>, vector<16xi32>], vector<16xf32>,
    %mul3A_1906 = arith.mulf %exp3A_1895, %div3A_1903 : vector<16xf32>
    tpu.vector_store_idx %arg8[%add3A_1868, %broadcast_in_dim3A_1028], %mul3A_1906 : memref<512x4xf32, #tpu.memory_space<vmem>>[vector<16xi32>, vector<16xi32>], vector<16xf32>,
    %mul3A_1907 = arith.mulf %exp3A_1897, %div3A_1903 : vector<16xf32>
    tpu.vector_store_idx %arg8[%add3A_1868, %broadcast_in_dim3A_1030], %mul3A_1907 : memref<512x4xf32, #tpu.memory_space<vmem>>[vector<16xi32>, vector<16xi32>], vector<16xf32>,
    %add3A_1908 = arith.constant 336 : i32
    %add3A_1909 = vector.broadcast %add3A_1908 : i32 to vector<16xi32>
    %add3A_1910 = arith.addi %add3A_1909, %iota3A : vector<16xi32>
    %get3A_1911 = arith.constant 336 : index
    %get3A_1912 = tpu.vector_load %arg6[%get3A_1911] {strides = array<i32>} : memref<512xi32, #tpu.memory_space<vmem>>, vector<16xi32>,
    %add3A_1913 = arith.constant 0 : i32
    %add3A_1914 = vector.broadcast %add3A_1913 : i32 to vector<16xi32>
    %add3A_1915 = arith.addi %get3A_1912, %add3A_1914 : vector<16xi32>
    %gather3A_1916 = tpu.vector_load_idx %arg7[%add3A_1910, %add3A_1915] : memref<512x8xf32, #tpu.memory_space<vmem>>[vector<16xi32>, vector<16xi32>], vector<16xf32>,
    %add3A_1917 = arith.constant 1 : i32
    %add3A_1918 = vector.broadcast %add3A_1917 : i32 to vector<16xi32>
    %add3A_1919 = arith.addi %get3A_1912, %add3A_1918 : vector<16xi32>
    %gather3A_1920 = tpu.vector_load_idx %arg7[%add3A_1910, %add3A_1919] : memref<512x8xf32, #tpu.memory_space<vmem>>[vector<16xi32>, vector<16xi32>], vector<16xf32>,
    %add3A_1921 = arith.constant 2 : i32
    %add3A_1922 = vector.broadcast %add3A_1921 : i32 to vector<16xi32>
    %add3A_1923 = arith.addi %get3A_1912, %add3A_1922 : vector<16xi32>
    %gather3A_1924 = tpu.vector_load_idx %arg7[%add3A_1910, %add3A_1923] : memref<512x8xf32, #tpu.memory_space<vmem>>[vector<16xi32>, vector<16xi32>], vector<16xf32>,
    %add3A_1925 = arith.constant 3 : i32
    %add3A_1926 = vector.broadcast %add3A_1925 : i32 to vector<16xi32>
    %add3A_1927 = arith.addi %get3A_1912, %add3A_1926 : vector<16xi32>
    %gather3A_1928 = tpu.vector_load_idx %arg7[%add3A_1910, %add3A_1927] : memref<512x8xf32, #tpu.memory_space<vmem>>[vector<16xi32>, vector<16xi32>], vector<16xf32>,
    %max3A_1929 = arith.maximumf %gather3A_1916, %gather3A_1920 : vector<16xf32>
    %max3A_1930 = arith.maximumf %gather3A_1924, %gather3A_1928 : vector<16xf32>
    %max3A_1931 = arith.maximumf %max3A_1929, %max3A_1930 : vector<16xf32>
    %sub3A_1932 = arith.subf %gather3A_1916, %max3A_1931 : vector<16xf32>
    %exp3A_1933 = math.exp %sub3A_1932 : vector<16xf32>
    %sub3A_1934 = arith.subf %gather3A_1920, %max3A_1931 : vector<16xf32>
    %exp3A_1935 = math.exp %sub3A_1934 : vector<16xf32>
    %sub3A_1936 = arith.subf %gather3A_1924, %max3A_1931 : vector<16xf32>
    %exp3A_1937 = math.exp %sub3A_1936 : vector<16xf32>
    %sub3A_1938 = arith.subf %gather3A_1928, %max3A_1931 : vector<16xf32>
    %exp3A_1939 = math.exp %sub3A_1938 : vector<16xf32>
    %add3A_1940 = arith.addf %exp3A_1933, %exp3A_1935 : vector<16xf32>
    %add3A_1941 = arith.addf %exp3A_1937, %exp3A_1939 : vector<16xf32>
    %add3A_1942 = arith.addf %add3A_1940, %add3A_1941 : vector<16xf32>
    %div3A_1943 = arith.constant 1.000000e+00 : f32
    %div3A_1944 = vector.broadcast %div3A_1943 : f32 to vector<16xf32>
    %div3A_1945 = arith.divf %div3A_1944, %add3A_1942 : vector<16xf32>
    %mul3A_1946 = arith.mulf %exp3A_1933, %div3A_1945 : vector<16xf32>
    tpu.vector_store_idx %arg8[%add3A_1910, %broadcast_in_dim3A_1024], %mul3A_1946 : memref<512x4xf32, #tpu.memory_space<vmem>>[vector<16xi32>, vector<16xi32>], vector<16xf32>,
    %mul3A_1947 = arith.mulf %exp3A_1935, %div3A_1945 : vector<16xf32>
    tpu.vector_store_idx %arg8[%add3A_1910, %broadcast_in_dim3A_1026], %mul3A_1947 : memref<512x4xf32, #tpu.memory_space<vmem>>[vector<16xi32>, vector<16xi32>], vector<16xf32>,
    %mul3A_1948 = arith.mulf %exp3A_1937, %div3A_1945 : vector<16xf32>
    tpu.vector_store_idx %arg8[%add3A_1910, %broadcast_in_dim3A_1028], %mul3A_1948 : memref<512x4xf32, #tpu.memory_space<vmem>>[vector<16xi32>, vector<16xi32>], vector<16xf32>,
    %mul3A_1949 = arith.mulf %exp3A_1939, %div3A_1945 : vector<16xf32>
    tpu.vector_store_idx %arg8[%add3A_1910, %broadcast_in_dim3A_1030], %mul3A_1949 : memref<512x4xf32, #tpu.memory_space<vmem>>[vector<16xi32>, vector<16xi32>], vector<16xf32>,
    %add3A_1950 = arith.constant 352 : i32
    %add3A_1951 = vector.broadcast %add3A_1950 : i32 to vector<16xi32>
    %add3A_1952 = arith.addi %add3A_1951, %iota3A : vector<16xi32>
    %get3A_1953 = arith.constant 352 : index
    %get3A_1954 = tpu.vector_load %arg6[%get3A_1953] {strides = array<i32>} : memref<512xi32, #tpu.memory_space<vmem>>, vector<16xi32>,
    %add3A_1955 = arith.constant 0 : i32
    %add3A_1956 = vector.broadcast %add3A_1955 : i32 to vector<16xi32>
    %add3A_1957 = arith.addi %get3A_1954, %add3A_1956 : vector<16xi32>
    %gather3A_1958 = tpu.vector_load_idx %arg7[%add3A_1952, %add3A_1957] : memref<512x8xf32, #tpu.memory_space<vmem>>[vector<16xi32>, vector<16xi32>], vector<16xf32>,
    %add3A_1959 = arith.constant 1 : i32
    %add3A_1960 = vector.broadcast %add3A_1959 : i32 to vector<16xi32>
    %add3A_1961 = arith.addi %get3A_1954, %add3A_1960 : vector<16xi32>
    %gather3A_1962 = tpu.vector_load_idx %arg7[%add3A_1952, %add3A_1961] : memref<512x8xf32, #tpu.memory_space<vmem>>[vector<16xi32>, vector<16xi32>], vector<16xf32>,
    %add3A_1963 = arith.constant 2 : i32
    %add3A_1964 = vector.broadcast %add3A_1963 : i32 to vector<16xi32>
    %add3A_1965 = arith.addi %get3A_1954, %add3A_1964 : vector<16xi32>
    %gather3A_1966 = tpu.vector_load_idx %arg7[%add3A_1952, %add3A_1965] : memref<512x8xf32, #tpu.memory_space<vmem>>[vector<16xi32>, vector<16xi32>], vector<16xf32>,
    %add3A_1967 = arith.constant 3 : i32
    %add3A_1968 = vector.broadcast %add3A_1967 : i32 to vector<16xi32>
    %add3A_1969 = arith.addi %get3A_1954, %add3A_1968 : vector<16xi32>
    %gather3A_1970 = tpu.vector_load_idx %arg7[%add3A_1952, %add3A_1969] : memref<512x8xf32, #tpu.memory_space<vmem>>[vector<16xi32>, vector<16xi32>], vector<16xf32>,
    %max3A_1971 = arith.maximumf %gather3A_1958, %gather3A_1962 : vector<16xf32>
    %max3A_1972 = arith.maximumf %gather3A_1966, %gather3A_1970 : vector<16xf32>
    %max3A_1973 = arith.maximumf %max3A_1971, %max3A_1972 : vector<16xf32>
    %sub3A_1974 = arith.subf %gather3A_1958, %max3A_1973 : vector<16xf32>
    %exp3A_1975 = math.exp %sub3A_1974 : vector<16xf32>
    %sub3A_1976 = arith.subf %gather3A_1962, %max3A_1973 : vector<16xf32>
    %exp3A_1977 = math.exp %sub3A_1976 : vector<16xf32>
    %sub3A_1978 = arith.subf %gather3A_1966, %max3A_1973 : vector<16xf32>
    %exp3A_1979 = math.exp %sub3A_1978 : vector<16xf32>
    %sub3A_1980 = arith.subf %gather3A_1970, %max3A_1973 : vector<16xf32>
    %exp3A_1981 = math.exp %sub3A_1980 : vector<16xf32>
    %add3A_1982 = arith.addf %exp3A_1975, %exp3A_1977 : vector<16xf32>
    %add3A_1983 = arith.addf %exp3A_1979, %exp3A_1981 : vector<16xf32>
    %add3A_1984 = arith.addf %add3A_1982, %add3A_1983 : vector<16xf32>
    %div3A_1985 = arith.constant 1.000000e+00 : f32
    %div3A_1986 = vector.broadcast %div3A_1985 : f32 to vector<16xf32>
    %div3A_1987 = arith.divf %div3A_1986, %add3A_1984 : vector<16xf32>
    %mul3A_1988 = arith.mulf %exp3A_1975, %div3A_1987 : vector<16xf32>
    tpu.vector_store_idx %arg8[%add3A_1952, %broadcast_in_dim3A_1024], %mul3A_1988 : memref<512x4xf32, #tpu.memory_space<vmem>>[vector<16xi32>, vector<16xi32>], vector<16xf32>,
    %mul3A_1989 = arith.mulf %exp3A_1977, %div3A_1987 : vector<16xf32>
    tpu.vector_store_idx %arg8[%add3A_1952, %broadcast_in_dim3A_1026], %mul3A_1989 : memref<512x4xf32, #tpu.memory_space<vmem>>[vector<16xi32>, vector<16xi32>], vector<16xf32>,
    %mul3A_1990 = arith.mulf %exp3A_1979, %div3A_1987 : vector<16xf32>
    tpu.vector_store_idx %arg8[%add3A_1952, %broadcast_in_dim3A_1028], %mul3A_1990 : memref<512x4xf32, #tpu.memory_space<vmem>>[vector<16xi32>, vector<16xi32>], vector<16xf32>,
    %mul3A_1991 = arith.mulf %exp3A_1981, %div3A_1987 : vector<16xf32>
    tpu.vector_store_idx %arg8[%add3A_1952, %broadcast_in_dim3A_1030], %mul3A_1991 : memref<512x4xf32, #tpu.memory_space<vmem>>[vector<16xi32>, vector<16xi32>], vector<16xf32>,
    %add3A_1992 = arith.constant 368 : i32
    %add3A_1993 = vector.broadcast %add3A_1992 : i32 to vector<16xi32>
    %add3A_1994 = arith.addi %add3A_1993, %iota3A : vector<16xi32>
    %get3A_1995 = arith.constant 368 : index
    %get3A_1996 = tpu.vector_load %arg6[%get3A_1995] {strides = array<i32>} : memref<512xi32, #tpu.memory_space<vmem>>, vector<16xi32>,
    %add3A_1997 = arith.constant 0 : i32
    %add3A_1998 = vector.broadcast %add3A_1997 : i32 to vector<16xi32>
    %add3A_1999 = arith.addi %get3A_1996, %add3A_1998 : vector<16xi32>
    %gather3A_2000 = tpu.vector_load_idx %arg7[%add3A_1994, %add3A_1999] : memref<512x8xf32, #tpu.memory_space<vmem>>[vector<16xi32>, vector<16xi32>], vector<16xf32>,
    %add3A_2001 = arith.constant 1 : i32
    %add3A_2002 = vector.broadcast %add3A_2001 : i32 to vector<16xi32>
    %add3A_2003 = arith.addi %get3A_1996, %add3A_2002 : vector<16xi32>
    %gather3A_2004 = tpu.vector_load_idx %arg7[%add3A_1994, %add3A_2003] : memref<512x8xf32, #tpu.memory_space<vmem>>[vector<16xi32>, vector<16xi32>], vector<16xf32>,
    %add3A_2005 = arith.constant 2 : i32
    %add3A_2006 = vector.broadcast %add3A_2005 : i32 to vector<16xi32>
    %add3A_2007 = arith.addi %get3A_1996, %add3A_2006 : vector<16xi32>
    %gather3A_2008 = tpu.vector_load_idx %arg7[%add3A_1994, %add3A_2007] : memref<512x8xf32, #tpu.memory_space<vmem>>[vector<16xi32>, vector<16xi32>], vector<16xf32>,
    %add3A_2009 = arith.constant 3 : i32
    %add3A_2010 = vector.broadcast %add3A_2009 : i32 to vector<16xi32>
    %add3A_2011 = arith.addi %get3A_1996, %add3A_2010 : vector<16xi32>
    %gather3A_2012 = tpu.vector_load_idx %arg7[%add3A_1994, %add3A_2011] : memref<512x8xf32, #tpu.memory_space<vmem>>[vector<16xi32>, vector<16xi32>], vector<16xf32>,
    %max3A_2013 = arith.maximumf %gather3A_2000, %gather3A_2004 : vector<16xf32>
    %max3A_2014 = arith.maximumf %gather3A_2008, %gather3A_2012 : vector<16xf32>
    %max3A_2015 = arith.maximumf %max3A_2013, %max3A_2014 : vector<16xf32>
    %sub3A_2016 = arith.subf %gather3A_2000, %max3A_2015 : vector<16xf32>
    %exp3A_2017 = math.exp %sub3A_2016 : vector<16xf32>
    %sub3A_2018 = arith.subf %gather3A_2004, %max3A_2015 : vector<16xf32>
    %exp3A_2019 = math.exp %sub3A_2018 : vector<16xf32>
    %sub3A_2020 = arith.subf %gather3A_2008, %max3A_2015 : vector<16xf32>
    %exp3A_2021 = math.exp %sub3A_2020 : vector<16xf32>
    %sub3A_2022 = arith.subf %gather3A_2012, %max3A_2015 : vector<16xf32>
    %exp3A_2023 = math.exp %sub3A_2022 : vector<16xf32>
    %add3A_2024 = arith.addf %exp3A_2017, %exp3A_2019 : vector<16xf32>
    %add3A_2025 = arith.addf %exp3A_2021, %exp3A_2023 : vector<16xf32>
    %add3A_2026 = arith.addf %add3A_2024, %add3A_2025 : vector<16xf32>
    %div3A_2027 = arith.constant 1.000000e+00 : f32
    %div3A_2028 = vector.broadcast %div3A_2027 : f32 to vector<16xf32>
    %div3A_2029 = arith.divf %div3A_2028, %add3A_2026 : vector<16xf32>
    %mul3A_2030 = arith.mulf %exp3A_2017, %div3A_2029 : vector<16xf32>
    tpu.vector_store_idx %arg8[%add3A_1994, %broadcast_in_dim3A_1024], %mul3A_2030 : memref<512x4xf32, #tpu.memory_space<vmem>>[vector<16xi32>, vector<16xi32>], vector<16xf32>,
    %mul3A_2031 = arith.mulf %exp3A_2019, %div3A_2029 : vector<16xf32>
    tpu.vector_store_idx %arg8[%add3A_1994, %broadcast_in_dim3A_1026], %mul3A_2031 : memref<512x4xf32, #tpu.memory_space<vmem>>[vector<16xi32>, vector<16xi32>], vector<16xf32>,
    %mul3A_2032 = arith.mulf %exp3A_2021, %div3A_2029 : vector<16xf32>
    tpu.vector_store_idx %arg8[%add3A_1994, %broadcast_in_dim3A_1028], %mul3A_2032 : memref<512x4xf32, #tpu.memory_space<vmem>>[vector<16xi32>, vector<16xi32>], vector<16xf32>,
    %mul3A_2033 = arith.mulf %exp3A_2023, %div3A_2029 : vector<16xf32>
    tpu.vector_store_idx %arg8[%add3A_1994, %broadcast_in_dim3A_1030], %mul3A_2033 : memref<512x4xf32, #tpu.memory_space<vmem>>[vector<16xi32>, vector<16xi32>], vector<16xf32>,
    %add3A_2034 = arith.constant 384 : i32
    %add3A_2035 = vector.broadcast %add3A_2034 : i32 to vector<16xi32>
    %add3A_2036 = arith.addi %add3A_2035, %iota3A : vector<16xi32>
    %get3A_2037 = arith.constant 384 : index
    %get3A_2038 = tpu.vector_load %arg6[%get3A_2037] {strides = array<i32>} : memref<512xi32, #tpu.memory_space<vmem>>, vector<16xi32>,
    %add3A_2039 = arith.constant 0 : i32
    %add3A_2040 = vector.broadcast %add3A_2039 : i32 to vector<16xi32>
    %add3A_2041 = arith.addi %get3A_2038, %add3A_2040 : vector<16xi32>
    %gather3A_2042 = tpu.vector_load_idx %arg7[%add3A_2036, %add3A_2041] : memref<512x8xf32, #tpu.memory_space<vmem>>[vector<16xi32>, vector<16xi32>], vector<16xf32>,
    %add3A_2043 = arith.constant 1 : i32
    %add3A_2044 = vector.broadcast %add3A_2043 : i32 to vector<16xi32>
    %add3A_2045 = arith.addi %get3A_2038, %add3A_2044 : vector<16xi32>
    %gather3A_2046 = tpu.vector_load_idx %arg7[%add3A_2036, %add3A_2045] : memref<512x8xf32, #tpu.memory_space<vmem>>[vector<16xi32>, vector<16xi32>], vector<16xf32>,
    %add3A_2047 = arith.constant 2 : i32
    %add3A_2048 = vector.broadcast %add3A_2047 : i32 to vector<16xi32>
    %add3A_2049 = arith.addi %get3A_2038, %add3A_2048 : vector<16xi32>
    %gather3A_2050 = tpu.vector_load_idx %arg7[%add3A_2036, %add3A_2049] : memref<512x8xf32, #tpu.memory_space<vmem>>[vector<16xi32>, vector<16xi32>], vector<16xf32>,
    %add3A_2051 = arith.constant 3 : i32
    %add3A_2052 = vector.broadcast %add3A_2051 : i32 to vector<16xi32>
    %add3A_2053 = arith.addi %get3A_2038, %add3A_2052 : vector<16xi32>
    %gather3A_2054 = tpu.vector_load_idx %arg7[%add3A_2036, %add3A_2053] : memref<512x8xf32, #tpu.memory_space<vmem>>[vector<16xi32>, vector<16xi32>], vector<16xf32>,
    %max3A_2055 = arith.maximumf %gather3A_2042, %gather3A_2046 : vector<16xf32>
    %max3A_2056 = arith.maximumf %gather3A_2050, %gather3A_2054 : vector<16xf32>
    %max3A_2057 = arith.maximumf %max3A_2055, %max3A_2056 : vector<16xf32>
    %sub3A_2058 = arith.subf %gather3A_2042, %max3A_2057 : vector<16xf32>
    %exp3A_2059 = math.exp %sub3A_2058 : vector<16xf32>
    %sub3A_2060 = arith.subf %gather3A_2046, %max3A_2057 : vector<16xf32>
    %exp3A_2061 = math.exp %sub3A_2060 : vector<16xf32>
    %sub3A_2062 = arith.subf %gather3A_2050, %max3A_2057 : vector<16xf32>
    %exp3A_2063 = math.exp %sub3A_2062 : vector<16xf32>
    %sub3A_2064 = arith.subf %gather3A_2054, %max3A_2057 : vector<16xf32>
    %exp3A_2065 = math.exp %sub3A_2064 : vector<16xf32>
    %add3A_2066 = arith.addf %exp3A_2059, %exp3A_2061 : vector<16xf32>
    %add3A_2067 = arith.addf %exp3A_2063, %exp3A_2065 : vector<16xf32>
    %add3A_2068 = arith.addf %add3A_2066, %add3A_2067 : vector<16xf32>
    %div3A_2069 = arith.constant 1.000000e+00 : f32
    %div3A_2070 = vector.broadcast %div3A_2069 : f32 to vector<16xf32>
    %div3A_2071 = arith.divf %div3A_2070, %add3A_2068 : vector<16xf32>
    %mul3A_2072 = arith.mulf %exp3A_2059, %div3A_2071 : vector<16xf32>
    tpu.vector_store_idx %arg8[%add3A_2036, %broadcast_in_dim3A_1024], %mul3A_2072 : memref<512x4xf32, #tpu.memory_space<vmem>>[vector<16xi32>, vector<16xi32>], vector<16xf32>,
    %mul3A_2073 = arith.mulf %exp3A_2061, %div3A_2071 : vector<16xf32>
    tpu.vector_store_idx %arg8[%add3A_2036, %broadcast_in_dim3A_1026], %mul3A_2073 : memref<512x4xf32, #tpu.memory_space<vmem>>[vector<16xi32>, vector<16xi32>], vector<16xf32>,
    %mul3A_2074 = arith.mulf %exp3A_2063, %div3A_2071 : vector<16xf32>
    tpu.vector_store_idx %arg8[%add3A_2036, %broadcast_in_dim3A_1028], %mul3A_2074 : memref<512x4xf32, #tpu.memory_space<vmem>>[vector<16xi32>, vector<16xi32>], vector<16xf32>,
    %mul3A_2075 = arith.mulf %exp3A_2065, %div3A_2071 : vector<16xf32>
    tpu.vector_store_idx %arg8[%add3A_2036, %broadcast_in_dim3A_1030], %mul3A_2075 : memref<512x4xf32, #tpu.memory_space<vmem>>[vector<16xi32>, vector<16xi32>], vector<16xf32>,
    %add3A_2076 = arith.constant 400 : i32
    %add3A_2077 = vector.broadcast %add3A_2076 : i32 to vector<16xi32>
    %add3A_2078 = arith.addi %add3A_2077, %iota3A : vector<16xi32>
    %get3A_2079 = arith.constant 400 : index
    %get3A_2080 = tpu.vector_load %arg6[%get3A_2079] {strides = array<i32>} : memref<512xi32, #tpu.memory_space<vmem>>, vector<16xi32>,
    %add3A_2081 = arith.constant 0 : i32
    %add3A_2082 = vector.broadcast %add3A_2081 : i32 to vector<16xi32>
    %add3A_2083 = arith.addi %get3A_2080, %add3A_2082 : vector<16xi32>
    %gather3A_2084 = tpu.vector_load_idx %arg7[%add3A_2078, %add3A_2083] : memref<512x8xf32, #tpu.memory_space<vmem>>[vector<16xi32>, vector<16xi32>], vector<16xf32>,
    %add3A_2085 = arith.constant 1 : i32
    %add3A_2086 = vector.broadcast %add3A_2085 : i32 to vector<16xi32>
    %add3A_2087 = arith.addi %get3A_2080, %add3A_2086 : vector<16xi32>
    %gather3A_2088 = tpu.vector_load_idx %arg7[%add3A_2078, %add3A_2087] : memref<512x8xf32, #tpu.memory_space<vmem>>[vector<16xi32>, vector<16xi32>], vector<16xf32>,
    %add3A_2089 = arith.constant 2 : i32
    %add3A_2090 = vector.broadcast %add3A_2089 : i32 to vector<16xi32>
    %add3A_2091 = arith.addi %get3A_2080, %add3A_2090 : vector<16xi32>
    %gather3A_2092 = tpu.vector_load_idx %arg7[%add3A_2078, %add3A_2091] : memref<512x8xf32, #tpu.memory_space<vmem>>[vector<16xi32>, vector<16xi32>], vector<16xf32>,
    %add3A_2093 = arith.constant 3 : i32
    %add3A_2094 = vector.broadcast %add3A_2093 : i32 to vector<16xi32>
    %add3A_2095 = arith.addi %get3A_2080, %add3A_2094 : vector<16xi32>
    %gather3A_2096 = tpu.vector_load_idx %arg7[%add3A_2078, %add3A_2095] : memref<512x8xf32, #tpu.memory_space<vmem>>[vector<16xi32>, vector<16xi32>], vector<16xf32>,
    %max3A_2097 = arith.maximumf %gather3A_2084, %gather3A_2088 : vector<16xf32>
    %max3A_2098 = arith.maximumf %gather3A_2092, %gather3A_2096 : vector<16xf32>
    %max3A_2099 = arith.maximumf %max3A_2097, %max3A_2098 : vector<16xf32>
    %sub3A_2100 = arith.subf %gather3A_2084, %max3A_2099 : vector<16xf32>
    %exp3A_2101 = math.exp %sub3A_2100 : vector<16xf32>
    %sub3A_2102 = arith.subf %gather3A_2088, %max3A_2099 : vector<16xf32>
    %exp3A_2103 = math.exp %sub3A_2102 : vector<16xf32>
    %sub3A_2104 = arith.subf %gather3A_2092, %max3A_2099 : vector<16xf32>
    %exp3A_2105 = math.exp %sub3A_2104 : vector<16xf32>
    %sub3A_2106 = arith.subf %gather3A_2096, %max3A_2099 : vector<16xf32>
    %exp3A_2107 = math.exp %sub3A_2106 : vector<16xf32>
    %add3A_2108 = arith.addf %exp3A_2101, %exp3A_2103 : vector<16xf32>
    %add3A_2109 = arith.addf %exp3A_2105, %exp3A_2107 : vector<16xf32>
    %add3A_2110 = arith.addf %add3A_2108, %add3A_2109 : vector<16xf32>
    %div3A_2111 = arith.constant 1.000000e+00 : f32
    %div3A_2112 = vector.broadcast %div3A_2111 : f32 to vector<16xf32>
    %div3A_2113 = arith.divf %div3A_2112, %add3A_2110 : vector<16xf32>
    %mul3A_2114 = arith.mulf %exp3A_2101, %div3A_2113 : vector<16xf32>
    tpu.vector_store_idx %arg8[%add3A_2078, %broadcast_in_dim3A_1024], %mul3A_2114 : memref<512x4xf32, #tpu.memory_space<vmem>>[vector<16xi32>, vector<16xi32>], vector<16xf32>,
    %mul3A_2115 = arith.mulf %exp3A_2103, %div3A_2113 : vector<16xf32>
    tpu.vector_store_idx %arg8[%add3A_2078, %broadcast_in_dim3A_1026], %mul3A_2115 : memref<512x4xf32, #tpu.memory_space<vmem>>[vector<16xi32>, vector<16xi32>], vector<16xf32>,
    %mul3A_2116 = arith.mulf %exp3A_2105, %div3A_2113 : vector<16xf32>
    tpu.vector_store_idx %arg8[%add3A_2078, %broadcast_in_dim3A_1028], %mul3A_2116 : memref<512x4xf32, #tpu.memory_space<vmem>>[vector<16xi32>, vector<16xi32>], vector<16xf32>,
    %mul3A_2117 = arith.mulf %exp3A_2107, %div3A_2113 : vector<16xf32>
    tpu.vector_store_idx %arg8[%add3A_2078, %broadcast_in_dim3A_1030], %mul3A_2117 : memref<512x4xf32, #tpu.memory_space<vmem>>[vector<16xi32>, vector<16xi32>], vector<16xf32>,
    %add3A_2118 = arith.constant 416 : i32
    %add3A_2119 = vector.broadcast %add3A_2118 : i32 to vector<16xi32>
    %add3A_2120 = arith.addi %add3A_2119, %iota3A : vector<16xi32>
    %get3A_2121 = arith.constant 416 : index
    %get3A_2122 = tpu.vector_load %arg6[%get3A_2121] {strides = array<i32>} : memref<512xi32, #tpu.memory_space<vmem>>, vector<16xi32>,
    %add3A_2123 = arith.constant 0 : i32
    %add3A_2124 = vector.broadcast %add3A_2123 : i32 to vector<16xi32>
    %add3A_2125 = arith.addi %get3A_2122, %add3A_2124 : vector<16xi32>
    %gather3A_2126 = tpu.vector_load_idx %arg7[%add3A_2120, %add3A_2125] : memref<512x8xf32, #tpu.memory_space<vmem>>[vector<16xi32>, vector<16xi32>], vector<16xf32>,
    %add3A_2127 = arith.constant 1 : i32
    %add3A_2128 = vector.broadcast %add3A_2127 : i32 to vector<16xi32>
    %add3A_2129 = arith.addi %get3A_2122, %add3A_2128 : vector<16xi32>
    %gather3A_2130 = tpu.vector_load_idx %arg7[%add3A_2120, %add3A_2129] : memref<512x8xf32, #tpu.memory_space<vmem>>[vector<16xi32>, vector<16xi32>], vector<16xf32>,
    %add3A_2131 = arith.constant 2 : i32
    %add3A_2132 = vector.broadcast %add3A_2131 : i32 to vector<16xi32>
    %add3A_2133 = arith.addi %get3A_2122, %add3A_2132 : vector<16xi32>
    %gather3A_2134 = tpu.vector_load_idx %arg7[%add3A_2120, %add3A_2133] : memref<512x8xf32, #tpu.memory_space<vmem>>[vector<16xi32>, vector<16xi32>], vector<16xf32>,
    %add3A_2135 = arith.constant 3 : i32
    %add3A_2136 = vector.broadcast %add3A_2135 : i32 to vector<16xi32>
    %add3A_2137 = arith.addi %get3A_2122, %add3A_2136 : vector<16xi32>
    %gather3A_2138 = tpu.vector_load_idx %arg7[%add3A_2120, %add3A_2137] : memref<512x8xf32, #tpu.memory_space<vmem>>[vector<16xi32>, vector<16xi32>], vector<16xf32>,
    %max3A_2139 = arith.maximumf %gather3A_2126, %gather3A_2130 : vector<16xf32>
    %max3A_2140 = arith.maximumf %gather3A_2134, %gather3A_2138 : vector<16xf32>
    %max3A_2141 = arith.maximumf %max3A_2139, %max3A_2140 : vector<16xf32>
    %sub3A_2142 = arith.subf %gather3A_2126, %max3A_2141 : vector<16xf32>
    %exp3A_2143 = math.exp %sub3A_2142 : vector<16xf32>
    %sub3A_2144 = arith.subf %gather3A_2130, %max3A_2141 : vector<16xf32>
    %exp3A_2145 = math.exp %sub3A_2144 : vector<16xf32>
    %sub3A_2146 = arith.subf %gather3A_2134, %max3A_2141 : vector<16xf32>
    %exp3A_2147 = math.exp %sub3A_2146 : vector<16xf32>
    %sub3A_2148 = arith.subf %gather3A_2138, %max3A_2141 : vector<16xf32>
    %exp3A_2149 = math.exp %sub3A_2148 : vector<16xf32>
    %add3A_2150 = arith.addf %exp3A_2143, %exp3A_2145 : vector<16xf32>
    %add3A_2151 = arith.addf %exp3A_2147, %exp3A_2149 : vector<16xf32>
    %add3A_2152 = arith.addf %add3A_2150, %add3A_2151 : vector<16xf32>
    %div3A_2153 = arith.constant 1.000000e+00 : f32
    %div3A_2154 = vector.broadcast %div3A_2153 : f32 to vector<16xf32>
    %div3A_2155 = arith.divf %div3A_2154, %add3A_2152 : vector<16xf32>
    %mul3A_2156 = arith.mulf %exp3A_2143, %div3A_2155 : vector<16xf32>
    tpu.vector_store_idx %arg8[%add3A_2120, %broadcast_in_dim3A_1024], %mul3A_2156 : memref<512x4xf32, #tpu.memory_space<vmem>>[vector<16xi32>, vector<16xi32>], vector<16xf32>,
    %mul3A_2157 = arith.mulf %exp3A_2145, %div3A_2155 : vector<16xf32>
    tpu.vector_store_idx %arg8[%add3A_2120, %broadcast_in_dim3A_1026], %mul3A_2157 : memref<512x4xf32, #tpu.memory_space<vmem>>[vector<16xi32>, vector<16xi32>], vector<16xf32>,
    %mul3A_2158 = arith.mulf %exp3A_2147, %div3A_2155 : vector<16xf32>
    tpu.vector_store_idx %arg8[%add3A_2120, %broadcast_in_dim3A_1028], %mul3A_2158 : memref<512x4xf32, #tpu.memory_space<vmem>>[vector<16xi32>, vector<16xi32>], vector<16xf32>,
    %mul3A_2159 = arith.mulf %exp3A_2149, %div3A_2155 : vector<16xf32>
    tpu.vector_store_idx %arg8[%add3A_2120, %broadcast_in_dim3A_1030], %mul3A_2159 : memref<512x4xf32, #tpu.memory_space<vmem>>[vector<16xi32>, vector<16xi32>], vector<16xf32>,
    %add3A_2160 = arith.constant 432 : i32
    %add3A_2161 = vector.broadcast %add3A_2160 : i32 to vector<16xi32>
    %add3A_2162 = arith.addi %add3A_2161, %iota3A : vector<16xi32>
    %get3A_2163 = arith.constant 432 : index
    %get3A_2164 = tpu.vector_load %arg6[%get3A_2163] {strides = array<i32>} : memref<512xi32, #tpu.memory_space<vmem>>, vector<16xi32>,
    %add3A_2165 = arith.constant 0 : i32
    %add3A_2166 = vector.broadcast %add3A_2165 : i32 to vector<16xi32>
    %add3A_2167 = arith.addi %get3A_2164, %add3A_2166 : vector<16xi32>
    %gather3A_2168 = tpu.vector_load_idx %arg7[%add3A_2162, %add3A_2167] : memref<512x8xf32, #tpu.memory_space<vmem>>[vector<16xi32>, vector<16xi32>], vector<16xf32>,
    %add3A_2169 = arith.constant 1 : i32
    %add3A_2170 = vector.broadcast %add3A_2169 : i32 to vector<16xi32>
    %add3A_2171 = arith.addi %get3A_2164, %add3A_2170 : vector<16xi32>
    %gather3A_2172 = tpu.vector_load_idx %arg7[%add3A_2162, %add3A_2171] : memref<512x8xf32, #tpu.memory_space<vmem>>[vector<16xi32>, vector<16xi32>], vector<16xf32>,
    %add3A_2173 = arith.constant 2 : i32
    %add3A_2174 = vector.broadcast %add3A_2173 : i32 to vector<16xi32>
    %add3A_2175 = arith.addi %get3A_2164, %add3A_2174 : vector<16xi32>
    %gather3A_2176 = tpu.vector_load_idx %arg7[%add3A_2162, %add3A_2175] : memref<512x8xf32, #tpu.memory_space<vmem>>[vector<16xi32>, vector<16xi32>], vector<16xf32>,
    %add3A_2177 = arith.constant 3 : i32
    %add3A_2178 = vector.broadcast %add3A_2177 : i32 to vector<16xi32>
    %add3A_2179 = arith.addi %get3A_2164, %add3A_2178 : vector<16xi32>
    %gather3A_2180 = tpu.vector_load_idx %arg7[%add3A_2162, %add3A_2179] : memref<512x8xf32, #tpu.memory_space<vmem>>[vector<16xi32>, vector<16xi32>], vector<16xf32>,
    %max3A_2181 = arith.maximumf %gather3A_2168, %gather3A_2172 : vector<16xf32>
    %max3A_2182 = arith.maximumf %gather3A_2176, %gather3A_2180 : vector<16xf32>
    %max3A_2183 = arith.maximumf %max3A_2181, %max3A_2182 : vector<16xf32>
    %sub3A_2184 = arith.subf %gather3A_2168, %max3A_2183 : vector<16xf32>
    %exp3A_2185 = math.exp %sub3A_2184 : vector<16xf32>
    %sub3A_2186 = arith.subf %gather3A_2172, %max3A_2183 : vector<16xf32>
    %exp3A_2187 = math.exp %sub3A_2186 : vector<16xf32>
    %sub3A_2188 = arith.subf %gather3A_2176, %max3A_2183 : vector<16xf32>
    %exp3A_2189 = math.exp %sub3A_2188 : vector<16xf32>
    %sub3A_2190 = arith.subf %gather3A_2180, %max3A_2183 : vector<16xf32>
    %exp3A_2191 = math.exp %sub3A_2190 : vector<16xf32>
    %add3A_2192 = arith.addf %exp3A_2185, %exp3A_2187 : vector<16xf32>
    %add3A_2193 = arith.addf %exp3A_2189, %exp3A_2191 : vector<16xf32>
    %add3A_2194 = arith.addf %add3A_2192, %add3A_2193 : vector<16xf32>
    %div3A_2195 = arith.constant 1.000000e+00 : f32
    %div3A_2196 = vector.broadcast %div3A_2195 : f32 to vector<16xf32>
    %div3A_2197 = arith.divf %div3A_2196, %add3A_2194 : vector<16xf32>
    %mul3A_2198 = arith.mulf %exp3A_2185, %div3A_2197 : vector<16xf32>
    tpu.vector_store_idx %arg8[%add3A_2162, %broadcast_in_dim3A_1024], %mul3A_2198 : memref<512x4xf32, #tpu.memory_space<vmem>>[vector<16xi32>, vector<16xi32>], vector<16xf32>,
    %mul3A_2199 = arith.mulf %exp3A_2187, %div3A_2197 : vector<16xf32>
    tpu.vector_store_idx %arg8[%add3A_2162, %broadcast_in_dim3A_1026], %mul3A_2199 : memref<512x4xf32, #tpu.memory_space<vmem>>[vector<16xi32>, vector<16xi32>], vector<16xf32>,
    %mul3A_2200 = arith.mulf %exp3A_2189, %div3A_2197 : vector<16xf32>
    tpu.vector_store_idx %arg8[%add3A_2162, %broadcast_in_dim3A_1028], %mul3A_2200 : memref<512x4xf32, #tpu.memory_space<vmem>>[vector<16xi32>, vector<16xi32>], vector<16xf32>,
    %mul3A_2201 = arith.mulf %exp3A_2191, %div3A_2197 : vector<16xf32>
    tpu.vector_store_idx %arg8[%add3A_2162, %broadcast_in_dim3A_1030], %mul3A_2201 : memref<512x4xf32, #tpu.memory_space<vmem>>[vector<16xi32>, vector<16xi32>], vector<16xf32>,
    %add3A_2202 = arith.constant 448 : i32
    %add3A_2203 = vector.broadcast %add3A_2202 : i32 to vector<16xi32>
    %add3A_2204 = arith.addi %add3A_2203, %iota3A : vector<16xi32>
    %get3A_2205 = arith.constant 448 : index
    %get3A_2206 = tpu.vector_load %arg6[%get3A_2205] {strides = array<i32>} : memref<512xi32, #tpu.memory_space<vmem>>, vector<16xi32>,
    %add3A_2207 = arith.constant 0 : i32
    %add3A_2208 = vector.broadcast %add3A_2207 : i32 to vector<16xi32>
    %add3A_2209 = arith.addi %get3A_2206, %add3A_2208 : vector<16xi32>
    %gather3A_2210 = tpu.vector_load_idx %arg7[%add3A_2204, %add3A_2209] : memref<512x8xf32, #tpu.memory_space<vmem>>[vector<16xi32>, vector<16xi32>], vector<16xf32>,
    %add3A_2211 = arith.constant 1 : i32
    %add3A_2212 = vector.broadcast %add3A_2211 : i32 to vector<16xi32>
    %add3A_2213 = arith.addi %get3A_2206, %add3A_2212 : vector<16xi32>
    %gather3A_2214 = tpu.vector_load_idx %arg7[%add3A_2204, %add3A_2213] : memref<512x8xf32, #tpu.memory_space<vmem>>[vector<16xi32>, vector<16xi32>], vector<16xf32>,
    %add3A_2215 = arith.constant 2 : i32
    %add3A_2216 = vector.broadcast %add3A_2215 : i32 to vector<16xi32>
    %add3A_2217 = arith.addi %get3A_2206, %add3A_2216 : vector<16xi32>
    %gather3A_2218 = tpu.vector_load_idx %arg7[%add3A_2204, %add3A_2217] : memref<512x8xf32, #tpu.memory_space<vmem>>[vector<16xi32>, vector<16xi32>], vector<16xf32>,
    %add3A_2219 = arith.constant 3 : i32
    %add3A_2220 = vector.broadcast %add3A_2219 : i32 to vector<16xi32>
    %add3A_2221 = arith.addi %get3A_2206, %add3A_2220 : vector<16xi32>
    %gather3A_2222 = tpu.vector_load_idx %arg7[%add3A_2204, %add3A_2221] : memref<512x8xf32, #tpu.memory_space<vmem>>[vector<16xi32>, vector<16xi32>], vector<16xf32>,
    %max3A_2223 = arith.maximumf %gather3A_2210, %gather3A_2214 : vector<16xf32>
    %max3A_2224 = arith.maximumf %gather3A_2218, %gather3A_2222 : vector<16xf32>
    %max3A_2225 = arith.maximumf %max3A_2223, %max3A_2224 : vector<16xf32>
    %sub3A_2226 = arith.subf %gather3A_2210, %max3A_2225 : vector<16xf32>
    %exp3A_2227 = math.exp %sub3A_2226 : vector<16xf32>
    %sub3A_2228 = arith.subf %gather3A_2214, %max3A_2225 : vector<16xf32>
    %exp3A_2229 = math.exp %sub3A_2228 : vector<16xf32>
    %sub3A_2230 = arith.subf %gather3A_2218, %max3A_2225 : vector<16xf32>
    %exp3A_2231 = math.exp %sub3A_2230 : vector<16xf32>
    %sub3A_2232 = arith.subf %gather3A_2222, %max3A_2225 : vector<16xf32>
    %exp3A_2233 = math.exp %sub3A_2232 : vector<16xf32>
    %add3A_2234 = arith.addf %exp3A_2227, %exp3A_2229 : vector<16xf32>
    %add3A_2235 = arith.addf %exp3A_2231, %exp3A_2233 : vector<16xf32>
    %add3A_2236 = arith.addf %add3A_2234, %add3A_2235 : vector<16xf32>
    %div3A_2237 = arith.constant 1.000000e+00 : f32
    %div3A_2238 = vector.broadcast %div3A_2237 : f32 to vector<16xf32>
    %div3A_2239 = arith.divf %div3A_2238, %add3A_2236 : vector<16xf32>
    %mul3A_2240 = arith.mulf %exp3A_2227, %div3A_2239 : vector<16xf32>
    tpu.vector_store_idx %arg8[%add3A_2204, %broadcast_in_dim3A_1024], %mul3A_2240 : memref<512x4xf32, #tpu.memory_space<vmem>>[vector<16xi32>, vector<16xi32>], vector<16xf32>,
    %mul3A_2241 = arith.mulf %exp3A_2229, %div3A_2239 : vector<16xf32>
    tpu.vector_store_idx %arg8[%add3A_2204, %broadcast_in_dim3A_1026], %mul3A_2241 : memref<512x4xf32, #tpu.memory_space<vmem>>[vector<16xi32>, vector<16xi32>], vector<16xf32>,
    %mul3A_2242 = arith.mulf %exp3A_2231, %div3A_2239 : vector<16xf32>
    tpu.vector_store_idx %arg8[%add3A_2204, %broadcast_in_dim3A_1028], %mul3A_2242 : memref<512x4xf32, #tpu.memory_space<vmem>>[vector<16xi32>, vector<16xi32>], vector<16xf32>,
    %mul3A_2243 = arith.mulf %exp3A_2233, %div3A_2239 : vector<16xf32>
    tpu.vector_store_idx %arg8[%add3A_2204, %broadcast_in_dim3A_1030], %mul3A_2243 : memref<512x4xf32, #tpu.memory_space<vmem>>[vector<16xi32>, vector<16xi32>], vector<16xf32>,
    %add3A_2244 = arith.constant 464 : i32
    %add3A_2245 = vector.broadcast %add3A_2244 : i32 to vector<16xi32>
    %add3A_2246 = arith.addi %add3A_2245, %iota3A : vector<16xi32>
    %get3A_2247 = arith.constant 464 : index
    %get3A_2248 = tpu.vector_load %arg6[%get3A_2247] {strides = array<i32>} : memref<512xi32, #tpu.memory_space<vmem>>, vector<16xi32>,
    %add3A_2249 = arith.constant 0 : i32
    %add3A_2250 = vector.broadcast %add3A_2249 : i32 to vector<16xi32>
    %add3A_2251 = arith.addi %get3A_2248, %add3A_2250 : vector<16xi32>
    %gather3A_2252 = tpu.vector_load_idx %arg7[%add3A_2246, %add3A_2251] : memref<512x8xf32, #tpu.memory_space<vmem>>[vector<16xi32>, vector<16xi32>], vector<16xf32>,
    %add3A_2253 = arith.constant 1 : i32
    %add3A_2254 = vector.broadcast %add3A_2253 : i32 to vector<16xi32>
    %add3A_2255 = arith.addi %get3A_2248, %add3A_2254 : vector<16xi32>
    %gather3A_2256 = tpu.vector_load_idx %arg7[%add3A_2246, %add3A_2255] : memref<512x8xf32, #tpu.memory_space<vmem>>[vector<16xi32>, vector<16xi32>], vector<16xf32>,
    %add3A_2257 = arith.constant 2 : i32
    %add3A_2258 = vector.broadcast %add3A_2257 : i32 to vector<16xi32>
    %add3A_2259 = arith.addi %get3A_2248, %add3A_2258 : vector<16xi32>
    %gather3A_2260 = tpu.vector_load_idx %arg7[%add3A_2246, %add3A_2259] : memref<512x8xf32, #tpu.memory_space<vmem>>[vector<16xi32>, vector<16xi32>], vector<16xf32>,
    %add3A_2261 = arith.constant 3 : i32
    %add3A_2262 = vector.broadcast %add3A_2261 : i32 to vector<16xi32>
    %add3A_2263 = arith.addi %get3A_2248, %add3A_2262 : vector<16xi32>
    %gather3A_2264 = tpu.vector_load_idx %arg7[%add3A_2246, %add3A_2263] : memref<512x8xf32, #tpu.memory_space<vmem>>[vector<16xi32>, vector<16xi32>], vector<16xf32>,
    %max3A_2265 = arith.maximumf %gather3A_2252, %gather3A_2256 : vector<16xf32>
    %max3A_2266 = arith.maximumf %gather3A_2260, %gather3A_2264 : vector<16xf32>
    %max3A_2267 = arith.maximumf %max3A_2265, %max3A_2266 : vector<16xf32>
    %sub3A_2268 = arith.subf %gather3A_2252, %max3A_2267 : vector<16xf32>
    %exp3A_2269 = math.exp %sub3A_2268 : vector<16xf32>
    %sub3A_2270 = arith.subf %gather3A_2256, %max3A_2267 : vector<16xf32>
    %exp3A_2271 = math.exp %sub3A_2270 : vector<16xf32>
    %sub3A_2272 = arith.subf %gather3A_2260, %max3A_2267 : vector<16xf32>
    %exp3A_2273 = math.exp %sub3A_2272 : vector<16xf32>
    %sub3A_2274 = arith.subf %gather3A_2264, %max3A_2267 : vector<16xf32>
    %exp3A_2275 = math.exp %sub3A_2274 : vector<16xf32>
    %add3A_2276 = arith.addf %exp3A_2269, %exp3A_2271 : vector<16xf32>
    %add3A_2277 = arith.addf %exp3A_2273, %exp3A_2275 : vector<16xf32>
    %add3A_2278 = arith.addf %add3A_2276, %add3A_2277 : vector<16xf32>
    %div3A_2279 = arith.constant 1.000000e+00 : f32
    %div3A_2280 = vector.broadcast %div3A_2279 : f32 to vector<16xf32>
    %div3A_2281 = arith.divf %div3A_2280, %add3A_2278 : vector<16xf32>
    %mul3A_2282 = arith.mulf %exp3A_2269, %div3A_2281 : vector<16xf32>
    tpu.vector_store_idx %arg8[%add3A_2246, %broadcast_in_dim3A_1024], %mul3A_2282 : memref<512x4xf32, #tpu.memory_space<vmem>>[vector<16xi32>, vector<16xi32>], vector<16xf32>,
    %mul3A_2283 = arith.mulf %exp3A_2271, %div3A_2281 : vector<16xf32>
    tpu.vector_store_idx %arg8[%add3A_2246, %broadcast_in_dim3A_1026], %mul3A_2283 : memref<512x4xf32, #tpu.memory_space<vmem>>[vector<16xi32>, vector<16xi32>], vector<16xf32>,
    %mul3A_2284 = arith.mulf %exp3A_2273, %div3A_2281 : vector<16xf32>
    tpu.vector_store_idx %arg8[%add3A_2246, %broadcast_in_dim3A_1028], %mul3A_2284 : memref<512x4xf32, #tpu.memory_space<vmem>>[vector<16xi32>, vector<16xi32>], vector<16xf32>,
    %mul3A_2285 = arith.mulf %exp3A_2275, %div3A_2281 : vector<16xf32>
    tpu.vector_store_idx %arg8[%add3A_2246, %broadcast_in_dim3A_1030], %mul3A_2285 : memref<512x4xf32, #tpu.memory_space<vmem>>[vector<16xi32>, vector<16xi32>], vector<16xf32>,
    %add3A_2286 = arith.constant 480 : i32
    %add3A_2287 = vector.broadcast %add3A_2286 : i32 to vector<16xi32>
    %add3A_2288 = arith.addi %add3A_2287, %iota3A : vector<16xi32>
    %get3A_2289 = arith.constant 480 : index
    %get3A_2290 = tpu.vector_load %arg6[%get3A_2289] {strides = array<i32>} : memref<512xi32, #tpu.memory_space<vmem>>, vector<16xi32>,
    %add3A_2291 = arith.constant 0 : i32
    %add3A_2292 = vector.broadcast %add3A_2291 : i32 to vector<16xi32>
    %add3A_2293 = arith.addi %get3A_2290, %add3A_2292 : vector<16xi32>
    %gather3A_2294 = tpu.vector_load_idx %arg7[%add3A_2288, %add3A_2293] : memref<512x8xf32, #tpu.memory_space<vmem>>[vector<16xi32>, vector<16xi32>], vector<16xf32>,
    %add3A_2295 = arith.constant 1 : i32
    %add3A_2296 = vector.broadcast %add3A_2295 : i32 to vector<16xi32>
    %add3A_2297 = arith.addi %get3A_2290, %add3A_2296 : vector<16xi32>
    %gather3A_2298 = tpu.vector_load_idx %arg7[%add3A_2288, %add3A_2297] : memref<512x8xf32, #tpu.memory_space<vmem>>[vector<16xi32>, vector<16xi32>], vector<16xf32>,
    %add3A_2299 = arith.constant 2 : i32
    %add3A_2300 = vector.broadcast %add3A_2299 : i32 to vector<16xi32>
    %add3A_2301 = arith.addi %get3A_2290, %add3A_2300 : vector<16xi32>
    %gather3A_2302 = tpu.vector_load_idx %arg7[%add3A_2288, %add3A_2301] : memref<512x8xf32, #tpu.memory_space<vmem>>[vector<16xi32>, vector<16xi32>], vector<16xf32>,
    %add3A_2303 = arith.constant 3 : i32
    %add3A_2304 = vector.broadcast %add3A_2303 : i32 to vector<16xi32>
    %add3A_2305 = arith.addi %get3A_2290, %add3A_2304 : vector<16xi32>
    %gather3A_2306 = tpu.vector_load_idx %arg7[%add3A_2288, %add3A_2305] : memref<512x8xf32, #tpu.memory_space<vmem>>[vector<16xi32>, vector<16xi32>], vector<16xf32>,
    %max3A_2307 = arith.maximumf %gather3A_2294, %gather3A_2298 : vector<16xf32>
    %max3A_2308 = arith.maximumf %gather3A_2302, %gather3A_2306 : vector<16xf32>
    %max3A_2309 = arith.maximumf %max3A_2307, %max3A_2308 : vector<16xf32>
    %sub3A_2310 = arith.subf %gather3A_2294, %max3A_2309 : vector<16xf32>
    %exp3A_2311 = math.exp %sub3A_2310 : vector<16xf32>
    %sub3A_2312 = arith.subf %gather3A_2298, %max3A_2309 : vector<16xf32>
    %exp3A_2313 = math.exp %sub3A_2312 : vector<16xf32>
    %sub3A_2314 = arith.subf %gather3A_2302, %max3A_2309 : vector<16xf32>
    %exp3A_2315 = math.exp %sub3A_2314 : vector<16xf32>
    %sub3A_2316 = arith.subf %gather3A_2306, %max3A_2309 : vector<16xf32>
    %exp3A_2317 = math.exp %sub3A_2316 : vector<16xf32>
    %add3A_2318 = arith.addf %exp3A_2311, %exp3A_2313 : vector<16xf32>
    %add3A_2319 = arith.addf %exp3A_2315, %exp3A_2317 : vector<16xf32>
    %add3A_2320 = arith.addf %add3A_2318, %add3A_2319 : vector<16xf32>
    %div3A_2321 = arith.constant 1.000000e+00 : f32
    %div3A_2322 = vector.broadcast %div3A_2321 : f32 to vector<16xf32>
    %div3A_2323 = arith.divf %div3A_2322, %add3A_2320 : vector<16xf32>
    %mul3A_2324 = arith.mulf %exp3A_2311, %div3A_2323 : vector<16xf32>
    tpu.vector_store_idx %arg8[%add3A_2288, %broadcast_in_dim3A_1024], %mul3A_2324 : memref<512x4xf32, #tpu.memory_space<vmem>>[vector<16xi32>, vector<16xi32>], vector<16xf32>,
    %mul3A_2325 = arith.mulf %exp3A_2313, %div3A_2323 : vector<16xf32>
    tpu.vector_store_idx %arg8[%add3A_2288, %broadcast_in_dim3A_1026], %mul3A_2325 : memref<512x4xf32, #tpu.memory_space<vmem>>[vector<16xi32>, vector<16xi32>], vector<16xf32>,
    %mul3A_2326 = arith.mulf %exp3A_2315, %div3A_2323 : vector<16xf32>
    tpu.vector_store_idx %arg8[%add3A_2288, %broadcast_in_dim3A_1028], %mul3A_2326 : memref<512x4xf32, #tpu.memory_space<vmem>>[vector<16xi32>, vector<16xi32>], vector<16xf32>,
    %mul3A_2327 = arith.mulf %exp3A_2317, %div3A_2323 : vector<16xf32>
    tpu.vector_store_idx %arg8[%add3A_2288, %broadcast_in_dim3A_1030], %mul3A_2327 : memref<512x4xf32, #tpu.memory_space<vmem>>[vector<16xi32>, vector<16xi32>], vector<16xf32>,
    %add3A_2328 = arith.constant 496 : i32
    %add3A_2329 = vector.broadcast %add3A_2328 : i32 to vector<16xi32>
    %add3A_2330 = arith.addi %add3A_2329, %iota3A : vector<16xi32>
    %get3A_2331 = arith.constant 496 : index
    %get3A_2332 = tpu.vector_load %arg6[%get3A_2331] {strides = array<i32>} : memref<512xi32, #tpu.memory_space<vmem>>, vector<16xi32>,
    %add3A_2333 = arith.constant 0 : i32
    %add3A_2334 = vector.broadcast %add3A_2333 : i32 to vector<16xi32>
    %add3A_2335 = arith.addi %get3A_2332, %add3A_2334 : vector<16xi32>
    %gather3A_2336 = tpu.vector_load_idx %arg7[%add3A_2330, %add3A_2335] : memref<512x8xf32, #tpu.memory_space<vmem>>[vector<16xi32>, vector<16xi32>], vector<16xf32>,
    %add3A_2337 = arith.constant 1 : i32
    %add3A_2338 = vector.broadcast %add3A_2337 : i32 to vector<16xi32>
    %add3A_2339 = arith.addi %get3A_2332, %add3A_2338 : vector<16xi32>
    %gather3A_2340 = tpu.vector_load_idx %arg7[%add3A_2330, %add3A_2339] : memref<512x8xf32, #tpu.memory_space<vmem>>[vector<16xi32>, vector<16xi32>], vector<16xf32>,
    %add3A_2341 = arith.constant 2 : i32
    %add3A_2342 = vector.broadcast %add3A_2341 : i32 to vector<16xi32>
    %add3A_2343 = arith.addi %get3A_2332, %add3A_2342 : vector<16xi32>
    %gather3A_2344 = tpu.vector_load_idx %arg7[%add3A_2330, %add3A_2343] : memref<512x8xf32, #tpu.memory_space<vmem>>[vector<16xi32>, vector<16xi32>], vector<16xf32>,
    %add3A_2345 = arith.constant 3 : i32
    %add3A_2346 = vector.broadcast %add3A_2345 : i32 to vector<16xi32>
    %add3A_2347 = arith.addi %get3A_2332, %add3A_2346 : vector<16xi32>
    %gather3A_2348 = tpu.vector_load_idx %arg7[%add3A_2330, %add3A_2347] : memref<512x8xf32, #tpu.memory_space<vmem>>[vector<16xi32>, vector<16xi32>], vector<16xf32>,
    %max3A_2349 = arith.maximumf %gather3A_2336, %gather3A_2340 : vector<16xf32>
    %max3A_2350 = arith.maximumf %gather3A_2344, %gather3A_2348 : vector<16xf32>
    %max3A_2351 = arith.maximumf %max3A_2349, %max3A_2350 : vector<16xf32>
    %sub3A_2352 = arith.subf %gather3A_2336, %max3A_2351 : vector<16xf32>
    %exp3A_2353 = math.exp %sub3A_2352 : vector<16xf32>
    %sub3A_2354 = arith.subf %gather3A_2340, %max3A_2351 : vector<16xf32>
    %exp3A_2355 = math.exp %sub3A_2354 : vector<16xf32>
    %sub3A_2356 = arith.subf %gather3A_2344, %max3A_2351 : vector<16xf32>
    %exp3A_2357 = math.exp %sub3A_2356 : vector<16xf32>
    %sub3A_2358 = arith.subf %gather3A_2348, %max3A_2351 : vector<16xf32>
    %exp3A_2359 = math.exp %sub3A_2358 : vector<16xf32>
    %add3A_2360 = arith.addf %exp3A_2353, %exp3A_2355 : vector<16xf32>
    %add3A_2361 = arith.addf %exp3A_2357, %exp3A_2359 : vector<16xf32>
    %add3A_2362 = arith.addf %add3A_2360, %add3A_2361 : vector<16xf32>
    %div3A_2363 = arith.constant 1.000000e+00 : f32
    %div3A_2364 = vector.broadcast %div3A_2363 : f32 to vector<16xf32>
    %div3A_2365 = arith.divf %div3A_2364, %add3A_2362 : vector<16xf32>
    %mul3A_2366 = arith.mulf %exp3A_2353, %div3A_2365 : vector<16xf32>
    tpu.vector_store_idx %arg8[%add3A_2330, %broadcast_in_dim3A_1024], %mul3A_2366 : memref<512x4xf32, #tpu.memory_space<vmem>>[vector<16xi32>, vector<16xi32>], vector<16xf32>,
    %mul3A_2367 = arith.mulf %exp3A_2355, %div3A_2365 : vector<16xf32>
    tpu.vector_store_idx %arg8[%add3A_2330, %broadcast_in_dim3A_1026], %mul3A_2367 : memref<512x4xf32, #tpu.memory_space<vmem>>[vector<16xi32>, vector<16xi32>], vector<16xf32>,
    %mul3A_2368 = arith.mulf %exp3A_2357, %div3A_2365 : vector<16xf32>
    tpu.vector_store_idx %arg8[%add3A_2330, %broadcast_in_dim3A_1028], %mul3A_2368 : memref<512x4xf32, #tpu.memory_space<vmem>>[vector<16xi32>, vector<16xi32>], vector<16xf32>,
    %mul3A_2369 = arith.mulf %exp3A_2359, %div3A_2365 : vector<16xf32>
    tpu.vector_store_idx %arg8[%add3A_2330, %broadcast_in_dim3A_1030], %mul3A_2369 : memref<512x4xf32, #tpu.memory_space<vmem>>[vector<16xi32>, vector<16xi32>], vector<16xf32>,
    "tpu.region"() ({
      %run_scoped3A = tpu.sem_alloc : memref<!tpu.dma_semaphore, #tpu.memory_space<semaphore_mem>>
      %dma_start3A_2370 = arith.constant 0 : i32
      %dma_start3A_2371 = tpu.memref_slice %arg4[%mul3A_2, %dma_start3A_2370] : memref<16384x4xf32, #tpu.memory_space<hbm>> -> memref<512x4xf32, #tpu.memory_space<hbm>>
      %dma_start3A_2372 = arith.constant 0 : i32
      %dma_start3A_2373 = tpu.memref_slice %arg4[%mul3A_2, %dma_start3A_2372] : memref<16384x4xf32, #tpu.memory_space<hbm>> -> memref<512x4xf32, #tpu.memory_space<hbm>>
      tpu.enqueue_dma source(%arg8 : memref<512x4xf32, #tpu.memory_space<vmem>>) target(%dma_start3A_2373 : memref<512x4xf32, #tpu.memory_space<hbm>>) target_semaphore(%run_scoped3A : memref<!tpu.dma_semaphore, #tpu.memory_space<semaphore_mem>>)
      %dma_wait3A_2374 = arith.constant 0 : i32
      %dma_wait3A_2375 = tpu.memref_slice %arg4[%mul3A_2, %dma_wait3A_2374] : memref<16384x4xf32, #tpu.memory_space<hbm>> -> memref<512x4xf32, #tpu.memory_space<hbm>>
      %dma_wait3A_2376 = arith.constant 0 : i32
      %dma_wait3A_2377 = tpu.memref_slice %arg4[%mul3A_2, %dma_wait3A_2376] : memref<16384x4xf32, #tpu.memory_space<hbm>> -> memref<512x4xf32, #tpu.memory_space<hbm>>
      tpu.wait_dma2 semaphore(%run_scoped3A : memref<!tpu.dma_semaphore, #tpu.memory_space<semaphore_mem>>) src(%arg8 : memref<512x4xf32, #tpu.memory_space<vmem>>) dst(%dma_wait3A_2377 : memref<512x4xf32, #tpu.memory_space<hbm>>)
      tpu.yield
    }) : () -> ()
    return
  }
}

</mosaic_0001>

<sc_bundles>
// kernel: _run.3.cloned.1.call-start
scs
__scs_entry_jumppad:
0x0: {  	(pc) =	sbr.rel $0x88, $3  }
0x1: {  	(tag) =	ssettag $0x0;
	lr =	simm.s32 $0x1  }
0x2: {  	[smem:$0x3F9F] =	sst lr;
	_ =	strace $0xD0000000  }
0x3: {  	_ = 	snop  }
0x4: {  	_ = 	snop  }
0x5: {  	_ = 	snop  }
0x6: {  	_ = 	snop  }
0x7: {  	_ = 	snop  }
__scs_overlays_trampoline_lowered:
0x8: {  	[smem:$0x3FAE] =	sst s0  }
0x9: {  	[smem:$0x3FAF] =	sst s1  }
0xa: {  	[smem:$0x3FB0] =	sst s2  }
0xb: {  	[smem:$0x3FB1] =	sst s3  }
0xc: {  	[smem:$0x3FB2] =	sst s4  }
0xd: {  	[smem:$0x3FB3] =	sst s5  }
0xe: {  	[smem:$0x3FB4] =	sst s6  }
0xf: {  	[smem:$0x3FB5] =	sst s7  }
0x10: {  	[smem:$0x3FB6] =	sst s8  }
0x11: {  	[smem:$0x3FB7] =	sst s9;
	s0 =	simm.s32 @!p0 $0x0  }
0x12: {  	s1 =	sld [smem:$0x3F9D];
	s0 =	simm.s32 @p0 $0x1  }
0x13: {  	[smem:$0x3FB8] =	sst s0;
	s0 =	simm.s32 @!p1 $0x0  }
0x14: {  	s2 =	sld [smem:$0x3F9C];
	s0 =	simm.s32 @p1 $0x1  }
0x15: {  	[smem:$0x3FB9] =	sst s0;
	s0 =	simm.s32 @!p2 $0x0  }
0x16: {  	s3 =	sld [smem:$0x3FDB];
	s0 =	simm.s32 @p2 $0x1  }
0x17: {  	s4 =	simm.s32 $0x1BF5;
	[smem:$0x3FBB] =	sst s0  }
0x18: {  	s0 =	sld [smem:$0x3F9E];
	_ =	swait.ge [sflag:s4], $0x0  }
0x19: {  	s7 =	sld [smem:$0x3F9F]  }
0x1a: {  	s8 =	sadd.s32 $0xFFFFE003, lr  }
0x1b: {  	s9 =	sadd.s32 $0xFFFFFEF7, lr;
	s5 =	simm.s32 $0xFFFFFFFF;
	p2 =	slt.u32 s8, $0xFFFFF086  }
0x1c: {  	p1 =	slt.u32 s9, $0xF7A;
	s5 =	simm.s32 @!p2 $0x0  }
0x1d: {  	s5 =	simm.s32 @p1 $0x1;
	p0 =	seq.s32 s7, s2  }
0x1e: {  	s7 =	smul.u32 @!p0 $0xF7A, s2;
	p2 =	seq.s32 @!p0 s5, $0x0  }
0x1f: {  	s9 =	smul.u32 $0xF7A, s1;
	s8 =	simm.s32 @!p0 $0x1BF5;
	p2 =	por !p2, p0  }
0x20: {  	[sflag:s8] =	ssyncset.s32 @!p0 $0xFFFFF086;
	s6 =	sadd.s32 @!p0 s3, s7;
	s7 =	simm.s32 @!p0 $0x108  }
0x21: {  	s3 =	sadd.s32 s3, s9;
	s6 =	sadd.s32 @!p0 $0x88, s6;
	s7 =	simm.s32 @p2 $0x1082  }
0x22: {  	[simem:s7], [sflag:s8] =	dma.local @!p0 [hbm:s6], $0xF7A  }
0x23: {  	s9 =	sor.u32 $0xD0000000, s2;
	s6 =	simm.s32 $0x108;
	_ =	swait.ge @!p0 [sflag:s8], $0x0  }
0x24: {  	s3 =	sadd.s32 $0x88, s3;
	s6 =	simm.s32 @!p1 $0x1082;
	[sflag:s4] =	ssyncset.s32 $0xFFFFF086  }
0x25: {  	[simem:s6], [sflag:s4] =	dma.local [hbm:s3], $0xF7A  }
0x26: {  	[smem:$0x3F9F] =	sst s1;
	(tag) =	ssettag s2;
	_ =	strace s9  }
0x27: {  	s1 =	sld [smem:$0x3FAF]  }
0x28: {  	s2 =	sld [smem:$0x3FB0]  }
0x29: {  	s4 =	sld [smem:$0x3FB2]  }
0x2a: {  	p0 =	seq.s32 s5, $0x0;
	s5 =	sld [smem:$0x3FB3]  }
0x2b: {  	s6 =	sld [smem:$0x3FB4]  }
0x2c: {  	s7 =	sld [smem:$0x3FB5]  }
0x2d: {  	s3 =	simm.s32 $0x108;
	s8 =	sld [smem:$0x3FB6]  }
0x2e: {  	s3 =	simm.s32 @!p0 $0x1082;
	s9 =	sld [smem:$0x3FB7]  }
0x2f: {  	lr =	sadd.s32 s0, s3;
	s0 =	sld [smem:$0x3FAE]  }
0x30: {  	s3 =	sld [smem:$0x3FB1]  }
0x31: {  	[smem:$0x3FBA] =	sst s10  }
0x32: {  	s10 =	sld [smem:$0x3FB8];
	_ =	sdelay $0x3  }
0x33: {  	p0 =	seq.s32 s10, $0x1;
	s10 =	sld [smem:$0x3FBA];
	_ =	sdelay $0x3  }
0x34: {  	[smem:$0x3FBA] =	sst s10  }
0x35: {  	s10 =	sld [smem:$0x3FB9];
	_ =	sdelay $0x3  }
0x36: {  	p1 =	seq.s32 s10, $0x1;
	s10 =	sld [smem:$0x3FBA];
	_ =	sdelay $0x3  }
0x37: {  	[smem:$0x3FBA] =	sst s10  }
0x38: {  	s10 =	sld [smem:$0x3FBB]  }
0x39: {  	_ = 	snop;
	(pc) =	sbr.ind lr, $3  }
0x3a: {  	_ = 	snop  }
0x3b: {  	_ = 	snop  }
0x3c: {  	p2 =	seq.s32 s10, $0x1;
	s10 =	sld [smem:$0x3FBA]  }
0x3d: {  	_ =	shalt  }
0x3e: {  	_ =	shalt  }
0x3f: {  	_ =	shalt  }
0x40: {  	_ =	shalt  }
0x41: {  	_ =	shalt  }
0x42: {  	_ =	shalt  }
0x43: {  	_ =	shalt  }
0x44: {  	_ =	shalt  }
0x45: {  	_ =	shalt  }
0x46: {  	_ =	shalt  }
0x47: {  	_ =	shalt  }
0x48: {  	_ =	shalt  }
0x49: {  	_ =	shalt  }
0x4a: {  	_ =	shalt  }
0x4b: {  	_ =	shalt  }
0x4c: {  	_ =	shalt  }
0x4d: {  	_ =	shalt  }
0x4e: {  	_ =	shalt  }
0x4f: {  	_ =	shalt  }
0x50: {  	_ =	shalt  }
0x51: {  	_ =	shalt  }
0x52: {  	_ =	shalt  }
0x53: {  	_ =	shalt  }
0x54: {  	_ =	shalt  }
0x55: {  	_ =	shalt  }
0x56: {  	_ =	shalt  }
0x57: {  	_ =	shalt  }
0x58: {  	_ =	shalt  }
0x59: {  	_ =	shalt  }
0x5a: {  	_ =	shalt  }
0x5b: {  	_ =	shalt  }
0x5c: {  	_ =	shalt  }
0x5d: {  	_ =	shalt  }
0x5e: {  	_ =	shalt  }
0x5f: {  	_ =	shalt  }
0x60: {  	_ =	shalt  }
0x61: {  	_ =	shalt  }
0x62: {  	_ =	shalt  }
0x63: {  	_ =	shalt  }
0x64: {  	_ =	shalt  }
0x65: {  	_ =	shalt  }
0x66: {  	_ =	shalt  }
0x67: {  	_ =	shalt  }
0x68: {  	_ =	shalt  }
0x69: {  	_ =	shalt  }
0x6a: {  	_ =	shalt  }
0x6b: {  	_ =	shalt  }
0x6c: {  	_ =	shalt  }
0x6d: {  	_ =	shalt  }
0x6e: {  	_ =	shalt  }
0x6f: {  	_ =	shalt  }
0x70: {  	_ =	shalt  }
0x71: {  	_ =	shalt  }
0x72: {  	_ =	shalt  }
0x73: {  	_ =	shalt  }
0x74: {  	_ =	shalt  }
0x75: {  	_ =	shalt  }
0x76: {  	_ =	shalt  }
0x77: {  	_ =	shalt  }
0x78: {  	_ =	shalt  }
0x79: {  	_ =	shalt  }
0x7a: {  	_ =	shalt  }
0x7b: {  	_ =	shalt  }
0x7c: {  	_ =	shalt  }
0x7d: {  	_ =	shalt  }
0x7e: {  	_ =	shalt  }
0x7f: {  	_ =	shalt  }
0x80: {  	_ =	shalt  }
0x81: {  	_ =	shalt  }
0x82: {  	_ =	shalt  }
0x83: {  	_ =	shalt  }
0x84: {  	_ =	shalt  }
0x85: {  	_ =	shalt  }
0x86: {  	_ =	shalt  }
0x87: {  	_ =	shalt  }
.Lfunc_end0:
.L_simem_size_0:
called_computation_lowered:
.L_overlay_start_0:
0x88: {  	s2 =	sld [smem:$0x3FD9]  }
0x89: {  	s3 =	sld [smem:$0x3FFE];
	_ =	sdelay $0x1  }
0x8a: {  	s1 =	srdreg.scid  }
0x8b: {  	s0 =	sand.u32 $0x1, s1  }
0x8c: {  	s16 =	sshll.u32 s0, $0xA;
	s2 =	sadd.s32 s3, s2  }
0x8d: {  	s2 =	sadd.s32 s2, s16  }
0x8e: {  	[smem:$0x3FC6] =	sst s2  }
0x8f: {  	_ = 	snop  }
0x90: {  	(tm) =	ssettm $0x1  }
0x91: {  	s17 =	sld [smem:$0x3FFB];
	_ =	sdelay $0x3  }
0x92: {  	_ =	strace s17  }
0x93: {  	s2 =	sld [smem:$0x3FFC];
	_ =	sdelay $0x3  }
0x94: {  	_ =	strace s2  }
0x95: {  	s2 =	sld [smem:$0x3FFD];
	_ =	sdelay $0x3  }
0x96: {  	_ =	strace s2  }
0x97: {  	_ =	strace $0x8FFFFFFF  }
0x98: {  	s18 =	sld [smem:$0x3FDB];
	_ =	sdelay $0x1  }
0x99: {  	s19 =	simm.s32 $_scs_section_size  }
0x9a: {  	s4 =	simm.s32 $_size__tile_overlayer_lowered;
	s5 =	simm.s32 $_tile_overlayer_lowered  }
0x9b: {  	s22 =	simm.s32 $0x1BFF;
	s21 =	sshll.u32 s5, $0x1;
	s2 =	sadd.s32 s19, s18  }
0x9c: {  	s6 =	simm.s32 $0x0;
	s20 =	sshll.u32 s4, $0x1;
	s4 =	sadd.s32 s21, s2  }
0x9d: {  	[timem:s6], [sflag:s22] =	dma.local [hbm:s4], s20  }
0x9e: {  	_ =	swait.ge [sflag:s22], s20  }
0x9f: {  	s3 =	ssub.s32 $0x0, s20;
	[sflag:s22] =	ssyncset.done $0x0  }
0xa0: {  	[sflag:s22] =	ssyncadd.s32 s3;
	_ =	sdelay $0x1  }
0xa1: {  	s23 =	simm.s32 $0x1B8B  }
0xa2: {  	_ =	swait.ge [sflag:s23], $0x1  }
0xa3: {  	[sflag:s23] =	ssyncset.done $0x0  }
0xa4: {  	s25 =	simm.s32 $0x1B8E;
	s24 =	sld [smem:$0x3FFE];
	[sflag:s23] =	ssyncadd.s32 $0xFFFFFFFF  }
0xa5: {  	s26 =	simm.s32 $execute0_lowered;
	[smem:$0x3FD2] =	sst s25  }
0xa6: {  	s4 =	sshll.u32 s26, $0x1;
	_ =	strace $0x80000046;
	[dreg:$0x1] =	wrdreg $0xFFFFFFFF  }
0xa7: {  	s28 =	simm.s32 $_size_execute0_lowered;
	s2 =	sadd.s32 s2, s4;
	[dreg:$0x0] =	wrdreg $0x0  }
0xa8: {  	s4 =	sshll.u32 s28, $0x1;
	[dreg:$0x2] =	wrdreg s2  }
0xa9: {  	[dreg:$0x3] =	wrdreg s4  }
0xaa: {  	[dreg:$0x4] =	wrdreg $0xC0  }
0xab: {  	_ =	task [dreg:s6], $0x5FFFF  }
0xac: {  	[dreg:$0x1] =	wrdreg $0xFFFFFFFF  }
0xad: {  	[dreg:$0x0] =	wrdreg $0x60  }
0xae: {  	[dreg:$0x2] =	wrdreg s24  }
0xaf: {  	[dreg:$0x3] =	wrdreg $0x9  }
0xb0: {  	_ =	task.clear_ibuf [dreg:s6], $0x4FFFF;
	_ =	strace $0x90000046  }
0xb1: {  	s29 =	simm.s32 $0x9;
	_ =	strace $0x80000048  }
0xb2: {  	_ =	swait.ge [sflag:s29], $0x1  }
0xb3: {  	[sflag:s29] =	ssyncadd.s32 $0xFFFFFFFF  }
0xb4: {  	_ =	strace $0x90000048  }
0xb5: {  	_ =	sfence  }
0xb6: {  	s30 =	sld [smem:$0x0];
	_ =	sdelay $0x2  }
0xb7: {  	s31 =	sshll.u32 s1, $0xD;
	s1 =	sshrl.u32 s1, $0x2  }
0xb8: {  	s3 =	sand.u32 $0x4000, s31;
	s1 =	sadd.s32 s1, s30  }
0xb9: {  	s0 =	sor.u32 s3, s0;
	s1 =	sshll.u32 s1, $0x11  }
0xba: {  	s0 =	sor.u32 s1, s0  }
0xbb: {  	s0 =	sadd.s32 $0x8F2B, s0  }
0xbc: {  	[sflag:s0] =	ssyncadd.remote.s32 $0x1  }
0xbd: {  	_ =	sfence.sel $0xFFFF  }
0xbe: {  	[dreg:$0x0] =	wrdreg $0xFFFFFFFF;
	(pc) =	sbr.abs _section_cstart, $3  }
0xbf: {  	[dreg:$0x1] =	wrdreg $0xFFFFFFFF  }
0xc0: {  	_ =	task.clear_ibuf [dreg:s6], $0x2FFFF;
	_ =	strace $0x9FFFFFFF  }
0xc1: {  	(tm) =	ssettm $0x7FFFFFFF  }
tec
execute0_lowered:
.L_overlay_start_1:
0x0: {  	(tag) =	ssettag $0x1  }
0x1: {  	v0 =	vlaneseq.u32  }
0x2: {  	v0 =	vmul.u32 $0x8, v0;
	_ =	sdelay $0x1  }
0x3: {  	v1 =	vor.u32 $0x1, v0  }
0x4: {  	[tilespmem:$0x1FC10] =	vst v1;
	v1 =	vor.u32 $0x80, v0  }
0x5: {  	[tilespmem:$0x1FC20] =	vst v1;
	v1 =	vor.u32 $0x81, v0  }
0x6: {  	[tilespmem:$0x1FC30] =	vst v1;
	v1 =	vor.u32 $0x100, v0  }
0x7: {  	[tilespmem:$0x1FC40] =	vst v1;
	v1 =	vor.u32 $0x101, v0  }
0x8: {  	s2 =	simm.s32 $0x0;
	[tilespmem:$0x1FC50] =	vst v1;
	v1 =	vor.u32 $0x180, v0  }
0x9: {  	[smem:$0x7FF] =	sst s2;
	[tilespmem:$0x1FC60] =	vst v1;
	v1 =	vor.u32 $0x181, v0  }
0xa: {  	s3 =	rddreg [dreg:$0x0];
	_ =	strace $0x80000047;
	[tilespmem:$0x1FC70] =	vst v1;
	v1 =	vor.u32 $0x200, v0  }
0xb: {  	[tilespmem:$0x1FC80] =	vst v1;
	v1 =	vor.u32 $0x201, v0  }
0xc: {  	[tilespmem:$0x1FC90] =	vst v1;
	v1 =	vor.u32 $0x280, v0  }
0xd: {  	[tilespmem:$0x1FCA0] =	vst v1;
	v1 =	vor.u32 $0x281, v0  }
0xe: {  	[tilespmem:$0x1FCB0] =	vst v1;
	v1 =	vor.u32 $0x300, v0  }
0xf: {  	[tilespmem:$0x1FCC0] =	vst v1;
	v1 =	vor.u32 $0x301, v0  }
0x10: {  	[tilespmem:$0x1FCD0] =	vst v1;
	v1 =	vor.u32 $0x380, v0  }
0x11: {  	[tilespmem:$0x1FCE0] =	vst v1;
	v1 =	vor.u32 $0x381, v0  }
0x12: {  	[tilespmem:$0x1FCF0] =	vst v1;
	v1 =	vor.u32 $0x400, v0  }
0x13: {  	[tilespmem:$0x1FD00] =	vst v1;
	v1 =	vor.u32 $0x401, v0  }
0x14: {  	[tilespmem:$0x1FD10] =	vst v1;
	v1 =	vor.u32 $0x480, v0  }
0x15: {  	[tilespmem:$0x1FD20] =	vst v1;
	v1 =	vor.u32 $0x481, v0  }
0x16: {  	[tilespmem:$0x1FD30] =	vst v1;
	v1 =	vor.u32 $0x500, v0  }
0x17: {  	[tilespmem:$0x1FD40] =	vst v1;
	v1 =	vor.u32 $0x501, v0  }
0x18: {  	[tilespmem:$0x1FD50] =	vst v1;
	v1 =	vor.u32 $0x580, v0  }
0x19: {  	[tilespmem:$0x1FD60] =	vst v1;
	v1 =	vor.u32 $0x581, v0  }
0x1a: {  	[tilespmem:$0x1FD70] =	vst v1;
	v1 =	vor.u32 $0x600, v0  }
0x1b: {  	[tilespmem:$0x1FD80] =	vst v1;
	v1 =	vor.u32 $0x601, v0  }
0x1c: {  	[tilespmem:$0x1FD90] =	vst v1;
	v1 =	vor.u32 $0x680, v0  }
0x1d: {  	[tilespmem:$0x1FDA0] =	vst v1;
	v1 =	vor.u32 $0x681, v0  }
0x1e: {  	[tilespmem:$0x1FDB0] =	vst v1;
	v1 =	vor.u32 $0x700, v0  }
0x1f: {  	[tilespmem:$0x1FDC0] =	vst v1;
	v1 =	vor.u32 $0x701, v0  }
0x20: {  	[tilespmem:$0x1FDD0] =	vst v1;
	v1 =	vor.u32 $0x780, v0  }
0x21: {  	[tilespmem:$0x1FDE0] =	vst v1;
	v1 =	vor.u32 $0x781, v0  }
0x22: {  	[tilespmem:$0x1FDF0] =	vst v1;
	v1 =	vor.u32 $0x800, v0  }
0x23: {  	[tilespmem:$0x1FE00] =	vst v1;
	v1 =	vor.u32 $0x801, v0  }
0x24: {  	[tilespmem:$0x1FE10] =	vst v1;
	v1 =	vor.u32 $0x880, v0  }
0x25: {  	[tilespmem:$0x1FE20] =	vst v1;
	v1 =	vor.u32 $0x881, v0  }
0x26: {  	[tilespmem:$0x1FE30] =	vst v1;
	v1 =	vor.u32 $0x900, v0  }
0x27: {  	[tilespmem:$0x1FE40] =	vst v1;
	v1 =	vor.u32 $0x901, v0  }
0x28: {  	[tilespmem:$0x1FE50] =	vst v1;
	v1 =	vor.u32 $0x980, v0  }
0x29: {  	[tilespmem:$0x1FE60] =	vst v1;
	v1 =	vor.u32 $0x981, v0  }
0x2a: {  	[tilespmem:$0x1FE70] =	vst v1;
	v1 =	vor.u32 $0xA00, v0  }
0x2b: {  	[tilespmem:$0x1FE80] =	vst v1;
	v1 =	vor.u32 $0xA01, v0  }
0x2c: {  	[tilespmem:$0x1FE90] =	vst v1;
	v1 =	vor.u32 $0xA80, v0  }
0x2d: {  	[tilespmem:$0x1FEA0] =	vst v1;
	v1 =	vor.u32 $0xA81, v0  }
0x2e: {  	[tilespmem:$0x1FEB0] =	vst v1;
	v1 =	vor.u32 $0xB00, v0  }
0x2f: {  	s1 =	srdreg.scid;
	s0 =	stileid.u32;
	[tilespmem:$0x1FEC0] =	vst v1;
	v1 =	vor.u32 $0xB01, v0  }
0x30: {  	s18 =	simm.s32 $0x1280;
	s19 =	simm.s32 $0x1300;
	s20 =	simm.s32 $0x1380;
	[tilespmem:$0x1FED0] =	vst v1;
	v1 =	vor.u32 $0xB80, v0  }
0x31: {  	s21 =	simm.s32 $0x1400;
	s23 =	simm.s32 $0x1480;
	s1 =	sand.u32 $0x1, s1;
	[tilespmem:$0x1FEE0] =	vst v1;
	v1 =	vor.u32 $0xB81, v0  }
0x32: {  	s24 =	simm.s32 $0x1500;
	s4 =	sshll.u32 s0, $0xA;
	s5 =	sshll.u32 s1, $0x9;
	[tilespmem:$0x1FEF0] =	vst v1;
	v1 =	vor.u32 $0xC00, v0  }
0x33: {  	s25 =	simm.s32 $0x1580;
	s26 =	simm.s32 $0x1600;
	s4 =	sor.u32 s5, s4;
	[tilespmem:$0x1FF00] =	vst v1;
	v1 =	vor.u32 $0xC01, v0  }
0x34: {  	s6 =	simm.s32 $0x1200;
	s7 =	simm.s32 $0x1680;
	s4 =	sadd.s32 s4, s3;
	[tilespmem:$0x1FF10] =	vst v1;
	v1 =	vor.u32 $0xC80, v0  }
0x35: {  	s8 =	simm.s32 $0x1700;
	s9 =	simm.s32 $0x1780;
	s17 =	sadd.s32 $0x600, s4;
	[tilespmem:$0x1FF20] =	vst v1;
	v1 =	vor.u32 $0xC81, v0  }
0x36: {  	s10 =	simm.s32 $0x1800;
	s4 =	sadd.s32 $0x4600, s4;
	[dreg:$0x2] =	wrdreg s17;
	[tilespmem:$0x1FF30] =	vst v1;
	v1 =	vor.u32 $0xD00, v0  }
0x37: {  	s11 =	simm.s32 $0x1880;
	s12 =	simm.s32 $0x1900;
	[dreg:$0x3] =	wrdreg s4;
	[tilespmem:$0x1FF40] =	vst v1;
	v1 =	vor.u32 $0xD01, v0  }
0x38: {  	s13 =	simm.s32 $0x1980;
	s14 =	simm.s32 $0x1A00;
	[dreg:$0x4] =	wrdreg s18;
	[tilespmem:$0x1FF50] =	vst v1;
	v1 =	vor.u32 $0xD80, v0  }
0x39: {  	s15 =	simm.s32 $0x1A80;
	s16 =	simm.s32 $0x1B00;
	[dreg:$0x5] =	wrdreg s19;
	[tilespmem:$0x1FF60] =	vst v1;
	v1 =	vor.u32 $0xD81, v0  }
0x3a: {  	s28 =	simm.s32 $0x2080;
	s29 =	simm.s32 $0x2100;
	[dreg:$0x6] =	wrdreg s20;
	[tilespmem:$0x1FF70] =	vst v1;
	v1 =	vor.u32 $0xE00, v0  }
0x3b: {  	s30 =	simm.s32 $0x2180;
	s1 =	ssub.s32 $0x2, s1;
	[dreg:$0x7] =	wrdreg s21;
	[tilespmem:$0x1FF80] =	vst v1;
	v1 =	vor.u32 $0xE01, v0  }
0x3c: {  	s31 =	simm.s32 $0x1;
	s22 =	sshrl.u32 s1, $0x1;
	[dreg:$0x8] =	wrdreg s23;
	[tilespmem:$0x1FF90] =	vst v1;
	v1 =	vor.u32 $0xE80, v0  }
0x3d: {  	s5 =	simm.s32 $0x2;
	s3 =	sadd.s32 $0x7A1800, s3;
	[dreg:$0x9] =	wrdreg s24;
	[tilespmem:$0x1FFA0] =	vst v1;
	v1 =	vor.u32 $0xE81, v0  }
0x3e: {  	s1 =	ssub.s32 s1, s22;
	s22 =	simm.s32 $0x1E00;
	[dreg:$0xa] =	wrdreg s25;
	[tilespmem:$0x1FFB0] =	vst v1;
	v1 =	vor.u32 $0xF00, v0  }
0x3f: {  	s4 =	smax.u32 s1, $0x1;
	[dreg:$0xb] =	wrdreg s26;
	s17 =	simm.s32 $0x1B80;
	[tilespmem:$0x1FFC0] =	vst v1;
	v1 =	vor.u32 $0xF01, v0  }
0x40: {  	s18 =	simm.s32 $0x1C00;
	s19 =	simm.s32 $0x1C80;
	s20 =	simm.s32 $0x1D00;
	[tilespmem:$0x1FFD0] =	vst v1;
	v1 =	vor.u32 $0xF80, v0  }
0x41: {  	s21 =	simm.s32 $0x1D80;
	s23 =	simm.s32 $0x1E80;
	s24 =	simm.s32 $0x1F00;
	[tilespmem:$0x1FFE0] =	vst v1;
	v1 =	vor.u32 $0xF81, v0  }
0x42: {  	vm0 =	vmmov $0xffff;
	s25 =	simm.s32 $0x1F80;
	s26 =	simm.s32 $0x2000;
	s1 =	simm.s32 $0x2200;
	[tilespmem:$0x1FFF0] =	vst v1  }
.LBB2_1:
0x43: {  	s0 =	rddreg [dreg:$0x2]  }
0x44: {  	[tilespmem:s2], [sflag:$0x2] =	stream.linear.gather [hbm4b:s0+s2], $0x1000, $0x38;
	[tilespmem:$0x3200] =	vst v63  }
0x45: {  	_ =	swait.ge [sflag:s5], $0x1000  }
0x46: {  	v9 =	vld [tilespmem:$0x1FC10];
	_ =	sdelay $0x3  }
0x47: {  	[sflag:s5] =	ssyncset.done $0x0  }
0x48: {  	[sflag:s5] =	ssyncadd.s32 $0xFFFFF000  }
0x49: {  	v1 =	vld.idx.msk [tilespmem:v0+s2+$0x0], $0xffff;
	_ =	sdelay $0x1  }
0x4a: {  	v2 =	vld.idx.msk [tilespmem:v9+s2+$0x0], $0xffff;
	_ =	sdelay $0x2  }
0x4b: {  	v1 =	vmul.u32 $0x3E8, v1  }
0x4c: {  	v10 =	vld [tilespmem:$0x1FC20]  }
0x4d: {  	v1 =	vadd.s32 v2, v1  }
0x4e: {  	v11 =	vld [tilespmem:$0x1FC30];
	v1 =	vshrl.u32 v1, $0x1;
	_ =	sdelay $0x1  }
0x4f: {  	v2 =	vshll.u32 v2, $0x2  }
0x50: {  	v2 =	vand.u32 $0x4, v2  }
0x51: {  	[tilespmem:$0x1000] =	vst v2  }
0x52: {  	[tilespmem:s6], [sflag:$0x1] =	stream.indirect_vreg.gather [hbm4b:s3+s2], $0x8, v1, vm0, $0xb8;
	[tilespmem:$0x3200] =	vst v63  }
0x53: {  	v1 =	vld.idx.msk [tilespmem:v10+s2+$0x0], $0xffff;
	_ =	sdelay $0x1  }
0x54: {  	v2 =	vld.idx.msk [tilespmem:v11+s2+$0x0], $0xffff;
	_ =	sdelay $0x2  }
0x55: {  	v1 =	vmul.u32 $0x3E8, v1  }
0x56: {  	v12 =	vld [tilespmem:$0x1FC40]  }
0x57: {  	v1 =	vadd.s32 v2, v1  }
0x58: {  	v13 =	vld [tilespmem:$0x1FC50];
	v1 =	vshrl.u32 v1, $0x1;
	_ =	sdelay $0x1  }
0x59: {  	v2 =	vshll.u32 v2, $0x2  }
0x5a: {  	v2 =	vand.u32 $0x4, v2  }
0x5b: {  	s0 =	rddreg [dreg:$0x4];
	[tilespmem:$0x1010] =	vst v2  }
0x5c: {  	[tilespmem:s0], [sflag:$0x1] =	stream.indirect_vreg.gather [hbm4b:s3+s2], $0x8, v1, vm0, $0xb8;
	[tilespmem:$0x3200] =	vst v63  }
0x5d: {  	v1 =	vld.idx.msk [tilespmem:v12+s2+$0x0], $0xffff;
	_ =	sdelay $0x1  }
0x5e: {  	v2 =	vld.idx.msk [tilespmem:v13+s2+$0x0], $0xffff;
	_ =	sdelay $0x2  }
0x5f: {  	v1 =	vmul.u32 $0x3E8, v1  }
0x60: {  	v14 =	vld [tilespmem:$0x1FC60]  }
0x61: {  	v1 =	vadd.s32 v2, v1  }
0x62: {  	v15 =	vld [tilespmem:$0x1FC70];
	v1 =	vshrl.u32 v1, $0x1;
	_ =	sdelay $0x1  }
0x63: {  	v2 =	vshll.u32 v2, $0x2  }
0x64: {  	v2 =	vand.u32 $0x4, v2  }
0x65: {  	s0 =	rddreg [dreg:$0x5];
	[tilespmem:$0x1020] =	vst v2  }
0x66: {  	[tilespmem:s0], [sflag:$0x1] =	stream.indirect_vreg.gather [hbm4b:s3+s2], $0x8, v1, vm0, $0xb8;
	[tilespmem:$0x3200] =	vst v63  }
0x67: {  	v1 =	vld.idx.msk [tilespmem:v14+s2+$0x0], $0xffff;
	_ =	sdelay $0x1  }
0x68: {  	v2 =	vld.idx.msk [tilespmem:v15+s2+$0x0], $0xffff;
	_ =	sdelay $0x2  }
0x69: {  	v1 =	vmul.u32 $0x3E8, v1  }
0x6a: {  	v16 =	vld [tilespmem:$0x1FC80]  }
0x6b: {  	v1 =	vadd.s32 v2, v1  }
0x6c: {  	v17 =	vld [tilespmem:$0x1FC90];
	v1 =	vshrl.u32 v1, $0x1;
	_ =	sdelay $0x1  }
0x6d: {  	v2 =	vshll.u32 v2, $0x2  }
0x6e: {  	v2 =	vand.u32 $0x4, v2  }
0x6f: {  	s0 =	rddreg [dreg:$0x6];
	[tilespmem:$0x1030] =	vst v2  }
0x70: {  	[tilespmem:s0], [sflag:$0x1] =	stream.indirect_vreg.gather [hbm4b:s3+s2], $0x8, v1, vm0, $0xb8;
	[tilespmem:$0x3200] =	vst v63  }
0x71: {  	v1 =	vld.idx.msk [tilespmem:v16+s2+$0x0], $0xffff;
	_ =	sdelay $0x1  }
0x72: {  	v2 =	vld.idx.msk [tilespmem:v17+s2+$0x0], $0xffff;
	_ =	sdelay $0x2  }
0x73: {  	v1 =	vmul.u32 $0x3E8, v1  }
0x74: {  	v18 =	vld [tilespmem:$0x1FCA0]  }
0x75: {  	v1 =	vadd.s32 v2, v1  }
0x76: {  	v19 =	vld [tilespmem:$0x1FCB0];
	v1 =	vshrl.u32 v1, $0x1;
	_ =	sdelay $0x1  }
0x77: {  	v2 =	vshll.u32 v2, $0x2  }
0x78: {  	v2 =	vand.u32 $0x4, v2  }
0x79: {  	s0 =	rddreg [dreg:$0x7];
	[tilespmem:$0x1040] =	vst v2  }
0x7a: {  	[tilespmem:s0], [sflag:$0x1] =	stream.indirect_vreg.gather [hbm4b:s3+s2], $0x8, v1, vm0, $0xb8;
	[tilespmem:$0x3200] =	vst v63  }
0x7b: {  	v1 =	vld.idx.msk [tilespmem:v18+s2+$0x0], $0xffff;
	_ =	sdelay $0x1  }
0x7c: {  	v2 =	vld.idx.msk [tilespmem:v19+s2+$0x0], $0xffff;
	_ =	sdelay $0x2  }
0x7d: {  	v1 =	vmul.u32 $0x3E8, v1  }
0x7e: {  	v20 =	vld [tilespmem:$0x1FCC0]  }
0x7f: {  	v1 =	vadd.s32 v2, v1  }
0x80: {  	v21 =	vld [tilespmem:$0x1FCD0];
	v1 =	vshrl.u32 v1, $0x1;
	_ =	sdelay $0x1  }
0x81: {  	v2 =	vshll.u32 v2, $0x2  }
0x82: {  	v2 =	vand.u32 $0x4, v2  }
0x83: {  	s0 =	rddreg [dreg:$0x8];
	[tilespmem:$0x1050] =	vst v2  }
0x84: {  	[tilespmem:s0], [sflag:$0x1] =	stream.indirect_vreg.gather [hbm4b:s3+s2], $0x8, v1, vm0, $0xb8;
	[tilespmem:$0x3200] =	vst v63  }
0x85: {  	v1 =	vld.idx.msk [tilespmem:v20+s2+$0x0], $0xffff;
	_ =	sdelay $0x1  }
0x86: {  	v2 =	vld.idx.msk [tilespmem:v21+s2+$0x0], $0xffff;
	_ =	sdelay $0x2  }
0x87: {  	v1 =	vmul.u32 $0x3E8, v1  }
0x88: {  	v22 =	vld [tilespmem:$0x1FCE0]  }
0x89: {  	v1 =	vadd.s32 v2, v1  }
0x8a: {  	v23 =	vld [tilespmem:$0x1FCF0];
	v1 =	vshrl.u32 v1, $0x1;
	_ =	sdelay $0x1  }
0x8b: {  	v2 =	vshll.u32 v2, $0x2  }
0x8c: {  	v2 =	vand.u32 $0x4, v2  }
0x8d: {  	s0 =	rddreg [dreg:$0x9];
	[tilespmem:$0x1060] =	vst v2  }
0x8e: {  	[tilespmem:s0], [sflag:$0x1] =	stream.indirect_vreg.gather [hbm4b:s3+s2], $0x8, v1, vm0, $0xb8;
	[tilespmem:$0x3200] =	vst v63  }
0x8f: {  	v1 =	vld.idx.msk [tilespmem:v22+s2+$0x0], $0xffff;
	_ =	sdelay $0x1  }
0x90: {  	v2 =	vld.idx.msk [tilespmem:v23+s2+$0x0], $0xffff;
	_ =	sdelay $0x2  }
0x91: {  	v1 =	vmul.u32 $0x3E8, v1  }
0x92: {  	v24 =	vld [tilespmem:$0x1FD00]  }
0x93: {  	v1 =	vadd.s32 v2, v1  }
0x94: {  	v25 =	vld [tilespmem:$0x1FD10];
	v1 =	vshrl.u32 v1, $0x1;
	_ =	sdelay $0x1  }
0x95: {  	v2 =	vshll.u32 v2, $0x2  }
0x96: {  	v2 =	vand.u32 $0x4, v2  }
0x97: {  	s0 =	rddreg [dreg:$0xa];
	[tilespmem:$0x1070] =	vst v2  }
0x98: {  	[tilespmem:s0], [sflag:$0x1] =	stream.indirect_vreg.gather [hbm4b:s3+s2], $0x8, v1, vm0, $0xb8;
	[tilespmem:$0x3200] =	vst v63  }
0x99: {  	v1 =	vld.idx.msk [tilespmem:v24+s2+$0x0], $0xffff;
	_ =	sdelay $0x1  }
0x9a: {  	v2 =	vld.idx.msk [tilespmem:v25+s2+$0x0], $0xffff;
	_ =	sdelay $0x2  }
0x9b: {  	v1 =	vmul.u32 $0x3E8, v1  }
0x9c: {  	v26 =	vld [tilespmem:$0x1FD20]  }
0x9d: {  	v1 =	vadd.s32 v2, v1  }
0x9e: {  	v27 =	vld [tilespmem:$0x1FD30];
	v1 =	vshrl.u32 v1, $0x1;
	_ =	sdelay $0x1  }
0x9f: {  	v2 =	vshll.u32 v2, $0x2  }
0xa0: {  	v2 =	vand.u32 $0x4, v2  }
0xa1: {  	s0 =	rddreg [dreg:$0xb];
	[tilespmem:$0x1080] =	vst v2  }
0xa2: {  	[tilespmem:s0], [sflag:$0x1] =	stream.indirect_vreg.gather [hbm4b:s3+s2], $0x8, v1, vm0, $0xb8;
	[tilespmem:$0x3200] =	vst v63  }
0xa3: {  	v1 =	vld.idx.msk [tilespmem:v26+s2+$0x0], $0xffff;
	_ =	sdelay $0x1  }
0xa4: {  	v2 =	vld.idx.msk [tilespmem:v27+s2+$0x0], $0xffff;
	_ =	sdelay $0x2  }
0xa5: {  	v1 =	vmul.u32 $0x3E8, v1  }
0xa6: {  	v28 =	vld [tilespmem:$0x1FD40]  }
0xa7: {  	v1 =	vadd.s32 v2, v1  }
0xa8: {  	v29 =	vld [tilespmem:$0x1FD50];
	v1 =	vshrl.u32 v1, $0x1;
	_ =	sdelay $0x1  }
0xa9: {  	v2 =	vshll.u32 v2, $0x2  }
0xaa: {  	v2 =	vand.u32 $0x4, v2  }
0xab: {  	[tilespmem:$0x1090] =	vst v2  }
0xac: {  	[tilespmem:s7], [sflag:$0x1] =	stream.indirect_vreg.gather [hbm4b:s3+s2], $0x8, v1, vm0, $0xb8;
	[tilespmem:$0x3200] =	vst v63  }
0xad: {  	v1 =	vld.idx.msk [tilespmem:v28+s2+$0x0], $0xffff;
	_ =	sdelay $0x1  }
0xae: {  	v2 =	vld.idx.msk [tilespmem:v29+s2+$0x0], $0xffff;
	_ =	sdelay $0x2  }
0xaf: {  	v1 =	vmul.u32 $0x3E8, v1  }
0xb0: {  	v30 =	vld [tilespmem:$0x1FD60]  }
0xb1: {  	v1 =	vadd.s32 v2, v1  }
0xb2: {  	v31 =	vld [tilespmem:$0x1FD70];
	v1 =	vshrl.u32 v1, $0x1;
	_ =	sdelay $0x1  }
0xb3: {  	v2 =	vshll.u32 v2, $0x2  }
0xb4: {  	v2 =	vand.u32 $0x4, v2  }
0xb5: {  	[tilespmem:$0x10A0] =	vst v2  }
0xb6: {  	[tilespmem:s8], [sflag:$0x1] =	stream.indirect_vreg.gather [hbm4b:s3+s2], $0x8, v1, vm0, $0xb8;
	[tilespmem:$0x3200] =	vst v63  }
0xb7: {  	v1 =	vld.idx.msk [tilespmem:v30+s2+$0x0], $0xffff;
	_ =	sdelay $0x1  }
0xb8: {  	v2 =	vld.idx.msk [tilespmem:v31+s2+$0x0], $0xffff;
	_ =	sdelay $0x2  }
0xb9: {  	v1 =	vmul.u32 $0x3E8, v1  }
0xba: {  	v32 =	vld [tilespmem:$0x1FD80]  }
0xbb: {  	v1 =	vadd.s32 v2, v1  }
0xbc: {  	v33 =	vld [tilespmem:$0x1FD90];
	v1 =	vshrl.u32 v1, $0x1;
	_ =	sdelay $0x1  }
0xbd: {  	v2 =	vshll.u32 v2, $0x2  }
0xbe: {  	v2 =	vand.u32 $0x4, v2  }
0xbf: {  	[tilespmem:$0x10B0] =	vst v2  }
0xc0: {  	[tilespmem:s9], [sflag:$0x1] =	stream.indirect_vreg.gather [hbm4b:s3+s2], $0x8, v1, vm0, $0xb8;
	[tilespmem:$0x3200] =	vst v63  }
0xc1: {  	v1 =	vld.idx.msk [tilespmem:v32+s2+$0x0], $0xffff;
	_ =	sdelay $0x1  }
0xc2: {  	v2 =	vld.idx.msk [tilespmem:v33+s2+$0x0], $0xffff;
	_ =	sdelay $0x2  }
0xc3: {  	v1 =	vmul.u32 $0x3E8, v1  }
0xc4: {  	v34 =	vld [tilespmem:$0x1FDA0]  }
0xc5: {  	v1 =	vadd.s32 v2, v1  }
0xc6: {  	v35 =	vld [tilespmem:$0x1FDB0];
	v1 =	vshrl.u32 v1, $0x1;
	_ =	sdelay $0x1  }
0xc7: {  	v2 =	vshll.u32 v2, $0x2  }
0xc8: {  	v2 =	vand.u32 $0x4, v2  }
0xc9: {  	[tilespmem:$0x10C0] =	vst v2  }
0xca: {  	[tilespmem:s10], [sflag:$0x1] =	stream.indirect_vreg.gather [hbm4b:s3+s2], $0x8, v1, vm0, $0xb8;
	[tilespmem:$0x3200] =	vst v63  }
0xcb: {  	v1 =	vld.idx.msk [tilespmem:v34+s2+$0x0], $0xffff;
	_ =	sdelay $0x1  }
0xcc: {  	v2 =	vld.idx.msk [tilespmem:v35+s2+$0x0], $0xffff;
	_ =	sdelay $0x2  }
0xcd: {  	v1 =	vmul.u32 $0x3E8, v1  }
0xce: {  	v36 =	vld [tilespmem:$0x1FDC0]  }
0xcf: {  	v1 =	vadd.s32 v2, v1  }
0xd0: {  	v37 =	vld [tilespmem:$0x1FDD0];
	v1 =	vshrl.u32 v1, $0x1;
	_ =	sdelay $0x1  }
0xd1: {  	v2 =	vshll.u32 v2, $0x2  }
0xd2: {  	v2 =	vand.u32 $0x4, v2  }
0xd3: {  	[tilespmem:$0x10D0] =	vst v2  }
0xd4: {  	[tilespmem:s11], [sflag:$0x1] =	stream.indirect_vreg.gather [hbm4b:s3+s2], $0x8, v1, vm0, $0xb8;
	[tilespmem:$0x3200] =	vst v63  }
0xd5: {  	v1 =	vld.idx.msk [tilespmem:v36+s2+$0x0], $0xffff;
	_ =	sdelay $0x1  }
0xd6: {  	v2 =	vld.idx.msk [tilespmem:v37+s2+$0x0], $0xffff;
	_ =	sdelay $0x2  }
0xd7: {  	v1 =	vmul.u32 $0x3E8, v1  }
0xd8: {  	v38 =	vld [tilespmem:$0x1FDE0]  }
0xd9: {  	v1 =	vadd.s32 v2, v1  }
0xda: {  	v39 =	vld [tilespmem:$0x1FDF0];
	v1 =	vshrl.u32 v1, $0x1;
	_ =	sdelay $0x1  }
0xdb: {  	v2 =	vshll.u32 v2, $0x2  }
0xdc: {  	v2 =	vand.u32 $0x4, v2  }
0xdd: {  	[tilespmem:$0x10E0] =	vst v2  }
0xde: {  	[tilespmem:s12], [sflag:$0x1] =	stream.indirect_vreg.gather [hbm4b:s3+s2], $0x8, v1, vm0, $0xb8;
	[tilespmem:$0x3200] =	vst v63  }
0xdf: {  	v1 =	vld.idx.msk [tilespmem:v38+s2+$0x0], $0xffff;
	_ =	sdelay $0x1  }
0xe0: {  	v2 =	vld.idx.msk [tilespmem:v39+s2+$0x0], $0xffff;
	_ =	sdelay $0x2  }
0xe1: {  	v1 =	vmul.u32 $0x3E8, v1  }
0xe2: {  	v40 =	vld [tilespmem:$0x1FE00]  }
0xe3: {  	v1 =	vadd.s32 v2, v1  }
0xe4: {  	v41 =	vld [tilespmem:$0x1FE10];
	v1 =	vshrl.u32 v1, $0x1;
	_ =	sdelay $0x1  }
0xe5: {  	v2 =	vshll.u32 v2, $0x2  }
0xe6: {  	v2 =	vand.u32 $0x4, v2  }
0xe7: {  	[tilespmem:$0x10F0] =	vst v2  }
0xe8: {  	[tilespmem:s13], [sflag:$0x1] =	stream.indirect_vreg.gather [hbm4b:s3+s2], $0x8, v1, vm0, $0xb8;
	[tilespmem:$0x3200] =	vst v63  }
0xe9: {  	v1 =	vld.idx.msk [tilespmem:v40+s2+$0x0], $0xffff;
	_ =	sdelay $0x1  }
0xea: {  	v2 =	vld.idx.msk [tilespmem:v41+s2+$0x0], $0xffff;
	_ =	sdelay $0x2  }
0xeb: {  	v1 =	vmul.u32 $0x3E8, v1  }
0xec: {  	v42 =	vld [tilespmem:$0x1FE20]  }
0xed: {  	v1 =	vadd.s32 v2, v1  }
0xee: {  	v43 =	vld [tilespmem:$0x1FE30];
	v1 =	vshrl.u32 v1, $0x1;
	_ =	sdelay $0x1  }
0xef: {  	v2 =	vshll.u32 v2, $0x2  }
0xf0: {  	v2 =	vand.u32 $0x4, v2  }
0xf1: {  	[tilespmem:$0x1100] =	vst v2  }
0xf2: {  	[tilespmem:s14], [sflag:$0x1] =	stream.indirect_vreg.gather [hbm4b:s3+s2], $0x8, v1, vm0, $0xb8;
	[tilespmem:$0x3200] =	vst v63  }
0xf3: {  	v1 =	vld.idx.msk [tilespmem:v42+s2+$0x0], $0xffff;
	_ =	sdelay $0x1  }
0xf4: {  	v2 =	vld.idx.msk [tilespmem:v43+s2+$0x0], $0xffff;
	_ =	sdelay $0x2  }
0xf5: {  	v1 =	vmul.u32 $0x3E8, v1  }
0xf6: {  	v44 =	vld [tilespmem:$0x1FE40]  }
0xf7: {  	v1 =	vadd.s32 v2, v1  }
0xf8: {  	v45 =	vld [tilespmem:$0x1FE50];
	v1 =	vshrl.u32 v1, $0x1;
	_ =	sdelay $0x1  }
0xf9: {  	v2 =	vshll.u32 v2, $0x2  }
0xfa: {  	v2 =	vand.u32 $0x4, v2  }
0xfb: {  	[tilespmem:$0x1110] =	vst v2  }
0xfc: {  	[tilespmem:s15], [sflag:$0x1] =	stream.indirect_vreg.gather [hbm4b:s3+s2], $0x8, v1, vm0, $0xb8;
	[tilespmem:$0x3200] =	vst v63  }
0xfd: {  	v1 =	vld.idx.msk [tilespmem:v44+s2+$0x0], $0xffff;
	_ =	sdelay $0x1  }
0xfe: {  	v2 =	vld.idx.msk [tilespmem:v45+s2+$0x0], $0xffff;
	_ =	sdelay $0x2  }
0xff: {  	v1 =	vmul.u32 $0x3E8, v1  }
0x100: {  	v46 =	vld [tilespmem:$0x1FE60]  }
0x101: {  	v1 =	vadd.s32 v2, v1  }
0x102: {  	v47 =	vld [tilespmem:$0x1FE70];
	v1 =	vshrl.u32 v1, $0x1;
	_ =	sdelay $0x1  }
0x103: {  	v2 =	vshll.u32 v2, $0x2  }
0x104: {  	v2 =	vand.u32 $0x4, v2  }
0x105: {  	[tilespmem:$0x1120] =	vst v2  }
0x106: {  	[tilespmem:s16], [sflag:$0x1] =	stream.indirect_vreg.gather [hbm4b:s3+s2], $0x8, v1, vm0, $0xb8;
	[tilespmem:$0x3200] =	vst v63  }
0x107: {  	v1 =	vld.idx.msk [tilespmem:v46+s2+$0x0], $0xffff;
	_ =	sdelay $0x1  }
0x108: {  	v2 =	vld.idx.msk [tilespmem:v47+s2+$0x0], $0xffff;
	_ =	sdelay $0x2  }
0x109: {  	v1 =	vmul.u32 $0x3E8, v1  }
0x10a: {  	v48 =	vld [tilespmem:$0x1FE80]  }
0x10b: {  	v1 =	vadd.s32 v2, v1  }
0x10c: {  	v49 =	vld [tilespmem:$0x1FE90];
	v1 =	vshrl.u32 v1, $0x1;
	_ =	sdelay $0x1  }
0x10d: {  	v2 =	vshll.u32 v2, $0x2  }
0x10e: {  	v2 =	vand.u32 $0x4, v2  }
0x10f: {  	[tilespmem:$0x1130] =	vst v2  }
0x110: {  	[tilespmem:s17], [sflag:$0x1] =	stream.indirect_vreg.gather [hbm4b:s3+s2], $0x8, v1, vm0, $0xb8;
	[tilespmem:$0x3200] =	vst v63  }
0x111: {  	v1 =	vld.idx.msk [tilespmem:v48+s2+$0x0], $0xffff;
	_ =	sdelay $0x1  }
0x112: {  	v2 =	vld.idx.msk [tilespmem:v49+s2+$0x0], $0xffff;
	_ =	sdelay $0x2  }
0x113: {  	v1 =	vmul.u32 $0x3E8, v1  }
0x114: {  	v50 =	vld [tilespmem:$0x1FEA0]  }
0x115: {  	v1 =	vadd.s32 v2, v1  }
0x116: {  	v51 =	vld [tilespmem:$0x1FEB0];
	v1 =	vshrl.u32 v1, $0x1;
	_ =	sdelay $0x1  }
0x117: {  	v2 =	vshll.u32 v2, $0x2  }
0x118: {  	v2 =	vand.u32 $0x4, v2  }
0x119: {  	[tilespmem:$0x1140] =	vst v2  }
0x11a: {  	[tilespmem:s18], [sflag:$0x1] =	stream.indirect_vreg.gather [hbm4b:s3+s2], $0x8, v1, vm0, $0xb8;
	[tilespmem:$0x3200] =	vst v63  }
0x11b: {  	v1 =	vld.idx.msk [tilespmem:v50+s2+$0x0], $0xffff;
	_ =	sdelay $0x1  }
0x11c: {  	v2 =	vld.idx.msk [tilespmem:v51+s2+$0x0], $0xffff;
	_ =	sdelay $0x2  }
0x11d: {  	v1 =	vmul.u32 $0x3E8, v1  }
0x11e: {  	v52 =	vld [tilespmem:$0x1FEC0]  }
0x11f: {  	v1 =	vadd.s32 v2, v1  }
0x120: {  	v53 =	vld [tilespmem:$0x1FED0];
	v1 =	vshrl.u32 v1, $0x1;
	_ =	sdelay $0x1  }
0x121: {  	v2 =	vshll.u32 v2, $0x2  }
0x122: {  	v2 =	vand.u32 $0x4, v2  }
0x123: {  	[tilespmem:$0x1150] =	vst v2  }
0x124: {  	[tilespmem:s19], [sflag:$0x1] =	stream.indirect_vreg.gather [hbm4b:s3+s2], $0x8, v1, vm0, $0xb8;
	[tilespmem:$0x3200] =	vst v63  }
0x125: {  	v1 =	vld.idx.msk [tilespmem:v52+s2+$0x0], $0xffff;
	_ =	sdelay $0x1  }
0x126: {  	v2 =	vld.idx.msk [tilespmem:v53+s2+$0x0], $0xffff;
	_ =	sdelay $0x2  }
0x127: {  	v1 =	vmul.u32 $0x3E8, v1  }
0x128: {  	v54 =	vld [tilespmem:$0x1FEE0]  }
0x129: {  	v1 =	vadd.s32 v2, v1  }
0x12a: {  	v55 =	vld [tilespmem:$0x1FEF0];
	v1 =	vshrl.u32 v1, $0x1;
	_ =	sdelay $0x1  }
0x12b: {  	v2 =	vshll.u32 v2, $0x2  }
0x12c: {  	v2 =	vand.u32 $0x4, v2  }
0x12d: {  	[tilespmem:$0x1160] =	vst v2  }
0x12e: {  	[tilespmem:s20], [sflag:$0x1] =	stream.indirect_vreg.gather [hbm4b:s3+s2], $0x8, v1, vm0, $0xb8;
	[tilespmem:$0x3200] =	vst v63  }
0x12f: {  	v1 =	vld.idx.msk [tilespmem:v54+s2+$0x0], $0xffff;
	_ =	sdelay $0x1  }
0x130: {  	v2 =	vld.idx.msk [tilespmem:v55+s2+$0x0], $0xffff;
	_ =	sdelay $0x2  }
0x131: {  	v1 =	vmul.u32 $0x3E8, v1  }
0x132: {  	v56 =	vld [tilespmem:$0x1FF00]  }
0x133: {  	v1 =	vadd.s32 v2, v1  }
0x134: {  	v57 =	vld [tilespmem:$0x1FF10];
	v1 =	vshrl.u32 v1, $0x1;
	_ =	sdelay $0x1  }
0x135: {  	v2 =	vshll.u32 v2, $0x2  }
0x136: {  	v2 =	vand.u32 $0x4, v2  }
0x137: {  	[tilespmem:$0x1170] =	vst v2  }
0x138: {  	[tilespmem:s21], [sflag:$0x1] =	stream.indirect_vreg.gather [hbm4b:s3+s2], $0x8, v1, vm0, $0xb8;
	[tilespmem:$0x3200] =	vst v63  }
0x139: {  	v1 =	vld.idx.msk [tilespmem:v56+s2+$0x0], $0xffff;
	_ =	sdelay $0x1  }
0x13a: {  	v2 =	vld.idx.msk [tilespmem:v57+s2+$0x0], $0xffff;
	_ =	sdelay $0x2  }
0x13b: {  	v1 =	vmul.u32 $0x3E8, v1  }
0x13c: {  	v58 =	vld [tilespmem:$0x1FF20]  }
0x13d: {  	v1 =	vadd.s32 v2, v1  }
0x13e: {  	v59 =	vld [tilespmem:$0x1FF30];
	v1 =	vshrl.u32 v1, $0x1;
	_ =	sdelay $0x1  }
0x13f: {  	v2 =	vshll.u32 v2, $0x2  }
0x140: {  	v2 =	vand.u32 $0x4, v2  }
0x141: {  	[tilespmem:$0x1180] =	vst v2  }
0x142: {  	[tilespmem:s22], [sflag:$0x1] =	stream.indirect_vreg.gather [hbm4b:s3+s2], $0x8, v1, vm0, $0xb8;
	[tilespmem:$0x3200] =	vst v63  }
0x143: {  	v1 =	vld.idx.msk [tilespmem:v58+s2+$0x0], $0xffff;
	_ =	sdelay $0x1  }
0x144: {  	v2 =	vld.idx.msk [tilespmem:v59+s2+$0x0], $0xffff;
	_ =	sdelay $0x2  }
0x145: {  	v1 =	vmul.u32 $0x3E8, v1  }
0x146: {  	v60 =	vld [tilespmem:$0x1FF40]  }
0x147: {  	v1 =	vadd.s32 v2, v1  }
0x148: {  	v61 =	vld [tilespmem:$0x1FF50];
	v1 =	vshrl.u32 v1, $0x1;
	_ =	sdelay $0x1  }
0x149: {  	v2 =	vshll.u32 v2, $0x2  }
0x14a: {  	v2 =	vand.u32 $0x4, v2  }
0x14b: {  	[tilespmem:$0x1190] =	vst v2  }
0x14c: {  	[tilespmem:s23], [sflag:$0x1] =	stream.indirect_vreg.gather [hbm4b:s3+s2], $0x8, v1, vm0, $0xb8;
	[tilespmem:$0x3200] =	vst v63  }
0x14d: {  	v1 =	vld.idx.msk [tilespmem:v60+s2+$0x0], $0xffff;
	_ =	sdelay $0x1  }
0x14e: {  	v2 =	vld.idx.msk [tilespmem:v61+s2+$0x0], $0xffff;
	_ =	sdelay $0x2  }
0x14f: {  	v1 =	vmul.u32 $0x3E8, v1  }
0x150: {  	v62 =	vld [tilespmem:$0x1FF60]  }
0x151: {  	v1 =	vadd.s32 v2, v1  }
0x152: {  	v63 =	vld [tilespmem:$0x1FF70];
	v1 =	vshrl.u32 v1, $0x1;
	_ =	sdelay $0x1  }
0x153: {  	v2 =	vshll.u32 v2, $0x2  }
0x154: {  	v2 =	vand.u32 $0x4, v2  }
0x155: {  	[tilespmem:$0x11A0] =	vst v2  }
0x156: {  	[tilespmem:s24], [sflag:$0x1] =	stream.indirect_vreg.gather [hbm4b:s3+s2], $0x8, v1, vm0, $0xb8;
	[tilespmem:$0x3200] =	vst v63  }
0x157: {  	v1 =	vld.idx.msk [tilespmem:v62+s2+$0x0], $0xffff;
	_ =	sdelay $0x1  }
0x158: {  	v2 =	vld.idx.msk [tilespmem:v63+s2+$0x0], $0xffff;
	_ =	sdelay $0x2  }
0x159: {  	v1 =	vmul.u32 $0x3E8, v1;
	_ =	sdelay $0x1  }
0x15a: {  	v1 =	vadd.s32 v2, v1  }
0x15b: {  	v1 =	vshrl.u32 v1, $0x1;
	_ =	sdelay $0x1  }
0x15c: {  	v2 =	vshll.u32 v2, $0x2  }
0x15d: {  	v2 =	vand.u32 $0x4, v2  }
0x15e: {  	[tilespmem:$0x11B0] =	vst v2  }
0x15f: {  	[tilespmem:s25], [sflag:$0x1] =	stream.indirect_vreg.gather [hbm4b:s3+s2], $0x8, v1, vm0, $0xb8;
	v1 =	vld [tilespmem:$0x1FF80]  }
0x160: {  	_ = 	snop  }
0x161: {  	v2 =	vld [tilespmem:$0x1FF90];
	_ =	sdelay $0x5  }
0x162: {  	v1 =	vld.idx.msk [tilespmem:v1+s2+$0x0], $0xffff;
	_ =	sdelay $0x1  }
0x163: {  	v2 =	vld.idx.msk [tilespmem:v2+s2+$0x0], $0xffff;
	_ =	sdelay $0x2  }
0x164: {  	v1 =	vmul.u32 $0x3E8, v1;
	_ =	sdelay $0x1  }
0x165: {  	v1 =	vadd.s32 v2, v1  }
0x166: {  	v1 =	vshrl.u32 v1, $0x1;
	_ =	sdelay $0x1  }
0x167: {  	v2 =	vshll.u32 v2, $0x2  }
0x168: {  	v2 =	vand.u32 $0x4, v2  }
0x169: {  	[tilespmem:$0x11C0] =	vst v2  }
0x16a: {  	[tilespmem:s26], [sflag:$0x1] =	stream.indirect_vreg.gather [hbm4b:s3+s2], $0x8, v1, vm0, $0xb8;
	v1 =	vld [tilespmem:$0x1FFA0]  }
0x16b: {  	_ = 	snop  }
0x16c: {  	v2 =	vld [tilespmem:$0x1FFB0];
	_ =	sdelay $0x5  }
0x16d: {  	v1 =	vld.idx.msk [tilespmem:v1+s2+$0x0], $0xffff;
	_ =	sdelay $0x1  }
0x16e: {  	v2 =	vld.idx.msk [tilespmem:v2+s2+$0x0], $0xffff;
	_ =	sdelay $0x2  }
0x16f: {  	v1 =	vmul.u32 $0x3E8, v1;
	_ =	sdelay $0x1  }
0x170: {  	v1 =	vadd.s32 v2, v1  }
0x171: {  	v1 =	vshrl.u32 v1, $0x1;
	_ =	sdelay $0x1  }
0x172: {  	v2 =	vshll.u32 v2, $0x2  }
0x173: {  	v2 =	vand.u32 $0x4, v2  }
0x174: {  	[tilespmem:$0x11D0] =	vst v2  }
0x175: {  	[tilespmem:s28], [sflag:$0x1] =	stream.indirect_vreg.gather [hbm4b:s3+s2], $0x8, v1, vm0, $0xb8;
	v1 =	vld [tilespmem:$0x1FFC0]  }
0x176: {  	_ = 	snop  }
0x177: {  	v2 =	vld [tilespmem:$0x1FFD0];
	_ =	sdelay $0x5  }
0x178: {  	v1 =	vld.idx.msk [tilespmem:v1+s2+$0x0], $0xffff;
	_ =	sdelay $0x1  }
0x179: {  	v2 =	vld.idx.msk [tilespmem:v2+s2+$0x0], $0xffff;
	_ =	sdelay $0x2  }
0x17a: {  	v1 =	vmul.u32 $0x3E8, v1;
	_ =	sdelay $0x1  }
0x17b: {  	v1 =	vadd.s32 v2, v1  }
0x17c: {  	v1 =	vshrl.u32 v1, $0x1;
	_ =	sdelay $0x1  }
0x17d: {  	v2 =	vshll.u32 v2, $0x2  }
0x17e: {  	v2 =	vand.u32 $0x4, v2  }
0x17f: {  	[tilespmem:$0x11E0] =	vst v2  }
0x180: {  	[tilespmem:s29], [sflag:$0x1] =	stream.indirect_vreg.gather [hbm4b:s3+s2], $0x8, v1, vm0, $0xb8;
	v1 =	vld [tilespmem:$0x1FFE0]  }
0x181: {  	_ = 	snop  }
0x182: {  	v2 =	vld [tilespmem:$0x1FFF0];
	_ =	sdelay $0x5  }
0x183: {  	v1 =	vld.idx.msk [tilespmem:v1+s2+$0x0], $0xffff;
	_ =	sdelay $0x1  }
0x184: {  	v2 =	vld.idx.msk [tilespmem:v2+s2+$0x0], $0xffff;
	_ =	sdelay $0x2  }
0x185: {  	v1 =	vmul.u32 $0x3E8, v1;
	_ =	sdelay $0x1  }
0x186: {  	v1 =	vadd.s32 v2, v1  }
0x187: {  	v1 =	vshrl.u32 v1, $0x1;
	_ =	sdelay $0x1  }
0x188: {  	v2 =	vshll.u32 v2, $0x2  }
0x189: {  	v2 =	vand.u32 $0x4, v2  }
0x18a: {  	[tilespmem:$0x11F0] =	vst v2  }
0x18b: {  	[tilespmem:s30], [sflag:$0x1] =	stream.indirect_vreg.gather [hbm4b:s3+s2], $0x8, v1, vm0, $0xb8;
	[tilespmem:$0x3200] =	vst v63  }
0x18c: {  	_ =	swait.ge [sflag:s31], $0x80  }
0x18d: {  	[sflag:s31] =	ssyncset.done $0x0  }
0x18e: {  	[sflag:s31] =	ssyncadd.s32 $0xFFFFFF80  }
0x18f: {  	_ =	swait.ge [sflag:s31], $0x80  }
0x190: {  	[sflag:s31] =	ssyncset.done $0x0  }
0x191: {  	[sflag:s31] =	ssyncadd.s32 $0xFFFFFF80  }
0x192: {  	_ =	swait.ge [sflag:s31], $0x80  }
0x193: {  	[sflag:s31] =	ssyncset.done $0x0  }
0x194: {  	[sflag:s31] =	ssyncadd.s32 $0xFFFFFF80  }
0x195: {  	_ =	swait.ge [sflag:s31], $0x80  }
0x196: {  	[sflag:s31] =	ssyncset.done $0x0  }
0x197: {  	[sflag:s31] =	ssyncadd.s32 $0xFFFFFF80  }
0x198: {  	_ =	swait.ge [sflag:s31], $0x80  }
0x199: {  	[sflag:s31] =	ssyncset.done $0x0  }
0x19a: {  	[sflag:s31] =	ssyncadd.s32 $0xFFFFFF80  }
0x19b: {  	_ =	swait.ge [sflag:s31], $0x80  }
0x19c: {  	[sflag:s31] =	ssyncset.done $0x0  }
0x19d: {  	[sflag:s31] =	ssyncadd.s32 $0xFFFFFF80  }
0x19e: {  	_ =	swait.ge [sflag:s31], $0x80  }
0x19f: {  	[sflag:s31] =	ssyncset.done $0x0  }
0x1a0: {  	[sflag:s31] =	ssyncadd.s32 $0xFFFFFF80  }
0x1a1: {  	_ =	swait.ge [sflag:s31], $0x80  }
0x1a2: {  	[sflag:s31] =	ssyncset.done $0x0  }
0x1a3: {  	[sflag:s31] =	ssyncadd.s32 $0xFFFFFF80  }
0x1a4: {  	_ =	swait.ge [sflag:s31], $0x80  }
0x1a5: {  	[sflag:s31] =	ssyncset.done $0x0  }
0x1a6: {  	[sflag:s31] =	ssyncadd.s32 $0xFFFFFF80  }
0x1a7: {  	_ =	swait.ge [sflag:s31], $0x80  }
0x1a8: {  	[sflag:s31] =	ssyncset.done $0x0  }
0x1a9: {  	[sflag:s31] =	ssyncadd.s32 $0xFFFFFF80  }
0x1aa: {  	_ =	swait.ge [sflag:s31], $0x80  }
0x1ab: {  	[sflag:s31] =	ssyncset.done $0x0  }
0x1ac: {  	[sflag:s31] =	ssyncadd.s32 $0xFFFFFF80  }
0x1ad: {  	_ =	swait.ge [sflag:s31], $0x80  }
0x1ae: {  	[sflag:s31] =	ssyncset.done $0x0  }
0x1af: {  	[sflag:s31] =	ssyncadd.s32 $0xFFFFFF80  }
0x1b0: {  	_ =	swait.ge [sflag:s31], $0x80  }
0x1b1: {  	[sflag:s31] =	ssyncset.done $0x0  }
0x1b2: {  	[sflag:s31] =	ssyncadd.s32 $0xFFFFFF80  }
0x1b3: {  	_ =	swait.ge [sflag:s31], $0x80  }
0x1b4: {  	[sflag:s31] =	ssyncset.done $0x0  }
0x1b5: {  	[sflag:s31] =	ssyncadd.s32 $0xFFFFFF80  }
0x1b6: {  	_ =	swait.ge [sflag:s31], $0x80  }
0x1b7: {  	[sflag:s31] =	ssyncset.done $0x0  }
0x1b8: {  	[sflag:s31] =	ssyncadd.s32 $0xFFFFFF80  }
0x1b9: {  	_ =	swait.ge [sflag:s31], $0x80  }
0x1ba: {  	[sflag:s31] =	ssyncset.done $0x0  }
0x1bb: {  	[sflag:s31] =	ssyncadd.s32 $0xFFFFFF80  }
0x1bc: {  	_ =	swait.ge [sflag:s31], $0x80  }
0x1bd: {  	[sflag:s31] =	ssyncset.done $0x0  }
0x1be: {  	[sflag:s31] =	ssyncadd.s32 $0xFFFFFF80  }
0x1bf: {  	_ =	swait.ge [sflag:s31], $0x80  }
0x1c0: {  	[sflag:s31] =	ssyncset.done $0x0  }
0x1c1: {  	[sflag:s31] =	ssyncadd.s32 $0xFFFFFF80  }
0x1c2: {  	_ =	swait.ge [sflag:s31], $0x80  }
0x1c3: {  	[sflag:s31] =	ssyncset.done $0x0  }
0x1c4: {  	[sflag:s31] =	ssyncadd.s32 $0xFFFFFF80  }
0x1c5: {  	_ =	swait.ge [sflag:s31], $0x80  }
0x1c6: {  	[sflag:s31] =	ssyncset.done $0x0  }
0x1c7: {  	[sflag:s31] =	ssyncadd.s32 $0xFFFFFF80  }
0x1c8: {  	_ =	swait.ge [sflag:s31], $0x80  }
0x1c9: {  	[sflag:s31] =	ssyncset.done $0x0  }
0x1ca: {  	[sflag:s31] =	ssyncadd.s32 $0xFFFFFF80  }
0x1cb: {  	_ =	swait.ge [sflag:s31], $0x80  }
0x1cc: {  	[sflag:s31] =	ssyncset.done $0x0  }
0x1cd: {  	[sflag:s31] =	ssyncadd.s32 $0xFFFFFF80  }
0x1ce: {  	_ =	swait.ge [sflag:s31], $0x80  }
0x1cf: {  	[sflag:s31] =	ssyncset.done $0x0  }
0x1d0: {  	[sflag:s31] =	ssyncadd.s32 $0xFFFFFF80  }
0x1d1: {  	_ =	swait.ge [sflag:s31], $0x80  }
0x1d2: {  	[sflag:s31] =	ssyncset.done $0x0  }
0x1d3: {  	[sflag:s31] =	ssyncadd.s32 $0xFFFFFF80  }
0x1d4: {  	_ =	swait.ge [sflag:s31], $0x80  }
0x1d5: {  	[sflag:s31] =	ssyncset.done $0x0  }
0x1d6: {  	[sflag:s31] =	ssyncadd.s32 $0xFFFFFF80  }
0x1d7: {  	_ =	swait.ge [sflag:s31], $0x80  }
0x1d8: {  	[sflag:s31] =	ssyncset.done $0x0  }
0x1d9: {  	[sflag:s31] =	ssyncadd.s32 $0xFFFFFF80  }
0x1da: {  	_ =	swait.ge [sflag:s31], $0x80  }
0x1db: {  	[sflag:s31] =	ssyncset.done $0x0  }
0x1dc: {  	[sflag:s31] =	ssyncadd.s32 $0xFFFFFF80  }
0x1dd: {  	_ =	swait.ge [sflag:s31], $0x80  }
0x1de: {  	[sflag:s31] =	ssyncset.done $0x0  }
0x1df: {  	[sflag:s31] =	ssyncadd.s32 $0xFFFFFF80  }
0x1e0: {  	_ =	swait.ge [sflag:s31], $0x80  }
0x1e1: {  	[sflag:s31] =	ssyncset.done $0x0  }
0x1e2: {  	[sflag:s31] =	ssyncadd.s32 $0xFFFFFF80  }
0x1e3: {  	_ =	swait.ge [sflag:s31], $0x80  }
0x1e4: {  	[sflag:s31] =	ssyncset.done $0x0  }
0x1e5: {  	[sflag:s31] =	ssyncadd.s32 $0xFFFFFF80  }
0x1e6: {  	_ =	swait.ge [sflag:s31], $0x80  }
0x1e7: {  	[sflag:s31] =	ssyncset.done $0x0  }
0x1e8: {  	[sflag:s31] =	ssyncadd.s32 $0xFFFFFF80  }
0x1e9: {  	_ =	swait.ge [sflag:s31], $0x80  }
0x1ea: {  	[sflag:s31] =	ssyncset.done $0x0  }
0x1eb: {  	[sflag:s31] =	ssyncadd.s32 $0xFFFFFF80  }
0x1ec: {  	v1 =	vld [tilespmem:$0x1000];
	_ =	sdelay $0x4  }
0x1ed: {  	v2 =	vadd.s32 v0, v1  }
0x1ee: {  	v4 =	vor.u32 $0x2, v0;
	v3 =	vadd.s32 v9, v1  }
0x1ef: {  	v6 =	vor.u32 $0x3, v0;
	v5 =	vadd.s32 v4, v1  }
0x1f0: {  	v1 =	vadd.s32 v6, v1;
	_ =	sdelay $0x1  }
0x1f1: {  	v2 =	vld.idx.msk [tilespmem:v2+s6+$0x0], $0xffff  }
0x1f2: {  	v3 =	vld.idx.msk [tilespmem:v3+s6+$0x0], $0xffff  }
0x1f3: {  	v5 =	vld.idx.msk [tilespmem:v5+s6+$0x0], $0xffff  }
0x1f4: {  	v1 =	vld.idx.msk [tilespmem:v1+s6+$0x0], $0xffff;
	_ =	sdelay $0x4  }
0x1f5: {  	v7 =	vmax.f32 v2, v3;
	v8 =	vmax.f32 v5, v1  }
0x1f6: {  	v7 =	vmax.f32 v7, v8  }
0x1f7: {  	v2 =	vsub.f32 v2, v7  }
0x1f8: {  	v3 =	vsub.f32 v3, v7  }
0x1f9: {  	v5 =	vsub.f32 v5, v7;
	v2 =	vmul.f32 $1.442695020e+00, v2  }
0x1fa: {  	v1 =	vsub.f32 v1, v7;
	v3 =	vmul.f32 $1.442695020e+00, v3  }
0x1fb: {  	(erf) = vpow2.f32 v2;
	v2 =	vmul.f32 $1.442695020e+00, v5  }
0x1fc: {  	v1 =	vmul.f32 $1.442695020e+00, v1;
	(erf) = vpow2.f32 v3  }
0x1fd: {  	(erf) = vpow2.f32 v2  }
0x1fe: {  	(erf) = vpow2.f32 v1;
	_ =	sdelay $0x5  }
0x1ff: {  	v1 =	vpop (erf)  }
0x200: {  	v2 =	vpop (erf)  }
0x201: {  	v3 =	vpop (erf)  }
0x202: {  	v5 =	vpop (erf)  }
0x203: {  	v7 =	vadd.f32 v2, v1;
	v8 =	vadd.f32 v5, v3;
	_ =	sdelay $0x1  }
0x204: {  	v7 =	vadd.f32 v8, v7;
	_ =	sdelay $0x1  }
0x205: {  	(erf) = vrcp.f32 v7;
	_ =	sdelay $0x8  }
0x206: {  	v7 =	vpop (erf)  }
0x207: {  	v1 =	vmul.f32 v7, v1  }
0x208: {  	v2 =	vmul.f32 v7, v2  }
0x209: {  	[tilespmem:v0+s1+$0x0] =	vst.idx.msk $0xffff, v1;
	v1 =	vmul.f32 v7, v3  }
0x20a: {  	[tilespmem:v9+s1+$0x0] =	vst.idx.msk $0xffff, v2;
	v2 =	vmul.f32 v7, v5  }
0x20b: {  	[tilespmem:v4+s1+$0x0] =	vst.idx.msk $0xffff, v1  }
0x20c: {  	[tilespmem:v6+s1+$0x0] =	vst.idx.msk $0xffff, v2  }
0x20d: {  	v1 =	vld [tilespmem:$0x1010];
	_ =	sdelay $0x4  }
0x20e: {  	v2 =	vadd.s32 v10, v1  }
0x20f: {  	v4 =	vor.u32 $0x82, v0;
	v3 =	vadd.s32 v11, v1  }
0x210: {  	v6 =	vor.u32 $0x83, v0;
	v9 =	vadd.s32 v4, v1  }
0x211: {  	v1 =	vadd.s32 v6, v1;
	_ =	sdelay $0x1  }
0x212: {  	v2 =	vld.idx.msk [tilespmem:v2+s6+$0x0], $0xffff  }
0x213: {  	v3 =	vld.idx.msk [tilespmem:v3+s6+$0x0], $0xffff  }
0x214: {  	v5 =	vld.idx.msk [tilespmem:v9+s6+$0x0], $0xffff  }
0x215: {  	v1 =	vld.idx.msk [tilespmem:v1+s6+$0x0], $0xffff;
	_ =	sdelay $0x4  }
0x216: {  	v7 =	vmax.f32 v2, v3;
	v8 =	vmax.f32 v5, v1  }
0x217: {  	v7 =	vmax.f32 v7, v8  }
0x218: {  	v2 =	vsub.f32 v2, v7  }
0x219: {  	v3 =	vsub.f32 v3, v7  }
0x21a: {  	v5 =	vsub.f32 v5, v7;
	v2 =	vmul.f32 $1.442695020e+00, v2  }
0x21b: {  	v1 =	vsub.f32 v1, v7;
	v3 =	vmul.f32 $1.442695020e+00, v3  }
0x21c: {  	(erf) = vpow2.f32 v2;
	v2 =	vmul.f32 $1.442695020e+00, v5  }
0x21d: {  	v1 =	vmul.f32 $1.442695020e+00, v1;
	(erf) = vpow2.f32 v3  }
0x21e: {  	(erf) = vpow2.f32 v2  }
0x21f: {  	(erf) = vpow2.f32 v1;
	_ =	sdelay $0x5  }
0x220: {  	v1 =	vpop (erf)  }
0x221: {  	v2 =	vpop (erf)  }
0x222: {  	v3 =	vpop (erf)  }
0x223: {  	v5 =	vpop (erf)  }
0x224: {  	v7 =	vadd.f32 v2, v1;
	v8 =	vadd.f32 v5, v3;
	_ =	sdelay $0x1  }
0x225: {  	v7 =	vadd.f32 v8, v7;
	_ =	sdelay $0x1  }
0x226: {  	(erf) = vrcp.f32 v7;
	_ =	sdelay $0x8  }
0x227: {  	v7 =	vpop (erf)  }
0x228: {  	v1 =	vmul.f32 v7, v1  }
0x229: {  	v2 =	vmul.f32 v7, v2  }
0x22a: {  	[tilespmem:v10+s1+$0x0] =	vst.idx.msk $0xffff, v1;
	v1 =	vmul.f32 v7, v3  }
0x22b: {  	[tilespmem:v11+s1+$0x0] =	vst.idx.msk $0xffff, v2;
	v2 =	vmul.f32 v7, v5  }
0x22c: {  	[tilespmem:v4+s1+$0x0] =	vst.idx.msk $0xffff, v1  }
0x22d: {  	[tilespmem:v6+s1+$0x0] =	vst.idx.msk $0xffff, v2  }
0x22e: {  	v1 =	vld [tilespmem:$0x1020];
	_ =	sdelay $0x4  }
0x22f: {  	v2 =	vadd.s32 v12, v1  }
0x230: {  	v4 =	vor.u32 $0x102, v0;
	v3 =	vadd.s32 v13, v1  }
0x231: {  	v6 =	vor.u32 $0x103, v0;
	v10 =	vadd.s32 v4, v1  }
0x232: {  	v1 =	vadd.s32 v6, v1;
	_ =	sdelay $0x1  }
0x233: {  	v2 =	vld.idx.msk [tilespmem:v2+s6+$0x0], $0xffff  }
0x234: {  	v3 =	vld.idx.msk [tilespmem:v3+s6+$0x0], $0xffff  }
0x235: {  	v5 =	vld.idx.msk [tilespmem:v10+s6+$0x0], $0xffff  }
0x236: {  	v1 =	vld.idx.msk [tilespmem:v1+s6+$0x0], $0xffff;
	_ =	sdelay $0x4  }
0x237: {  	v7 =	vmax.f32 v2, v3;
	v8 =	vmax.f32 v5, v1  }
0x238: {  	v7 =	vmax.f32 v7, v8  }
0x239: {  	v2 =	vsub.f32 v2, v7  }
0x23a: {  	v3 =	vsub.f32 v3, v7  }
0x23b: {  	v5 =	vsub.f32 v5, v7;
	v2 =	vmul.f32 $1.442695020e+00, v2  }
0x23c: {  	v1 =	vsub.f32 v1, v7;
	v3 =	vmul.f32 $1.442695020e+00, v3  }
0x23d: {  	(erf) = vpow2.f32 v2;
	v2 =	vmul.f32 $1.442695020e+00, v5  }
0x23e: {  	v1 =	vmul.f32 $1.442695020e+00, v1;
	(erf) = vpow2.f32 v3  }
0x23f: {  	(erf) = vpow2.f32 v2  }
0x240: {  	(erf) = vpow2.f32 v1;
	_ =	sdelay $0x5  }
0x241: {  	v1 =	vpop (erf)  }
0x242: {  	v2 =	vpop (erf)  }
0x243: {  	v3 =	vpop (erf)  }
0x244: {  	v5 =	vpop (erf)  }
0x245: {  	v7 =	vadd.f32 v2, v1;
	v8 =	vadd.f32 v5, v3;
	_ =	sdelay $0x1  }
0x246: {  	v7 =	vadd.f32 v8, v7;
	_ =	sdelay $0x1  }
0x247: {  	(erf) = vrcp.f32 v7;
	_ =	sdelay $0x8  }
0x248: {  	v7 =	vpop (erf)  }
0x249: {  	v1 =	vmul.f32 v7, v1  }
0x24a: {  	v2 =	vmul.f32 v7, v2  }
0x24b: {  	[tilespmem:v12+s1+$0x0] =	vst.idx.msk $0xffff, v1;
	v1 =	vmul.f32 v7, v3  }
0x24c: {  	[tilespmem:v13+s1+$0x0] =	vst.idx.msk $0xffff, v2;
	v2 =	vmul.f32 v7, v5  }
0x24d: {  	[tilespmem:v4+s1+$0x0] =	vst.idx.msk $0xffff, v1  }
0x24e: {  	[tilespmem:v6+s1+$0x0] =	vst.idx.msk $0xffff, v2  }
0x24f: {  	v1 =	vld [tilespmem:$0x1030];
	_ =	sdelay $0x4  }
0x250: {  	v2 =	vadd.s32 v14, v1  }
0x251: {  	v4 =	vor.u32 $0x182, v0;
	v3 =	vadd.s32 v15, v1  }
0x252: {  	v6 =	vor.u32 $0x183, v0;
	v11 =	vadd.s32 v4, v1  }
0x253: {  	v1 =	vadd.s32 v6, v1;
	_ =	sdelay $0x1  }
0x254: {  	v2 =	vld.idx.msk [tilespmem:v2+s6+$0x0], $0xffff  }
0x255: {  	v3 =	vld.idx.msk [tilespmem:v3+s6+$0x0], $0xffff  }
0x256: {  	v5 =	vld.idx.msk [tilespmem:v11+s6+$0x0], $0xffff  }
0x257: {  	v1 =	vld.idx.msk [tilespmem:v1+s6+$0x0], $0xffff;
	_ =	sdelay $0x4  }
0x258: {  	v12 =	vmax.f32 v2, v3;
	v13 =	vmax.f32 v5, v1  }
0x259: {  	v7 =	vmax.f32 v12, v13  }
0x25a: {  	v2 =	vsub.f32 v2, v7  }
0x25b: {  	v3 =	vsub.f32 v3, v7  }
0x25c: {  	v5 =	vsub.f32 v5, v7;
	v2 =	vmul.f32 $1.442695020e+00, v2  }
0x25d: {  	v1 =	vsub.f32 v1, v7;
	v3 =	vmul.f32 $1.442695020e+00, v3  }
0x25e: {  	(erf) = vpow2.f32 v2;
	v2 =	vmul.f32 $1.442695020e+00, v5  }
0x25f: {  	v1 =	vmul.f32 $1.442695020e+00, v1;
	(erf) = vpow2.f32 v3  }
0x260: {  	(erf) = vpow2.f32 v2  }
0x261: {  	(erf) = vpow2.f32 v1;
	_ =	sdelay $0x5  }
0x262: {  	v1 =	vpop (erf)  }
0x263: {  	v2 =	vpop (erf)  }
0x264: {  	v3 =	vpop (erf)  }
0x265: {  	v5 =	vpop (erf)  }
0x266: {  	v12 =	vadd.f32 v2, v1;
	v13 =	vadd.f32 v5, v3;
	_ =	sdelay $0x1  }
0x267: {  	v7 =	vadd.f32 v13, v12;
	_ =	sdelay $0x1  }
0x268: {  	(erf) = vrcp.f32 v7;
	_ =	sdelay $0x8  }
0x269: {  	v7 =	vpop (erf)  }
0x26a: {  	v1 =	vmul.f32 v7, v1  }
0x26b: {  	v2 =	vmul.f32 v7, v2  }
0x26c: {  	[tilespmem:v14+s1+$0x0] =	vst.idx.msk $0xffff, v1;
	v1 =	vmul.f32 v7, v3  }
0x26d: {  	[tilespmem:v15+s1+$0x0] =	vst.idx.msk $0xffff, v2;
	v2 =	vmul.f32 v7, v5  }
0x26e: {  	[tilespmem:v4+s1+$0x0] =	vst.idx.msk $0xffff, v1  }
0x26f: {  	[tilespmem:v6+s1+$0x0] =	vst.idx.msk $0xffff, v2  }
0x270: {  	v1 =	vld [tilespmem:$0x1040];
	_ =	sdelay $0x4  }
0x271: {  	v2 =	vadd.s32 v16, v1  }
0x272: {  	v4 =	vor.u32 $0x202, v0;
	v3 =	vadd.s32 v17, v1  }
0x273: {  	v6 =	vor.u32 $0x203, v0;
	v11 =	vadd.s32 v4, v1  }
0x274: {  	v1 =	vadd.s32 v6, v1;
	_ =	sdelay $0x1  }
0x275: {  	v2 =	vld.idx.msk [tilespmem:v2+s6+$0x0], $0xffff  }
0x276: {  	v3 =	vld.idx.msk [tilespmem:v3+s6+$0x0], $0xffff  }
0x277: {  	v5 =	vld.idx.msk [tilespmem:v11+s6+$0x0], $0xffff  }
0x278: {  	v1 =	vld.idx.msk [tilespmem:v1+s6+$0x0], $0xffff;
	_ =	sdelay $0x4  }
0x279: {  	v12 =	vmax.f32 v2, v3;
	v13 =	vmax.f32 v5, v1  }
0x27a: {  	v7 =	vmax.f32 v12, v13  }
0x27b: {  	v2 =	vsub.f32 v2, v7  }
0x27c: {  	v3 =	vsub.f32 v3, v7  }
0x27d: {  	v5 =	vsub.f32 v5, v7;
	v2 =	vmul.f32 $1.442695020e+00, v2  }
0x27e: {  	v1 =	vsub.f32 v1, v7;
	v3 =	vmul.f32 $1.442695020e+00, v3  }
0x27f: {  	(erf) = vpow2.f32 v2;
	v2 =	vmul.f32 $1.442695020e+00, v5  }
0x280: {  	v1 =	vmul.f32 $1.442695020e+00, v1;
	(erf) = vpow2.f32 v3  }
0x281: {  	(erf) = vpow2.f32 v2  }
0x282: {  	(erf) = vpow2.f32 v1;
	_ =	sdelay $0x5  }
0x283: {  	v1 =	vpop (erf)  }
0x284: {  	v2 =	vpop (erf)  }
0x285: {  	v3 =	vpop (erf)  }
0x286: {  	v14 =	vpop (erf)  }
0x287: {  	v15 =	vadd.f32 v2, v1;
	v12 =	vadd.f32 v14, v3;
	_ =	sdelay $0x1  }
0x288: {  	v7 =	vadd.f32 v12, v15;
	_ =	sdelay $0x1  }
0x289: {  	(erf) = vrcp.f32 v7;
	_ =	sdelay $0x8  }
0x28a: {  	v7 =	vpop (erf)  }
0x28b: {  	v1 =	vmul.f32 v7, v1  }
0x28c: {  	v2 =	vmul.f32 v7, v2  }
0x28d: {  	[tilespmem:v16+s1+$0x0] =	vst.idx.msk $0xffff, v1;
	v1 =	vmul.f32 v7, v3  }
0x28e: {  	[tilespmem:v17+s1+$0x0] =	vst.idx.msk $0xffff, v2;
	v2 =	vmul.f32 v7, v14  }
0x28f: {  	[tilespmem:v4+s1+$0x0] =	vst.idx.msk $0xffff, v1  }
0x290: {  	[tilespmem:v6+s1+$0x0] =	vst.idx.msk $0xffff, v2  }
0x291: {  	v1 =	vld [tilespmem:$0x1050];
	_ =	sdelay $0x4  }
0x292: {  	v2 =	vadd.s32 v18, v1  }
0x293: {  	v4 =	vor.u32 $0x282, v0;
	v3 =	vadd.s32 v19, v1  }
0x294: {  	v14 =	vor.u32 $0x283, v0;
	v13 =	vadd.s32 v4, v1  }
0x295: {  	v1 =	vadd.s32 v14, v1;
	_ =	sdelay $0x1  }
0x296: {  	v2 =	vld.idx.msk [tilespmem:v2+s6+$0x0], $0xffff  }
0x297: {  	v3 =	vld.idx.msk [tilespmem:v3+s6+$0x0], $0xffff  }
0x298: {  	v5 =	vld.idx.msk [tilespmem:v13+s6+$0x0], $0xffff  }
0x299: {  	v1 =	vld.idx.msk [tilespmem:v1+s6+$0x0], $0xffff;
	_ =	sdelay $0x4  }
0x29a: {  	v15 =	vmax.f32 v2, v3;
	v16 =	vmax.f32 v5, v1  }
0x29b: {  	v7 =	vmax.f32 v15, v16  }
0x29c: {  	v2 =	vsub.f32 v2, v7  }
0x29d: {  	v3 =	vsub.f32 v3, v7  }
0x29e: {  	v5 =	vsub.f32 v5, v7;
	v2 =	vmul.f32 $1.442695020e+00, v2  }
0x29f: {  	v1 =	vsub.f32 v1, v7;
	v3 =	vmul.f32 $1.442695020e+00, v3  }
0x2a0: {  	(erf) = vpow2.f32 v2;
	v2 =	vmul.f32 $1.442695020e+00, v5  }
0x2a1: {  	v1 =	vmul.f32 $1.442695020e+00, v1;
	(erf) = vpow2.f32 v3  }
0x2a2: {  	(erf) = vpow2.f32 v2  }
0x2a3: {  	(erf) = vpow2.f32 v1;
	_ =	sdelay $0x5  }
0x2a4: {  	v1 =	vpop (erf)  }
0x2a5: {  	v2 =	vpop (erf)  }
0x2a6: {  	v3 =	vpop (erf)  }
0x2a7: {  	v17 =	vpop (erf)  }
0x2a8: {  	v12 =	vadd.f32 v2, v1;
	v13 =	vadd.f32 v17, v3;
	_ =	sdelay $0x1  }
0x2a9: {  	v7 =	vadd.f32 v13, v12;
	_ =	sdelay $0x1  }
0x2aa: {  	(erf) = vrcp.f32 v7;
	_ =	sdelay $0x8  }
0x2ab: {  	v7 =	vpop (erf)  }
0x2ac: {  	v1 =	vmul.f32 v7, v1  }
0x2ad: {  	v2 =	vmul.f32 v7, v2  }
0x2ae: {  	[tilespmem:v18+s1+$0x0] =	vst.idx.msk $0xffff, v1;
	v1 =	vmul.f32 v7, v3  }
0x2af: {  	[tilespmem:v19+s1+$0x0] =	vst.idx.msk $0xffff, v2;
	v2 =	vmul.f32 v7, v17  }
0x2b0: {  	[tilespmem:v4+s1+$0x0] =	vst.idx.msk $0xffff, v1  }
0x2b1: {  	[tilespmem:v14+s1+$0x0] =	vst.idx.msk $0xffff, v2  }
0x2b2: {  	v1 =	vld [tilespmem:$0x1060];
	_ =	sdelay $0x4  }
0x2b3: {  	v2 =	vadd.s32 v20, v1  }
0x2b4: {  	v14 =	vor.u32 $0x302, v0;
	v3 =	vadd.s32 v21, v1  }
0x2b5: {  	v16 =	vor.u32 $0x303, v0;
	v15 =	vadd.s32 v14, v1  }
0x2b6: {  	v1 =	vadd.s32 v16, v1;
	_ =	sdelay $0x1  }
0x2b7: {  	v2 =	vld.idx.msk [tilespmem:v2+s6+$0x0], $0xffff  }
0x2b8: {  	v3 =	vld.idx.msk [tilespmem:v3+s6+$0x0], $0xffff  }
0x2b9: {  	v5 =	vld.idx.msk [tilespmem:v15+s6+$0x0], $0xffff  }
0x2ba: {  	v1 =	vld.idx.msk [tilespmem:v1+s6+$0x0], $0xffff;
	_ =	sdelay $0x4  }
0x2bb: {  	v17 =	vmax.f32 v2, v3;
	v18 =	vmax.f32 v5, v1  }
0x2bc: {  	v7 =	vmax.f32 v17, v18  }
0x2bd: {  	v2 =	vsub.f32 v2, v7  }
0x2be: {  	v3 =	vsub.f32 v3, v7  }
0x2bf: {  	v5 =	vsub.f32 v5, v7;
	v2 =	vmul.f32 $1.442695020e+00, v2  }
0x2c0: {  	v1 =	vsub.f32 v1, v7;
	v3 =	vmul.f32 $1.442695020e+00, v3  }
0x2c1: {  	(erf) = vpow2.f32 v2;
	v2 =	vmul.f32 $1.442695020e+00, v5  }
0x2c2: {  	v1 =	vmul.f32 $1.442695020e+00, v1;
	(erf) = vpow2.f32 v3  }
0x2c3: {  	(erf) = vpow2.f32 v2  }
0x2c4: {  	(erf) = vpow2.f32 v1;
	_ =	sdelay $0x5  }
0x2c5: {  	v1 =	vpop (erf)  }
0x2c6: {  	v2 =	vpop (erf)  }
0x2c7: {  	v3 =	vpop (erf)  }
0x2c8: {  	v19 =	vpop (erf)  }
0x2c9: {  	v12 =	vadd.f32 v2, v1;
	v13 =	vadd.f32 v19, v3;
	_ =	sdelay $0x1  }
0x2ca: {  	v7 =	vadd.f32 v13, v12;
	_ =	sdelay $0x1  }
0x2cb: {  	(erf) = vrcp.f32 v7;
	_ =	sdelay $0x8  }
0x2cc: {  	v7 =	vpop (erf)  }
0x2cd: {  	v1 =	vmul.f32 v7, v1  }
0x2ce: {  	v2 =	vmul.f32 v7, v2  }
0x2cf: {  	[tilespmem:v20+s1+$0x0] =	vst.idx.msk $0xffff, v1;
	v1 =	vmul.f32 v7, v3  }
0x2d0: {  	[tilespmem:v21+s1+$0x0] =	vst.idx.msk $0xffff, v2;
	v2 =	vmul.f32 v7, v19  }
0x2d1: {  	[tilespmem:v14+s1+$0x0] =	vst.idx.msk $0xffff, v1  }
0x2d2: {  	[tilespmem:v16+s1+$0x0] =	vst.idx.msk $0xffff, v2  }
0x2d3: {  	v1 =	vld [tilespmem:$0x1070];
	_ =	sdelay $0x4  }
0x2d4: {  	v2 =	vadd.s32 v22, v1  }
0x2d5: {  	v14 =	vor.u32 $0x382, v0;
	v3 =	vadd.s32 v23, v1  }
0x2d6: {  	v16 =	vor.u32 $0x383, v0;
	v15 =	vadd.s32 v14, v1  }
0x2d7: {  	v1 =	vadd.s32 v16, v1;
	_ =	sdelay $0x1  }
0x2d8: {  	v2 =	vld.idx.msk [tilespmem:v2+s6+$0x0], $0xffff  }
0x2d9: {  	v3 =	vld.idx.msk [tilespmem:v3+s6+$0x0], $0xffff  }
0x2da: {  	v5 =	vld.idx.msk [tilespmem:v15+s6+$0x0], $0xffff  }
0x2db: {  	v1 =	vld.idx.msk [tilespmem:v1+s6+$0x0], $0xffff;
	_ =	sdelay $0x4  }
0x2dc: {  	v17 =	vmax.f32 v2, v3;
	v18 =	vmax.f32 v5, v1  }
0x2dd: {  	v7 =	vmax.f32 v17, v18  }
0x2de: {  	v2 =	vsub.f32 v2, v7  }
0x2df: {  	v3 =	vsub.f32 v3, v7  }
0x2e0: {  	v5 =	vsub.f32 v5, v7;
	v2 =	vmul.f32 $1.442695020e+00, v2  }
0x2e1: {  	v1 =	vsub.f32 v1, v7;
	v3 =	vmul.f32 $1.442695020e+00, v3  }
0x2e2: {  	(erf) = vpow2.f32 v2;
	v2 =	vmul.f32 $1.442695020e+00, v5  }
0x2e3: {  	v1 =	vmul.f32 $1.442695020e+00, v1;
	(erf) = vpow2.f32 v3  }
0x2e4: {  	(erf) = vpow2.f32 v2  }
0x2e5: {  	(erf) = vpow2.f32 v1;
	_ =	sdelay $0x5  }
0x2e6: {  	v1 =	vpop (erf)  }
0x2e7: {  	v2 =	vpop (erf)  }
0x2e8: {  	v3 =	vpop (erf)  }
0x2e9: {  	v19 =	vpop (erf)  }
0x2ea: {  	v20 =	vadd.f32 v2, v1;
	v21 =	vadd.f32 v19, v3;
	_ =	sdelay $0x1  }
0x2eb: {  	v7 =	vadd.f32 v21, v20;
	_ =	sdelay $0x1  }
0x2ec: {  	(erf) = vrcp.f32 v7;
	_ =	sdelay $0x8  }
0x2ed: {  	v7 =	vpop (erf)  }
0x2ee: {  	v1 =	vmul.f32 v7, v1  }
0x2ef: {  	v2 =	vmul.f32 v7, v2  }
0x2f0: {  	[tilespmem:v22+s1+$0x0] =	vst.idx.msk $0xffff, v1;
	v1 =	vmul.f32 v7, v3  }
0x2f1: {  	[tilespmem:v23+s1+$0x0] =	vst.idx.msk $0xffff, v2;
	v2 =	vmul.f32 v7, v19  }
0x2f2: {  	[tilespmem:v14+s1+$0x0] =	vst.idx.msk $0xffff, v1  }
0x2f3: {  	[tilespmem:v16+s1+$0x0] =	vst.idx.msk $0xffff, v2  }
0x2f4: {  	v1 =	vld [tilespmem:$0x1080];
	_ =	sdelay $0x4  }
0x2f5: {  	v2 =	vadd.s32 v24, v1  }
0x2f6: {  	v23 =	vor.u32 $0x402, v0;
	v3 =	vadd.s32 v25, v1  }
0x2f7: {  	v12 =	vor.u32 $0x403, v0;
	v11 =	vadd.s32 v23, v1  }
0x2f8: {  	v1 =	vadd.s32 v12, v1;
	_ =	sdelay $0x1  }
0x2f9: {  	v2 =	vld.idx.msk [tilespmem:v2+s6+$0x0], $0xffff  }
0x2fa: {  	v3 =	vld.idx.msk [tilespmem:v3+s6+$0x0], $0xffff  }
0x2fb: {  	v5 =	vld.idx.msk [tilespmem:v11+s6+$0x0], $0xffff  }
0x2fc: {  	v1 =	vld.idx.msk [tilespmem:v1+s6+$0x0], $0xffff;
	_ =	sdelay $0x4  }
0x2fd: {  	v13 =	vmax.f32 v2, v3;
	v14 =	vmax.f32 v5, v1  }
0x2fe: {  	v7 =	vmax.f32 v13, v14  }
0x2ff: {  	v2 =	vsub.f32 v2, v7  }
0x300: {  	v3 =	vsub.f32 v3, v7  }
0x301: {  	v5 =	vsub.f32 v5, v7;
	v2 =	vmul.f32 $1.442695020e+00, v2  }
0x302: {  	v1 =	vsub.f32 v1, v7;
	v3 =	vmul.f32 $1.442695020e+00, v3  }
0x303: {  	(erf) = vpow2.f32 v2;
	v2 =	vmul.f32 $1.442695020e+00, v5  }
0x304: {  	v1 =	vmul.f32 $1.442695020e+00, v1;
	(erf) = vpow2.f32 v3  }
0x305: {  	(erf) = vpow2.f32 v2  }
0x306: {  	(erf) = vpow2.f32 v1;
	_ =	sdelay $0x5  }
0x307: {  	v1 =	vpop (erf)  }
0x308: {  	v2 =	vpop (erf)  }
0x309: {  	v3 =	vpop (erf)  }
0x30a: {  	v15 =	vpop (erf)  }
0x30b: {  	v16 =	vadd.f32 v2, v1;
	v17 =	vadd.f32 v15, v3;
	_ =	sdelay $0x1  }
0x30c: {  	v7 =	vadd.f32 v17, v16;
	_ =	sdelay $0x1  }
0x30d: {  	(erf) = vrcp.f32 v7;
	_ =	sdelay $0x8  }
0x30e: {  	v7 =	vpop (erf)  }
0x30f: {  	v1 =	vmul.f32 v7, v1  }
0x310: {  	v2 =	vmul.f32 v7, v2  }
0x311: {  	[tilespmem:v24+s1+$0x0] =	vst.idx.msk $0xffff, v1;
	v1 =	vmul.f32 v7, v3  }
0x312: {  	[tilespmem:v25+s1+$0x0] =	vst.idx.msk $0xffff, v2;
	v2 =	vmul.f32 v7, v15  }
0x313: {  	[tilespmem:v23+s1+$0x0] =	vst.idx.msk $0xffff, v1  }
0x314: {  	[tilespmem:v12+s1+$0x0] =	vst.idx.msk $0xffff, v2  }
0x315: {  	v1 =	vld [tilespmem:$0x1090];
	_ =	sdelay $0x4  }
0x316: {  	v2 =	vadd.s32 v26, v1  }
0x317: {  	v18 =	vor.u32 $0x482, v0;
	v3 =	vadd.s32 v27, v1  }
0x318: {  	v20 =	vor.u32 $0x483, v0;
	v19 =	vadd.s32 v18, v1  }
0x319: {  	v1 =	vadd.s32 v20, v1;
	_ =	sdelay $0x1  }
0x31a: {  	v2 =	vld.idx.msk [tilespmem:v2+s6+$0x0], $0xffff  }
0x31b: {  	v3 =	vld.idx.msk [tilespmem:v3+s6+$0x0], $0xffff  }
0x31c: {  	v5 =	vld.idx.msk [tilespmem:v19+s6+$0x0], $0xffff  }
0x31d: {  	v1 =	vld.idx.msk [tilespmem:v1+s6+$0x0], $0xffff;
	_ =	sdelay $0x4  }
0x31e: {  	v21 =	vmax.f32 v2, v3;
	v22 =	vmax.f32 v5, v1  }
0x31f: {  	v7 =	vmax.f32 v21, v22  }
0x320: {  	v2 =	vsub.f32 v2, v7  }
0x321: {  	v3 =	vsub.f32 v3, v7  }
0x322: {  	v5 =	vsub.f32 v5, v7;
	v2 =	vmul.f32 $1.442695020e+00, v2  }
0x323: {  	v1 =	vsub.f32 v1, v7;
	v3 =	vmul.f32 $1.442695020e+00, v3  }
0x324: {  	(erf) = vpow2.f32 v2;
	v2 =	vmul.f32 $1.442695020e+00, v5  }
0x325: {  	v1 =	vmul.f32 $1.442695020e+00, v1;
	(erf) = vpow2.f32 v3  }
0x326: {  	(erf) = vpow2.f32 v2  }
0x327: {  	(erf) = vpow2.f32 v1;
	_ =	sdelay $0x5  }
0x328: {  	v1 =	vpop (erf)  }
0x329: {  	v2 =	vpop (erf)  }
0x32a: {  	v3 =	vpop (erf)  }
0x32b: {  	v23 =	vpop (erf)  }
0x32c: {  	v24 =	vadd.f32 v2, v1;
	v25 =	vadd.f32 v23, v3;
	_ =	sdelay $0x1  }
0x32d: {  	v7 =	vadd.f32 v25, v24;
	_ =	sdelay $0x1  }
0x32e: {  	(erf) = vrcp.f32 v7;
	_ =	sdelay $0x8  }
0x32f: {  	v7 =	vpop (erf)  }
0x330: {  	v1 =	vmul.f32 v7, v1  }
0x331: {  	v2 =	vmul.f32 v7, v2  }
0x332: {  	[tilespmem:v26+s1+$0x0] =	vst.idx.msk $0xffff, v1;
	v1 =	vmul.f32 v7, v3  }
0x333: {  	[tilespmem:v27+s1+$0x0] =	vst.idx.msk $0xffff, v2;
	v2 =	vmul.f32 v7, v23  }
0x334: {  	[tilespmem:v18+s1+$0x0] =	vst.idx.msk $0xffff, v1  }
0x335: {  	[tilespmem:v20+s1+$0x0] =	vst.idx.msk $0xffff, v2  }
0x336: {  	v1 =	vld [tilespmem:$0x10A0];
	_ =	sdelay $0x4  }
0x337: {  	v2 =	vadd.s32 v28, v1  }
0x338: {  	v27 =	vor.u32 $0x502, v0;
	v3 =	vadd.s32 v29, v1  }
0x339: {  	v12 =	vor.u32 $0x503, v0;
	v11 =	vadd.s32 v27, v1  }
0x33a: {  	v1 =	vadd.s32 v12, v1;
	_ =	sdelay $0x1  }
0x33b: {  	v2 =	vld.idx.msk [tilespmem:v2+s6+$0x0], $0xffff  }
0x33c: {  	v3 =	vld.idx.msk [tilespmem:v3+s6+$0x0], $0xffff  }
0x33d: {  	v5 =	vld.idx.msk [tilespmem:v11+s6+$0x0], $0xffff  }
0x33e: {  	v1 =	vld.idx.msk [tilespmem:v1+s6+$0x0], $0xffff;
	_ =	sdelay $0x4  }
0x33f: {  	v13 =	vmax.f32 v2, v3;
	v14 =	vmax.f32 v5, v1  }
0x340: {  	v7 =	vmax.f32 v13, v14  }
0x341: {  	v2 =	vsub.f32 v2, v7  }
0x342: {  	v3 =	vsub.f32 v3, v7  }
0x343: {  	v5 =	vsub.f32 v5, v7;
	v2 =	vmul.f32 $1.442695020e+00, v2  }
0x344: {  	v1 =	vsub.f32 v1, v7;
	v3 =	vmul.f32 $1.442695020e+00, v3  }
0x345: {  	(erf) = vpow2.f32 v2;
	v2 =	vmul.f32 $1.442695020e+00, v5  }
0x346: {  	v1 =	vmul.f32 $1.442695020e+00, v1;
	(erf) = vpow2.f32 v3  }
0x347: {  	(erf) = vpow2.f32 v2  }
0x348: {  	(erf) = vpow2.f32 v1;
	_ =	sdelay $0x5  }
0x349: {  	v1 =	vpop (erf)  }
0x34a: {  	v2 =	vpop (erf)  }
0x34b: {  	v3 =	vpop (erf)  }
0x34c: {  	v15 =	vpop (erf)  }
0x34d: {  	v16 =	vadd.f32 v2, v1;
	v17 =	vadd.f32 v15, v3;
	_ =	sdelay $0x1  }
0x34e: {  	v7 =	vadd.f32 v17, v16;
	_ =	sdelay $0x1  }
0x34f: {  	(erf) = vrcp.f32 v7;
	_ =	sdelay $0x8  }
0x350: {  	v7 =	vpop (erf)  }
0x351: {  	v1 =	vmul.f32 v7, v1  }
0x352: {  	v2 =	vmul.f32 v7, v2  }
0x353: {  	[tilespmem:v28+s1+$0x0] =	vst.idx.msk $0xffff, v1;
	v1 =	vmul.f32 v7, v3  }
0x354: {  	[tilespmem:v29+s1+$0x0] =	vst.idx.msk $0xffff, v2;
	v2 =	vmul.f32 v7, v15  }
0x355: {  	[tilespmem:v27+s1+$0x0] =	vst.idx.msk $0xffff, v1  }
0x356: {  	[tilespmem:v12+s1+$0x0] =	vst.idx.msk $0xffff, v2  }
0x357: {  	v1 =	vld [tilespmem:$0x10B0];
	_ =	sdelay $0x4  }
0x358: {  	v2 =	vadd.s32 v30, v1  }
0x359: {  	v18 =	vor.u32 $0x582, v0;
	v3 =	vadd.s32 v31, v1  }
0x35a: {  	v20 =	vor.u32 $0x583, v0;
	v19 =	vadd.s32 v18, v1  }
0x35b: {  	v1 =	vadd.s32 v20, v1;
	_ =	sdelay $0x1  }
0x35c: {  	v2 =	vld.idx.msk [tilespmem:v2+s6+$0x0], $0xffff  }
0x35d: {  	v3 =	vld.idx.msk [tilespmem:v3+s6+$0x0], $0xffff  }
0x35e: {  	v5 =	vld.idx.msk [tilespmem:v19+s6+$0x0], $0xffff  }
0x35f: {  	v1 =	vld.idx.msk [tilespmem:v1+s6+$0x0], $0xffff;
	_ =	sdelay $0x4  }
0x360: {  	v21 =	vmax.f32 v2, v3;
	v22 =	vmax.f32 v5, v1  }
0x361: {  	v7 =	vmax.f32 v21, v22  }
0x362: {  	v2 =	vsub.f32 v2, v7  }
0x363: {  	v3 =	vsub.f32 v3, v7  }
0x364: {  	v5 =	vsub.f32 v5, v7;
	v2 =	vmul.f32 $1.442695020e+00, v2  }
0x365: {  	v1 =	vsub.f32 v1, v7;
	v3 =	vmul.f32 $1.442695020e+00, v3  }
0x366: {  	(erf) = vpow2.f32 v2;
	v2 =	vmul.f32 $1.442695020e+00, v5  }
0x367: {  	v1 =	vmul.f32 $1.442695020e+00, v1;
	(erf) = vpow2.f32 v3  }
0x368: {  	(erf) = vpow2.f32 v2  }
0x369: {  	(erf) = vpow2.f32 v1;
	_ =	sdelay $0x5  }
0x36a: {  	v1 =	vpop (erf)  }
0x36b: {  	v2 =	vpop (erf)  }
0x36c: {  	v3 =	vpop (erf)  }
0x36d: {  	v23 =	vpop (erf)  }
0x36e: {  	v24 =	vadd.f32 v2, v1;
	v25 =	vadd.f32 v23, v3;
	_ =	sdelay $0x1  }
0x36f: {  	v7 =	vadd.f32 v25, v24;
	_ =	sdelay $0x1  }
0x370: {  	(erf) = vrcp.f32 v7;
	_ =	sdelay $0x8  }
0x371: {  	v7 =	vpop (erf)  }
0x372: {  	v1 =	vmul.f32 v7, v1  }
0x373: {  	v2 =	vmul.f32 v7, v2  }
0x374: {  	[tilespmem:v30+s1+$0x0] =	vst.idx.msk $0xffff, v1;
	v1 =	vmul.f32 v7, v3  }
0x375: {  	[tilespmem:v31+s1+$0x0] =	vst.idx.msk $0xffff, v2;
	v2 =	vmul.f32 v7, v23  }
0x376: {  	[tilespmem:v18+s1+$0x0] =	vst.idx.msk $0xffff, v1  }
0x377: {  	[tilespmem:v20+s1+$0x0] =	vst.idx.msk $0xffff, v2  }
0x378: {  	v1 =	vld [tilespmem:$0x10C0];
	_ =	sdelay $0x4  }
0x379: {  	v2 =	vadd.s32 v32, v1  }
0x37a: {  	v26 =	vor.u32 $0x602, v0;
	v3 =	vadd.s32 v33, v1  }
0x37b: {  	v28 =	vor.u32 $0x603, v0;
	v27 =	vadd.s32 v26, v1  }
0x37c: {  	v1 =	vadd.s32 v28, v1;
	_ =	sdelay $0x1  }
0x37d: {  	v2 =	vld.idx.msk [tilespmem:v2+s6+$0x0], $0xffff  }
0x37e: {  	v3 =	vld.idx.msk [tilespmem:v3+s6+$0x0], $0xffff  }
0x37f: {  	v5 =	vld.idx.msk [tilespmem:v27+s6+$0x0], $0xffff  }
0x380: {  	v1 =	vld.idx.msk [tilespmem:v1+s6+$0x0], $0xffff;
	_ =	sdelay $0x4  }
0x381: {  	v29 =	vmax.f32 v2, v3;
	v30 =	vmax.f32 v5, v1  }
0x382: {  	v7 =	vmax.f32 v29, v30  }
0x383: {  	v2 =	vsub.f32 v2, v7  }
0x384: {  	v3 =	vsub.f32 v3, v7  }
0x385: {  	v5 =	vsub.f32 v5, v7;
	v2 =	vmul.f32 $1.442695020e+00, v2  }
0x386: {  	v1 =	vsub.f32 v1, v7;
	v3 =	vmul.f32 $1.442695020e+00, v3  }
0x387: {  	(erf) = vpow2.f32 v2;
	v2 =	vmul.f32 $1.442695020e+00, v5  }
0x388: {  	v1 =	vmul.f32 $1.442695020e+00, v1;
	(erf) = vpow2.f32 v3  }
0x389: {  	(erf) = vpow2.f32 v2  }
0x38a: {  	(erf) = vpow2.f32 v1;
	_ =	sdelay $0x5  }
0x38b: {  	v1 =	vpop (erf)  }
0x38c: {  	v2 =	vpop (erf)  }
0x38d: {  	v3 =	vpop (erf)  }
0x38e: {  	v31 =	vpop (erf)  }
0x38f: {  	v12 =	vadd.f32 v2, v1;
	v13 =	vadd.f32 v31, v3;
	_ =	sdelay $0x1  }
0x390: {  	v7 =	vadd.f32 v13, v12;
	_ =	sdelay $0x1  }
0x391: {  	(erf) = vrcp.f32 v7;
	_ =	sdelay $0x8  }
0x392: {  	v7 =	vpop (erf)  }
0x393: {  	v1 =	vmul.f32 v7, v1  }
0x394: {  	v2 =	vmul.f32 v7, v2  }
0x395: {  	[tilespmem:v32+s1+$0x0] =	vst.idx.msk $0xffff, v1;
	v1 =	vmul.f32 v7, v3  }
0x396: {  	[tilespmem:v33+s1+$0x0] =	vst.idx.msk $0xffff, v2;
	v2 =	vmul.f32 v7, v31  }
0x397: {  	[tilespmem:v26+s1+$0x0] =	vst.idx.msk $0xffff, v1  }
0x398: {  	[tilespmem:v28+s1+$0x0] =	vst.idx.msk $0xffff, v2  }
0x399: {  	v1 =	vld [tilespmem:$0x10D0];
	_ =	sdelay $0x4  }
0x39a: {  	v2 =	vadd.s32 v34, v1  }
0x39b: {  	v14 =	vor.u32 $0x682, v0;
	v3 =	vadd.s32 v35, v1  }
0x39c: {  	v16 =	vor.u32 $0x683, v0;
	v15 =	vadd.s32 v14, v1  }
0x39d: {  	v1 =	vadd.s32 v16, v1;
	_ =	sdelay $0x1  }
0x39e: {  	v2 =	vld.idx.msk [tilespmem:v2+s6+$0x0], $0xffff  }
0x39f: {  	v3 =	vld.idx.msk [tilespmem:v3+s6+$0x0], $0xffff  }
0x3a0: {  	v5 =	vld.idx.msk [tilespmem:v15+s6+$0x0], $0xffff  }
0x3a1: {  	v1 =	vld.idx.msk [tilespmem:v1+s6+$0x0], $0xffff;
	_ =	sdelay $0x4  }
0x3a2: {  	v17 =	vmax.f32 v2, v3;
	v18 =	vmax.f32 v5, v1  }
0x3a3: {  	v7 =	vmax.f32 v17, v18  }
0x3a4: {  	v2 =	vsub.f32 v2, v7  }
0x3a5: {  	v3 =	vsub.f32 v3, v7  }
0x3a6: {  	v5 =	vsub.f32 v5, v7;
	v2 =	vmul.f32 $1.442695020e+00, v2  }
0x3a7: {  	v1 =	vsub.f32 v1, v7;
	v3 =	vmul.f32 $1.442695020e+00, v3  }
0x3a8: {  	(erf) = vpow2.f32 v2;
	v2 =	vmul.f32 $1.442695020e+00, v5  }
0x3a9: {  	v1 =	vmul.f32 $1.442695020e+00, v1;
	(erf) = vpow2.f32 v3  }
0x3aa: {  	(erf) = vpow2.f32 v2  }
0x3ab: {  	(erf) = vpow2.f32 v1;
	_ =	sdelay $0x5  }
0x3ac: {  	v1 =	vpop (erf)  }
0x3ad: {  	v2 =	vpop (erf)  }
0x3ae: {  	v3 =	vpop (erf)  }
0x3af: {  	v19 =	vpop (erf)  }
0x3b0: {  	v20 =	vadd.f32 v2, v1;
	v21 =	vadd.f32 v19, v3;
	_ =	sdelay $0x1  }
0x3b1: {  	v7 =	vadd.f32 v21, v20;
	_ =	sdelay $0x1  }
0x3b2: {  	(erf) = vrcp.f32 v7;
	_ =	sdelay $0x8  }
0x3b3: {  	v7 =	vpop (erf)  }
0x3b4: {  	v1 =	vmul.f32 v7, v1  }
0x3b5: {  	v2 =	vmul.f32 v7, v2  }
0x3b6: {  	[tilespmem:v34+s1+$0x0] =	vst.idx.msk $0xffff, v1;
	v1 =	vmul.f32 v7, v3  }
0x3b7: {  	[tilespmem:v35+s1+$0x0] =	vst.idx.msk $0xffff, v2;
	v2 =	vmul.f32 v7, v19  }
0x3b8: {  	[tilespmem:v14+s1+$0x0] =	vst.idx.msk $0xffff, v1  }
0x3b9: {  	[tilespmem:v16+s1+$0x0] =	vst.idx.msk $0xffff, v2  }
0x3ba: {  	v1 =	vld [tilespmem:$0x10E0];
	_ =	sdelay $0x4  }
0x3bb: {  	v2 =	vadd.s32 v36, v1  }
0x3bc: {  	v22 =	vor.u32 $0x702, v0;
	v3 =	vadd.s32 v37, v1  }
0x3bd: {  	v24 =	vor.u32 $0x703, v0;
	v23 =	vadd.s32 v22, v1  }
0x3be: {  	v1 =	vadd.s32 v24, v1;
	_ =	sdelay $0x1  }
0x3bf: {  	v2 =	vld.idx.msk [tilespmem:v2+s6+$0x0], $0xffff  }
0x3c0: {  	v3 =	vld.idx.msk [tilespmem:v3+s6+$0x0], $0xffff  }
0x3c1: {  	v5 =	vld.idx.msk [tilespmem:v23+s6+$0x0], $0xffff  }
0x3c2: {  	v1 =	vld.idx.msk [tilespmem:v1+s6+$0x0], $0xffff;
	_ =	sdelay $0x4  }
0x3c3: {  	v25 =	vmax.f32 v2, v3;
	v26 =	vmax.f32 v5, v1  }
0x3c4: {  	v7 =	vmax.f32 v25, v26  }
0x3c5: {  	v2 =	vsub.f32 v2, v7  }
0x3c6: {  	v3 =	vsub.f32 v3, v7  }
0x3c7: {  	v5 =	vsub.f32 v5, v7;
	v2 =	vmul.f32 $1.442695020e+00, v2  }
0x3c8: {  	v1 =	vsub.f32 v1, v7;
	v3 =	vmul.f32 $1.442695020e+00, v3  }
0x3c9: {  	(erf) = vpow2.f32 v2;
	v2 =	vmul.f32 $1.442695020e+00, v5  }
0x3ca: {  	v1 =	vmul.f32 $1.442695020e+00, v1;
	(erf) = vpow2.f32 v3  }
0x3cb: {  	(erf) = vpow2.f32 v2  }
0x3cc: {  	(erf) = vpow2.f32 v1;
	_ =	sdelay $0x5  }
0x3cd: {  	v1 =	vpop (erf)  }
0x3ce: {  	v2 =	vpop (erf)  }
0x3cf: {  	v3 =	vpop (erf)  }
0x3d0: {  	v27 =	vpop (erf)  }
0x3d1: {  	v28 =	vadd.f32 v2, v1;
	v29 =	vadd.f32 v27, v3;
	_ =	sdelay $0x1  }
0x3d2: {  	v7 =	vadd.f32 v29, v28;
	_ =	sdelay $0x1  }
0x3d3: {  	(erf) = vrcp.f32 v7;
	_ =	sdelay $0x8  }
0x3d4: {  	v7 =	vpop (erf)  }
0x3d5: {  	v1 =	vmul.f32 v7, v1  }
0x3d6: {  	v2 =	vmul.f32 v7, v2  }
0x3d7: {  	[tilespmem:v36+s1+$0x0] =	vst.idx.msk $0xffff, v1;
	v1 =	vmul.f32 v7, v3  }
0x3d8: {  	[tilespmem:v37+s1+$0x0] =	vst.idx.msk $0xffff, v2;
	v2 =	vmul.f32 v7, v27  }
0x3d9: {  	[tilespmem:v22+s1+$0x0] =	vst.idx.msk $0xffff, v1  }
0x3da: {  	[tilespmem:v24+s1+$0x0] =	vst.idx.msk $0xffff, v2  }
0x3db: {  	v1 =	vld [tilespmem:$0x10F0];
	_ =	sdelay $0x4  }
0x3dc: {  	v2 =	vadd.s32 v38, v1  }
0x3dd: {  	v30 =	vor.u32 $0x782, v0;
	v3 =	vadd.s32 v39, v1  }
0x3de: {  	v32 =	vor.u32 $0x783, v0;
	v31 =	vadd.s32 v30, v1  }
0x3df: {  	v1 =	vadd.s32 v32, v1;
	_ =	sdelay $0x1  }
0x3e0: {  	v2 =	vld.idx.msk [tilespmem:v2+s6+$0x0], $0xffff  }
0x3e1: {  	v3 =	vld.idx.msk [tilespmem:v3+s6+$0x0], $0xffff  }
0x3e2: {  	v5 =	vld.idx.msk [tilespmem:v31+s6+$0x0], $0xffff  }
0x3e3: {  	v1 =	vld.idx.msk [tilespmem:v1+s6+$0x0], $0xffff;
	_ =	sdelay $0x4  }
0x3e4: {  	v33 =	vmax.f32 v2, v3;
	v34 =	vmax.f32 v5, v1  }
0x3e5: {  	v7 =	vmax.f32 v33, v34  }
0x3e6: {  	v2 =	vsub.f32 v2, v7  }
0x3e7: {  	v3 =	vsub.f32 v3, v7  }
0x3e8: {  	v5 =	vsub.f32 v5, v7;
	v2 =	vmul.f32 $1.442695020e+00, v2  }
0x3e9: {  	v1 =	vsub.f32 v1, v7;
	v3 =	vmul.f32 $1.442695020e+00, v3  }
0x3ea: {  	(erf) = vpow2.f32 v2;
	v2 =	vmul.f32 $1.442695020e+00, v5  }
0x3eb: {  	v1 =	vmul.f32 $1.442695020e+00, v1;
	(erf) = vpow2.f32 v3  }
0x3ec: {  	(erf) = vpow2.f32 v2  }
0x3ed: {  	(erf) = vpow2.f32 v1;
	_ =	sdelay $0x5  }
0x3ee: {  	v1 =	vpop (erf)  }
0x3ef: {  	v2 =	vpop (erf)  }
0x3f0: {  	v3 =	vpop (erf)  }
0x3f1: {  	v35 =	vpop (erf)  }
0x3f2: {  	v36 =	vadd.f32 v2, v1;
	v37 =	vadd.f32 v35, v3;
	_ =	sdelay $0x1  }
0x3f3: {  	v7 =	vadd.f32 v37, v36;
	_ =	sdelay $0x1  }
0x3f4: {  	(erf) = vrcp.f32 v7;
	_ =	sdelay $0x8  }
0x3f5: {  	v7 =	vpop (erf)  }
0x3f6: {  	v1 =	vmul.f32 v7, v1  }
0x3f7: {  	v2 =	vmul.f32 v7, v2  }
0x3f8: {  	[tilespmem:v38+s1+$0x0] =	vst.idx.msk $0xffff, v1;
	v1 =	vmul.f32 v7, v3  }
0x3f9: {  	[tilespmem:v39+s1+$0x0] =	vst.idx.msk $0xffff, v2;
	v2 =	vmul.f32 v7, v35  }
0x3fa: {  	[tilespmem:v30+s1+$0x0] =	vst.idx.msk $0xffff, v1  }
0x3fb: {  	[tilespmem:v32+s1+$0x0] =	vst.idx.msk $0xffff, v2  }
0x3fc: {  	v1 =	vld [tilespmem:$0x1100];
	_ =	sdelay $0x4  }
0x3fd: {  	v2 =	vadd.s32 v40, v1  }
0x3fe: {  	v12 =	vor.u32 $0x802, v0;
	v3 =	vadd.s32 v41, v1  }
0x3ff: {  	v14 =	vor.u32 $0x803, v0;
	v13 =	vadd.s32 v12, v1  }
0x400: {  	v1 =	vadd.s32 v14, v1;
	_ =	sdelay $0x1  }
0x401: {  	v2 =	vld.idx.msk [tilespmem:v2+s6+$0x0], $0xffff  }
0x402: {  	v3 =	vld.idx.msk [tilespmem:v3+s6+$0x0], $0xffff  }
0x403: {  	v5 =	vld.idx.msk [tilespmem:v13+s6+$0x0], $0xffff  }
0x404: {  	v1 =	vld.idx.msk [tilespmem:v1+s6+$0x0], $0xffff;
	_ =	sdelay $0x4  }
0x405: {  	v15 =	vmax.f32 v2, v3;
	v16 =	vmax.f32 v5, v1  }
0x406: {  	v7 =	vmax.f32 v15, v16  }
0x407: {  	v2 =	vsub.f32 v2, v7  }
0x408: {  	v3 =	vsub.f32 v3, v7  }
0x409: {  	v5 =	vsub.f32 v5, v7;
	v2 =	vmul.f32 $1.442695020e+00, v2  }
0x40a: {  	v1 =	vsub.f32 v1, v7;
	v3 =	vmul.f32 $1.442695020e+00, v3  }
0x40b: {  	(erf) = vpow2.f32 v2;
	v2 =	vmul.f32 $1.442695020e+00, v5  }
0x40c: {  	v1 =	vmul.f32 $1.442695020e+00, v1;
	(erf) = vpow2.f32 v3  }
0x40d: {  	(erf) = vpow2.f32 v2  }
0x40e: {  	(erf) = vpow2.f32 v1;
	_ =	sdelay $0x5  }
0x40f: {  	v1 =	vpop (erf)  }
0x410: {  	v2 =	vpop (erf)  }
0x411: {  	v3 =	vpop (erf)  }
0x412: {  	v17 =	vpop (erf)  }
0x413: {  	v18 =	vadd.f32 v2, v1;
	v19 =	vadd.f32 v17, v3;
	_ =	sdelay $0x1  }
0x414: {  	v7 =	vadd.f32 v19, v18;
	_ =	sdelay $0x1  }
0x415: {  	(erf) = vrcp.f32 v7;
	_ =	sdelay $0x8  }
0x416: {  	v7 =	vpop (erf)  }
0x417: {  	v1 =	vmul.f32 v7, v1  }
0x418: {  	v2 =	vmul.f32 v7, v2  }
0x419: {  	[tilespmem:v40+s1+$0x0] =	vst.idx.msk $0xffff, v1;
	v1 =	vmul.f32 v7, v3  }
0x41a: {  	[tilespmem:v41+s1+$0x0] =	vst.idx.msk $0xffff, v2;
	v2 =	vmul.f32 v7, v17  }
0x41b: {  	[tilespmem:v12+s1+$0x0] =	vst.idx.msk $0xffff, v1  }
0x41c: {  	[tilespmem:v14+s1+$0x0] =	vst.idx.msk $0xffff, v2  }
0x41d: {  	v1 =	vld [tilespmem:$0x1110];
	_ =	sdelay $0x4  }
0x41e: {  	v2 =	vadd.s32 v42, v1  }
0x41f: {  	v20 =	vor.u32 $0x882, v0;
	v3 =	vadd.s32 v43, v1  }
0x420: {  	v22 =	vor.u32 $0x883, v0;
	v21 =	vadd.s32 v20, v1  }
0x421: {  	v1 =	vadd.s32 v22, v1;
	_ =	sdelay $0x1  }
0x422: {  	v2 =	vld.idx.msk [tilespmem:v2+s6+$0x0], $0xffff  }
0x423: {  	v3 =	vld.idx.msk [tilespmem:v3+s6+$0x0], $0xffff  }
0x424: {  	v5 =	vld.idx.msk [tilespmem:v21+s6+$0x0], $0xffff  }
0x425: {  	v1 =	vld.idx.msk [tilespmem:v1+s6+$0x0], $0xffff;
	_ =	sdelay $0x4  }
0x426: {  	v23 =	vmax.f32 v2, v3;
	v24 =	vmax.f32 v5, v1  }
0x427: {  	v7 =	vmax.f32 v23, v24  }
0x428: {  	v2 =	vsub.f32 v2, v7  }
0x429: {  	v3 =	vsub.f32 v3, v7  }
0x42a: {  	v5 =	vsub.f32 v5, v7;
	v2 =	vmul.f32 $1.442695020e+00, v2  }
0x42b: {  	v1 =	vsub.f32 v1, v7;
	v3 =	vmul.f32 $1.442695020e+00, v3  }
0x42c: {  	(erf) = vpow2.f32 v2;
	v2 =	vmul.f32 $1.442695020e+00, v5  }
0x42d: {  	v1 =	vmul.f32 $1.442695020e+00, v1;
	(erf) = vpow2.f32 v3  }
0x42e: {  	(erf) = vpow2.f32 v2  }
0x42f: {  	(erf) = vpow2.f32 v1;
	_ =	sdelay $0x5  }
0x430: {  	v1 =	vpop (erf)  }
0x431: {  	v2 =	vpop (erf)  }
0x432: {  	v3 =	vpop (erf)  }
0x433: {  	v25 =	vpop (erf)  }
0x434: {  	v26 =	vadd.f32 v2, v1;
	v27 =	vadd.f32 v25, v3;
	_ =	sdelay $0x1  }
0x435: {  	v7 =	vadd.f32 v27, v26;
	_ =	sdelay $0x1  }
0x436: {  	(erf) = vrcp.f32 v7;
	_ =	sdelay $0x8  }
0x437: {  	v7 =	vpop (erf)  }
0x438: {  	v1 =	vmul.f32 v7, v1  }
0x439: {  	v2 =	vmul.f32 v7, v2  }
0x43a: {  	[tilespmem:v42+s1+$0x0] =	vst.idx.msk $0xffff, v1;
	v1 =	vmul.f32 v7, v3  }
0x43b: {  	[tilespmem:v43+s1+$0x0] =	vst.idx.msk $0xffff, v2;
	v2 =	vmul.f32 v7, v25  }
0x43c: {  	[tilespmem:v20+s1+$0x0] =	vst.idx.msk $0xffff, v1  }
0x43d: {  	[tilespmem:v22+s1+$0x0] =	vst.idx.msk $0xffff, v2  }
0x43e: {  	v1 =	vld [tilespmem:$0x1120];
	_ =	sdelay $0x4  }
0x43f: {  	v2 =	vadd.s32 v44, v1  }
0x440: {  	v28 =	vor.u32 $0x902, v0;
	v3 =	vadd.s32 v45, v1  }
0x441: {  	v30 =	vor.u32 $0x903, v0;
	v29 =	vadd.s32 v28, v1  }
0x442: {  	v1 =	vadd.s32 v30, v1;
	_ =	sdelay $0x1  }
0x443: {  	v2 =	vld.idx.msk [tilespmem:v2+s6+$0x0], $0xffff  }
0x444: {  	v3 =	vld.idx.msk [tilespmem:v3+s6+$0x0], $0xffff  }
0x445: {  	v5 =	vld.idx.msk [tilespmem:v29+s6+$0x0], $0xffff  }
0x446: {  	v1 =	vld.idx.msk [tilespmem:v1+s6+$0x0], $0xffff;
	_ =	sdelay $0x4  }
0x447: {  	v31 =	vmax.f32 v2, v3;
	v32 =	vmax.f32 v5, v1  }
0x448: {  	v7 =	vmax.f32 v31, v32  }
0x449: {  	v2 =	vsub.f32 v2, v7  }
0x44a: {  	v3 =	vsub.f32 v3, v7  }
0x44b: {  	v5 =	vsub.f32 v5, v7;
	v2 =	vmul.f32 $1.442695020e+00, v2  }
0x44c: {  	v1 =	vsub.f32 v1, v7;
	v3 =	vmul.f32 $1.442695020e+00, v3  }
0x44d: {  	(erf) = vpow2.f32 v2;
	v2 =	vmul.f32 $1.442695020e+00, v5  }
0x44e: {  	v1 =	vmul.f32 $1.442695020e+00, v1;
	(erf) = vpow2.f32 v3  }
0x44f: {  	(erf) = vpow2.f32 v2  }
0x450: {  	(erf) = vpow2.f32 v1;
	_ =	sdelay $0x5  }
0x451: {  	v1 =	vpop (erf)  }
0x452: {  	v2 =	vpop (erf)  }
0x453: {  	v3 =	vpop (erf)  }
0x454: {  	v33 =	vpop (erf)  }
0x455: {  	v34 =	vadd.f32 v2, v1;
	v35 =	vadd.f32 v33, v3;
	_ =	sdelay $0x1  }
0x456: {  	v7 =	vadd.f32 v35, v34;
	_ =	sdelay $0x1  }
0x457: {  	(erf) = vrcp.f32 v7;
	_ =	sdelay $0x8  }
0x458: {  	v7 =	vpop (erf)  }
0x459: {  	v1 =	vmul.f32 v7, v1  }
0x45a: {  	v2 =	vmul.f32 v7, v2  }
0x45b: {  	[tilespmem:v44+s1+$0x0] =	vst.idx.msk $0xffff, v1;
	v1 =	vmul.f32 v7, v3  }
0x45c: {  	[tilespmem:v45+s1+$0x0] =	vst.idx.msk $0xffff, v2;
	v2 =	vmul.f32 v7, v33  }
0x45d: {  	[tilespmem:v28+s1+$0x0] =	vst.idx.msk $0xffff, v1  }
0x45e: {  	[tilespmem:v30+s1+$0x0] =	vst.idx.msk $0xffff, v2  }
0x45f: {  	v1 =	vld [tilespmem:$0x1130];
	_ =	sdelay $0x4  }
0x460: {  	v2 =	vadd.s32 v46, v1  }
0x461: {  	v36 =	vor.u32 $0x982, v0;
	v3 =	vadd.s32 v47, v1  }
0x462: {  	v38 =	vor.u32 $0x983, v0;
	v37 =	vadd.s32 v36, v1  }
0x463: {  	v1 =	vadd.s32 v38, v1;
	_ =	sdelay $0x1  }
0x464: {  	v2 =	vld.idx.msk [tilespmem:v2+s6+$0x0], $0xffff  }
0x465: {  	v3 =	vld.idx.msk [tilespmem:v3+s6+$0x0], $0xffff  }
0x466: {  	v5 =	vld.idx.msk [tilespmem:v37+s6+$0x0], $0xffff  }
0x467: {  	v1 =	vld.idx.msk [tilespmem:v1+s6+$0x0], $0xffff;
	_ =	sdelay $0x4  }
0x468: {  	v39 =	vmax.f32 v2, v3;
	v40 =	vmax.f32 v5, v1  }
0x469: {  	v7 =	vmax.f32 v39, v40  }
0x46a: {  	v2 =	vsub.f32 v2, v7  }
0x46b: {  	v3 =	vsub.f32 v3, v7  }
0x46c: {  	v5 =	vsub.f32 v5, v7;
	v2 =	vmul.f32 $1.442695020e+00, v2  }
0x46d: {  	v1 =	vsub.f32 v1, v7;
	v3 =	vmul.f32 $1.442695020e+00, v3  }
0x46e: {  	(erf) = vpow2.f32 v2;
	v2 =	vmul.f32 $1.442695020e+00, v5  }
0x46f: {  	v1 =	vmul.f32 $1.442695020e+00, v1;
	(erf) = vpow2.f32 v3  }
0x470: {  	(erf) = vpow2.f32 v2  }
0x471: {  	(erf) = vpow2.f32 v1;
	_ =	sdelay $0x5  }
0x472: {  	v1 =	vpop (erf)  }
0x473: {  	v2 =	vpop (erf)  }
0x474: {  	v3 =	vpop (erf)  }
0x475: {  	v41 =	vpop (erf)  }
0x476: {  	v42 =	vadd.f32 v2, v1;
	v43 =	vadd.f32 v41, v3;
	_ =	sdelay $0x1  }
0x477: {  	v7 =	vadd.f32 v43, v42;
	_ =	sdelay $0x1  }
0x478: {  	(erf) = vrcp.f32 v7;
	_ =	sdelay $0x8  }
0x479: {  	v7 =	vpop (erf)  }
0x47a: {  	v1 =	vmul.f32 v7, v1  }
0x47b: {  	v2 =	vmul.f32 v7, v2  }
0x47c: {  	[tilespmem:v46+s1+$0x0] =	vst.idx.msk $0xffff, v1;
	v1 =	vmul.f32 v7, v3  }
0x47d: {  	[tilespmem:v47+s1+$0x0] =	vst.idx.msk $0xffff, v2;
	v2 =	vmul.f32 v7, v41  }
0x47e: {  	[tilespmem:v36+s1+$0x0] =	vst.idx.msk $0xffff, v1  }
0x47f: {  	[tilespmem:v38+s1+$0x0] =	vst.idx.msk $0xffff, v2  }
0x480: {  	v1 =	vld [tilespmem:$0x1140];
	_ =	sdelay $0x4  }
0x481: {  	v2 =	vadd.s32 v48, v1  }
0x482: {  	v44 =	vor.u32 $0xA02, v0;
	v3 =	vadd.s32 v49, v1  }
0x483: {  	v46 =	vor.u32 $0xA03, v0;
	v45 =	vadd.s32 v44, v1  }
0x484: {  	v1 =	vadd.s32 v46, v1;
	_ =	sdelay $0x1  }
0x485: {  	v2 =	vld.idx.msk [tilespmem:v2+s6+$0x0], $0xffff  }
0x486: {  	v3 =	vld.idx.msk [tilespmem:v3+s6+$0x0], $0xffff  }
0x487: {  	v5 =	vld.idx.msk [tilespmem:v45+s6+$0x0], $0xffff  }
0x488: {  	v1 =	vld.idx.msk [tilespmem:v1+s6+$0x0], $0xffff;
	_ =	sdelay $0x4  }
0x489: {  	v47 =	vmax.f32 v2, v3;
	v12 =	vmax.f32 v5, v1  }
0x48a: {  	v7 =	vmax.f32 v47, v12  }
0x48b: {  	v2 =	vsub.f32 v2, v7  }
0x48c: {  	v3 =	vsub.f32 v3, v7  }
0x48d: {  	v5 =	vsub.f32 v5, v7;
	v2 =	vmul.f32 $1.442695020e+00, v2  }
0x48e: {  	v1 =	vsub.f32 v1, v7;
	v3 =	vmul.f32 $1.442695020e+00, v3  }
0x48f: {  	(erf) = vpow2.f32 v2;
	v2 =	vmul.f32 $1.442695020e+00, v5  }
0x490: {  	v1 =	vmul.f32 $1.442695020e+00, v1;
	(erf) = vpow2.f32 v3  }
0x491: {  	(erf) = vpow2.f32 v2  }
0x492: {  	(erf) = vpow2.f32 v1;
	_ =	sdelay $0x5  }
0x493: {  	v1 =	vpop (erf)  }
0x494: {  	v2 =	vpop (erf)  }
0x495: {  	v3 =	vpop (erf)  }
0x496: {  	v13 =	vpop (erf)  }
0x497: {  	v14 =	vadd.f32 v2, v1;
	v15 =	vadd.f32 v13, v3;
	_ =	sdelay $0x1  }
0x498: {  	v7 =	vadd.f32 v15, v14;
	_ =	sdelay $0x1  }
0x499: {  	(erf) = vrcp.f32 v7;
	_ =	sdelay $0x8  }
0x49a: {  	v7 =	vpop (erf)  }
0x49b: {  	v1 =	vmul.f32 v7, v1  }
0x49c: {  	v2 =	vmul.f32 v7, v2  }
0x49d: {  	[tilespmem:v48+s1+$0x0] =	vst.idx.msk $0xffff, v1;
	v1 =	vmul.f32 v7, v3  }
0x49e: {  	[tilespmem:v49+s1+$0x0] =	vst.idx.msk $0xffff, v2;
	v2 =	vmul.f32 v7, v13  }
0x49f: {  	[tilespmem:v44+s1+$0x0] =	vst.idx.msk $0xffff, v1  }
0x4a0: {  	[tilespmem:v46+s1+$0x0] =	vst.idx.msk $0xffff, v2  }
0x4a1: {  	v1 =	vld [tilespmem:$0x1150];
	_ =	sdelay $0x4  }
0x4a2: {  	v2 =	vadd.s32 v50, v1  }
0x4a3: {  	v16 =	vor.u32 $0xA82, v0;
	v3 =	vadd.s32 v51, v1  }
0x4a4: {  	v18 =	vor.u32 $0xA83, v0;
	v17 =	vadd.s32 v16, v1  }
0x4a5: {  	v1 =	vadd.s32 v18, v1;
	_ =	sdelay $0x1  }
0x4a6: {  	v2 =	vld.idx.msk [tilespmem:v2+s6+$0x0], $0xffff  }
0x4a7: {  	v3 =	vld.idx.msk [tilespmem:v3+s6+$0x0], $0xffff  }
0x4a8: {  	v5 =	vld.idx.msk [tilespmem:v17+s6+$0x0], $0xffff  }
0x4a9: {  	v1 =	vld.idx.msk [tilespmem:v1+s6+$0x0], $0xffff;
	_ =	sdelay $0x4  }
0x4aa: {  	v19 =	vmax.f32 v2, v3;
	v20 =	vmax.f32 v5, v1  }
0x4ab: {  	v7 =	vmax.f32 v19, v20  }
0x4ac: {  	v2 =	vsub.f32 v2, v7  }
0x4ad: {  	v3 =	vsub.f32 v3, v7  }
0x4ae: {  	v5 =	vsub.f32 v5, v7;
	v2 =	vmul.f32 $1.442695020e+00, v2  }
0x4af: {  	v1 =	vsub.f32 v1, v7;
	v3 =	vmul.f32 $1.442695020e+00, v3  }
0x4b0: {  	(erf) = vpow2.f32 v2;
	v2 =	vmul.f32 $1.442695020e+00, v5  }
0x4b1: {  	v1 =	vmul.f32 $1.442695020e+00, v1;
	(erf) = vpow2.f32 v3  }
0x4b2: {  	(erf) = vpow2.f32 v2  }
0x4b3: {  	(erf) = vpow2.f32 v1;
	_ =	sdelay $0x5  }
0x4b4: {  	v1 =	vpop (erf)  }
0x4b5: {  	v2 =	vpop (erf)  }
0x4b6: {  	v3 =	vpop (erf)  }
0x4b7: {  	v21 =	vpop (erf)  }
0x4b8: {  	v22 =	vadd.f32 v2, v1;
	v23 =	vadd.f32 v21, v3;
	_ =	sdelay $0x1  }
0x4b9: {  	v7 =	vadd.f32 v23, v22;
	_ =	sdelay $0x1  }
0x4ba: {  	(erf) = vrcp.f32 v7;
	_ =	sdelay $0x8  }
0x4bb: {  	v7 =	vpop (erf)  }
0x4bc: {  	v1 =	vmul.f32 v7, v1  }
0x4bd: {  	v2 =	vmul.f32 v7, v2  }
0x4be: {  	[tilespmem:v50+s1+$0x0] =	vst.idx.msk $0xffff, v1;
	v1 =	vmul.f32 v7, v3  }
0x4bf: {  	[tilespmem:v51+s1+$0x0] =	vst.idx.msk $0xffff, v2;
	v2 =	vmul.f32 v7, v21  }
0x4c0: {  	[tilespmem:v16+s1+$0x0] =	vst.idx.msk $0xffff, v1  }
0x4c1: {  	[tilespmem:v18+s1+$0x0] =	vst.idx.msk $0xffff, v2  }
0x4c2: {  	v1 =	vld [tilespmem:$0x1160];
	_ =	sdelay $0x4  }
0x4c3: {  	v2 =	vadd.s32 v52, v1  }
0x4c4: {  	v24 =	vor.u32 $0xB02, v0;
	v3 =	vadd.s32 v53, v1  }
0x4c5: {  	v26 =	vor.u32 $0xB03, v0;
	v25 =	vadd.s32 v24, v1  }
0x4c6: {  	v1 =	vadd.s32 v26, v1;
	_ =	sdelay $0x1  }
0x4c7: {  	v2 =	vld.idx.msk [tilespmem:v2+s6+$0x0], $0xffff  }
0x4c8: {  	v3 =	vld.idx.msk [tilespmem:v3+s6+$0x0], $0xffff  }
0x4c9: {  	v5 =	vld.idx.msk [tilespmem:v25+s6+$0x0], $0xffff  }
0x4ca: {  	v1 =	vld.idx.msk [tilespmem:v1+s6+$0x0], $0xffff;
	_ =	sdelay $0x4  }
0x4cb: {  	v27 =	vmax.f32 v2, v3;
	v28 =	vmax.f32 v5, v1  }
0x4cc: {  	v7 =	vmax.f32 v27, v28  }
0x4cd: {  	v2 =	vsub.f32 v2, v7  }
0x4ce: {  	v3 =	vsub.f32 v3, v7  }
0x4cf: {  	v5 =	vsub.f32 v5, v7;
	v2 =	vmul.f32 $1.442695020e+00, v2  }
0x4d0: {  	v1 =	vsub.f32 v1, v7;
	v3 =	vmul.f32 $1.442695020e+00, v3  }
0x4d1: {  	(erf) = vpow2.f32 v2;
	v2 =	vmul.f32 $1.442695020e+00, v5  }
0x4d2: {  	v1 =	vmul.f32 $1.442695020e+00, v1;
	(erf) = vpow2.f32 v3  }
0x4d3: {  	(erf) = vpow2.f32 v2  }
0x4d4: {  	(erf) = vpow2.f32 v1;
	_ =	sdelay $0x5  }
0x4d5: {  	v1 =	vpop (erf)  }
0x4d6: {  	v2 =	vpop (erf)  }
0x4d7: {  	v3 =	vpop (erf)  }
0x4d8: {  	v29 =	vpop (erf)  }
0x4d9: {  	v30 =	vadd.f32 v2, v1;
	v31 =	vadd.f32 v29, v3;
	_ =	sdelay $0x1  }
0x4da: {  	v7 =	vadd.f32 v31, v30;
	_ =	sdelay $0x1  }
0x4db: {  	(erf) = vrcp.f32 v7;
	_ =	sdelay $0x8  }
0x4dc: {  	v7 =	vpop (erf)  }
0x4dd: {  	v1 =	vmul.f32 v7, v1  }
0x4de: {  	v2 =	vmul.f32 v7, v2  }
0x4df: {  	[tilespmem:v52+s1+$0x0] =	vst.idx.msk $0xffff, v1;
	v1 =	vmul.f32 v7, v3  }
0x4e0: {  	[tilespmem:v53+s1+$0x0] =	vst.idx.msk $0xffff, v2;
	v2 =	vmul.f32 v7, v29  }
0x4e1: {  	[tilespmem:v24+s1+$0x0] =	vst.idx.msk $0xffff, v1  }
0x4e2: {  	[tilespmem:v26+s1+$0x0] =	vst.idx.msk $0xffff, v2  }
0x4e3: {  	v1 =	vld [tilespmem:$0x1170];
	_ =	sdelay $0x4  }
0x4e4: {  	v2 =	vadd.s32 v54, v1  }
0x4e5: {  	v32 =	vor.u32 $0xB82, v0;
	v3 =	vadd.s32 v55, v1  }
0x4e6: {  	v34 =	vor.u32 $0xB83, v0;
	v33 =	vadd.s32 v32, v1  }
0x4e7: {  	v1 =	vadd.s32 v34, v1;
	_ =	sdelay $0x1  }
0x4e8: {  	v2 =	vld.idx.msk [tilespmem:v2+s6+$0x0], $0xffff  }
0x4e9: {  	v3 =	vld.idx.msk [tilespmem:v3+s6+$0x0], $0xffff  }
0x4ea: {  	v5 =	vld.idx.msk [tilespmem:v33+s6+$0x0], $0xffff  }
0x4eb: {  	v1 =	vld.idx.msk [tilespmem:v1+s6+$0x0], $0xffff;
	_ =	sdelay $0x4  }
0x4ec: {  	v35 =	vmax.f32 v2, v3;
	v36 =	vmax.f32 v5, v1  }
0x4ed: {  	v7 =	vmax.f32 v35, v36  }
0x4ee: {  	v2 =	vsub.f32 v2, v7  }
0x4ef: {  	v3 =	vsub.f32 v3, v7  }
0x4f0: {  	v5 =	vsub.f32 v5, v7;
	v2 =	vmul.f32 $1.442695020e+00, v2  }
0x4f1: {  	v1 =	vsub.f32 v1, v7;
	v3 =	vmul.f32 $1.442695020e+00, v3  }
0x4f2: {  	(erf) = vpow2.f32 v2;
	v2 =	vmul.f32 $1.442695020e+00, v5  }
0x4f3: {  	v1 =	vmul.f32 $1.442695020e+00, v1;
	(erf) = vpow2.f32 v3  }
0x4f4: {  	(erf) = vpow2.f32 v2  }
0x4f5: {  	(erf) = vpow2.f32 v1;
	_ =	sdelay $0x5  }
0x4f6: {  	v1 =	vpop (erf)  }
0x4f7: {  	v2 =	vpop (erf)  }
0x4f8: {  	v3 =	vpop (erf)  }
0x4f9: {  	v37 =	vpop (erf)  }
0x4fa: {  	v38 =	vadd.f32 v2, v1;
	v39 =	vadd.f32 v37, v3;
	_ =	sdelay $0x1  }
0x4fb: {  	v7 =	vadd.f32 v39, v38;
	_ =	sdelay $0x1  }
0x4fc: {  	(erf) = vrcp.f32 v7;
	_ =	sdelay $0x8  }
0x4fd: {  	v7 =	vpop (erf)  }
0x4fe: {  	v1 =	vmul.f32 v7, v1  }
0x4ff: {  	v2 =	vmul.f32 v7, v2  }
0x500: {  	[tilespmem:v54+s1+$0x0] =	vst.idx.msk $0xffff, v1;
	v1 =	vmul.f32 v7, v3  }
0x501: {  	[tilespmem:v55+s1+$0x0] =	vst.idx.msk $0xffff, v2;
	v2 =	vmul.f32 v7, v37  }
0x502: {  	[tilespmem:v32+s1+$0x0] =	vst.idx.msk $0xffff, v1  }
0x503: {  	[tilespmem:v34+s1+$0x0] =	vst.idx.msk $0xffff, v2  }
0x504: {  	v1 =	vld [tilespmem:$0x1180];
	_ =	sdelay $0x4  }
0x505: {  	v2 =	vadd.s32 v56, v1  }
0x506: {  	v40 =	vor.u32 $0xC02, v0;
	v3 =	vadd.s32 v57, v1  }
0x507: {  	v42 =	vor.u32 $0xC03, v0;
	v41 =	vadd.s32 v40, v1  }
0x508: {  	v1 =	vadd.s32 v42, v1;
	_ =	sdelay $0x1  }
0x509: {  	v2 =	vld.idx.msk [tilespmem:v2+s6+$0x0], $0xffff  }
0x50a: {  	v3 =	vld.idx.msk [tilespmem:v3+s6+$0x0], $0xffff  }
0x50b: {  	v5 =	vld.idx.msk [tilespmem:v41+s6+$0x0], $0xffff  }
0x50c: {  	v1 =	vld.idx.msk [tilespmem:v1+s6+$0x0], $0xffff;
	_ =	sdelay $0x4  }
0x50d: {  	v43 =	vmax.f32 v2, v3;
	v44 =	vmax.f32 v5, v1  }
0x50e: {  	v7 =	vmax.f32 v43, v44  }
0x50f: {  	v2 =	vsub.f32 v2, v7  }
0x510: {  	v3 =	vsub.f32 v3, v7  }
0x511: {  	v5 =	vsub.f32 v5, v7;
	v2 =	vmul.f32 $1.442695020e+00, v2  }
0x512: {  	v1 =	vsub.f32 v1, v7;
	v3 =	vmul.f32 $1.442695020e+00, v3  }
0x513: {  	(erf) = vpow2.f32 v2;
	v2 =	vmul.f32 $1.442695020e+00, v5  }
0x514: {  	v1 =	vmul.f32 $1.442695020e+00, v1;
	(erf) = vpow2.f32 v3  }
0x515: {  	(erf) = vpow2.f32 v2  }
0x516: {  	(erf) = vpow2.f32 v1;
	_ =	sdelay $0x5  }
0x517: {  	v1 =	vpop (erf)  }
0x518: {  	v2 =	vpop (erf)  }
0x519: {  	v3 =	vpop (erf)  }
0x51a: {  	v45 =	vpop (erf)  }
0x51b: {  	v46 =	vadd.f32 v2, v1;
	v47 =	vadd.f32 v45, v3;
	_ =	sdelay $0x1  }
0x51c: {  	v7 =	vadd.f32 v47, v46;
	_ =	sdelay $0x1  }
0x51d: {  	(erf) = vrcp.f32 v7;
	_ =	sdelay $0x8  }
0x51e: {  	v7 =	vpop (erf)  }
0x51f: {  	v1 =	vmul.f32 v7, v1  }
0x520: {  	v2 =	vmul.f32 v7, v2  }
0x521: {  	[tilespmem:v56+s1+$0x0] =	vst.idx.msk $0xffff, v1;
	v1 =	vmul.f32 v7, v3  }
0x522: {  	[tilespmem:v57+s1+$0x0] =	vst.idx.msk $0xffff, v2;
	v2 =	vmul.f32 v7, v45  }
0x523: {  	[tilespmem:v40+s1+$0x0] =	vst.idx.msk $0xffff, v1  }
0x524: {  	[tilespmem:v42+s1+$0x0] =	vst.idx.msk $0xffff, v2  }
0x525: {  	v1 =	vld [tilespmem:$0x1190];
	_ =	sdelay $0x4  }
0x526: {  	v2 =	vadd.s32 v58, v1  }
0x527: {  	v48 =	vor.u32 $0xC82, v0;
	v3 =	vadd.s32 v59, v1  }
0x528: {  	v50 =	vor.u32 $0xC83, v0;
	v49 =	vadd.s32 v48, v1  }
0x529: {  	v1 =	vadd.s32 v50, v1;
	_ =	sdelay $0x1  }
0x52a: {  	v2 =	vld.idx.msk [tilespmem:v2+s6+$0x0], $0xffff  }
0x52b: {  	v3 =	vld.idx.msk [tilespmem:v3+s6+$0x0], $0xffff  }
0x52c: {  	v5 =	vld.idx.msk [tilespmem:v49+s6+$0x0], $0xffff  }
0x52d: {  	v1 =	vld.idx.msk [tilespmem:v1+s6+$0x0], $0xffff;
	_ =	sdelay $0x4  }
0x52e: {  	v51 =	vmax.f32 v2, v3;
	v52 =	vmax.f32 v5, v1  }
0x52f: {  	v7 =	vmax.f32 v51, v52  }
0x530: {  	v2 =	vsub.f32 v2, v7  }
0x531: {  	v3 =	vsub.f32 v3, v7  }
0x532: {  	v5 =	vsub.f32 v5, v7;
	v2 =	vmul.f32 $1.442695020e+00, v2  }
0x533: {  	v1 =	vsub.f32 v1, v7;
	v3 =	vmul.f32 $1.442695020e+00, v3  }
0x534: {  	(erf) = vpow2.f32 v2;
	v2 =	vmul.f32 $1.442695020e+00, v5  }
0x535: {  	v1 =	vmul.f32 $1.442695020e+00, v1;
	(erf) = vpow2.f32 v3  }
0x536: {  	(erf) = vpow2.f32 v2  }
0x537: {  	(erf) = vpow2.f32 v1;
	_ =	sdelay $0x5  }
0x538: {  	v1 =	vpop (erf)  }
0x539: {  	v2 =	vpop (erf)  }
0x53a: {  	v3 =	vpop (erf)  }
0x53b: {  	v53 =	vpop (erf)  }
0x53c: {  	v54 =	vadd.f32 v2, v1;
	v55 =	vadd.f32 v53, v3;
	_ =	sdelay $0x1  }
0x53d: {  	v7 =	vadd.f32 v55, v54;
	_ =	sdelay $0x1  }
0x53e: {  	(erf) = vrcp.f32 v7;
	_ =	sdelay $0x8  }
0x53f: {  	v7 =	vpop (erf)  }
0x540: {  	v1 =	vmul.f32 v7, v1  }
0x541: {  	v2 =	vmul.f32 v7, v2  }
0x542: {  	[tilespmem:v58+s1+$0x0] =	vst.idx.msk $0xffff, v1;
	v1 =	vmul.f32 v7, v3  }
0x543: {  	[tilespmem:v59+s1+$0x0] =	vst.idx.msk $0xffff, v2;
	v2 =	vmul.f32 v7, v53  }
0x544: {  	[tilespmem:v48+s1+$0x0] =	vst.idx.msk $0xffff, v1  }
0x545: {  	[tilespmem:v50+s1+$0x0] =	vst.idx.msk $0xffff, v2  }
0x546: {  	v1 =	vld [tilespmem:$0x11A0];
	_ =	sdelay $0x4  }
0x547: {  	v2 =	vadd.s32 v60, v1  }
0x548: {  	v56 =	vor.u32 $0xD02, v0;
	v3 =	vadd.s32 v61, v1  }
0x549: {  	v58 =	vor.u32 $0xD03, v0;
	v57 =	vadd.s32 v56, v1  }
0x54a: {  	v1 =	vadd.s32 v58, v1;
	_ =	sdelay $0x1  }
0x54b: {  	v2 =	vld.idx.msk [tilespmem:v2+s6+$0x0], $0xffff  }
0x54c: {  	v3 =	vld.idx.msk [tilespmem:v3+s6+$0x0], $0xffff  }
0x54d: {  	v5 =	vld.idx.msk [tilespmem:v57+s6+$0x0], $0xffff  }
0x54e: {  	v1 =	vld.idx.msk [tilespmem:v1+s6+$0x0], $0xffff;
	_ =	sdelay $0x4  }
0x54f: {  	v59 =	vmax.f32 v2, v3;
	v12 =	vmax.f32 v5, v1  }
0x550: {  	v7 =	vmax.f32 v59, v12  }
0x551: {  	v2 =	vsub.f32 v2, v7  }
0x552: {  	v3 =	vsub.f32 v3, v7  }
0x553: {  	v5 =	vsub.f32 v5, v7;
	v2 =	vmul.f32 $1.442695020e+00, v2  }
0x554: {  	v1 =	vsub.f32 v1, v7;
	v3 =	vmul.f32 $1.442695020e+00, v3  }
0x555: {  	(erf) = vpow2.f32 v2;
	v2 =	vmul.f32 $1.442695020e+00, v5  }
0x556: {  	v1 =	vmul.f32 $1.442695020e+00, v1;
	(erf) = vpow2.f32 v3  }
0x557: {  	(erf) = vpow2.f32 v2  }
0x558: {  	(erf) = vpow2.f32 v1;
	_ =	sdelay $0x5  }
0x559: {  	v1 =	vpop (erf)  }
0x55a: {  	v2 =	vpop (erf)  }
0x55b: {  	v3 =	vpop (erf)  }
0x55c: {  	v13 =	vpop (erf)  }
0x55d: {  	v14 =	vadd.f32 v2, v1;
	v15 =	vadd.f32 v13, v3;
	_ =	sdelay $0x1  }
0x55e: {  	v7 =	vadd.f32 v15, v14;
	_ =	sdelay $0x1  }
0x55f: {  	(erf) = vrcp.f32 v7;
	_ =	sdelay $0x8  }
0x560: {  	v7 =	vpop (erf)  }
0x561: {  	v1 =	vmul.f32 v7, v1  }
0x562: {  	v2 =	vmul.f32 v7, v2  }
0x563: {  	[tilespmem:v60+s1+$0x0] =	vst.idx.msk $0xffff, v1;
	v1 =	vmul.f32 v7, v3  }
0x564: {  	[tilespmem:v61+s1+$0x0] =	vst.idx.msk $0xffff, v2;
	v2 =	vmul.f32 v7, v13  }
0x565: {  	[tilespmem:v56+s1+$0x0] =	vst.idx.msk $0xffff, v1  }
0x566: {  	[tilespmem:v58+s1+$0x0] =	vst.idx.msk $0xffff, v2  }
0x567: {  	v1 =	vld [tilespmem:$0x11B0];
	_ =	sdelay $0x4  }
0x568: {  	v2 =	vadd.s32 v62, v1  }
0x569: {  	v16 =	vor.u32 $0xD82, v0;
	v3 =	vadd.s32 v63, v1  }
0x56a: {  	v18 =	vor.u32 $0xD83, v0;
	v17 =	vadd.s32 v16, v1  }
0x56b: {  	v1 =	vadd.s32 v18, v1;
	_ =	sdelay $0x1  }
0x56c: {  	v2 =	vld.idx.msk [tilespmem:v2+s6+$0x0], $0xffff  }
0x56d: {  	v3 =	vld.idx.msk [tilespmem:v3+s6+$0x0], $0xffff  }
0x56e: {  	v5 =	vld.idx.msk [tilespmem:v17+s6+$0x0], $0xffff  }
0x56f: {  	v1 =	vld.idx.msk [tilespmem:v1+s6+$0x0], $0xffff;
	_ =	sdelay $0x4  }
0x570: {  	v19 =	vmax.f32 v2, v3;
	v20 =	vmax.f32 v5, v1  }
0x571: {  	v7 =	vmax.f32 v19, v20  }
0x572: {  	v2 =	vsub.f32 v2, v7  }
0x573: {  	v3 =	vsub.f32 v3, v7  }
0x574: {  	v5 =	vsub.f32 v5, v7;
	v2 =	vmul.f32 $1.442695020e+00, v2  }
0x575: {  	v1 =	vsub.f32 v1, v7;
	v3 =	vmul.f32 $1.442695020e+00, v3  }
0x576: {  	(erf) = vpow2.f32 v2;
	v2 =	vmul.f32 $1.442695020e+00, v5  }
0x577: {  	v1 =	vmul.f32 $1.442695020e+00, v1;
	(erf) = vpow2.f32 v3  }
0x578: {  	(erf) = vpow2.f32 v2  }
0x579: {  	(erf) = vpow2.f32 v1;
	_ =	sdelay $0x5  }
0x57a: {  	v1 =	vpop (erf)  }
0x57b: {  	v2 =	vpop (erf)  }
0x57c: {  	v3 =	vpop (erf)  }
0x57d: {  	v21 =	vpop (erf)  }
0x57e: {  	v22 =	vadd.f32 v2, v1;
	v23 =	vadd.f32 v21, v3;
	_ =	sdelay $0x1  }
0x57f: {  	v7 =	vadd.f32 v23, v22;
	_ =	sdelay $0x1  }
0x580: {  	(erf) = vrcp.f32 v7;
	_ =	sdelay $0x8  }
0x581: {  	v7 =	vpop (erf)  }
0x582: {  	v1 =	vmul.f32 v7, v1  }
0x583: {  	v2 =	vmul.f32 v7, v2  }
0x584: {  	[tilespmem:v62+s1+$0x0] =	vst.idx.msk $0xffff, v1;
	v1 =	vmul.f32 v7, v3  }
0x585: {  	[tilespmem:v63+s1+$0x0] =	vst.idx.msk $0xffff, v2;
	v2 =	vmul.f32 v7, v21  }
0x586: {  	[tilespmem:v16+s1+$0x0] =	vst.idx.msk $0xffff, v1  }
0x587: {  	v24 =	vld [tilespmem:$0x1FF80];
	[tilespmem:v18+s1+$0x0] =	vst.idx.msk $0xffff, v2  }
0x588: {  	v1 =	vld [tilespmem:$0x11C0]  }
0x589: {  	v25 =	vld [tilespmem:$0x1FF90];
	_ =	sdelay $0x3  }
0x58a: {  	v2 =	vadd.s32 v24, v1  }
0x58b: {  	v26 =	vor.u32 $0xE02, v0;
	v3 =	vadd.s32 v25, v1  }
0x58c: {  	v28 =	vor.u32 $0xE03, v0;
	v27 =	vadd.s32 v26, v1  }
0x58d: {  	v1 =	vadd.s32 v28, v1;
	_ =	sdelay $0x1  }
0x58e: {  	v2 =	vld.idx.msk [tilespmem:v2+s6+$0x0], $0xffff  }
0x58f: {  	v3 =	vld.idx.msk [tilespmem:v3+s6+$0x0], $0xffff  }
0x590: {  	v5 =	vld.idx.msk [tilespmem:v27+s6+$0x0], $0xffff  }
0x591: {  	v1 =	vld.idx.msk [tilespmem:v1+s6+$0x0], $0xffff;
	_ =	sdelay $0x4  }
0x592: {  	v29 =	vmax.f32 v2, v3;
	v30 =	vmax.f32 v5, v1  }
0x593: {  	v7 =	vmax.f32 v29, v30  }
0x594: {  	v2 =	vsub.f32 v2, v7  }
0x595: {  	v3 =	vsub.f32 v3, v7  }
0x596: {  	v5 =	vsub.f32 v5, v7;
	v2 =	vmul.f32 $1.442695020e+00, v2  }
0x597: {  	v1 =	vsub.f32 v1, v7;
	v3 =	vmul.f32 $1.442695020e+00, v3  }
0x598: {  	(erf) = vpow2.f32 v2;
	v2 =	vmul.f32 $1.442695020e+00, v5  }
0x599: {  	v1 =	vmul.f32 $1.442695020e+00, v1;
	(erf) = vpow2.f32 v3  }
0x59a: {  	(erf) = vpow2.f32 v2  }
0x59b: {  	(erf) = vpow2.f32 v1;
	_ =	sdelay $0x5  }
0x59c: {  	v1 =	vpop (erf)  }
0x59d: {  	v2 =	vpop (erf)  }
0x59e: {  	v3 =	vpop (erf)  }
0x59f: {  	v31 =	vpop (erf)  }
0x5a0: {  	v32 =	vadd.f32 v2, v1;
	v33 =	vadd.f32 v31, v3;
	_ =	sdelay $0x1  }
0x5a1: {  	v7 =	vadd.f32 v33, v32;
	_ =	sdelay $0x1  }
0x5a2: {  	(erf) = vrcp.f32 v7;
	_ =	sdelay $0x8  }
0x5a3: {  	v7 =	vpop (erf)  }
0x5a4: {  	v1 =	vmul.f32 v7, v1  }
0x5a5: {  	v2 =	vmul.f32 v7, v2  }
0x5a6: {  	[tilespmem:v24+s1+$0x0] =	vst.idx.msk $0xffff, v1;
	v1 =	vmul.f32 v7, v3  }
0x5a7: {  	[tilespmem:v25+s1+$0x0] =	vst.idx.msk $0xffff, v2;
	v2 =	vmul.f32 v7, v31  }
0x5a8: {  	[tilespmem:v26+s1+$0x0] =	vst.idx.msk $0xffff, v1  }
0x5a9: {  	v34 =	vld [tilespmem:$0x1FFA0];
	[tilespmem:v28+s1+$0x0] =	vst.idx.msk $0xffff, v2  }
0x5aa: {  	v1 =	vld [tilespmem:$0x11D0]  }
0x5ab: {  	v35 =	vld [tilespmem:$0x1FFB0];
	_ =	sdelay $0x3  }
0x5ac: {  	v2 =	vadd.s32 v34, v1  }
0x5ad: {  	v36 =	vor.u32 $0xE82, v0;
	v3 =	vadd.s32 v35, v1  }
0x5ae: {  	v38 =	vor.u32 $0xE83, v0;
	v37 =	vadd.s32 v36, v1  }
0x5af: {  	v1 =	vadd.s32 v38, v1;
	_ =	sdelay $0x1  }
0x5b0: {  	v2 =	vld.idx.msk [tilespmem:v2+s6+$0x0], $0xffff  }
0x5b1: {  	v3 =	vld.idx.msk [tilespmem:v3+s6+$0x0], $0xffff  }
0x5b2: {  	v5 =	vld.idx.msk [tilespmem:v37+s6+$0x0], $0xffff  }
0x5b3: {  	v1 =	vld.idx.msk [tilespmem:v1+s6+$0x0], $0xffff;
	_ =	sdelay $0x4  }
0x5b4: {  	v39 =	vmax.f32 v2, v3;
	v40 =	vmax.f32 v5, v1  }
0x5b5: {  	v7 =	vmax.f32 v39, v40  }
0x5b6: {  	v2 =	vsub.f32 v2, v7  }
0x5b7: {  	v3 =	vsub.f32 v3, v7  }
0x5b8: {  	v5 =	vsub.f32 v5, v7;
	v2 =	vmul.f32 $1.442695020e+00, v2  }
0x5b9: {  	v1 =	vsub.f32 v1, v7;
	v3 =	vmul.f32 $1.442695020e+00, v3  }
0x5ba: {  	(erf) = vpow2.f32 v2;
	v2 =	vmul.f32 $1.442695020e+00, v5  }
0x5bb: {  	v1 =	vmul.f32 $1.442695020e+00, v1;
	(erf) = vpow2.f32 v3  }
0x5bc: {  	(erf) = vpow2.f32 v2  }
0x5bd: {  	(erf) = vpow2.f32 v1;
	_ =	sdelay $0x5  }
0x5be: {  	v1 =	vpop (erf)  }
0x5bf: {  	v2 =	vpop (erf)  }
0x5c0: {  	v3 =	vpop (erf)  }
0x5c1: {  	v41 =	vpop (erf)  }
0x5c2: {  	v42 =	vadd.f32 v2, v1;
	v43 =	vadd.f32 v41, v3;
	_ =	sdelay $0x1  }
0x5c3: {  	v7 =	vadd.f32 v43, v42;
	_ =	sdelay $0x1  }
0x5c4: {  	(erf) = vrcp.f32 v7;
	_ =	sdelay $0x8  }
0x5c5: {  	v7 =	vpop (erf)  }
0x5c6: {  	v1 =	vmul.f32 v7, v1  }
0x5c7: {  	v2 =	vmul.f32 v7, v2  }
0x5c8: {  	[tilespmem:v34+s1+$0x0] =	vst.idx.msk $0xffff, v1;
	v1 =	vmul.f32 v7, v3  }
0x5c9: {  	[tilespmem:v35+s1+$0x0] =	vst.idx.msk $0xffff, v2;
	v2 =	vmul.f32 v7, v41  }
0x5ca: {  	[tilespmem:v36+s1+$0x0] =	vst.idx.msk $0xffff, v1  }
0x5cb: {  	v44 =	vld [tilespmem:$0x1FFC0];
	[tilespmem:v38+s1+$0x0] =	vst.idx.msk $0xffff, v2  }
0x5cc: {  	v1 =	vld [tilespmem:$0x11E0]  }
0x5cd: {  	v45 =	vld [tilespmem:$0x1FFD0];
	_ =	sdelay $0x3  }
0x5ce: {  	v2 =	vadd.s32 v44, v1  }
0x5cf: {  	v46 =	vor.u32 $0xF02, v0;
	v3 =	vadd.s32 v45, v1  }
0x5d0: {  	v48 =	vor.u32 $0xF03, v0;
	v47 =	vadd.s32 v46, v1  }
0x5d1: {  	v1 =	vadd.s32 v48, v1;
	_ =	sdelay $0x1  }
0x5d2: {  	v2 =	vld.idx.msk [tilespmem:v2+s6+$0x0], $0xffff  }
0x5d3: {  	v3 =	vld.idx.msk [tilespmem:v3+s6+$0x0], $0xffff  }
0x5d4: {  	v5 =	vld.idx.msk [tilespmem:v47+s6+$0x0], $0xffff  }
0x5d5: {  	v1 =	vld.idx.msk [tilespmem:v1+s6+$0x0], $0xffff;
	_ =	sdelay $0x4  }
0x5d6: {  	v49 =	vmax.f32 v2, v3;
	v50 =	vmax.f32 v5, v1  }
0x5d7: {  	v7 =	vmax.f32 v49, v50  }
0x5d8: {  	v2 =	vsub.f32 v2, v7  }
0x5d9: {  	v3 =	vsub.f32 v3, v7  }
0x5da: {  	v5 =	vsub.f32 v5, v7;
	v2 =	vmul.f32 $1.442695020e+00, v2  }
0x5db: {  	v1 =	vsub.f32 v1, v7;
	v3 =	vmul.f32 $1.442695020e+00, v3  }
0x5dc: {  	(erf) = vpow2.f32 v2;
	v2 =	vmul.f32 $1.442695020e+00, v5  }
0x5dd: {  	v1 =	vmul.f32 $1.442695020e+00, v1;
	(erf) = vpow2.f32 v3  }
0x5de: {  	(erf) = vpow2.f32 v2  }
0x5df: {  	(erf) = vpow2.f32 v1;
	_ =	sdelay $0x5  }
0x5e0: {  	v1 =	vpop (erf)  }
0x5e1: {  	v2 =	vpop (erf)  }
0x5e2: {  	v3 =	vpop (erf)  }
0x5e3: {  	v51 =	vpop (erf)  }
0x5e4: {  	v52 =	vadd.f32 v2, v1;
	v53 =	vadd.f32 v51, v3;
	_ =	sdelay $0x1  }
0x5e5: {  	v7 =	vadd.f32 v53, v52;
	_ =	sdelay $0x1  }
0x5e6: {  	(erf) = vrcp.f32 v7;
	_ =	sdelay $0x8  }
0x5e7: {  	v7 =	vpop (erf)  }
0x5e8: {  	v1 =	vmul.f32 v7, v1  }
0x5e9: {  	v2 =	vmul.f32 v7, v2  }
0x5ea: {  	[tilespmem:v44+s1+$0x0] =	vst.idx.msk $0xffff, v1;
	v1 =	vmul.f32 v7, v3  }
0x5eb: {  	[tilespmem:v45+s1+$0x0] =	vst.idx.msk $0xffff, v2;
	v2 =	vmul.f32 v7, v51  }
0x5ec: {  	[tilespmem:v46+s1+$0x0] =	vst.idx.msk $0xffff, v1  }
0x5ed: {  	v54 =	vld [tilespmem:$0x1FFE0];
	[tilespmem:v48+s1+$0x0] =	vst.idx.msk $0xffff, v2  }
0x5ee: {  	v1 =	vld [tilespmem:$0x11F0]  }
0x5ef: {  	v55 =	vld [tilespmem:$0x1FFF0];
	_ =	sdelay $0x3  }
0x5f0: {  	v2 =	vadd.s32 v54, v1  }
0x5f1: {  	v56 =	vor.u32 $0xF82, v0;
	v3 =	vadd.s32 v55, v1  }
0x5f2: {  	v58 =	vor.u32 $0xF83, v0;
	v57 =	vadd.s32 v56, v1  }
0x5f3: {  	v1 =	vadd.s32 v58, v1;
	_ =	sdelay $0x1  }
0x5f4: {  	v2 =	vld.idx.msk [tilespmem:v2+s6+$0x0], $0xffff  }
0x5f5: {  	v3 =	vld.idx.msk [tilespmem:v3+s6+$0x0], $0xffff  }
0x5f6: {  	v5 =	vld.idx.msk [tilespmem:v57+s6+$0x0], $0xffff  }
0x5f7: {  	v1 =	vld.idx.msk [tilespmem:v1+s6+$0x0], $0xffff;
	_ =	sdelay $0x4  }
0x5f8: {  	v59 =	vmax.f32 v2, v3;
	v60 =	vmax.f32 v5, v1  }
0x5f9: {  	v7 =	vmax.f32 v59, v60  }
0x5fa: {  	v2 =	vsub.f32 v2, v7  }
0x5fb: {  	v3 =	vsub.f32 v3, v7  }
0x5fc: {  	v5 =	vsub.f32 v5, v7;
	v2 =	vmul.f32 $1.442695020e+00, v2  }
0x5fd: {  	v1 =	vsub.f32 v1, v7;
	v3 =	vmul.f32 $1.442695020e+00, v3  }
0x5fe: {  	(erf) = vpow2.f32 v2;
	v2 =	vmul.f32 $1.442695020e+00, v5  }
0x5ff: {  	v1 =	vmul.f32 $1.442695020e+00, v1;
	(erf) = vpow2.f32 v3  }
0x600: {  	(erf) = vpow2.f32 v2  }
0x601: {  	(erf) = vpow2.f32 v1;
	_ =	sdelay $0x5  }
0x602: {  	v1 =	vpop (erf)  }
0x603: {  	v2 =	vpop (erf)  }
0x604: {  	v3 =	vpop (erf)  }
0x605: {  	v61 =	vpop (erf)  }
0x606: {  	v62 =	vadd.f32 v2, v1;
	v63 =	vadd.f32 v61, v3;
	_ =	sdelay $0x1  }
0x607: {  	v7 =	vadd.f32 v63, v62;
	_ =	sdelay $0x1  }
0x608: {  	(erf) = vrcp.f32 v7;
	_ =	sdelay $0x8  }
0x609: {  	v7 =	vpop (erf)  }
0x60a: {  	v1 =	vmul.f32 v7, v1  }
0x60b: {  	v2 =	vmul.f32 v7, v2  }
0x60c: {  	[tilespmem:v54+s1+$0x0] =	vst.idx.msk $0xffff, v1;
	v1 =	vmul.f32 v7, v3  }
0x60d: {  	[tilespmem:v55+s1+$0x0] =	vst.idx.msk $0xffff, v2;
	v2 =	vmul.f32 v7, v61  }
0x60e: {  	p0 =	sne.s32 s4, $0x1;
	[tilespmem:v56+s1+$0x0] =	vst.idx.msk $0xffff, v1  }
.Ltmp0:
0x60f: {  	s0 =	rddreg [dreg:$0x3];
	[tilespmem:v58+s1+$0x0] =	vst.idx.msk $0xffff, v2;
	(pc) =	sbr.rel @p0 .LBB2_1-.Ltmp0, $4  }
0x610: {  	[hbm4b:s0+s2] =	stream.linear.scatter [tilespmem:s1], [sflag:$0x2], $0x1000, $0x38;
	[tilespmem:$0x3200] =	vst v63  }
0x611: {  	_ =	swait.ge [sflag:s5], $0x1000  }
0x612: {  	[sflag:s5] =	ssyncset.done $0x0  }
0x613: {  	s4 =	sadd.s32 $0xFFFFFFFF, s4;
	[sflag:s5] =	ssyncadd.s32 $0xFFFFF000  }
0x614: {  	_ =	sfence.sel $0x180000  }
0x615: {  	[bflag:$0x0] =	sbarrier.arrive $0xFFFF  }
0x616: {  	_ =	strace $0x90000047  }
0x617: {  	s0 =	stileid.u32;
	[bflag:$0x2] =	sbarrier.arrive $0xFFFF  }
0x618: {  	p0 =	sne.s32 s0, $0x0;
	s0 =	rddreg [dreg:$0x1]  }
0x619: {  	s0 =	sadd.s32 @!p0 $0x100000, s0  }
0x61a: {  	[sflag:s0] =	ssyncadd.tile.s32 @!p0 $0x1;
	_ =	shalt  }
.Lfunc_end2:
_tile_overlayer_lowered:
.L_overlay_start_2:
0x61b: {  	(tag) =	ssettag $0x2  }
0x61c: {  	s0 =	rddreg [dreg:$0x0];
	s2 =	stileid.u32  }
0x61d: {  	s1 =	rddreg [dreg:$0x1];
	p0 =	sne.s32 s2, $0x0  }
0x61e: {  	s3 =	rddreg [dreg:$0x2];
	[bflag:$0x3] =	sbarrier.arrive $0xFFFF;
	s2 =	simm.s32 @!p0 $0x1C02  }
0x61f: {  	[timem:s3], [sflag:s2] =	dma.local @!p0 [hbm:s0], s1  }
0x620: {  	s0 =	simm.s32 @!p0 $0x2  }
0x621: {  	_ =	swait.ge @!p0 [sflag:s0], s1  }
0x622: {  	s1 =	ssub.s32 @!p0 $0x0, s1;
	[sflag:s0] =	ssyncset.done @!p0 $0x0  }
0x623: {  	[sflag:s0] =	ssyncadd.s32 @!p0 s1  }
0x624: {  	[bflag:$0x3] =	sbarrier.arrive $0xFFFF  }
0x625: {  	_ =	shalt  }

</sc_bundles>
